<compile_context>
chip_gen: v7x
topology: tpu7x:2x2x1
jax: 0.10.2.dev20260603
libtpu: 0.0.44.dev20260713+nightly
codegen_flags: <defaults>
</compile_context>

<pallas_src>
import functools

import jax
import jax.numpy as jnp
from jax import lax
from jax.experimental import pallas as pl
from jax.experimental.pallas import tpu as pltpu
from jax.experimental.pallas import tpu_sc as plsc

_L = 16
_K = 8
_ROWS = 64
_COLS = 8192
_CHUNKS = _COLS // _L
_GRP = 8
_NGRP = _CHUNKS // _GRP
_GELEM = _GRP * _L

_SORT8 = [(0, 1), (2, 3), (4, 5), (6, 7), (0, 2), (1, 3), (4, 6), (5, 7),
          (1, 2), (5, 6), (0, 4), (1, 5), (2, 6), (3, 7), (2, 4), (3, 5),
          (1, 2), (3, 4), (5, 6)]
_SORT4 = [(0, 1), (2, 3), (0, 2), (1, 3), (1, 2)]
_BITONIC8 = [(i, i + d) for d in (4, 2, 1) for i in range(8)
             if i & d == 0 and i + d < 8]


def _build():
    info = plsc.get_sparse_core_info()
    nc, ns = info.num_cores, info.num_subcores
    nw = nc * ns
    rows_per_w = _ROWS // nw
    rows_per_core = _ROWS // nc
    mesh = plsc.VectorSubcoreMesh(core_axis_name="c", subcore_axis_name="s")

    @functools.partial(
        pl.kernel,
        mesh=mesh,
        out_type=jax.ShapeDtypeStruct((_ROWS,), jnp.float32),
        scratch_types=[
            pltpu.VMEM((_COLS,), jnp.float32),
            pltpu.VMEM((_COLS,), jnp.float32),
            pltpu.VMEM((ns * _L,), jnp.float32),
            pltpu.VMEM((_L,), jnp.float32),
            pltpu.VMEM((2 * _L,), jnp.float32),
            pltpu.VMEM_SHARED((ns * _L,), jnp.float32),
            pltpu.SemaphoreType.DMA,
            pltpu.SemaphoreType.DMA,
            pltpu.SemaphoreType.DMA,
            pltpu.SemaphoreType.DMA,
        ],
    )
    def topk_mean(sim_hbm, out_hbm, rowa_v, rowb_v, buf_v, res_v, out_v,
                  shared_v, sema, semb, semc, semd):
        c = lax.axis_index("c")
        s = lax.axis_index("s")
        wid = c * ns + s
        ra = wid * rows_per_w
        half = _COLS // 2
        cph = [pltpu.async_copy(sim_hbm.at[ra, pl.ds(0, half)],
                                rowa_v.at[pl.ds(0, half)], sema),
               pltpu.async_copy(sim_hbm.at[ra + 1, pl.ds(0, half)],
                                rowb_v.at[pl.ds(0, half)], semb),
               pltpu.async_copy(sim_hbm.at[ra, pl.ds(half, half)],
                                rowa_v.at[pl.ds(half, half)], semc),
               pltpu.async_copy(sim_hbm.at[ra + 1, pl.ds(half, half)],
                                rowb_v.at[pl.ds(half, half)], semd)]

        neg = jnp.full((_L,), -jnp.inf, dtype=jnp.float32)
        big = jnp.full((_L,), jnp.int32(2 * _NGRP), dtype=jnp.int32)
        lanes = lax.iota(jnp.int32, _L)
        perms = [jnp.bitwise_xor(lanes, d) for d in (1, 2, 4, 8)]
        dnums = lax.GatherDimensionNumbers(
            offset_dims=(), collapsed_slice_dims=(0,), start_index_map=(0,))

        def shuffle(x, p):
            return lax.gather(
                x, p[:, None], dnums, slice_sizes=(1,),
                mode=lax.GatherScatterMode.PROMISE_IN_BOUNDS)

        def xmax(x):
            for p in perms:
                x = jnp.maximum(x, shuffle(x, p))
            return x

        def xmin_i32(x):
            for p in perms:
                x = jnp.minimum(x, shuffle(x, p))
            return x

        def xsum_i32(x):
            for p in perms:
                x = x + shuffle(x, p)
            return x

        def cnet(v, pairs):
            v = list(v)
            for i, j in pairs:
                hi = jnp.maximum(v[i], v[j])
                lo = jnp.minimum(v[i], v[j])
                v[i], v[j] = hi, lo
            return v

        def lane_merge(stk):
            for p in perms:
                partner = [shuffle(x, p) for x in stk]
                m = [jnp.maximum(stk[i], partner[_K - 1 - i])
                     for i in range(_K)]
                stk = cnet(m, _BITONIC8)
            return stk

        def p1body(u, carry):
            ta, tb = list(carry[:4]), list(carry[4:])
            lm = lanes == u
            for j in range(4):
                base = (4 * u + j) * _GELEM
                ca = [rowa_v[pl.ds(base + i * _L, _L)] for i in range(_GRP)]
                cb = [rowb_v[pl.ds(base + i * _L, _L)] for i in range(_GRP)]
                for step in (4, 2, 1):
                    for i in range(step):
                        ca[i] = jnp.maximum(ca[i], ca[i + step])
                        cb[i] = jnp.maximum(cb[i], cb[i + step])
                ta[j] = jnp.where(lm, xmax(ca[0]), ta[j])
                tb[j] = jnp.where(lm, xmax(cb[0]), tb[j])
            return tuple(ta) + tuple(tb)

        cph[0].wait()
        cph[1].wait()
        tcarry = lax.fori_loop(0, _L // 2, p1body, (neg,) * 8)
        cph[2].wait()
        cph[3].wait()
        tcarry = lax.fori_loop(_L // 2, _L, p1body, tcarry)
        tsa, tsb = tcarry[:4], tcarry[4:]

        def thresh(Ts):
            stk = cnet(list(Ts), _SORT4) + [neg] * 4
            return lane_merge(stk)[_K - 1]

        t_a = thresh(tsa)
        t_b = thresh(tsb)

        def worklist(Ts, t):
            idxv = []
            nhit = jnp.zeros((_L,), jnp.int32)
            for j in range(4):
                hit = Ts[j] >= t
                idxv.append(jnp.where(hit, lanes * jnp.int32(4) + jnp.int32(j),
                                      big))
                nhit = nhit + jnp.where(hit, jnp.int32(1), jnp.int32(0))
            return idxv, xsum_i32(nhit)[0]

        idxa, cnt_a = worklist(tsa, t_a)
        idxb, cnt_b = worklist(tsb, t_b)

        zeros_i = jnp.zeros((_L,), jnp.int32)

        def pop_insert(row_v, st, iv):
            cand = jnp.minimum(jnp.minimum(iv[0], iv[1]),
                               jnp.minimum(iv[2], iv[3]))
            g = xmin_i32(cand)
            iv = [jnp.where(iv[j] == g, big, iv[j]) for j in range(4)]
            gs = jnp.minimum(g[0], jnp.int32(_NGRP - 1))
            base = gs * jnp.int32(_GELEM)
            live = g < big
            cs = [jnp.where(live, row_v[pl.ds(base + i * _L, _L)], neg)
                  for i in range(_GRP)]
            grp = cnet(cs, _SORT8)
            m = [jnp.maximum(st[i], grp[_K - 1 - i]) for i in range(_K)]
            return cnet(m, _BITONIC8), iv

        def insert_body(k, carry):
            sta = list(carry[0:_K])
            iva = list(carry[_K:_K + 4])
            stb = list(carry[_K + 4:2 * _K + 4])
            ivb = list(carry[2 * _K + 4:])
            sta, iva = pop_insert(rowa_v, sta, iva)
            stb, ivb = pop_insert(rowb_v, stb, ivb)
            return tuple(sta) + tuple(iva) + tuple(stb) + tuple(ivb)

        cnt_m = jnp.maximum(cnt_a, cnt_b)
        carry = lax.fori_loop(0, cnt_m, insert_body,
                              (neg,) * _K + tuple(idxa) +
                              (neg,) * _K + tuple(idxb))

        def mean_of(stack):
            g = lane_merge(list(stack))
            tot = g[0]
            for i in range(1, _K):
                tot = tot + g[i]
            return tot * jnp.float32(1.0 / _K)

        mean_a = mean_of(carry[0:_K])
        mean_b = mean_of(carry[_K + 4:2 * _K + 4])

        res_v[...] = jnp.where(lanes == 0, mean_a, mean_b)
        pltpu.sync_copy(res_v, shared_v.at[pl.ds(s * _L, _L)])
        plsc.subcore_barrier()

        def write_out():
            pltpu.sync_copy(shared_v, buf_v)
            rows = [buf_v[pl.ds(i * _L, _L)] for i in range(ns)]
            p0 = jnp.zeros((_L,), jnp.int32)
            p1 = p0 + jnp.int32(1)
            out0 = neg
            out1 = neg
            for i in range(_K):
                m0 = shuffle(rows[i], p0)
                m1 = shuffle(rows[i], p1)
                out0 = jnp.where(lanes == 2 * i, m0, out0)
                out0 = jnp.where(lanes == 2 * i + 1, m1, out0)
            for i in range(_K, ns):
                m0 = shuffle(rows[i], p0)
                m1 = shuffle(rows[i], p1)
                out1 = jnp.where(lanes == 2 * i - _L, m0, out1)
                out1 = jnp.where(lanes == 2 * i + 1 - _L, m1, out1)
            out_v[pl.ds(0, _L)] = out0
            out_v[pl.ds(_L, _L)] = out1
            pltpu.sync_copy(out_v,
                            out_hbm.at[pl.ds(c * rows_per_core, 2 * _L)])

        lax.cond(s == 0, write_out, lambda: None)

    return topk_mean


_topk_mean = _build()


@jax.jit
def kernel(sim):
    return _topk_mean(sim)

# --- scband reference (transcript-rebuilt; emitter-appended) ---
"""Pipeline reference for scband-top-kpooler-9002251453158 (READ-ONLY COPY).

The authoritative reference and input builder live on the scoring server;
editing this copy changes nothing except your own understanding.
"""

import jax, jax.numpy as jnp
import numpy as np

K = 8

def setup_inputs(seed: int = 0) -> dict:
    key = jax.random.key(seed)
    sim = jax.random.normal(key, (64, 8192), dtype=jnp.float32)
    return {"sim": sim}

def reference(sim):
    k_actual = min(K, sim.shape[1])
    top_k_values, _ = jax.lax.top_k(sim, k_actual)  # top-k along last axis (dim=1)
    return top_k_values.mean(axis=1)

if __name__ == "__main__":
    import jax
    _d = setup_inputs()
    print(jax.jit(kernel)(*tuple(_d.values())))

</pallas_src>

<mosaic_0001>
#map = affine_map<(d0, d1) -> (0, 0)>
#map1 = affine_map<(d0, d1) -> (0)>
module attributes {stable_mosaic.version = 14 : i64} {
  func.func @topk_mean(%arg0: i32, %arg1: i32, %arg2: memref<64x8192xf32, #tpu.memory_space<hbm>>, %arg3: memref<64xf32, #tpu.memory_space<hbm>>, %arg4: memref<8192xf32, #tpu.memory_space<vmem>>, %arg5: memref<8192xf32, #tpu.memory_space<vmem>>, %arg6: memref<256xf32, #tpu.memory_space<vmem>>, %arg7: memref<16xf32, #tpu.memory_space<vmem>>, %arg8: memref<32xf32, #tpu.memory_space<vmem>>, %arg9: memref<256xf32, #tpu.memory_space<vmem_shared>>, %arg10: memref<!tpu.dma_semaphore, #tpu.memory_space<semaphore_mem>>, %arg11: memref<!tpu.dma_semaphore, #tpu.memory_space<semaphore_mem>>, %arg12: memref<!tpu.dma_semaphore, #tpu.memory_space<semaphore_mem>>, %arg13: memref<!tpu.dma_semaphore, #tpu.memory_space<semaphore_mem>>) attributes {dimension_semantics = [#tpu.dimension_semantics<core_parallel>, #tpu.dimension_semantics<subcore_parallel>], iteration_bounds = array<i64: 2, 16>, scalar_prefetch = 0 : i64, scratch_operands = 10 : i64, tpu.core_type = #tpu.core_type<sc_vector_subcore>, window_params = [{transform_indices = #map}, {transform_indices = #map1}]} {
    %mul3A = arith.constant 16 : i32
    %mul3A_0 = arith.muli %arg0, %mul3A : i32
    %add3A = arith.addi %mul3A_0, %arg1 : i32
    %mul3A_1 = arith.constant 2 : i32
    %mul3A_2 = arith.muli %add3A, %mul3A_1 : i32
    %dma_start3A = arith.constant 0 : i32
    %dma_start3A_3 = tpu.memref_slice %arg4[%dma_start3A] : memref<8192xf32, #tpu.memory_space<vmem>> -> memref<4096xf32, #tpu.memory_space<vmem>>
    %dma_start3A_4 = arith.constant 0 : i32
    %dma_start3A_5 = tpu.memref_slice %arg2[%mul3A_2, %dma_start3A_4] : memref<64x8192xf32, #tpu.memory_space<hbm>> -> memref<1x4096xf32, #tpu.memory_space<hbm>>
    %dma_start3A_6 = tpu.memref_squeeze %dma_start3A_5 : memref<1x4096xf32, #tpu.memory_space<hbm>> -> memref<4096xf32, #tpu.memory_space<hbm>>
    %dma_start3A_7 = arith.constant 0 : i32
    %dma_start3A_8 = tpu.memref_slice %arg4[%dma_start3A_7] : memref<8192xf32, #tpu.memory_space<vmem>> -> memref<4096xf32, #tpu.memory_space<vmem>>
    %dma_start3A_9 = arith.constant 0 : i32
    %dma_start3A_10 = tpu.memref_slice %arg2[%mul3A_2, %dma_start3A_9] : memref<64x8192xf32, #tpu.memory_space<hbm>> -> memref<1x4096xf32, #tpu.memory_space<hbm>>
    %dma_start3A_11 = tpu.memref_squeeze %dma_start3A_10 : memref<1x4096xf32, #tpu.memory_space<hbm>> -> memref<4096xf32, #tpu.memory_space<hbm>>
    tpu.enqueue_dma source(%dma_start3A_11 : memref<4096xf32, #tpu.memory_space<hbm>>) target(%dma_start3A_8 : memref<4096xf32, #tpu.memory_space<vmem>>) target_semaphore(%arg10 : memref<!tpu.dma_semaphore, #tpu.memory_space<semaphore_mem>>)
    %add3A_12 = arith.constant 1 : i32
    %add3A_13 = arith.addi %mul3A_2, %add3A_12 : i32
    %dma_start3A_14 = arith.constant 0 : i32
    %dma_start3A_15 = tpu.memref_slice %arg5[%dma_start3A_14] : memref<8192xf32, #tpu.memory_space<vmem>> -> memref<4096xf32, #tpu.memory_space<vmem>>
    %dma_start3A_16 = arith.constant 0 : i32
    %dma_start3A_17 = tpu.memref_slice %arg2[%add3A_13, %dma_start3A_16] : memref<64x8192xf32, #tpu.memory_space<hbm>> -> memref<1x4096xf32, #tpu.memory_space<hbm>>
    %dma_start3A_18 = tpu.memref_squeeze %dma_start3A_17 : memref<1x4096xf32, #tpu.memory_space<hbm>> -> memref<4096xf32, #tpu.memory_space<hbm>>
    %dma_start3A_19 = arith.constant 0 : i32
    %dma_start3A_20 = tpu.memref_slice %arg5[%dma_start3A_19] : memref<8192xf32, #tpu.memory_space<vmem>> -> memref<4096xf32, #tpu.memory_space<vmem>>
    %dma_start3A_21 = arith.constant 0 : i32
    %dma_start3A_22 = tpu.memref_slice %arg2[%add3A_13, %dma_start3A_21] : memref<64x8192xf32, #tpu.memory_space<hbm>> -> memref<1x4096xf32, #tpu.memory_space<hbm>>
    %dma_start3A_23 = tpu.memref_squeeze %dma_start3A_22 : memref<1x4096xf32, #tpu.memory_space<hbm>> -> memref<4096xf32, #tpu.memory_space<hbm>>
    tpu.enqueue_dma source(%dma_start3A_23 : memref<4096xf32, #tpu.memory_space<hbm>>) target(%dma_start3A_20 : memref<4096xf32, #tpu.memory_space<vmem>>) target_semaphore(%arg11 : memref<!tpu.dma_semaphore, #tpu.memory_space<semaphore_mem>>)
    %dma_start3A_24 = arith.constant 4096 : i32
    %dma_start3A_25 = tpu.memref_slice %arg4[%dma_start3A_24] : memref<8192xf32, #tpu.memory_space<vmem>> -> memref<4096xf32, #tpu.memory_space<vmem>>
    %dma_start3A_26 = arith.constant 4096 : i32
    %dma_start3A_27 = tpu.memref_slice %arg2[%mul3A_2, %dma_start3A_26] : memref<64x8192xf32, #tpu.memory_space<hbm>> -> memref<1x4096xf32, #tpu.memory_space<hbm>>
    %dma_start3A_28 = tpu.memref_squeeze %dma_start3A_27 : memref<1x4096xf32, #tpu.memory_space<hbm>> -> memref<4096xf32, #tpu.memory_space<hbm>>
    %dma_start3A_29 = arith.constant 4096 : i32
    %dma_start3A_30 = tpu.memref_slice %arg4[%dma_start3A_29] : memref<8192xf32, #tpu.memory_space<vmem>> -> memref<4096xf32, #tpu.memory_space<vmem>>
    %dma_start3A_31 = arith.constant 4096 : i32
    %dma_start3A_32 = tpu.memref_slice %arg2[%mul3A_2, %dma_start3A_31] : memref<64x8192xf32, #tpu.memory_space<hbm>> -> memref<1x4096xf32, #tpu.memory_space<hbm>>
    %dma_start3A_33 = tpu.memref_squeeze %dma_start3A_32 : memref<1x4096xf32, #tpu.memory_space<hbm>> -> memref<4096xf32, #tpu.memory_space<hbm>>
    tpu.enqueue_dma source(%dma_start3A_33 : memref<4096xf32, #tpu.memory_space<hbm>>) target(%dma_start3A_30 : memref<4096xf32, #tpu.memory_space<vmem>>) target_semaphore(%arg12 : memref<!tpu.dma_semaphore, #tpu.memory_space<semaphore_mem>>)
    %add3A_34 = arith.constant 1 : i32
    %add3A_35 = arith.addi %mul3A_2, %add3A_34 : i32
    %dma_start3A_36 = arith.constant 4096 : i32
    %dma_start3A_37 = tpu.memref_slice %arg5[%dma_start3A_36] : memref<8192xf32, #tpu.memory_space<vmem>> -> memref<4096xf32, #tpu.memory_space<vmem>>
    %dma_start3A_38 = arith.constant 4096 : i32
    %dma_start3A_39 = tpu.memref_slice %arg2[%add3A_35, %dma_start3A_38] : memref<64x8192xf32, #tpu.memory_space<hbm>> -> memref<1x4096xf32, #tpu.memory_space<hbm>>
    %dma_start3A_40 = tpu.memref_squeeze %dma_start3A_39 : memref<1x4096xf32, #tpu.memory_space<hbm>> -> memref<4096xf32, #tpu.memory_space<hbm>>
    %dma_start3A_41 = arith.constant 4096 : i32
    %dma_start3A_42 = tpu.memref_slice %arg5[%dma_start3A_41] : memref<8192xf32, #tpu.memory_space<vmem>> -> memref<4096xf32, #tpu.memory_space<vmem>>
    %dma_start3A_43 = arith.constant 4096 : i32
    %dma_start3A_44 = tpu.memref_slice %arg2[%add3A_35, %dma_start3A_43] : memref<64x8192xf32, #tpu.memory_space<hbm>> -> memref<1x4096xf32, #tpu.memory_space<hbm>>
    %dma_start3A_45 = tpu.memref_squeeze %dma_start3A_44 : memref<1x4096xf32, #tpu.memory_space<hbm>> -> memref<4096xf32, #tpu.memory_space<hbm>>
    tpu.enqueue_dma source(%dma_start3A_45 : memref<4096xf32, #tpu.memory_space<hbm>>) target(%dma_start3A_42 : memref<4096xf32, #tpu.memory_space<vmem>>) target_semaphore(%arg13 : memref<!tpu.dma_semaphore, #tpu.memory_space<semaphore_mem>>)
    %broadcast_in_dim3A = arith.constant 0xFF800000 : f32
    %broadcast_in_dim3A_46 = vector.broadcast %broadcast_in_dim3A : f32 to vector<16xf32>
    %broadcast_in_dim3A_47 = arith.constant 128 : i32
    %broadcast_in_dim3A_48 = vector.broadcast %broadcast_in_dim3A_47 : i32 to vector<16xi32>
    %iota3A = tpu.iota {dimensions = array<i32: 0>} : vector<16xi32>
    %xor3A = arith.constant 1 : i32
    %xor3A_49 = vector.broadcast %xor3A : i32 to vector<16xi32>
    %xor3A_50 = arith.xori %iota3A, %xor3A_49 : vector<16xi32>
    %xor3A_51 = arith.constant 2 : i32
    %xor3A_52 = vector.broadcast %xor3A_51 : i32 to vector<16xi32>
    %xor3A_53 = arith.xori %iota3A, %xor3A_52 : vector<16xi32>
    %xor3A_54 = arith.constant 4 : i32
    %xor3A_55 = vector.broadcast %xor3A_54 : i32 to vector<16xi32>
    %xor3A_56 = arith.xori %iota3A, %xor3A_55 : vector<16xi32>
    %xor3A_57 = arith.constant 8 : i32
    %xor3A_58 = vector.broadcast %xor3A_57 : i32 to vector<16xi32>
    %xor3A_59 = arith.xori %iota3A, %xor3A_58 : vector<16xi32>
    %dma_wait3A = arith.constant 0 : i32
    %dma_wait3A_60 = tpu.memref_slice %arg4[%dma_wait3A] : memref<8192xf32, #tpu.memory_space<vmem>> -> memref<4096xf32, #tpu.memory_space<vmem>>
    %dma_wait3A_61 = arith.constant 0 : i32
    %dma_wait3A_62 = tpu.memref_slice %arg2[%mul3A_2, %dma_wait3A_61] : memref<64x8192xf32, #tpu.memory_space<hbm>> -> memref<1x4096xf32, #tpu.memory_space<hbm>>
    %dma_wait3A_63 = tpu.memref_squeeze %dma_wait3A_62 : memref<1x4096xf32, #tpu.memory_space<hbm>> -> memref<4096xf32, #tpu.memory_space<hbm>>
    %dma_wait3A_64 = arith.constant 0 : i32
    %dma_wait3A_65 = tpu.memref_slice %arg4[%dma_wait3A_64] : memref<8192xf32, #tpu.memory_space<vmem>> -> memref<4096xf32, #tpu.memory_space<vmem>>
    %dma_wait3A_66 = arith.constant 0 : i32
    %dma_wait3A_67 = tpu.memref_slice %arg2[%mul3A_2, %dma_wait3A_66] : memref<64x8192xf32, #tpu.memory_space<hbm>> -> memref<1x4096xf32, #tpu.memory_space<hbm>>
    %dma_wait3A_68 = tpu.memref_squeeze %dma_wait3A_67 : memref<1x4096xf32, #tpu.memory_space<hbm>> -> memref<4096xf32, #tpu.memory_space<hbm>>
    tpu.wait_dma2 semaphore(%arg10 : memref<!tpu.dma_semaphore, #tpu.memory_space<semaphore_mem>>) src(%dma_wait3A_68 : memref<4096xf32, #tpu.memory_space<hbm>>) dst(%dma_wait3A_65 : memref<4096xf32, #tpu.memory_space<vmem>>)
    %dma_wait3A_69 = arith.constant 0 : i32
    %dma_wait3A_70 = tpu.memref_slice %arg5[%dma_wait3A_69] : memref<8192xf32, #tpu.memory_space<vmem>> -> memref<4096xf32, #tpu.memory_space<vmem>>
    %dma_wait3A_71 = arith.constant 0 : i32
    %dma_wait3A_72 = tpu.memref_slice %arg2[%add3A_13, %dma_wait3A_71] : memref<64x8192xf32, #tpu.memory_space<hbm>> -> memref<1x4096xf32, #tpu.memory_space<hbm>>
    %dma_wait3A_73 = tpu.memref_squeeze %dma_wait3A_72 : memref<1x4096xf32, #tpu.memory_space<hbm>> -> memref<4096xf32, #tpu.memory_space<hbm>>
    %dma_wait3A_74 = arith.constant 0 : i32
    %dma_wait3A_75 = tpu.memref_slice %arg5[%dma_wait3A_74] : memref<8192xf32, #tpu.memory_space<vmem>> -> memref<4096xf32, #tpu.memory_space<vmem>>
    %dma_wait3A_76 = arith.constant 0 : i32
    %dma_wait3A_77 = tpu.memref_slice %arg2[%add3A_13, %dma_wait3A_76] : memref<64x8192xf32, #tpu.memory_space<hbm>> -> memref<1x4096xf32, #tpu.memory_space<hbm>>
    %dma_wait3A_78 = tpu.memref_squeeze %dma_wait3A_77 : memref<1x4096xf32, #tpu.memory_space<hbm>> -> memref<4096xf32, #tpu.memory_space<hbm>>
    tpu.wait_dma2 semaphore(%arg11 : memref<!tpu.dma_semaphore, #tpu.memory_space<semaphore_mem>>) src(%dma_wait3A_78 : memref<4096xf32, #tpu.memory_space<hbm>>) dst(%dma_wait3A_75 : memref<4096xf32, #tpu.memory_space<vmem>>)
    %scan3A = arith.constant 0 : i32
    %scan3A_79 = arith.constant 8 : i32
    %scan3A_80 = arith.addi %scan3A, %scan3A_79 : i32
    %scan3A_81 = arith.constant 1 : i32
    %scan3A_82:8 = scf.for %scan3A_1214 = %scan3A to %scan3A_80 step %scan3A_81 iter_args(%scan3A_1215 = %broadcast_in_dim3A_46, %scan3A_1216 = %broadcast_in_dim3A_46, %scan3A_1217 = %broadcast_in_dim3A_46, %scan3A_1218 = %broadcast_in_dim3A_46, %scan3A_1219 = %broadcast_in_dim3A_46, %scan3A_1220 = %broadcast_in_dim3A_46, %scan3A_1221 = %broadcast_in_dim3A_46, %scan3A_1222 = %broadcast_in_dim3A_46) -> (vector<16xf32>, vector<16xf32>, vector<16xf32>, vector<16xf32>, vector<16xf32>, vector<16xf32>, vector<16xf32>, vector<16xf32>)  : i32 {
      %eq3A_1223 = vector.broadcast %scan3A_1214 : i32 to vector<16xi32>
      %eq3A_1224 = arith.cmpi eq, %iota3A, %eq3A_1223 : vector<16xi32>
      %mul3A_1225 = arith.constant 4 : i32
      %mul3A_1226 = arith.muli %mul3A_1225, %scan3A_1214 : i32
      %add3A_1227 = arith.constant 0 : i32
      %add3A_1228 = arith.addi %mul3A_1226, %add3A_1227 : i32
      %mul3A_1229 = arith.constant 128 : i32
      %mul3A_1230 = arith.muli %add3A_1228, %mul3A_1229 : i32
      %add3A_1231 = arith.constant 0 : i32
      %add3A_1232 = arith.addi %mul3A_1230, %add3A_1231 : i32
      %get3A = arith.index_cast %add3A_1232 : i32 to index
      %get3A_1233 = tpu.vector_load %arg4[%get3A] {strides = array<i32>} : memref<8192xf32, #tpu.memory_space<vmem>>, vector<16xf32>,
      %get3A_1234 = vector.shape_cast %get3A_1233 : vector<16xf32> to vector<16xf32>
      %add3A_1235 = arith.constant 16 : i32
      %add3A_1236 = arith.addi %mul3A_1230, %add3A_1235 : i32
      %get3A_1237 = arith.index_cast %add3A_1236 : i32 to index
      %get3A_1238 = tpu.vector_load %arg4[%get3A_1237] {strides = array<i32>} : memref<8192xf32, #tpu.memory_space<vmem>>, vector<16xf32>,
      %get3A_1239 = vector.shape_cast %get3A_1238 : vector<16xf32> to vector<16xf32>
      %add3A_1240 = arith.constant 32 : i32
      %add3A_1241 = arith.addi %mul3A_1230, %add3A_1240 : i32
      %get3A_1242 = arith.index_cast %add3A_1241 : i32 to index
      %get3A_1243 = tpu.vector_load %arg4[%get3A_1242] {strides = array<i32>} : memref<8192xf32, #tpu.memory_space<vmem>>, vector<16xf32>,
      %get3A_1244 = vector.shape_cast %get3A_1243 : vector<16xf32> to vector<16xf32>
      %add3A_1245 = arith.constant 48 : i32
      %add3A_1246 = arith.addi %mul3A_1230, %add3A_1245 : i32
      %get3A_1247 = arith.index_cast %add3A_1246 : i32 to index
      %get3A_1248 = tpu.vector_load %arg4[%get3A_1247] {strides = array<i32>} : memref<8192xf32, #tpu.memory_space<vmem>>, vector<16xf32>,
      %get3A_1249 = vector.shape_cast %get3A_1248 : vector<16xf32> to vector<16xf32>
      %add3A_1250 = arith.constant 64 : i32
      %add3A_1251 = arith.addi %mul3A_1230, %add3A_1250 : i32
      %get3A_1252 = arith.index_cast %add3A_1251 : i32 to index
      %get3A_1253 = tpu.vector_load %arg4[%get3A_1252] {strides = array<i32>} : memref<8192xf32, #tpu.memory_space<vmem>>, vector<16xf32>,
      %get3A_1254 = vector.shape_cast %get3A_1253 : vector<16xf32> to vector<16xf32>
      %add3A_1255 = arith.constant 80 : i32
      %add3A_1256 = arith.addi %mul3A_1230, %add3A_1255 : i32
      %get3A_1257 = arith.index_cast %add3A_1256 : i32 to index
      %get3A_1258 = tpu.vector_load %arg4[%get3A_1257] {strides = array<i32>} : memref<8192xf32, #tpu.memory_space<vmem>>, vector<16xf32>,
      %get3A_1259 = vector.shape_cast %get3A_1258 : vector<16xf32> to vector<16xf32>
      %add3A_1260 = arith.constant 96 : i32
      %add3A_1261 = arith.addi %mul3A_1230, %add3A_1260 : i32
      %get3A_1262 = arith.index_cast %add3A_1261 : i32 to index
      %get3A_1263 = tpu.vector_load %arg4[%get3A_1262] {strides = array<i32>} : memref<8192xf32, #tpu.memory_space<vmem>>, vector<16xf32>,
      %get3A_1264 = vector.shape_cast %get3A_1263 : vector<16xf32> to vector<16xf32>
      %add3A_1265 = arith.constant 112 : i32
      %add3A_1266 = arith.addi %mul3A_1230, %add3A_1265 : i32
      %get3A_1267 = arith.index_cast %add3A_1266 : i32 to index
      %get3A_1268 = tpu.vector_load %arg4[%get3A_1267] {strides = array<i32>} : memref<8192xf32, #tpu.memory_space<vmem>>, vector<16xf32>,
      %get3A_1269 = vector.shape_cast %get3A_1268 : vector<16xf32> to vector<16xf32>
      %add3A_1270 = arith.constant 0 : i32
      %add3A_1271 = arith.addi %mul3A_1230, %add3A_1270 : i32
      %get3A_1272 = arith.index_cast %add3A_1271 : i32 to index
      %get3A_1273 = tpu.vector_load %arg5[%get3A_1272] {strides = array<i32>} : memref<8192xf32, #tpu.memory_space<vmem>>, vector<16xf32>,
      %get3A_1274 = vector.shape_cast %get3A_1273 : vector<16xf32> to vector<16xf32>
      %add3A_1275 = arith.constant 16 : i32
      %add3A_1276 = arith.addi %mul3A_1230, %add3A_1275 : i32
      %get3A_1277 = arith.index_cast %add3A_1276 : i32 to index
      %get3A_1278 = tpu.vector_load %arg5[%get3A_1277] {strides = array<i32>} : memref<8192xf32, #tpu.memory_space<vmem>>, vector<16xf32>,
      %get3A_1279 = vector.shape_cast %get3A_1278 : vector<16xf32> to vector<16xf32>
      %add3A_1280 = arith.constant 32 : i32
      %add3A_1281 = arith.addi %mul3A_1230, %add3A_1280 : i32
      %get3A_1282 = arith.index_cast %add3A_1281 : i32 to index
      %get3A_1283 = tpu.vector_load %arg5[%get3A_1282] {strides = array<i32>} : memref<8192xf32, #tpu.memory_space<vmem>>, vector<16xf32>,
      %get3A_1284 = vector.shape_cast %get3A_1283 : vector<16xf32> to vector<16xf32>
      %add3A_1285 = arith.constant 48 : i32
      %add3A_1286 = arith.addi %mul3A_1230, %add3A_1285 : i32
      %get3A_1287 = arith.index_cast %add3A_1286 : i32 to index
      %get3A_1288 = tpu.vector_load %arg5[%get3A_1287] {strides = array<i32>} : memref<8192xf32, #tpu.memory_space<vmem>>, vector<16xf32>,
      %get3A_1289 = vector.shape_cast %get3A_1288 : vector<16xf32> to vector<16xf32>
      %add3A_1290 = arith.constant 64 : i32
      %add3A_1291 = arith.addi %mul3A_1230, %add3A_1290 : i32
      %get3A_1292 = arith.index_cast %add3A_1291 : i32 to index
      %get3A_1293 = tpu.vector_load %arg5[%get3A_1292] {strides = array<i32>} : memref<8192xf32, #tpu.memory_space<vmem>>, vector<16xf32>,
      %get3A_1294 = vector.shape_cast %get3A_1293 : vector<16xf32> to vector<16xf32>
      %add3A_1295 = arith.constant 80 : i32
      %add3A_1296 = arith.addi %mul3A_1230, %add3A_1295 : i32
      %get3A_1297 = arith.index_cast %add3A_1296 : i32 to index
      %get3A_1298 = tpu.vector_load %arg5[%get3A_1297] {strides = array<i32>} : memref<8192xf32, #tpu.memory_space<vmem>>, vector<16xf32>,
      %get3A_1299 = vector.shape_cast %get3A_1298 : vector<16xf32> to vector<16xf32>
      %add3A_1300 = arith.constant 96 : i32
      %add3A_1301 = arith.addi %mul3A_1230, %add3A_1300 : i32
      %get3A_1302 = arith.index_cast %add3A_1301 : i32 to index
      %get3A_1303 = tpu.vector_load %arg5[%get3A_1302] {strides = array<i32>} : memref<8192xf32, #tpu.memory_space<vmem>>, vector<16xf32>,
      %get3A_1304 = vector.shape_cast %get3A_1303 : vector<16xf32> to vector<16xf32>
      %add3A_1305 = arith.constant 112 : i32
      %add3A_1306 = arith.addi %mul3A_1230, %add3A_1305 : i32
      %get3A_1307 = arith.index_cast %add3A_1306 : i32 to index
      %get3A_1308 = tpu.vector_load %arg5[%get3A_1307] {strides = array<i32>} : memref<8192xf32, #tpu.memory_space<vmem>>, vector<16xf32>,
      %get3A_1309 = vector.shape_cast %get3A_1308 : vector<16xf32> to vector<16xf32>
      %max3A_1310 = arith.maximumf %get3A_1234, %get3A_1254 : vector<16xf32>
      %max3A_1311 = arith.maximumf %get3A_1274, %get3A_1294 : vector<16xf32>
      %max3A_1312 = arith.maximumf %get3A_1239, %get3A_1259 : vector<16xf32>
      %max3A_1313 = arith.maximumf %get3A_1279, %get3A_1299 : vector<16xf32>
      %max3A_1314 = arith.maximumf %get3A_1244, %get3A_1264 : vector<16xf32>
      %max3A_1315 = arith.maximumf %get3A_1284, %get3A_1304 : vector<16xf32>
      %max3A_1316 = arith.maximumf %get3A_1249, %get3A_1269 : vector<16xf32>
      %max3A_1317 = arith.maximumf %get3A_1289, %get3A_1309 : vector<16xf32>
      %max3A_1318 = arith.maximumf %max3A_1310, %max3A_1314 : vector<16xf32>
      %max3A_1319 = arith.maximumf %max3A_1311, %max3A_1315 : vector<16xf32>
      %max3A_1320 = arith.maximumf %max3A_1312, %max3A_1316 : vector<16xf32>
      %max3A_1321 = arith.maximumf %max3A_1313, %max3A_1317 : vector<16xf32>
      %max3A_1322 = arith.maximumf %max3A_1318, %max3A_1320 : vector<16xf32>
      %max3A_1323 = arith.maximumf %max3A_1319, %max3A_1321 : vector<16xf32>
      %broadcast_in_dim3A_1324 = vector.shape_cast %xor3A_50 : vector<16xi32> to vector<16x1xi32>
      %gather3A_1325 = vector.shape_cast %broadcast_in_dim3A_1324 : vector<16x1xi32> to vector<16xi32>
      %gather3A_1326 = tpu.dynamic_gather %max3A_1322[%gather3A_1325] in [0] : vector<16xf32>, vector<16xi32> -> vector<16xf32>
      %max3A_1327 = arith.maximumf %max3A_1322, %gather3A_1326 : vector<16xf32>
      %broadcast_in_dim3A_1328 = vector.shape_cast %xor3A_53 : vector<16xi32> to vector<16x1xi32>
      %gather3A_1329 = vector.shape_cast %broadcast_in_dim3A_1328 : vector<16x1xi32> to vector<16xi32>
      %gather3A_1330 = tpu.dynamic_gather %max3A_1327[%gather3A_1329] in [0] : vector<16xf32>, vector<16xi32> -> vector<16xf32>
      %max3A_1331 = arith.maximumf %max3A_1327, %gather3A_1330 : vector<16xf32>
      %broadcast_in_dim3A_1332 = vector.shape_cast %xor3A_56 : vector<16xi32> to vector<16x1xi32>
      %gather3A_1333 = vector.shape_cast %broadcast_in_dim3A_1332 : vector<16x1xi32> to vector<16xi32>
      %gather3A_1334 = tpu.dynamic_gather %max3A_1331[%gather3A_1333] in [0] : vector<16xf32>, vector<16xi32> -> vector<16xf32>
      %max3A_1335 = arith.maximumf %max3A_1331, %gather3A_1334 : vector<16xf32>
      %broadcast_in_dim3A_1336 = vector.shape_cast %xor3A_59 : vector<16xi32> to vector<16x1xi32>
      %gather3A_1337 = vector.shape_cast %broadcast_in_dim3A_1336 : vector<16x1xi32> to vector<16xi32>
      %gather3A_1338 = tpu.dynamic_gather %max3A_1335[%gather3A_1337] in [0] : vector<16xf32>, vector<16xi32> -> vector<16xf32>
      %max3A_1339 = arith.maximumf %max3A_1335, %gather3A_1338 : vector<16xf32>
      %select_n3A_1340 = arith.select %eq3A_1224, %max3A_1339, %scan3A_1215 : vector<16xi1>, vector<16xf32>
      %broadcast_in_dim3A_1341 = vector.shape_cast %xor3A_50 : vector<16xi32> to vector<16x1xi32>
      %gather3A_1342 = vector.shape_cast %broadcast_in_dim3A_1341 : vector<16x1xi32> to vector<16xi32>
      %gather3A_1343 = tpu.dynamic_gather %max3A_1323[%gather3A_1342] in [0] : vector<16xf32>, vector<16xi32> -> vector<16xf32>
      %max3A_1344 = arith.maximumf %max3A_1323, %gather3A_1343 : vector<16xf32>
      %broadcast_in_dim3A_1345 = vector.shape_cast %xor3A_53 : vector<16xi32> to vector<16x1xi32>
      %gather3A_1346 = vector.shape_cast %broadcast_in_dim3A_1345 : vector<16x1xi32> to vector<16xi32>
      %gather3A_1347 = tpu.dynamic_gather %max3A_1344[%gather3A_1346] in [0] : vector<16xf32>, vector<16xi32> -> vector<16xf32>
      %max3A_1348 = arith.maximumf %max3A_1344, %gather3A_1347 : vector<16xf32>
      %broadcast_in_dim3A_1349 = vector.shape_cast %xor3A_56 : vector<16xi32> to vector<16x1xi32>
      %gather3A_1350 = vector.shape_cast %broadcast_in_dim3A_1349 : vector<16x1xi32> to vector<16xi32>
      %gather3A_1351 = tpu.dynamic_gather %max3A_1348[%gather3A_1350] in [0] : vector<16xf32>, vector<16xi32> -> vector<16xf32>
      %max3A_1352 = arith.maximumf %max3A_1348, %gather3A_1351 : vector<16xf32>
      %broadcast_in_dim3A_1353 = vector.shape_cast %xor3A_59 : vector<16xi32> to vector<16x1xi32>
      %gather3A_1354 = vector.shape_cast %broadcast_in_dim3A_1353 : vector<16x1xi32> to vector<16xi32>
      %gather3A_1355 = tpu.dynamic_gather %max3A_1352[%gather3A_1354] in [0] : vector<16xf32>, vector<16xi32> -> vector<16xf32>
      %max3A_1356 = arith.maximumf %max3A_1352, %gather3A_1355 : vector<16xf32>
      %select_n3A_1357 = arith.select %eq3A_1224, %max3A_1356, %scan3A_1219 : vector<16xi1>, vector<16xf32>
      %mul3A_1358 = arith.constant 4 : i32
      %mul3A_1359 = arith.muli %mul3A_1358, %scan3A_1214 : i32
      %add3A_1360 = arith.constant 1 : i32
      %add3A_1361 = arith.addi %mul3A_1359, %add3A_1360 : i32
      %mul3A_1362 = arith.constant 128 : i32
      %mul3A_1363 = arith.muli %add3A_1361, %mul3A_1362 : i32
      %add3A_1364 = arith.constant 0 : i32
      %add3A_1365 = arith.addi %mul3A_1363, %add3A_1364 : i32
      %get3A_1366 = arith.index_cast %add3A_1365 : i32 to index
      %get3A_1367 = tpu.vector_load %arg4[%get3A_1366] {strides = array<i32>} : memref<8192xf32, #tpu.memory_space<vmem>>, vector<16xf32>,
      %get3A_1368 = vector.shape_cast %get3A_1367 : vector<16xf32> to vector<16xf32>
      %add3A_1369 = arith.constant 16 : i32
      %add3A_1370 = arith.addi %mul3A_1363, %add3A_1369 : i32
      %get3A_1371 = arith.index_cast %add3A_1370 : i32 to index
      %get3A_1372 = tpu.vector_load %arg4[%get3A_1371] {strides = array<i32>} : memref<8192xf32, #tpu.memory_space<vmem>>, vector<16xf32>,
      %get3A_1373 = vector.shape_cast %get3A_1372 : vector<16xf32> to vector<16xf32>
      %add3A_1374 = arith.constant 32 : i32
      %add3A_1375 = arith.addi %mul3A_1363, %add3A_1374 : i32
      %get3A_1376 = arith.index_cast %add3A_1375 : i32 to index
      %get3A_1377 = tpu.vector_load %arg4[%get3A_1376] {strides = array<i32>} : memref<8192xf32, #tpu.memory_space<vmem>>, vector<16xf32>,
      %get3A_1378 = vector.shape_cast %get3A_1377 : vector<16xf32> to vector<16xf32>
      %add3A_1379 = arith.constant 48 : i32
      %add3A_1380 = arith.addi %mul3A_1363, %add3A_1379 : i32
      %get3A_1381 = arith.index_cast %add3A_1380 : i32 to index
      %get3A_1382 = tpu.vector_load %arg4[%get3A_1381] {strides = array<i32>} : memref<8192xf32, #tpu.memory_space<vmem>>, vector<16xf32>,
      %get3A_1383 = vector.shape_cast %get3A_1382 : vector<16xf32> to vector<16xf32>
      %add3A_1384 = arith.constant 64 : i32
      %add3A_1385 = arith.addi %mul3A_1363, %add3A_1384 : i32
      %get3A_1386 = arith.index_cast %add3A_1385 : i32 to index
      %get3A_1387 = tpu.vector_load %arg4[%get3A_1386] {strides = array<i32>} : memref<8192xf32, #tpu.memory_space<vmem>>, vector<16xf32>,
      %get3A_1388 = vector.shape_cast %get3A_1387 : vector<16xf32> to vector<16xf32>
      %add3A_1389 = arith.constant 80 : i32
      %add3A_1390 = arith.addi %mul3A_1363, %add3A_1389 : i32
      %get3A_1391 = arith.index_cast %add3A_1390 : i32 to index
      %get3A_1392 = tpu.vector_load %arg4[%get3A_1391] {strides = array<i32>} : memref<8192xf32, #tpu.memory_space<vmem>>, vector<16xf32>,
      %get3A_1393 = vector.shape_cast %get3A_1392 : vector<16xf32> to vector<16xf32>
      %add3A_1394 = arith.constant 96 : i32
      %add3A_1395 = arith.addi %mul3A_1363, %add3A_1394 : i32
      %get3A_1396 = arith.index_cast %add3A_1395 : i32 to index
      %get3A_1397 = tpu.vector_load %arg4[%get3A_1396] {strides = array<i32>} : memref<8192xf32, #tpu.memory_space<vmem>>, vector<16xf32>,
      %get3A_1398 = vector.shape_cast %get3A_1397 : vector<16xf32> to vector<16xf32>
      %add3A_1399 = arith.constant 112 : i32
      %add3A_1400 = arith.addi %mul3A_1363, %add3A_1399 : i32
      %get3A_1401 = arith.index_cast %add3A_1400 : i32 to index
      %get3A_1402 = tpu.vector_load %arg4[%get3A_1401] {strides = array<i32>} : memref<8192xf32, #tpu.memory_space<vmem>>, vector<16xf32>,
      %get3A_1403 = vector.shape_cast %get3A_1402 : vector<16xf32> to vector<16xf32>
      %add3A_1404 = arith.constant 0 : i32
      %add3A_1405 = arith.addi %mul3A_1363, %add3A_1404 : i32
      %get3A_1406 = arith.index_cast %add3A_1405 : i32 to index
      %get3A_1407 = tpu.vector_load %arg5[%get3A_1406] {strides = array<i32>} : memref<8192xf32, #tpu.memory_space<vmem>>, vector<16xf32>,
      %get3A_1408 = vector.shape_cast %get3A_1407 : vector<16xf32> to vector<16xf32>
      %add3A_1409 = arith.constant 16 : i32
      %add3A_1410 = arith.addi %mul3A_1363, %add3A_1409 : i32
      %get3A_1411 = arith.index_cast %add3A_1410 : i32 to index
      %get3A_1412 = tpu.vector_load %arg5[%get3A_1411] {strides = array<i32>} : memref<8192xf32, #tpu.memory_space<vmem>>, vector<16xf32>,
      %get3A_1413 = vector.shape_cast %get3A_1412 : vector<16xf32> to vector<16xf32>
      %add3A_1414 = arith.constant 32 : i32
      %add3A_1415 = arith.addi %mul3A_1363, %add3A_1414 : i32
      %get3A_1416 = arith.index_cast %add3A_1415 : i32 to index
      %get3A_1417 = tpu.vector_load %arg5[%get3A_1416] {strides = array<i32>} : memref<8192xf32, #tpu.memory_space<vmem>>, vector<16xf32>,
      %get3A_1418 = vector.shape_cast %get3A_1417 : vector<16xf32> to vector<16xf32>
      %add3A_1419 = arith.constant 48 : i32
      %add3A_1420 = arith.addi %mul3A_1363, %add3A_1419 : i32
      %get3A_1421 = arith.index_cast %add3A_1420 : i32 to index
      %get3A_1422 = tpu.vector_load %arg5[%get3A_1421] {strides = array<i32>} : memref<8192xf32, #tpu.memory_space<vmem>>, vector<16xf32>,
      %get3A_1423 = vector.shape_cast %get3A_1422 : vector<16xf32> to vector<16xf32>
      %add3A_1424 = arith.constant 64 : i32
      %add3A_1425 = arith.addi %mul3A_1363, %add3A_1424 : i32
      %get3A_1426 = arith.index_cast %add3A_1425 : i32 to index
      %get3A_1427 = tpu.vector_load %arg5[%get3A_1426] {strides = array<i32>} : memref<8192xf32, #tpu.memory_space<vmem>>, vector<16xf32>,
      %get3A_1428 = vector.shape_cast %get3A_1427 : vector<16xf32> to vector<16xf32>
      %add3A_1429 = arith.constant 80 : i32
      %add3A_1430 = arith.addi %mul3A_1363, %add3A_1429 : i32
      %get3A_1431 = arith.index_cast %add3A_1430 : i32 to index
      %get3A_1432 = tpu.vector_load %arg5[%get3A_1431] {strides = array<i32>} : memref<8192xf32, #tpu.memory_space<vmem>>, vector<16xf32>,
      %get3A_1433 = vector.shape_cast %get3A_1432 : vector<16xf32> to vector<16xf32>
      %add3A_1434 = arith.constant 96 : i32
      %add3A_1435 = arith.addi %mul3A_1363, %add3A_1434 : i32
      %get3A_1436 = arith.index_cast %add3A_1435 : i32 to index
      %get3A_1437 = tpu.vector_load %arg5[%get3A_1436] {strides = array<i32>} : memref<8192xf32, #tpu.memory_space<vmem>>, vector<16xf32>,
      %get3A_1438 = vector.shape_cast %get3A_1437 : vector<16xf32> to vector<16xf32>
      %add3A_1439 = arith.constant 112 : i32
      %add3A_1440 = arith.addi %mul3A_1363, %add3A_1439 : i32
      %get3A_1441 = arith.index_cast %add3A_1440 : i32 to index
      %get3A_1442 = tpu.vector_load %arg5[%get3A_1441] {strides = array<i32>} : memref<8192xf32, #tpu.memory_space<vmem>>, vector<16xf32>,
      %get3A_1443 = vector.shape_cast %get3A_1442 : vector<16xf32> to vector<16xf32>
      %max3A_1444 = arith.maximumf %get3A_1368, %get3A_1388 : vector<16xf32>
      %max3A_1445 = arith.maximumf %get3A_1408, %get3A_1428 : vector<16xf32>
      %max3A_1446 = arith.maximumf %get3A_1373, %get3A_1393 : vector<16xf32>
      %max3A_1447 = arith.maximumf %get3A_1413, %get3A_1433 : vector<16xf32>
      %max3A_1448 = arith.maximumf %get3A_1378, %get3A_1398 : vector<16xf32>
      %max3A_1449 = arith.maximumf %get3A_1418, %get3A_1438 : vector<16xf32>
      %max3A_1450 = arith.maximumf %get3A_1383, %get3A_1403 : vector<16xf32>
      %max3A_1451 = arith.maximumf %get3A_1423, %get3A_1443 : vector<16xf32>
      %max3A_1452 = arith.maximumf %max3A_1444, %max3A_1448 : vector<16xf32>
      %max3A_1453 = arith.maximumf %max3A_1445, %max3A_1449 : vector<16xf32>
      %max3A_1454 = arith.maximumf %max3A_1446, %max3A_1450 : vector<16xf32>
      %max3A_1455 = arith.maximumf %max3A_1447, %max3A_1451 : vector<16xf32>
      %max3A_1456 = arith.maximumf %max3A_1452, %max3A_1454 : vector<16xf32>
      %max3A_1457 = arith.maximumf %max3A_1453, %max3A_1455 : vector<16xf32>
      %broadcast_in_dim3A_1458 = vector.shape_cast %xor3A_50 : vector<16xi32> to vector<16x1xi32>
      %gather3A_1459 = vector.shape_cast %broadcast_in_dim3A_1458 : vector<16x1xi32> to vector<16xi32>
      %gather3A_1460 = tpu.dynamic_gather %max3A_1456[%gather3A_1459] in [0] : vector<16xf32>, vector<16xi32> -> vector<16xf32>
      %max3A_1461 = arith.maximumf %max3A_1456, %gather3A_1460 : vector<16xf32>
      %broadcast_in_dim3A_1462 = vector.shape_cast %xor3A_53 : vector<16xi32> to vector<16x1xi32>
      %gather3A_1463 = vector.shape_cast %broadcast_in_dim3A_1462 : vector<16x1xi32> to vector<16xi32>
      %gather3A_1464 = tpu.dynamic_gather %max3A_1461[%gather3A_1463] in [0] : vector<16xf32>, vector<16xi32> -> vector<16xf32>
      %max3A_1465 = arith.maximumf %max3A_1461, %gather3A_1464 : vector<16xf32>
      %broadcast_in_dim3A_1466 = vector.shape_cast %xor3A_56 : vector<16xi32> to vector<16x1xi32>
      %gather3A_1467 = vector.shape_cast %broadcast_in_dim3A_1466 : vector<16x1xi32> to vector<16xi32>
      %gather3A_1468 = tpu.dynamic_gather %max3A_1465[%gather3A_1467] in [0] : vector<16xf32>, vector<16xi32> -> vector<16xf32>
      %max3A_1469 = arith.maximumf %max3A_1465, %gather3A_1468 : vector<16xf32>
      %broadcast_in_dim3A_1470 = vector.shape_cast %xor3A_59 : vector<16xi32> to vector<16x1xi32>
      %gather3A_1471 = vector.shape_cast %broadcast_in_dim3A_1470 : vector<16x1xi32> to vector<16xi32>
      %gather3A_1472 = tpu.dynamic_gather %max3A_1469[%gather3A_1471] in [0] : vector<16xf32>, vector<16xi32> -> vector<16xf32>
      %max3A_1473 = arith.maximumf %max3A_1469, %gather3A_1472 : vector<16xf32>
      %select_n3A_1474 = arith.select %eq3A_1224, %max3A_1473, %scan3A_1216 : vector<16xi1>, vector<16xf32>
      %broadcast_in_dim3A_1475 = vector.shape_cast %xor3A_50 : vector<16xi32> to vector<16x1xi32>
      %gather3A_1476 = vector.shape_cast %broadcast_in_dim3A_1475 : vector<16x1xi32> to vector<16xi32>
      %gather3A_1477 = tpu.dynamic_gather %max3A_1457[%gather3A_1476] in [0] : vector<16xf32>, vector<16xi32> -> vector<16xf32>
      %max3A_1478 = arith.maximumf %max3A_1457, %gather3A_1477 : vector<16xf32>
      %broadcast_in_dim3A_1479 = vector.shape_cast %xor3A_53 : vector<16xi32> to vector<16x1xi32>
      %gather3A_1480 = vector.shape_cast %broadcast_in_dim3A_1479 : vector<16x1xi32> to vector<16xi32>
      %gather3A_1481 = tpu.dynamic_gather %max3A_1478[%gather3A_1480] in [0] : vector<16xf32>, vector<16xi32> -> vector<16xf32>
      %max3A_1482 = arith.maximumf %max3A_1478, %gather3A_1481 : vector<16xf32>
      %broadcast_in_dim3A_1483 = vector.shape_cast %xor3A_56 : vector<16xi32> to vector<16x1xi32>
      %gather3A_1484 = vector.shape_cast %broadcast_in_dim3A_1483 : vector<16x1xi32> to vector<16xi32>
      %gather3A_1485 = tpu.dynamic_gather %max3A_1482[%gather3A_1484] in [0] : vector<16xf32>, vector<16xi32> -> vector<16xf32>
      %max3A_1486 = arith.maximumf %max3A_1482, %gather3A_1485 : vector<16xf32>
      %broadcast_in_dim3A_1487 = vector.shape_cast %xor3A_59 : vector<16xi32> to vector<16x1xi32>
      %gather3A_1488 = vector.shape_cast %broadcast_in_dim3A_1487 : vector<16x1xi32> to vector<16xi32>
      %gather3A_1489 = tpu.dynamic_gather %max3A_1486[%gather3A_1488] in [0] : vector<16xf32>, vector<16xi32> -> vector<16xf32>
      %max3A_1490 = arith.maximumf %max3A_1486, %gather3A_1489 : vector<16xf32>
      %select_n3A_1491 = arith.select %eq3A_1224, %max3A_1490, %scan3A_1220 : vector<16xi1>, vector<16xf32>
      %mul3A_1492 = arith.constant 4 : i32
      %mul3A_1493 = arith.muli %mul3A_1492, %scan3A_1214 : i32
      %add3A_1494 = arith.constant 2 : i32
      %add3A_1495 = arith.addi %mul3A_1493, %add3A_1494 : i32
      %mul3A_1496 = arith.constant 128 : i32
      %mul3A_1497 = arith.muli %add3A_1495, %mul3A_1496 : i32
      %add3A_1498 = arith.constant 0 : i32
      %add3A_1499 = arith.addi %mul3A_1497, %add3A_1498 : i32
      %get3A_1500 = arith.index_cast %add3A_1499 : i32 to index
      %get3A_1501 = tpu.vector_load %arg4[%get3A_1500] {strides = array<i32>} : memref<8192xf32, #tpu.memory_space<vmem>>, vector<16xf32>,
      %get3A_1502 = vector.shape_cast %get3A_1501 : vector<16xf32> to vector<16xf32>
      %add3A_1503 = arith.constant 16 : i32
      %add3A_1504 = arith.addi %mul3A_1497, %add3A_1503 : i32
      %get3A_1505 = arith.index_cast %add3A_1504 : i32 to index
      %get3A_1506 = tpu.vector_load %arg4[%get3A_1505] {strides = array<i32>} : memref<8192xf32, #tpu.memory_space<vmem>>, vector<16xf32>,
      %get3A_1507 = vector.shape_cast %get3A_1506 : vector<16xf32> to vector<16xf32>
      %add3A_1508 = arith.constant 32 : i32
      %add3A_1509 = arith.addi %mul3A_1497, %add3A_1508 : i32
      %get3A_1510 = arith.index_cast %add3A_1509 : i32 to index
      %get3A_1511 = tpu.vector_load %arg4[%get3A_1510] {strides = array<i32>} : memref<8192xf32, #tpu.memory_space<vmem>>, vector<16xf32>,
      %get3A_1512 = vector.shape_cast %get3A_1511 : vector<16xf32> to vector<16xf32>
      %add3A_1513 = arith.constant 48 : i32
      %add3A_1514 = arith.addi %mul3A_1497, %add3A_1513 : i32
      %get3A_1515 = arith.index_cast %add3A_1514 : i32 to index
      %get3A_1516 = tpu.vector_load %arg4[%get3A_1515] {strides = array<i32>} : memref<8192xf32, #tpu.memory_space<vmem>>, vector<16xf32>,
      %get3A_1517 = vector.shape_cast %get3A_1516 : vector<16xf32> to vector<16xf32>
      %add3A_1518 = arith.constant 64 : i32
      %add3A_1519 = arith.addi %mul3A_1497, %add3A_1518 : i32
      %get3A_1520 = arith.index_cast %add3A_1519 : i32 to index
      %get3A_1521 = tpu.vector_load %arg4[%get3A_1520] {strides = array<i32>} : memref<8192xf32, #tpu.memory_space<vmem>>, vector<16xf32>,
      %get3A_1522 = vector.shape_cast %get3A_1521 : vector<16xf32> to vector<16xf32>
      %add3A_1523 = arith.constant 80 : i32
      %add3A_1524 = arith.addi %mul3A_1497, %add3A_1523 : i32
      %get3A_1525 = arith.index_cast %add3A_1524 : i32 to index
      %get3A_1526 = tpu.vector_load %arg4[%get3A_1525] {strides = array<i32>} : memref<8192xf32, #tpu.memory_space<vmem>>, vector<16xf32>,
      %get3A_1527 = vector.shape_cast %get3A_1526 : vector<16xf32> to vector<16xf32>
      %add3A_1528 = arith.constant 96 : i32
      %add3A_1529 = arith.addi %mul3A_1497, %add3A_1528 : i32
      %get3A_1530 = arith.index_cast %add3A_1529 : i32 to index
      %get3A_1531 = tpu.vector_load %arg4[%get3A_1530] {strides = array<i32>} : memref<8192xf32, #tpu.memory_space<vmem>>, vector<16xf32>,
      %get3A_1532 = vector.shape_cast %get3A_1531 : vector<16xf32> to vector<16xf32>
      %add3A_1533 = arith.constant 112 : i32
      %add3A_1534 = arith.addi %mul3A_1497, %add3A_1533 : i32
      %get3A_1535 = arith.index_cast %add3A_1534 : i32 to index
      %get3A_1536 = tpu.vector_load %arg4[%get3A_1535] {strides = array<i32>} : memref<8192xf32, #tpu.memory_space<vmem>>, vector<16xf32>,
      %get3A_1537 = vector.shape_cast %get3A_1536 : vector<16xf32> to vector<16xf32>
      %add3A_1538 = arith.constant 0 : i32
      %add3A_1539 = arith.addi %mul3A_1497, %add3A_1538 : i32
      %get3A_1540 = arith.index_cast %add3A_1539 : i32 to index
      %get3A_1541 = tpu.vector_load %arg5[%get3A_1540] {strides = array<i32>} : memref<8192xf32, #tpu.memory_space<vmem>>, vector<16xf32>,
      %get3A_1542 = vector.shape_cast %get3A_1541 : vector<16xf32> to vector<16xf32>
      %add3A_1543 = arith.constant 16 : i32
      %add3A_1544 = arith.addi %mul3A_1497, %add3A_1543 : i32
      %get3A_1545 = arith.index_cast %add3A_1544 : i32 to index
      %get3A_1546 = tpu.vector_load %arg5[%get3A_1545] {strides = array<i32>} : memref<8192xf32, #tpu.memory_space<vmem>>, vector<16xf32>,
      %get3A_1547 = vector.shape_cast %get3A_1546 : vector<16xf32> to vector<16xf32>
      %add3A_1548 = arith.constant 32 : i32
      %add3A_1549 = arith.addi %mul3A_1497, %add3A_1548 : i32
      %get3A_1550 = arith.index_cast %add3A_1549 : i32 to index
      %get3A_1551 = tpu.vector_load %arg5[%get3A_1550] {strides = array<i32>} : memref<8192xf32, #tpu.memory_space<vmem>>, vector<16xf32>,
      %get3A_1552 = vector.shape_cast %get3A_1551 : vector<16xf32> to vector<16xf32>
      %add3A_1553 = arith.constant 48 : i32
      %add3A_1554 = arith.addi %mul3A_1497, %add3A_1553 : i32
      %get3A_1555 = arith.index_cast %add3A_1554 : i32 to index
      %get3A_1556 = tpu.vector_load %arg5[%get3A_1555] {strides = array<i32>} : memref<8192xf32, #tpu.memory_space<vmem>>, vector<16xf32>,
      %get3A_1557 = vector.shape_cast %get3A_1556 : vector<16xf32> to vector<16xf32>
      %add3A_1558 = arith.constant 64 : i32
      %add3A_1559 = arith.addi %mul3A_1497, %add3A_1558 : i32
      %get3A_1560 = arith.index_cast %add3A_1559 : i32 to index
      %get3A_1561 = tpu.vector_load %arg5[%get3A_1560] {strides = array<i32>} : memref<8192xf32, #tpu.memory_space<vmem>>, vector<16xf32>,
      %get3A_1562 = vector.shape_cast %get3A_1561 : vector<16xf32> to vector<16xf32>
      %add3A_1563 = arith.constant 80 : i32
      %add3A_1564 = arith.addi %mul3A_1497, %add3A_1563 : i32
      %get3A_1565 = arith.index_cast %add3A_1564 : i32 to index
      %get3A_1566 = tpu.vector_load %arg5[%get3A_1565] {strides = array<i32>} : memref<8192xf32, #tpu.memory_space<vmem>>, vector<16xf32>,
      %get3A_1567 = vector.shape_cast %get3A_1566 : vector<16xf32> to vector<16xf32>
      %add3A_1568 = arith.constant 96 : i32
      %add3A_1569 = arith.addi %mul3A_1497, %add3A_1568 : i32
      %get3A_1570 = arith.index_cast %add3A_1569 : i32 to index
      %get3A_1571 = tpu.vector_load %arg5[%get3A_1570] {strides = array<i32>} : memref<8192xf32, #tpu.memory_space<vmem>>, vector<16xf32>,
      %get3A_1572 = vector.shape_cast %get3A_1571 : vector<16xf32> to vector<16xf32>
      %add3A_1573 = arith.constant 112 : i32
      %add3A_1574 = arith.addi %mul3A_1497, %add3A_1573 : i32
      %get3A_1575 = arith.index_cast %add3A_1574 : i32 to index
      %get3A_1576 = tpu.vector_load %arg5[%get3A_1575] {strides = array<i32>} : memref<8192xf32, #tpu.memory_space<vmem>>, vector<16xf32>,
      %get3A_1577 = vector.shape_cast %get3A_1576 : vector<16xf32> to vector<16xf32>
      %max3A_1578 = arith.maximumf %get3A_1502, %get3A_1522 : vector<16xf32>
      %max3A_1579 = arith.maximumf %get3A_1542, %get3A_1562 : vector<16xf32>
      %max3A_1580 = arith.maximumf %get3A_1507, %get3A_1527 : vector<16xf32>
      %max3A_1581 = arith.maximumf %get3A_1547, %get3A_1567 : vector<16xf32>
      %max3A_1582 = arith.maximumf %get3A_1512, %get3A_1532 : vector<16xf32>
      %max3A_1583 = arith.maximumf %get3A_1552, %get3A_1572 : vector<16xf32>
      %max3A_1584 = arith.maximumf %get3A_1517, %get3A_1537 : vector<16xf32>
      %max3A_1585 = arith.maximumf %get3A_1557, %get3A_1577 : vector<16xf32>
      %max3A_1586 = arith.maximumf %max3A_1578, %max3A_1582 : vector<16xf32>
      %max3A_1587 = arith.maximumf %max3A_1579, %max3A_1583 : vector<16xf32>
      %max3A_1588 = arith.maximumf %max3A_1580, %max3A_1584 : vector<16xf32>
      %max3A_1589 = arith.maximumf %max3A_1581, %max3A_1585 : vector<16xf32>
      %max3A_1590 = arith.maximumf %max3A_1586, %max3A_1588 : vector<16xf32>
      %max3A_1591 = arith.maximumf %max3A_1587, %max3A_1589 : vector<16xf32>
      %broadcast_in_dim3A_1592 = vector.shape_cast %xor3A_50 : vector<16xi32> to vector<16x1xi32>
      %gather3A_1593 = vector.shape_cast %broadcast_in_dim3A_1592 : vector<16x1xi32> to vector<16xi32>
      %gather3A_1594 = tpu.dynamic_gather %max3A_1590[%gather3A_1593] in [0] : vector<16xf32>, vector<16xi32> -> vector<16xf32>
      %max3A_1595 = arith.maximumf %max3A_1590, %gather3A_1594 : vector<16xf32>
      %broadcast_in_dim3A_1596 = vector.shape_cast %xor3A_53 : vector<16xi32> to vector<16x1xi32>
      %gather3A_1597 = vector.shape_cast %broadcast_in_dim3A_1596 : vector<16x1xi32> to vector<16xi32>
      %gather3A_1598 = tpu.dynamic_gather %max3A_1595[%gather3A_1597] in [0] : vector<16xf32>, vector<16xi32> -> vector<16xf32>
      %max3A_1599 = arith.maximumf %max3A_1595, %gather3A_1598 : vector<16xf32>
      %broadcast_in_dim3A_1600 = vector.shape_cast %xor3A_56 : vector<16xi32> to vector<16x1xi32>
      %gather3A_1601 = vector.shape_cast %broadcast_in_dim3A_1600 : vector<16x1xi32> to vector<16xi32>
      %gather3A_1602 = tpu.dynamic_gather %max3A_1599[%gather3A_1601] in [0] : vector<16xf32>, vector<16xi32> -> vector<16xf32>
      %max3A_1603 = arith.maximumf %max3A_1599, %gather3A_1602 : vector<16xf32>
      %broadcast_in_dim3A_1604 = vector.shape_cast %xor3A_59 : vector<16xi32> to vector<16x1xi32>
      %gather3A_1605 = vector.shape_cast %broadcast_in_dim3A_1604 : vector<16x1xi32> to vector<16xi32>
      %gather3A_1606 = tpu.dynamic_gather %max3A_1603[%gather3A_1605] in [0] : vector<16xf32>, vector<16xi32> -> vector<16xf32>
      %max3A_1607 = arith.maximumf %max3A_1603, %gather3A_1606 : vector<16xf32>
      %select_n3A_1608 = arith.select %eq3A_1224, %max3A_1607, %scan3A_1217 : vector<16xi1>, vector<16xf32>
      %broadcast_in_dim3A_1609 = vector.shape_cast %xor3A_50 : vector<16xi32> to vector<16x1xi32>
      %gather3A_1610 = vector.shape_cast %broadcast_in_dim3A_1609 : vector<16x1xi32> to vector<16xi32>
      %gather3A_1611 = tpu.dynamic_gather %max3A_1591[%gather3A_1610] in [0] : vector<16xf32>, vector<16xi32> -> vector<16xf32>
      %max3A_1612 = arith.maximumf %max3A_1591, %gather3A_1611 : vector<16xf32>
      %broadcast_in_dim3A_1613 = vector.shape_cast %xor3A_53 : vector<16xi32> to vector<16x1xi32>
      %gather3A_1614 = vector.shape_cast %broadcast_in_dim3A_1613 : vector<16x1xi32> to vector<16xi32>
      %gather3A_1615 = tpu.dynamic_gather %max3A_1612[%gather3A_1614] in [0] : vector<16xf32>, vector<16xi32> -> vector<16xf32>
      %max3A_1616 = arith.maximumf %max3A_1612, %gather3A_1615 : vector<16xf32>
      %broadcast_in_dim3A_1617 = vector.shape_cast %xor3A_56 : vector<16xi32> to vector<16x1xi32>
      %gather3A_1618 = vector.shape_cast %broadcast_in_dim3A_1617 : vector<16x1xi32> to vector<16xi32>
      %gather3A_1619 = tpu.dynamic_gather %max3A_1616[%gather3A_1618] in [0] : vector<16xf32>, vector<16xi32> -> vector<16xf32>
      %max3A_1620 = arith.maximumf %max3A_1616, %gather3A_1619 : vector<16xf32>
      %broadcast_in_dim3A_1621 = vector.shape_cast %xor3A_59 : vector<16xi32> to vector<16x1xi32>
      %gather3A_1622 = vector.shape_cast %broadcast_in_dim3A_1621 : vector<16x1xi32> to vector<16xi32>
      %gather3A_1623 = tpu.dynamic_gather %max3A_1620[%gather3A_1622] in [0] : vector<16xf32>, vector<16xi32> -> vector<16xf32>
      %max3A_1624 = arith.maximumf %max3A_1620, %gather3A_1623 : vector<16xf32>
      %select_n3A_1625 = arith.select %eq3A_1224, %max3A_1624, %scan3A_1221 : vector<16xi1>, vector<16xf32>
      %mul3A_1626 = arith.constant 4 : i32
      %mul3A_1627 = arith.muli %mul3A_1626, %scan3A_1214 : i32
      %add3A_1628 = arith.constant 3 : i32
      %add3A_1629 = arith.addi %mul3A_1627, %add3A_1628 : i32
      %mul3A_1630 = arith.constant 128 : i32
      %mul3A_1631 = arith.muli %add3A_1629, %mul3A_1630 : i32
      %add3A_1632 = arith.constant 0 : i32
      %add3A_1633 = arith.addi %mul3A_1631, %add3A_1632 : i32
      %get3A_1634 = arith.index_cast %add3A_1633 : i32 to index
      %get3A_1635 = tpu.vector_load %arg4[%get3A_1634] {strides = array<i32>} : memref<8192xf32, #tpu.memory_space<vmem>>, vector<16xf32>,
      %get3A_1636 = vector.shape_cast %get3A_1635 : vector<16xf32> to vector<16xf32>
      %add3A_1637 = arith.constant 16 : i32
      %add3A_1638 = arith.addi %mul3A_1631, %add3A_1637 : i32
      %get3A_1639 = arith.index_cast %add3A_1638 : i32 to index
      %get3A_1640 = tpu.vector_load %arg4[%get3A_1639] {strides = array<i32>} : memref<8192xf32, #tpu.memory_space<vmem>>, vector<16xf32>,
      %get3A_1641 = vector.shape_cast %get3A_1640 : vector<16xf32> to vector<16xf32>
      %add3A_1642 = arith.constant 32 : i32
      %add3A_1643 = arith.addi %mul3A_1631, %add3A_1642 : i32
      %get3A_1644 = arith.index_cast %add3A_1643 : i32 to index
      %get3A_1645 = tpu.vector_load %arg4[%get3A_1644] {strides = array<i32>} : memref<8192xf32, #tpu.memory_space<vmem>>, vector<16xf32>,
      %get3A_1646 = vector.shape_cast %get3A_1645 : vector<16xf32> to vector<16xf32>
      %add3A_1647 = arith.constant 48 : i32
      %add3A_1648 = arith.addi %mul3A_1631, %add3A_1647 : i32
      %get3A_1649 = arith.index_cast %add3A_1648 : i32 to index
      %get3A_1650 = tpu.vector_load %arg4[%get3A_1649] {strides = array<i32>} : memref<8192xf32, #tpu.memory_space<vmem>>, vector<16xf32>,
      %get3A_1651 = vector.shape_cast %get3A_1650 : vector<16xf32> to vector<16xf32>
      %add3A_1652 = arith.constant 64 : i32
      %add3A_1653 = arith.addi %mul3A_1631, %add3A_1652 : i32
      %get3A_1654 = arith.index_cast %add3A_1653 : i32 to index
      %get3A_1655 = tpu.vector_load %arg4[%get3A_1654] {strides = array<i32>} : memref<8192xf32, #tpu.memory_space<vmem>>, vector<16xf32>,
      %get3A_1656 = vector.shape_cast %get3A_1655 : vector<16xf32> to vector<16xf32>
      %add3A_1657 = arith.constant 80 : i32
      %add3A_1658 = arith.addi %mul3A_1631, %add3A_1657 : i32
      %get3A_1659 = arith.index_cast %add3A_1658 : i32 to index
      %get3A_1660 = tpu.vector_load %arg4[%get3A_1659] {strides = array<i32>} : memref<8192xf32, #tpu.memory_space<vmem>>, vector<16xf32>,
      %get3A_1661 = vector.shape_cast %get3A_1660 : vector<16xf32> to vector<16xf32>
      %add3A_1662 = arith.constant 96 : i32
      %add3A_1663 = arith.addi %mul3A_1631, %add3A_1662 : i32
      %get3A_1664 = arith.index_cast %add3A_1663 : i32 to index
      %get3A_1665 = tpu.vector_load %arg4[%get3A_1664] {strides = array<i32>} : memref<8192xf32, #tpu.memory_space<vmem>>, vector<16xf32>,
      %get3A_1666 = vector.shape_cast %get3A_1665 : vector<16xf32> to vector<16xf32>
      %add3A_1667 = arith.constant 112 : i32
      %add3A_1668 = arith.addi %mul3A_1631, %add3A_1667 : i32
      %get3A_1669 = arith.index_cast %add3A_1668 : i32 to index
      %get3A_1670 = tpu.vector_load %arg4[%get3A_1669] {strides = array<i32>} : memref<8192xf32, #tpu.memory_space<vmem>>, vector<16xf32>,
      %get3A_1671 = vector.shape_cast %get3A_1670 : vector<16xf32> to vector<16xf32>
      %add3A_1672 = arith.constant 0 : i32
      %add3A_1673 = arith.addi %mul3A_1631, %add3A_1672 : i32
      %get3A_1674 = arith.index_cast %add3A_1673 : i32 to index
      %get3A_1675 = tpu.vector_load %arg5[%get3A_1674] {strides = array<i32>} : memref<8192xf32, #tpu.memory_space<vmem>>, vector<16xf32>,
      %get3A_1676 = vector.shape_cast %get3A_1675 : vector<16xf32> to vector<16xf32>
      %add3A_1677 = arith.constant 16 : i32
      %add3A_1678 = arith.addi %mul3A_1631, %add3A_1677 : i32
      %get3A_1679 = arith.index_cast %add3A_1678 : i32 to index
      %get3A_1680 = tpu.vector_load %arg5[%get3A_1679] {strides = array<i32>} : memref<8192xf32, #tpu.memory_space<vmem>>, vector<16xf32>,
      %get3A_1681 = vector.shape_cast %get3A_1680 : vector<16xf32> to vector<16xf32>
      %add3A_1682 = arith.constant 32 : i32
      %add3A_1683 = arith.addi %mul3A_1631, %add3A_1682 : i32
      %get3A_1684 = arith.index_cast %add3A_1683 : i32 to index
      %get3A_1685 = tpu.vector_load %arg5[%get3A_1684] {strides = array<i32>} : memref<8192xf32, #tpu.memory_space<vmem>>, vector<16xf32>,
      %get3A_1686 = vector.shape_cast %get3A_1685 : vector<16xf32> to vector<16xf32>
      %add3A_1687 = arith.constant 48 : i32
      %add3A_1688 = arith.addi %mul3A_1631, %add3A_1687 : i32
      %get3A_1689 = arith.index_cast %add3A_1688 : i32 to index
      %get3A_1690 = tpu.vector_load %arg5[%get3A_1689] {strides = array<i32>} : memref<8192xf32, #tpu.memory_space<vmem>>, vector<16xf32>,
      %get3A_1691 = vector.shape_cast %get3A_1690 : vector<16xf32> to vector<16xf32>
      %add3A_1692 = arith.constant 64 : i32
      %add3A_1693 = arith.addi %mul3A_1631, %add3A_1692 : i32
      %get3A_1694 = arith.index_cast %add3A_1693 : i32 to index
      %get3A_1695 = tpu.vector_load %arg5[%get3A_1694] {strides = array<i32>} : memref<8192xf32, #tpu.memory_space<vmem>>, vector<16xf32>,
      %get3A_1696 = vector.shape_cast %get3A_1695 : vector<16xf32> to vector<16xf32>
      %add3A_1697 = arith.constant 80 : i32
      %add3A_1698 = arith.addi %mul3A_1631, %add3A_1697 : i32
      %get3A_1699 = arith.index_cast %add3A_1698 : i32 to index
      %get3A_1700 = tpu.vector_load %arg5[%get3A_1699] {strides = array<i32>} : memref<8192xf32, #tpu.memory_space<vmem>>, vector<16xf32>,
      %get3A_1701 = vector.shape_cast %get3A_1700 : vector<16xf32> to vector<16xf32>
      %add3A_1702 = arith.constant 96 : i32
      %add3A_1703 = arith.addi %mul3A_1631, %add3A_1702 : i32
      %get3A_1704 = arith.index_cast %add3A_1703 : i32 to index
      %get3A_1705 = tpu.vector_load %arg5[%get3A_1704] {strides = array<i32>} : memref<8192xf32, #tpu.memory_space<vmem>>, vector<16xf32>,
      %get3A_1706 = vector.shape_cast %get3A_1705 : vector<16xf32> to vector<16xf32>
      %add3A_1707 = arith.constant 112 : i32
      %add3A_1708 = arith.addi %mul3A_1631, %add3A_1707 : i32
      %get3A_1709 = arith.index_cast %add3A_1708 : i32 to index
      %get3A_1710 = tpu.vector_load %arg5[%get3A_1709] {strides = array<i32>} : memref<8192xf32, #tpu.memory_space<vmem>>, vector<16xf32>,
      %get3A_1711 = vector.shape_cast %get3A_1710 : vector<16xf32> to vector<16xf32>
      %max3A_1712 = arith.maximumf %get3A_1636, %get3A_1656 : vector<16xf32>
      %max3A_1713 = arith.maximumf %get3A_1676, %get3A_1696 : vector<16xf32>
      %max3A_1714 = arith.maximumf %get3A_1641, %get3A_1661 : vector<16xf32>
      %max3A_1715 = arith.maximumf %get3A_1681, %get3A_1701 : vector<16xf32>
      %max3A_1716 = arith.maximumf %get3A_1646, %get3A_1666 : vector<16xf32>
      %max3A_1717 = arith.maximumf %get3A_1686, %get3A_1706 : vector<16xf32>
      %max3A_1718 = arith.maximumf %get3A_1651, %get3A_1671 : vector<16xf32>
      %max3A_1719 = arith.maximumf %get3A_1691, %get3A_1711 : vector<16xf32>
      %max3A_1720 = arith.maximumf %max3A_1712, %max3A_1716 : vector<16xf32>
      %max3A_1721 = arith.maximumf %max3A_1713, %max3A_1717 : vector<16xf32>
      %max3A_1722 = arith.maximumf %max3A_1714, %max3A_1718 : vector<16xf32>
      %max3A_1723 = arith.maximumf %max3A_1715, %max3A_1719 : vector<16xf32>
      %max3A_1724 = arith.maximumf %max3A_1720, %max3A_1722 : vector<16xf32>
      %max3A_1725 = arith.maximumf %max3A_1721, %max3A_1723 : vector<16xf32>
      %broadcast_in_dim3A_1726 = vector.shape_cast %xor3A_50 : vector<16xi32> to vector<16x1xi32>
      %gather3A_1727 = vector.shape_cast %broadcast_in_dim3A_1726 : vector<16x1xi32> to vector<16xi32>
      %gather3A_1728 = tpu.dynamic_gather %max3A_1724[%gather3A_1727] in [0] : vector<16xf32>, vector<16xi32> -> vector<16xf32>
      %max3A_1729 = arith.maximumf %max3A_1724, %gather3A_1728 : vector<16xf32>
      %broadcast_in_dim3A_1730 = vector.shape_cast %xor3A_53 : vector<16xi32> to vector<16x1xi32>
      %gather3A_1731 = vector.shape_cast %broadcast_in_dim3A_1730 : vector<16x1xi32> to vector<16xi32>
      %gather3A_1732 = tpu.dynamic_gather %max3A_1729[%gather3A_1731] in [0] : vector<16xf32>, vector<16xi32> -> vector<16xf32>
      %max3A_1733 = arith.maximumf %max3A_1729, %gather3A_1732 : vector<16xf32>
      %broadcast_in_dim3A_1734 = vector.shape_cast %xor3A_56 : vector<16xi32> to vector<16x1xi32>
      %gather3A_1735 = vector.shape_cast %broadcast_in_dim3A_1734 : vector<16x1xi32> to vector<16xi32>
      %gather3A_1736 = tpu.dynamic_gather %max3A_1733[%gather3A_1735] in [0] : vector<16xf32>, vector<16xi32> -> vector<16xf32>
      %max3A_1737 = arith.maximumf %max3A_1733, %gather3A_1736 : vector<16xf32>
      %broadcast_in_dim3A_1738 = vector.shape_cast %xor3A_59 : vector<16xi32> to vector<16x1xi32>
      %gather3A_1739 = vector.shape_cast %broadcast_in_dim3A_1738 : vector<16x1xi32> to vector<16xi32>
      %gather3A_1740 = tpu.dynamic_gather %max3A_1737[%gather3A_1739] in [0] : vector<16xf32>, vector<16xi32> -> vector<16xf32>
      %max3A_1741 = arith.maximumf %max3A_1737, %gather3A_1740 : vector<16xf32>
      %select_n3A_1742 = arith.select %eq3A_1224, %max3A_1741, %scan3A_1218 : vector<16xi1>, vector<16xf32>
      %broadcast_in_dim3A_1743 = vector.shape_cast %xor3A_50 : vector<16xi32> to vector<16x1xi32>
      %gather3A_1744 = vector.shape_cast %broadcast_in_dim3A_1743 : vector<16x1xi32> to vector<16xi32>
      %gather3A_1745 = tpu.dynamic_gather %max3A_1725[%gather3A_1744] in [0] : vector<16xf32>, vector<16xi32> -> vector<16xf32>
      %max3A_1746 = arith.maximumf %max3A_1725, %gather3A_1745 : vector<16xf32>
      %broadcast_in_dim3A_1747 = vector.shape_cast %xor3A_53 : vector<16xi32> to vector<16x1xi32>
      %gather3A_1748 = vector.shape_cast %broadcast_in_dim3A_1747 : vector<16x1xi32> to vector<16xi32>
      %gather3A_1749 = tpu.dynamic_gather %max3A_1746[%gather3A_1748] in [0] : vector<16xf32>, vector<16xi32> -> vector<16xf32>
      %max3A_1750 = arith.maximumf %max3A_1746, %gather3A_1749 : vector<16xf32>
      %broadcast_in_dim3A_1751 = vector.shape_cast %xor3A_56 : vector<16xi32> to vector<16x1xi32>
      %gather3A_1752 = vector.shape_cast %broadcast_in_dim3A_1751 : vector<16x1xi32> to vector<16xi32>
      %gather3A_1753 = tpu.dynamic_gather %max3A_1750[%gather3A_1752] in [0] : vector<16xf32>, vector<16xi32> -> vector<16xf32>
      %max3A_1754 = arith.maximumf %max3A_1750, %gather3A_1753 : vector<16xf32>
      %broadcast_in_dim3A_1755 = vector.shape_cast %xor3A_59 : vector<16xi32> to vector<16x1xi32>
      %gather3A_1756 = vector.shape_cast %broadcast_in_dim3A_1755 : vector<16x1xi32> to vector<16xi32>
      %gather3A_1757 = tpu.dynamic_gather %max3A_1754[%gather3A_1756] in [0] : vector<16xf32>, vector<16xi32> -> vector<16xf32>
      %max3A_1758 = arith.maximumf %max3A_1754, %gather3A_1757 : vector<16xf32>
      %select_n3A_1759 = arith.select %eq3A_1224, %max3A_1758, %scan3A_1222 : vector<16xi1>, vector<16xf32>
      scf.yield %select_n3A_1340, %select_n3A_1474, %select_n3A_1608, %select_n3A_1742, %select_n3A_1357, %select_n3A_1491, %select_n3A_1625, %select_n3A_1759 : vector<16xf32>, vector<16xf32>, vector<16xf32>, vector<16xf32>, vector<16xf32>, vector<16xf32>, vector<16xf32>, vector<16xf32>
    }
    %scan3A_83 = arith.constant 8 : i32
    %dma_wait3A_84 = arith.constant 4096 : i32
    %dma_wait3A_85 = tpu.memref_slice %arg4[%dma_wait3A_84] : memref<8192xf32, #tpu.memory_space<vmem>> -> memref<4096xf32, #tpu.memory_space<vmem>>
    %dma_wait3A_86 = arith.constant 4096 : i32
    %dma_wait3A_87 = tpu.memref_slice %arg2[%mul3A_2, %dma_wait3A_86] : memref<64x8192xf32, #tpu.memory_space<hbm>> -> memref<1x4096xf32, #tpu.memory_space<hbm>>
    %dma_wait3A_88 = tpu.memref_squeeze %dma_wait3A_87 : memref<1x4096xf32, #tpu.memory_space<hbm>> -> memref<4096xf32, #tpu.memory_space<hbm>>
    %dma_wait3A_89 = arith.constant 4096 : i32
    %dma_wait3A_90 = tpu.memref_slice %arg4[%dma_wait3A_89] : memref<8192xf32, #tpu.memory_space<vmem>> -> memref<4096xf32, #tpu.memory_space<vmem>>
    %dma_wait3A_91 = arith.constant 4096 : i32
    %dma_wait3A_92 = tpu.memref_slice %arg2[%mul3A_2, %dma_wait3A_91] : memref<64x8192xf32, #tpu.memory_space<hbm>> -> memref<1x4096xf32, #tpu.memory_space<hbm>>
    %dma_wait3A_93 = tpu.memref_squeeze %dma_wait3A_92 : memref<1x4096xf32, #tpu.memory_space<hbm>> -> memref<4096xf32, #tpu.memory_space<hbm>>
    tpu.wait_dma2 semaphore(%arg12 : memref<!tpu.dma_semaphore, #tpu.memory_space<semaphore_mem>>) src(%dma_wait3A_93 : memref<4096xf32, #tpu.memory_space<hbm>>) dst(%dma_wait3A_90 : memref<4096xf32, #tpu.memory_space<vmem>>)
    %dma_wait3A_94 = arith.constant 4096 : i32
    %dma_wait3A_95 = tpu.memref_slice %arg5[%dma_wait3A_94] : memref<8192xf32, #tpu.memory_space<vmem>> -> memref<4096xf32, #tpu.memory_space<vmem>>
    %dma_wait3A_96 = arith.constant 4096 : i32
    %dma_wait3A_97 = tpu.memref_slice %arg2[%add3A_35, %dma_wait3A_96] : memref<64x8192xf32, #tpu.memory_space<hbm>> -> memref<1x4096xf32, #tpu.memory_space<hbm>>
    %dma_wait3A_98 = tpu.memref_squeeze %dma_wait3A_97 : memref<1x4096xf32, #tpu.memory_space<hbm>> -> memref<4096xf32, #tpu.memory_space<hbm>>
    %dma_wait3A_99 = arith.constant 4096 : i32
    %dma_wait3A_100 = tpu.memref_slice %arg5[%dma_wait3A_99] : memref<8192xf32, #tpu.memory_space<vmem>> -> memref<4096xf32, #tpu.memory_space<vmem>>
    %dma_wait3A_101 = arith.constant 4096 : i32
    %dma_wait3A_102 = tpu.memref_slice %arg2[%add3A_35, %dma_wait3A_101] : memref<64x8192xf32, #tpu.memory_space<hbm>> -> memref<1x4096xf32, #tpu.memory_space<hbm>>
    %dma_wait3A_103 = tpu.memref_squeeze %dma_wait3A_102 : memref<1x4096xf32, #tpu.memory_space<hbm>> -> memref<4096xf32, #tpu.memory_space<hbm>>
    tpu.wait_dma2 semaphore(%arg13 : memref<!tpu.dma_semaphore, #tpu.memory_space<semaphore_mem>>) src(%dma_wait3A_103 : memref<4096xf32, #tpu.memory_space<hbm>>) dst(%dma_wait3A_100 : memref<4096xf32, #tpu.memory_space<vmem>>)
    %scan3A_104 = arith.constant 8 : i32
    %scan3A_105 = arith.constant 8 : i32
    %scan3A_106 = arith.addi %scan3A_104, %scan3A_105 : i32
    %scan3A_107 = arith.constant 1 : i32
    %scan3A_108:8 = scf.for %scan3A_1214 = %scan3A_104 to %scan3A_106 step %scan3A_107 iter_args(%scan3A_1215 = %scan3A_82#0, %scan3A_1216 = %scan3A_82#1, %scan3A_1217 = %scan3A_82#2, %scan3A_1218 = %scan3A_82#3, %scan3A_1219 = %scan3A_82#4, %scan3A_1220 = %scan3A_82#5, %scan3A_1221 = %scan3A_82#6, %scan3A_1222 = %scan3A_82#7) -> (vector<16xf32>, vector<16xf32>, vector<16xf32>, vector<16xf32>, vector<16xf32>, vector<16xf32>, vector<16xf32>, vector<16xf32>)  : i32 {
      %eq3A_1223 = vector.broadcast %scan3A_1214 : i32 to vector<16xi32>
      %eq3A_1224 = arith.cmpi eq, %iota3A, %eq3A_1223 : vector<16xi32>
      %mul3A_1225 = arith.constant 4 : i32
      %mul3A_1226 = arith.muli %mul3A_1225, %scan3A_1214 : i32
      %add3A_1227 = arith.constant 0 : i32
      %add3A_1228 = arith.addi %mul3A_1226, %add3A_1227 : i32
      %mul3A_1229 = arith.constant 128 : i32
      %mul3A_1230 = arith.muli %add3A_1228, %mul3A_1229 : i32
      %add3A_1231 = arith.constant 0 : i32
      %add3A_1232 = arith.addi %mul3A_1230, %add3A_1231 : i32
      %get3A = arith.index_cast %add3A_1232 : i32 to index
      %get3A_1233 = tpu.vector_load %arg4[%get3A] {strides = array<i32>} : memref<8192xf32, #tpu.memory_space<vmem>>, vector<16xf32>,
      %get3A_1234 = vector.shape_cast %get3A_1233 : vector<16xf32> to vector<16xf32>
      %add3A_1235 = arith.constant 16 : i32
      %add3A_1236 = arith.addi %mul3A_1230, %add3A_1235 : i32
      %get3A_1237 = arith.index_cast %add3A_1236 : i32 to index
      %get3A_1238 = tpu.vector_load %arg4[%get3A_1237] {strides = array<i32>} : memref<8192xf32, #tpu.memory_space<vmem>>, vector<16xf32>,
      %get3A_1239 = vector.shape_cast %get3A_1238 : vector<16xf32> to vector<16xf32>
      %add3A_1240 = arith.constant 32 : i32
      %add3A_1241 = arith.addi %mul3A_1230, %add3A_1240 : i32
      %get3A_1242 = arith.index_cast %add3A_1241 : i32 to index
      %get3A_1243 = tpu.vector_load %arg4[%get3A_1242] {strides = array<i32>} : memref<8192xf32, #tpu.memory_space<vmem>>, vector<16xf32>,
      %get3A_1244 = vector.shape_cast %get3A_1243 : vector<16xf32> to vector<16xf32>
      %add3A_1245 = arith.constant 48 : i32
      %add3A_1246 = arith.addi %mul3A_1230, %add3A_1245 : i32
      %get3A_1247 = arith.index_cast %add3A_1246 : i32 to index
      %get3A_1248 = tpu.vector_load %arg4[%get3A_1247] {strides = array<i32>} : memref<8192xf32, #tpu.memory_space<vmem>>, vector<16xf32>,
      %get3A_1249 = vector.shape_cast %get3A_1248 : vector<16xf32> to vector<16xf32>
      %add3A_1250 = arith.constant 64 : i32
      %add3A_1251 = arith.addi %mul3A_1230, %add3A_1250 : i32
      %get3A_1252 = arith.index_cast %add3A_1251 : i32 to index
      %get3A_1253 = tpu.vector_load %arg4[%get3A_1252] {strides = array<i32>} : memref<8192xf32, #tpu.memory_space<vmem>>, vector<16xf32>,
      %get3A_1254 = vector.shape_cast %get3A_1253 : vector<16xf32> to vector<16xf32>
      %add3A_1255 = arith.constant 80 : i32
      %add3A_1256 = arith.addi %mul3A_1230, %add3A_1255 : i32
      %get3A_1257 = arith.index_cast %add3A_1256 : i32 to index
      %get3A_1258 = tpu.vector_load %arg4[%get3A_1257] {strides = array<i32>} : memref<8192xf32, #tpu.memory_space<vmem>>, vector<16xf32>,
      %get3A_1259 = vector.shape_cast %get3A_1258 : vector<16xf32> to vector<16xf32>
      %add3A_1260 = arith.constant 96 : i32
      %add3A_1261 = arith.addi %mul3A_1230, %add3A_1260 : i32
      %get3A_1262 = arith.index_cast %add3A_1261 : i32 to index
      %get3A_1263 = tpu.vector_load %arg4[%get3A_1262] {strides = array<i32>} : memref<8192xf32, #tpu.memory_space<vmem>>, vector<16xf32>,
      %get3A_1264 = vector.shape_cast %get3A_1263 : vector<16xf32> to vector<16xf32>
      %add3A_1265 = arith.constant 112 : i32
      %add3A_1266 = arith.addi %mul3A_1230, %add3A_1265 : i32
      %get3A_1267 = arith.index_cast %add3A_1266 : i32 to index
      %get3A_1268 = tpu.vector_load %arg4[%get3A_1267] {strides = array<i32>} : memref<8192xf32, #tpu.memory_space<vmem>>, vector<16xf32>,
      %get3A_1269 = vector.shape_cast %get3A_1268 : vector<16xf32> to vector<16xf32>
      %add3A_1270 = arith.constant 0 : i32
      %add3A_1271 = arith.addi %mul3A_1230, %add3A_1270 : i32
      %get3A_1272 = arith.index_cast %add3A_1271 : i32 to index
      %get3A_1273 = tpu.vector_load %arg5[%get3A_1272] {strides = array<i32>} : memref<8192xf32, #tpu.memory_space<vmem>>, vector<16xf32>,
      %get3A_1274 = vector.shape_cast %get3A_1273 : vector<16xf32> to vector<16xf32>
      %add3A_1275 = arith.constant 16 : i32
      %add3A_1276 = arith.addi %mul3A_1230, %add3A_1275 : i32
      %get3A_1277 = arith.index_cast %add3A_1276 : i32 to index
      %get3A_1278 = tpu.vector_load %arg5[%get3A_1277] {strides = array<i32>} : memref<8192xf32, #tpu.memory_space<vmem>>, vector<16xf32>,
      %get3A_1279 = vector.shape_cast %get3A_1278 : vector<16xf32> to vector<16xf32>
      %add3A_1280 = arith.constant 32 : i32
      %add3A_1281 = arith.addi %mul3A_1230, %add3A_1280 : i32
      %get3A_1282 = arith.index_cast %add3A_1281 : i32 to index
      %get3A_1283 = tpu.vector_load %arg5[%get3A_1282] {strides = array<i32>} : memref<8192xf32, #tpu.memory_space<vmem>>, vector<16xf32>,
      %get3A_1284 = vector.shape_cast %get3A_1283 : vector<16xf32> to vector<16xf32>
      %add3A_1285 = arith.constant 48 : i32
      %add3A_1286 = arith.addi %mul3A_1230, %add3A_1285 : i32
      %get3A_1287 = arith.index_cast %add3A_1286 : i32 to index
      %get3A_1288 = tpu.vector_load %arg5[%get3A_1287] {strides = array<i32>} : memref<8192xf32, #tpu.memory_space<vmem>>, vector<16xf32>,
      %get3A_1289 = vector.shape_cast %get3A_1288 : vector<16xf32> to vector<16xf32>
      %add3A_1290 = arith.constant 64 : i32
      %add3A_1291 = arith.addi %mul3A_1230, %add3A_1290 : i32
      %get3A_1292 = arith.index_cast %add3A_1291 : i32 to index
      %get3A_1293 = tpu.vector_load %arg5[%get3A_1292] {strides = array<i32>} : memref<8192xf32, #tpu.memory_space<vmem>>, vector<16xf32>,
      %get3A_1294 = vector.shape_cast %get3A_1293 : vector<16xf32> to vector<16xf32>
      %add3A_1295 = arith.constant 80 : i32
      %add3A_1296 = arith.addi %mul3A_1230, %add3A_1295 : i32
      %get3A_1297 = arith.index_cast %add3A_1296 : i32 to index
      %get3A_1298 = tpu.vector_load %arg5[%get3A_1297] {strides = array<i32>} : memref<8192xf32, #tpu.memory_space<vmem>>, vector<16xf32>,
      %get3A_1299 = vector.shape_cast %get3A_1298 : vector<16xf32> to vector<16xf32>
      %add3A_1300 = arith.constant 96 : i32
      %add3A_1301 = arith.addi %mul3A_1230, %add3A_1300 : i32
      %get3A_1302 = arith.index_cast %add3A_1301 : i32 to index
      %get3A_1303 = tpu.vector_load %arg5[%get3A_1302] {strides = array<i32>} : memref<8192xf32, #tpu.memory_space<vmem>>, vector<16xf32>,
      %get3A_1304 = vector.shape_cast %get3A_1303 : vector<16xf32> to vector<16xf32>
      %add3A_1305 = arith.constant 112 : i32
      %add3A_1306 = arith.addi %mul3A_1230, %add3A_1305 : i32
      %get3A_1307 = arith.index_cast %add3A_1306 : i32 to index
      %get3A_1308 = tpu.vector_load %arg5[%get3A_1307] {strides = array<i32>} : memref<8192xf32, #tpu.memory_space<vmem>>, vector<16xf32>,
      %get3A_1309 = vector.shape_cast %get3A_1308 : vector<16xf32> to vector<16xf32>
      %max3A_1310 = arith.maximumf %get3A_1234, %get3A_1254 : vector<16xf32>
      %max3A_1311 = arith.maximumf %get3A_1274, %get3A_1294 : vector<16xf32>
      %max3A_1312 = arith.maximumf %get3A_1239, %get3A_1259 : vector<16xf32>
      %max3A_1313 = arith.maximumf %get3A_1279, %get3A_1299 : vector<16xf32>
      %max3A_1314 = arith.maximumf %get3A_1244, %get3A_1264 : vector<16xf32>
      %max3A_1315 = arith.maximumf %get3A_1284, %get3A_1304 : vector<16xf32>
      %max3A_1316 = arith.maximumf %get3A_1249, %get3A_1269 : vector<16xf32>
      %max3A_1317 = arith.maximumf %get3A_1289, %get3A_1309 : vector<16xf32>
      %max3A_1318 = arith.maximumf %max3A_1310, %max3A_1314 : vector<16xf32>
      %max3A_1319 = arith.maximumf %max3A_1311, %max3A_1315 : vector<16xf32>
      %max3A_1320 = arith.maximumf %max3A_1312, %max3A_1316 : vector<16xf32>
      %max3A_1321 = arith.maximumf %max3A_1313, %max3A_1317 : vector<16xf32>
      %max3A_1322 = arith.maximumf %max3A_1318, %max3A_1320 : vector<16xf32>
      %max3A_1323 = arith.maximumf %max3A_1319, %max3A_1321 : vector<16xf32>
      %broadcast_in_dim3A_1324 = vector.shape_cast %xor3A_50 : vector<16xi32> to vector<16x1xi32>
      %gather3A_1325 = vector.shape_cast %broadcast_in_dim3A_1324 : vector<16x1xi32> to vector<16xi32>
      %gather3A_1326 = tpu.dynamic_gather %max3A_1322[%gather3A_1325] in [0] : vector<16xf32>, vector<16xi32> -> vector<16xf32>
      %max3A_1327 = arith.maximumf %max3A_1322, %gather3A_1326 : vector<16xf32>
      %broadcast_in_dim3A_1328 = vector.shape_cast %xor3A_53 : vector<16xi32> to vector<16x1xi32>
      %gather3A_1329 = vector.shape_cast %broadcast_in_dim3A_1328 : vector<16x1xi32> to vector<16xi32>
      %gather3A_1330 = tpu.dynamic_gather %max3A_1327[%gather3A_1329] in [0] : vector<16xf32>, vector<16xi32> -> vector<16xf32>
      %max3A_1331 = arith.maximumf %max3A_1327, %gather3A_1330 : vector<16xf32>
      %broadcast_in_dim3A_1332 = vector.shape_cast %xor3A_56 : vector<16xi32> to vector<16x1xi32>
      %gather3A_1333 = vector.shape_cast %broadcast_in_dim3A_1332 : vector<16x1xi32> to vector<16xi32>
      %gather3A_1334 = tpu.dynamic_gather %max3A_1331[%gather3A_1333] in [0] : vector<16xf32>, vector<16xi32> -> vector<16xf32>
      %max3A_1335 = arith.maximumf %max3A_1331, %gather3A_1334 : vector<16xf32>
      %broadcast_in_dim3A_1336 = vector.shape_cast %xor3A_59 : vector<16xi32> to vector<16x1xi32>
      %gather3A_1337 = vector.shape_cast %broadcast_in_dim3A_1336 : vector<16x1xi32> to vector<16xi32>
      %gather3A_1338 = tpu.dynamic_gather %max3A_1335[%gather3A_1337] in [0] : vector<16xf32>, vector<16xi32> -> vector<16xf32>
      %max3A_1339 = arith.maximumf %max3A_1335, %gather3A_1338 : vector<16xf32>
      %select_n3A_1340 = arith.select %eq3A_1224, %max3A_1339, %scan3A_1215 : vector<16xi1>, vector<16xf32>
      %broadcast_in_dim3A_1341 = vector.shape_cast %xor3A_50 : vector<16xi32> to vector<16x1xi32>
      %gather3A_1342 = vector.shape_cast %broadcast_in_dim3A_1341 : vector<16x1xi32> to vector<16xi32>
      %gather3A_1343 = tpu.dynamic_gather %max3A_1323[%gather3A_1342] in [0] : vector<16xf32>, vector<16xi32> -> vector<16xf32>
      %max3A_1344 = arith.maximumf %max3A_1323, %gather3A_1343 : vector<16xf32>
      %broadcast_in_dim3A_1345 = vector.shape_cast %xor3A_53 : vector<16xi32> to vector<16x1xi32>
      %gather3A_1346 = vector.shape_cast %broadcast_in_dim3A_1345 : vector<16x1xi32> to vector<16xi32>
      %gather3A_1347 = tpu.dynamic_gather %max3A_1344[%gather3A_1346] in [0] : vector<16xf32>, vector<16xi32> -> vector<16xf32>
      %max3A_1348 = arith.maximumf %max3A_1344, %gather3A_1347 : vector<16xf32>
      %broadcast_in_dim3A_1349 = vector.shape_cast %xor3A_56 : vector<16xi32> to vector<16x1xi32>
      %gather3A_1350 = vector.shape_cast %broadcast_in_dim3A_1349 : vector<16x1xi32> to vector<16xi32>
      %gather3A_1351 = tpu.dynamic_gather %max3A_1348[%gather3A_1350] in [0] : vector<16xf32>, vector<16xi32> -> vector<16xf32>
      %max3A_1352 = arith.maximumf %max3A_1348, %gather3A_1351 : vector<16xf32>
      %broadcast_in_dim3A_1353 = vector.shape_cast %xor3A_59 : vector<16xi32> to vector<16x1xi32>
      %gather3A_1354 = vector.shape_cast %broadcast_in_dim3A_1353 : vector<16x1xi32> to vector<16xi32>
      %gather3A_1355 = tpu.dynamic_gather %max3A_1352[%gather3A_1354] in [0] : vector<16xf32>, vector<16xi32> -> vector<16xf32>
      %max3A_1356 = arith.maximumf %max3A_1352, %gather3A_1355 : vector<16xf32>
      %select_n3A_1357 = arith.select %eq3A_1224, %max3A_1356, %scan3A_1219 : vector<16xi1>, vector<16xf32>
      %mul3A_1358 = arith.constant 4 : i32
      %mul3A_1359 = arith.muli %mul3A_1358, %scan3A_1214 : i32
      %add3A_1360 = arith.constant 1 : i32
      %add3A_1361 = arith.addi %mul3A_1359, %add3A_1360 : i32
      %mul3A_1362 = arith.constant 128 : i32
      %mul3A_1363 = arith.muli %add3A_1361, %mul3A_1362 : i32
      %add3A_1364 = arith.constant 0 : i32
      %add3A_1365 = arith.addi %mul3A_1363, %add3A_1364 : i32
      %get3A_1366 = arith.index_cast %add3A_1365 : i32 to index
      %get3A_1367 = tpu.vector_load %arg4[%get3A_1366] {strides = array<i32>} : memref<8192xf32, #tpu.memory_space<vmem>>, vector<16xf32>,
      %get3A_1368 = vector.shape_cast %get3A_1367 : vector<16xf32> to vector<16xf32>
      %add3A_1369 = arith.constant 16 : i32
      %add3A_1370 = arith.addi %mul3A_1363, %add3A_1369 : i32
      %get3A_1371 = arith.index_cast %add3A_1370 : i32 to index
      %get3A_1372 = tpu.vector_load %arg4[%get3A_1371] {strides = array<i32>} : memref<8192xf32, #tpu.memory_space<vmem>>, vector<16xf32>,
      %get3A_1373 = vector.shape_cast %get3A_1372 : vector<16xf32> to vector<16xf32>
      %add3A_1374 = arith.constant 32 : i32
      %add3A_1375 = arith.addi %mul3A_1363, %add3A_1374 : i32
      %get3A_1376 = arith.index_cast %add3A_1375 : i32 to index
      %get3A_1377 = tpu.vector_load %arg4[%get3A_1376] {strides = array<i32>} : memref<8192xf32, #tpu.memory_space<vmem>>, vector<16xf32>,
      %get3A_1378 = vector.shape_cast %get3A_1377 : vector<16xf32> to vector<16xf32>
      %add3A_1379 = arith.constant 48 : i32
      %add3A_1380 = arith.addi %mul3A_1363, %add3A_1379 : i32
      %get3A_1381 = arith.index_cast %add3A_1380 : i32 to index
      %get3A_1382 = tpu.vector_load %arg4[%get3A_1381] {strides = array<i32>} : memref<8192xf32, #tpu.memory_space<vmem>>, vector<16xf32>,
      %get3A_1383 = vector.shape_cast %get3A_1382 : vector<16xf32> to vector<16xf32>
      %add3A_1384 = arith.constant 64 : i32
      %add3A_1385 = arith.addi %mul3A_1363, %add3A_1384 : i32
      %get3A_1386 = arith.index_cast %add3A_1385 : i32 to index
      %get3A_1387 = tpu.vector_load %arg4[%get3A_1386] {strides = array<i32>} : memref<8192xf32, #tpu.memory_space<vmem>>, vector<16xf32>,
      %get3A_1388 = vector.shape_cast %get3A_1387 : vector<16xf32> to vector<16xf32>
      %add3A_1389 = arith.constant 80 : i32
      %add3A_1390 = arith.addi %mul3A_1363, %add3A_1389 : i32
      %get3A_1391 = arith.index_cast %add3A_1390 : i32 to index
      %get3A_1392 = tpu.vector_load %arg4[%get3A_1391] {strides = array<i32>} : memref<8192xf32, #tpu.memory_space<vmem>>, vector<16xf32>,
      %get3A_1393 = vector.shape_cast %get3A_1392 : vector<16xf32> to vector<16xf32>
      %add3A_1394 = arith.constant 96 : i32
      %add3A_1395 = arith.addi %mul3A_1363, %add3A_1394 : i32
      %get3A_1396 = arith.index_cast %add3A_1395 : i32 to index
      %get3A_1397 = tpu.vector_load %arg4[%get3A_1396] {strides = array<i32>} : memref<8192xf32, #tpu.memory_space<vmem>>, vector<16xf32>,
      %get3A_1398 = vector.shape_cast %get3A_1397 : vector<16xf32> to vector<16xf32>
      %add3A_1399 = arith.constant 112 : i32
      %add3A_1400 = arith.addi %mul3A_1363, %add3A_1399 : i32
      %get3A_1401 = arith.index_cast %add3A_1400 : i32 to index
      %get3A_1402 = tpu.vector_load %arg4[%get3A_1401] {strides = array<i32>} : memref<8192xf32, #tpu.memory_space<vmem>>, vector<16xf32>,
      %get3A_1403 = vector.shape_cast %get3A_1402 : vector<16xf32> to vector<16xf32>
      %add3A_1404 = arith.constant 0 : i32
      %add3A_1405 = arith.addi %mul3A_1363, %add3A_1404 : i32
      %get3A_1406 = arith.index_cast %add3A_1405 : i32 to index
      %get3A_1407 = tpu.vector_load %arg5[%get3A_1406] {strides = array<i32>} : memref<8192xf32, #tpu.memory_space<vmem>>, vector<16xf32>,
      %get3A_1408 = vector.shape_cast %get3A_1407 : vector<16xf32> to vector<16xf32>
      %add3A_1409 = arith.constant 16 : i32
      %add3A_1410 = arith.addi %mul3A_1363, %add3A_1409 : i32
      %get3A_1411 = arith.index_cast %add3A_1410 : i32 to index
      %get3A_1412 = tpu.vector_load %arg5[%get3A_1411] {strides = array<i32>} : memref<8192xf32, #tpu.memory_space<vmem>>, vector<16xf32>,
      %get3A_1413 = vector.shape_cast %get3A_1412 : vector<16xf32> to vector<16xf32>
      %add3A_1414 = arith.constant 32 : i32
      %add3A_1415 = arith.addi %mul3A_1363, %add3A_1414 : i32
      %get3A_1416 = arith.index_cast %add3A_1415 : i32 to index
      %get3A_1417 = tpu.vector_load %arg5[%get3A_1416] {strides = array<i32>} : memref<8192xf32, #tpu.memory_space<vmem>>, vector<16xf32>,
      %get3A_1418 = vector.shape_cast %get3A_1417 : vector<16xf32> to vector<16xf32>
      %add3A_1419 = arith.constant 48 : i32
      %add3A_1420 = arith.addi %mul3A_1363, %add3A_1419 : i32
      %get3A_1421 = arith.index_cast %add3A_1420 : i32 to index
      %get3A_1422 = tpu.vector_load %arg5[%get3A_1421] {strides = array<i32>} : memref<8192xf32, #tpu.memory_space<vmem>>, vector<16xf32>,
      %get3A_1423 = vector.shape_cast %get3A_1422 : vector<16xf32> to vector<16xf32>
      %add3A_1424 = arith.constant 64 : i32
      %add3A_1425 = arith.addi %mul3A_1363, %add3A_1424 : i32
      %get3A_1426 = arith.index_cast %add3A_1425 : i32 to index
      %get3A_1427 = tpu.vector_load %arg5[%get3A_1426] {strides = array<i32>} : memref<8192xf32, #tpu.memory_space<vmem>>, vector<16xf32>,
      %get3A_1428 = vector.shape_cast %get3A_1427 : vector<16xf32> to vector<16xf32>
      %add3A_1429 = arith.constant 80 : i32
      %add3A_1430 = arith.addi %mul3A_1363, %add3A_1429 : i32
      %get3A_1431 = arith.index_cast %add3A_1430 : i32 to index
      %get3A_1432 = tpu.vector_load %arg5[%get3A_1431] {strides = array<i32>} : memref<8192xf32, #tpu.memory_space<vmem>>, vector<16xf32>,
      %get3A_1433 = vector.shape_cast %get3A_1432 : vector<16xf32> to vector<16xf32>
      %add3A_1434 = arith.constant 96 : i32
      %add3A_1435 = arith.addi %mul3A_1363, %add3A_1434 : i32
      %get3A_1436 = arith.index_cast %add3A_1435 : i32 to index
      %get3A_1437 = tpu.vector_load %arg5[%get3A_1436] {strides = array<i32>} : memref<8192xf32, #tpu.memory_space<vmem>>, vector<16xf32>,
      %get3A_1438 = vector.shape_cast %get3A_1437 : vector<16xf32> to vector<16xf32>
      %add3A_1439 = arith.constant 112 : i32
      %add3A_1440 = arith.addi %mul3A_1363, %add3A_1439 : i32
      %get3A_1441 = arith.index_cast %add3A_1440 : i32 to index
      %get3A_1442 = tpu.vector_load %arg5[%get3A_1441] {strides = array<i32>} : memref<8192xf32, #tpu.memory_space<vmem>>, vector<16xf32>,
      %get3A_1443 = vector.shape_cast %get3A_1442 : vector<16xf32> to vector<16xf32>
      %max3A_1444 = arith.maximumf %get3A_1368, %get3A_1388 : vector<16xf32>
      %max3A_1445 = arith.maximumf %get3A_1408, %get3A_1428 : vector<16xf32>
      %max3A_1446 = arith.maximumf %get3A_1373, %get3A_1393 : vector<16xf32>
      %max3A_1447 = arith.maximumf %get3A_1413, %get3A_1433 : vector<16xf32>
      %max3A_1448 = arith.maximumf %get3A_1378, %get3A_1398 : vector<16xf32>
      %max3A_1449 = arith.maximumf %get3A_1418, %get3A_1438 : vector<16xf32>
      %max3A_1450 = arith.maximumf %get3A_1383, %get3A_1403 : vector<16xf32>
      %max3A_1451 = arith.maximumf %get3A_1423, %get3A_1443 : vector<16xf32>
      %max3A_1452 = arith.maximumf %max3A_1444, %max3A_1448 : vector<16xf32>
      %max3A_1453 = arith.maximumf %max3A_1445, %max3A_1449 : vector<16xf32>
      %max3A_1454 = arith.maximumf %max3A_1446, %max3A_1450 : vector<16xf32>
      %max3A_1455 = arith.maximumf %max3A_1447, %max3A_1451 : vector<16xf32>
      %max3A_1456 = arith.maximumf %max3A_1452, %max3A_1454 : vector<16xf32>
      %max3A_1457 = arith.maximumf %max3A_1453, %max3A_1455 : vector<16xf32>
      %broadcast_in_dim3A_1458 = vector.shape_cast %xor3A_50 : vector<16xi32> to vector<16x1xi32>
      %gather3A_1459 = vector.shape_cast %broadcast_in_dim3A_1458 : vector<16x1xi32> to vector<16xi32>
      %gather3A_1460 = tpu.dynamic_gather %max3A_1456[%gather3A_1459] in [0] : vector<16xf32>, vector<16xi32> -> vector<16xf32>
      %max3A_1461 = arith.maximumf %max3A_1456, %gather3A_1460 : vector<16xf32>
      %broadcast_in_dim3A_1462 = vector.shape_cast %xor3A_53 : vector<16xi32> to vector<16x1xi32>
      %gather3A_1463 = vector.shape_cast %broadcast_in_dim3A_1462 : vector<16x1xi32> to vector<16xi32>
      %gather3A_1464 = tpu.dynamic_gather %max3A_1461[%gather3A_1463] in [0] : vector<16xf32>, vector<16xi32> -> vector<16xf32>
      %max3A_1465 = arith.maximumf %max3A_1461, %gather3A_1464 : vector<16xf32>
      %broadcast_in_dim3A_1466 = vector.shape_cast %xor3A_56 : vector<16xi32> to vector<16x1xi32>
      %gather3A_1467 = vector.shape_cast %broadcast_in_dim3A_1466 : vector<16x1xi32> to vector<16xi32>
      %gather3A_1468 = tpu.dynamic_gather %max3A_1465[%gather3A_1467] in [0] : vector<16xf32>, vector<16xi32> -> vector<16xf32>
      %max3A_1469 = arith.maximumf %max3A_1465, %gather3A_1468 : vector<16xf32>
      %broadcast_in_dim3A_1470 = vector.shape_cast %xor3A_59 : vector<16xi32> to vector<16x1xi32>
      %gather3A_1471 = vector.shape_cast %broadcast_in_dim3A_1470 : vector<16x1xi32> to vector<16xi32>
      %gather3A_1472 = tpu.dynamic_gather %max3A_1469[%gather3A_1471] in [0] : vector<16xf32>, vector<16xi32> -> vector<16xf32>
      %max3A_1473 = arith.maximumf %max3A_1469, %gather3A_1472 : vector<16xf32>
      %select_n3A_1474 = arith.select %eq3A_1224, %max3A_1473, %scan3A_1216 : vector<16xi1>, vector<16xf32>
      %broadcast_in_dim3A_1475 = vector.shape_cast %xor3A_50 : vector<16xi32> to vector<16x1xi32>
      %gather3A_1476 = vector.shape_cast %broadcast_in_dim3A_1475 : vector<16x1xi32> to vector<16xi32>
      %gather3A_1477 = tpu.dynamic_gather %max3A_1457[%gather3A_1476] in [0] : vector<16xf32>, vector<16xi32> -> vector<16xf32>
      %max3A_1478 = arith.maximumf %max3A_1457, %gather3A_1477 : vector<16xf32>
      %broadcast_in_dim3A_1479 = vector.shape_cast %xor3A_53 : vector<16xi32> to vector<16x1xi32>
      %gather3A_1480 = vector.shape_cast %broadcast_in_dim3A_1479 : vector<16x1xi32> to vector<16xi32>
      %gather3A_1481 = tpu.dynamic_gather %max3A_1478[%gather3A_1480] in [0] : vector<16xf32>, vector<16xi32> -> vector<16xf32>
      %max3A_1482 = arith.maximumf %max3A_1478, %gather3A_1481 : vector<16xf32>
      %broadcast_in_dim3A_1483 = vector.shape_cast %xor3A_56 : vector<16xi32> to vector<16x1xi32>
      %gather3A_1484 = vector.shape_cast %broadcast_in_dim3A_1483 : vector<16x1xi32> to vector<16xi32>
      %gather3A_1485 = tpu.dynamic_gather %max3A_1482[%gather3A_1484] in [0] : vector<16xf32>, vector<16xi32> -> vector<16xf32>
      %max3A_1486 = arith.maximumf %max3A_1482, %gather3A_1485 : vector<16xf32>
      %broadcast_in_dim3A_1487 = vector.shape_cast %xor3A_59 : vector<16xi32> to vector<16x1xi32>
      %gather3A_1488 = vector.shape_cast %broadcast_in_dim3A_1487 : vector<16x1xi32> to vector<16xi32>
      %gather3A_1489 = tpu.dynamic_gather %max3A_1486[%gather3A_1488] in [0] : vector<16xf32>, vector<16xi32> -> vector<16xf32>
      %max3A_1490 = arith.maximumf %max3A_1486, %gather3A_1489 : vector<16xf32>
      %select_n3A_1491 = arith.select %eq3A_1224, %max3A_1490, %scan3A_1220 : vector<16xi1>, vector<16xf32>
      %mul3A_1492 = arith.constant 4 : i32
      %mul3A_1493 = arith.muli %mul3A_1492, %scan3A_1214 : i32
      %add3A_1494 = arith.constant 2 : i32
      %add3A_1495 = arith.addi %mul3A_1493, %add3A_1494 : i32
      %mul3A_1496 = arith.constant 128 : i32
      %mul3A_1497 = arith.muli %add3A_1495, %mul3A_1496 : i32
      %add3A_1498 = arith.constant 0 : i32
      %add3A_1499 = arith.addi %mul3A_1497, %add3A_1498 : i32
      %get3A_1500 = arith.index_cast %add3A_1499 : i32 to index
      %get3A_1501 = tpu.vector_load %arg4[%get3A_1500] {strides = array<i32>} : memref<8192xf32, #tpu.memory_space<vmem>>, vector<16xf32>,
      %get3A_1502 = vector.shape_cast %get3A_1501 : vector<16xf32> to vector<16xf32>
      %add3A_1503 = arith.constant 16 : i32
      %add3A_1504 = arith.addi %mul3A_1497, %add3A_1503 : i32
      %get3A_1505 = arith.index_cast %add3A_1504 : i32 to index
      %get3A_1506 = tpu.vector_load %arg4[%get3A_1505] {strides = array<i32>} : memref<8192xf32, #tpu.memory_space<vmem>>, vector<16xf32>,
      %get3A_1507 = vector.shape_cast %get3A_1506 : vector<16xf32> to vector<16xf32>
      %add3A_1508 = arith.constant 32 : i32
      %add3A_1509 = arith.addi %mul3A_1497, %add3A_1508 : i32
      %get3A_1510 = arith.index_cast %add3A_1509 : i32 to index
      %get3A_1511 = tpu.vector_load %arg4[%get3A_1510] {strides = array<i32>} : memref<8192xf32, #tpu.memory_space<vmem>>, vector<16xf32>,
      %get3A_1512 = vector.shape_cast %get3A_1511 : vector<16xf32> to vector<16xf32>
      %add3A_1513 = arith.constant 48 : i32
      %add3A_1514 = arith.addi %mul3A_1497, %add3A_1513 : i32
      %get3A_1515 = arith.index_cast %add3A_1514 : i32 to index
      %get3A_1516 = tpu.vector_load %arg4[%get3A_1515] {strides = array<i32>} : memref<8192xf32, #tpu.memory_space<vmem>>, vector<16xf32>,
      %get3A_1517 = vector.shape_cast %get3A_1516 : vector<16xf32> to vector<16xf32>
      %add3A_1518 = arith.constant 64 : i32
      %add3A_1519 = arith.addi %mul3A_1497, %add3A_1518 : i32
      %get3A_1520 = arith.index_cast %add3A_1519 : i32 to index
      %get3A_1521 = tpu.vector_load %arg4[%get3A_1520] {strides = array<i32>} : memref<8192xf32, #tpu.memory_space<vmem>>, vector<16xf32>,
      %get3A_1522 = vector.shape_cast %get3A_1521 : vector<16xf32> to vector<16xf32>
      %add3A_1523 = arith.constant 80 : i32
      %add3A_1524 = arith.addi %mul3A_1497, %add3A_1523 : i32
      %get3A_1525 = arith.index_cast %add3A_1524 : i32 to index
      %get3A_1526 = tpu.vector_load %arg4[%get3A_1525] {strides = array<i32>} : memref<8192xf32, #tpu.memory_space<vmem>>, vector<16xf32>,
      %get3A_1527 = vector.shape_cast %get3A_1526 : vector<16xf32> to vector<16xf32>
      %add3A_1528 = arith.constant 96 : i32
      %add3A_1529 = arith.addi %mul3A_1497, %add3A_1528 : i32
      %get3A_1530 = arith.index_cast %add3A_1529 : i32 to index
      %get3A_1531 = tpu.vector_load %arg4[%get3A_1530] {strides = array<i32>} : memref<8192xf32, #tpu.memory_space<vmem>>, vector<16xf32>,
      %get3A_1532 = vector.shape_cast %get3A_1531 : vector<16xf32> to vector<16xf32>
      %add3A_1533 = arith.constant 112 : i32
      %add3A_1534 = arith.addi %mul3A_1497, %add3A_1533 : i32
      %get3A_1535 = arith.index_cast %add3A_1534 : i32 to index
      %get3A_1536 = tpu.vector_load %arg4[%get3A_1535] {strides = array<i32>} : memref<8192xf32, #tpu.memory_space<vmem>>, vector<16xf32>,
      %get3A_1537 = vector.shape_cast %get3A_1536 : vector<16xf32> to vector<16xf32>
      %add3A_1538 = arith.constant 0 : i32
      %add3A_1539 = arith.addi %mul3A_1497, %add3A_1538 : i32
      %get3A_1540 = arith.index_cast %add3A_1539 : i32 to index
      %get3A_1541 = tpu.vector_load %arg5[%get3A_1540] {strides = array<i32>} : memref<8192xf32, #tpu.memory_space<vmem>>, vector<16xf32>,
      %get3A_1542 = vector.shape_cast %get3A_1541 : vector<16xf32> to vector<16xf32>
      %add3A_1543 = arith.constant 16 : i32
      %add3A_1544 = arith.addi %mul3A_1497, %add3A_1543 : i32
      %get3A_1545 = arith.index_cast %add3A_1544 : i32 to index
      %get3A_1546 = tpu.vector_load %arg5[%get3A_1545] {strides = array<i32>} : memref<8192xf32, #tpu.memory_space<vmem>>, vector<16xf32>,
      %get3A_1547 = vector.shape_cast %get3A_1546 : vector<16xf32> to vector<16xf32>
      %add3A_1548 = arith.constant 32 : i32
      %add3A_1549 = arith.addi %mul3A_1497, %add3A_1548 : i32
      %get3A_1550 = arith.index_cast %add3A_1549 : i32 to index
      %get3A_1551 = tpu.vector_load %arg5[%get3A_1550] {strides = array<i32>} : memref<8192xf32, #tpu.memory_space<vmem>>, vector<16xf32>,
      %get3A_1552 = vector.shape_cast %get3A_1551 : vector<16xf32> to vector<16xf32>
      %add3A_1553 = arith.constant 48 : i32
      %add3A_1554 = arith.addi %mul3A_1497, %add3A_1553 : i32
      %get3A_1555 = arith.index_cast %add3A_1554 : i32 to index
      %get3A_1556 = tpu.vector_load %arg5[%get3A_1555] {strides = array<i32>} : memref<8192xf32, #tpu.memory_space<vmem>>, vector<16xf32>,
      %get3A_1557 = vector.shape_cast %get3A_1556 : vector<16xf32> to vector<16xf32>
      %add3A_1558 = arith.constant 64 : i32
      %add3A_1559 = arith.addi %mul3A_1497, %add3A_1558 : i32
      %get3A_1560 = arith.index_cast %add3A_1559 : i32 to index
      %get3A_1561 = tpu.vector_load %arg5[%get3A_1560] {strides = array<i32>} : memref<8192xf32, #tpu.memory_space<vmem>>, vector<16xf32>,
      %get3A_1562 = vector.shape_cast %get3A_1561 : vector<16xf32> to vector<16xf32>
      %add3A_1563 = arith.constant 80 : i32
      %add3A_1564 = arith.addi %mul3A_1497, %add3A_1563 : i32
      %get3A_1565 = arith.index_cast %add3A_1564 : i32 to index
      %get3A_1566 = tpu.vector_load %arg5[%get3A_1565] {strides = array<i32>} : memref<8192xf32, #tpu.memory_space<vmem>>, vector<16xf32>,
      %get3A_1567 = vector.shape_cast %get3A_1566 : vector<16xf32> to vector<16xf32>
      %add3A_1568 = arith.constant 96 : i32
      %add3A_1569 = arith.addi %mul3A_1497, %add3A_1568 : i32
      %get3A_1570 = arith.index_cast %add3A_1569 : i32 to index
      %get3A_1571 = tpu.vector_load %arg5[%get3A_1570] {strides = array<i32>} : memref<8192xf32, #tpu.memory_space<vmem>>, vector<16xf32>,
      %get3A_1572 = vector.shape_cast %get3A_1571 : vector<16xf32> to vector<16xf32>
      %add3A_1573 = arith.constant 112 : i32
      %add3A_1574 = arith.addi %mul3A_1497, %add3A_1573 : i32
      %get3A_1575 = arith.index_cast %add3A_1574 : i32 to index
      %get3A_1576 = tpu.vector_load %arg5[%get3A_1575] {strides = array<i32>} : memref<8192xf32, #tpu.memory_space<vmem>>, vector<16xf32>,
      %get3A_1577 = vector.shape_cast %get3A_1576 : vector<16xf32> to vector<16xf32>
      %max3A_1578 = arith.maximumf %get3A_1502, %get3A_1522 : vector<16xf32>
      %max3A_1579 = arith.maximumf %get3A_1542, %get3A_1562 : vector<16xf32>
      %max3A_1580 = arith.maximumf %get3A_1507, %get3A_1527 : vector<16xf32>
      %max3A_1581 = arith.maximumf %get3A_1547, %get3A_1567 : vector<16xf32>
      %max3A_1582 = arith.maximumf %get3A_1512, %get3A_1532 : vector<16xf32>
      %max3A_1583 = arith.maximumf %get3A_1552, %get3A_1572 : vector<16xf32>
      %max3A_1584 = arith.maximumf %get3A_1517, %get3A_1537 : vector<16xf32>
      %max3A_1585 = arith.maximumf %get3A_1557, %get3A_1577 : vector<16xf32>
      %max3A_1586 = arith.maximumf %max3A_1578, %max3A_1582 : vector<16xf32>
      %max3A_1587 = arith.maximumf %max3A_1579, %max3A_1583 : vector<16xf32>
      %max3A_1588 = arith.maximumf %max3A_1580, %max3A_1584 : vector<16xf32>
      %max3A_1589 = arith.maximumf %max3A_1581, %max3A_1585 : vector<16xf32>
      %max3A_1590 = arith.maximumf %max3A_1586, %max3A_1588 : vector<16xf32>
      %max3A_1591 = arith.maximumf %max3A_1587, %max3A_1589 : vector<16xf32>
      %broadcast_in_dim3A_1592 = vector.shape_cast %xor3A_50 : vector<16xi32> to vector<16x1xi32>
      %gather3A_1593 = vector.shape_cast %broadcast_in_dim3A_1592 : vector<16x1xi32> to vector<16xi32>
      %gather3A_1594 = tpu.dynamic_gather %max3A_1590[%gather3A_1593] in [0] : vector<16xf32>, vector<16xi32> -> vector<16xf32>
      %max3A_1595 = arith.maximumf %max3A_1590, %gather3A_1594 : vector<16xf32>
      %broadcast_in_dim3A_1596 = vector.shape_cast %xor3A_53 : vector<16xi32> to vector<16x1xi32>
      %gather3A_1597 = vector.shape_cast %broadcast_in_dim3A_1596 : vector<16x1xi32> to vector<16xi32>
      %gather3A_1598 = tpu.dynamic_gather %max3A_1595[%gather3A_1597] in [0] : vector<16xf32>, vector<16xi32> -> vector<16xf32>
      %max3A_1599 = arith.maximumf %max3A_1595, %gather3A_1598 : vector<16xf32>
      %broadcast_in_dim3A_1600 = vector.shape_cast %xor3A_56 : vector<16xi32> to vector<16x1xi32>
      %gather3A_1601 = vector.shape_cast %broadcast_in_dim3A_1600 : vector<16x1xi32> to vector<16xi32>
      %gather3A_1602 = tpu.dynamic_gather %max3A_1599[%gather3A_1601] in [0] : vector<16xf32>, vector<16xi32> -> vector<16xf32>
      %max3A_1603 = arith.maximumf %max3A_1599, %gather3A_1602 : vector<16xf32>
      %broadcast_in_dim3A_1604 = vector.shape_cast %xor3A_59 : vector<16xi32> to vector<16x1xi32>
      %gather3A_1605 = vector.shape_cast %broadcast_in_dim3A_1604 : vector<16x1xi32> to vector<16xi32>
      %gather3A_1606 = tpu.dynamic_gather %max3A_1603[%gather3A_1605] in [0] : vector<16xf32>, vector<16xi32> -> vector<16xf32>
      %max3A_1607 = arith.maximumf %max3A_1603, %gather3A_1606 : vector<16xf32>
      %select_n3A_1608 = arith.select %eq3A_1224, %max3A_1607, %scan3A_1217 : vector<16xi1>, vector<16xf32>
      %broadcast_in_dim3A_1609 = vector.shape_cast %xor3A_50 : vector<16xi32> to vector<16x1xi32>
      %gather3A_1610 = vector.shape_cast %broadcast_in_dim3A_1609 : vector<16x1xi32> to vector<16xi32>
      %gather3A_1611 = tpu.dynamic_gather %max3A_1591[%gather3A_1610] in [0] : vector<16xf32>, vector<16xi32> -> vector<16xf32>
      %max3A_1612 = arith.maximumf %max3A_1591, %gather3A_1611 : vector<16xf32>
      %broadcast_in_dim3A_1613 = vector.shape_cast %xor3A_53 : vector<16xi32> to vector<16x1xi32>
      %gather3A_1614 = vector.shape_cast %broadcast_in_dim3A_1613 : vector<16x1xi32> to vector<16xi32>
      %gather3A_1615 = tpu.dynamic_gather %max3A_1612[%gather3A_1614] in [0] : vector<16xf32>, vector<16xi32> -> vector<16xf32>
      %max3A_1616 = arith.maximumf %max3A_1612, %gather3A_1615 : vector<16xf32>
      %broadcast_in_dim3A_1617 = vector.shape_cast %xor3A_56 : vector<16xi32> to vector<16x1xi32>
      %gather3A_1618 = vector.shape_cast %broadcast_in_dim3A_1617 : vector<16x1xi32> to vector<16xi32>
      %gather3A_1619 = tpu.dynamic_gather %max3A_1616[%gather3A_1618] in [0] : vector<16xf32>, vector<16xi32> -> vector<16xf32>
      %max3A_1620 = arith.maximumf %max3A_1616, %gather3A_1619 : vector<16xf32>
      %broadcast_in_dim3A_1621 = vector.shape_cast %xor3A_59 : vector<16xi32> to vector<16x1xi32>
      %gather3A_1622 = vector.shape_cast %broadcast_in_dim3A_1621 : vector<16x1xi32> to vector<16xi32>
      %gather3A_1623 = tpu.dynamic_gather %max3A_1620[%gather3A_1622] in [0] : vector<16xf32>, vector<16xi32> -> vector<16xf32>
      %max3A_1624 = arith.maximumf %max3A_1620, %gather3A_1623 : vector<16xf32>
      %select_n3A_1625 = arith.select %eq3A_1224, %max3A_1624, %scan3A_1221 : vector<16xi1>, vector<16xf32>
      %mul3A_1626 = arith.constant 4 : i32
      %mul3A_1627 = arith.muli %mul3A_1626, %scan3A_1214 : i32
      %add3A_1628 = arith.constant 3 : i32
      %add3A_1629 = arith.addi %mul3A_1627, %add3A_1628 : i32
      %mul3A_1630 = arith.constant 128 : i32
      %mul3A_1631 = arith.muli %add3A_1629, %mul3A_1630 : i32
      %add3A_1632 = arith.constant 0 : i32
      %add3A_1633 = arith.addi %mul3A_1631, %add3A_1632 : i32
      %get3A_1634 = arith.index_cast %add3A_1633 : i32 to index
      %get3A_1635 = tpu.vector_load %arg4[%get3A_1634] {strides = array<i32>} : memref<8192xf32, #tpu.memory_space<vmem>>, vector<16xf32>,
      %get3A_1636 = vector.shape_cast %get3A_1635 : vector<16xf32> to vector<16xf32>
      %add3A_1637 = arith.constant 16 : i32
      %add3A_1638 = arith.addi %mul3A_1631, %add3A_1637 : i32
      %get3A_1639 = arith.index_cast %add3A_1638 : i32 to index
      %get3A_1640 = tpu.vector_load %arg4[%get3A_1639] {strides = array<i32>} : memref<8192xf32, #tpu.memory_space<vmem>>, vector<16xf32>,
      %get3A_1641 = vector.shape_cast %get3A_1640 : vector<16xf32> to vector<16xf32>
      %add3A_1642 = arith.constant 32 : i32
      %add3A_1643 = arith.addi %mul3A_1631, %add3A_1642 : i32
      %get3A_1644 = arith.index_cast %add3A_1643 : i32 to index
      %get3A_1645 = tpu.vector_load %arg4[%get3A_1644] {strides = array<i32>} : memref<8192xf32, #tpu.memory_space<vmem>>, vector<16xf32>,
      %get3A_1646 = vector.shape_cast %get3A_1645 : vector<16xf32> to vector<16xf32>
      %add3A_1647 = arith.constant 48 : i32
      %add3A_1648 = arith.addi %mul3A_1631, %add3A_1647 : i32
      %get3A_1649 = arith.index_cast %add3A_1648 : i32 to index
      %get3A_1650 = tpu.vector_load %arg4[%get3A_1649] {strides = array<i32>} : memref<8192xf32, #tpu.memory_space<vmem>>, vector<16xf32>,
      %get3A_1651 = vector.shape_cast %get3A_1650 : vector<16xf32> to vector<16xf32>
      %add3A_1652 = arith.constant 64 : i32
      %add3A_1653 = arith.addi %mul3A_1631, %add3A_1652 : i32
      %get3A_1654 = arith.index_cast %add3A_1653 : i32 to index
      %get3A_1655 = tpu.vector_load %arg4[%get3A_1654] {strides = array<i32>} : memref<8192xf32, #tpu.memory_space<vmem>>, vector<16xf32>,
      %get3A_1656 = vector.shape_cast %get3A_1655 : vector<16xf32> to vector<16xf32>
      %add3A_1657 = arith.constant 80 : i32
      %add3A_1658 = arith.addi %mul3A_1631, %add3A_1657 : i32
      %get3A_1659 = arith.index_cast %add3A_1658 : i32 to index
      %get3A_1660 = tpu.vector_load %arg4[%get3A_1659] {strides = array<i32>} : memref<8192xf32, #tpu.memory_space<vmem>>, vector<16xf32>,
      %get3A_1661 = vector.shape_cast %get3A_1660 : vector<16xf32> to vector<16xf32>
      %add3A_1662 = arith.constant 96 : i32
      %add3A_1663 = arith.addi %mul3A_1631, %add3A_1662 : i32
      %get3A_1664 = arith.index_cast %add3A_1663 : i32 to index
      %get3A_1665 = tpu.vector_load %arg4[%get3A_1664] {strides = array<i32>} : memref<8192xf32, #tpu.memory_space<vmem>>, vector<16xf32>,
      %get3A_1666 = vector.shape_cast %get3A_1665 : vector<16xf32> to vector<16xf32>
      %add3A_1667 = arith.constant 112 : i32
      %add3A_1668 = arith.addi %mul3A_1631, %add3A_1667 : i32
      %get3A_1669 = arith.index_cast %add3A_1668 : i32 to index
      %get3A_1670 = tpu.vector_load %arg4[%get3A_1669] {strides = array<i32>} : memref<8192xf32, #tpu.memory_space<vmem>>, vector<16xf32>,
      %get3A_1671 = vector.shape_cast %get3A_1670 : vector<16xf32> to vector<16xf32>
      %add3A_1672 = arith.constant 0 : i32
      %add3A_1673 = arith.addi %mul3A_1631, %add3A_1672 : i32
      %get3A_1674 = arith.index_cast %add3A_1673 : i32 to index
      %get3A_1675 = tpu.vector_load %arg5[%get3A_1674] {strides = array<i32>} : memref<8192xf32, #tpu.memory_space<vmem>>, vector<16xf32>,
      %get3A_1676 = vector.shape_cast %get3A_1675 : vector<16xf32> to vector<16xf32>
      %add3A_1677 = arith.constant 16 : i32
      %add3A_1678 = arith.addi %mul3A_1631, %add3A_1677 : i32
      %get3A_1679 = arith.index_cast %add3A_1678 : i32 to index
      %get3A_1680 = tpu.vector_load %arg5[%get3A_1679] {strides = array<i32>} : memref<8192xf32, #tpu.memory_space<vmem>>, vector<16xf32>,
      %get3A_1681 = vector.shape_cast %get3A_1680 : vector<16xf32> to vector<16xf32>
      %add3A_1682 = arith.constant 32 : i32
      %add3A_1683 = arith.addi %mul3A_1631, %add3A_1682 : i32
      %get3A_1684 = arith.index_cast %add3A_1683 : i32 to index
      %get3A_1685 = tpu.vector_load %arg5[%get3A_1684] {strides = array<i32>} : memref<8192xf32, #tpu.memory_space<vmem>>, vector<16xf32>,
      %get3A_1686 = vector.shape_cast %get3A_1685 : vector<16xf32> to vector<16xf32>
      %add3A_1687 = arith.constant 48 : i32
      %add3A_1688 = arith.addi %mul3A_1631, %add3A_1687 : i32
      %get3A_1689 = arith.index_cast %add3A_1688 : i32 to index
      %get3A_1690 = tpu.vector_load %arg5[%get3A_1689] {strides = array<i32>} : memref<8192xf32, #tpu.memory_space<vmem>>, vector<16xf32>,
      %get3A_1691 = vector.shape_cast %get3A_1690 : vector<16xf32> to vector<16xf32>
      %add3A_1692 = arith.constant 64 : i32
      %add3A_1693 = arith.addi %mul3A_1631, %add3A_1692 : i32
      %get3A_1694 = arith.index_cast %add3A_1693 : i32 to index
      %get3A_1695 = tpu.vector_load %arg5[%get3A_1694] {strides = array<i32>} : memref<8192xf32, #tpu.memory_space<vmem>>, vector<16xf32>,
      %get3A_1696 = vector.shape_cast %get3A_1695 : vector<16xf32> to vector<16xf32>
      %add3A_1697 = arith.constant 80 : i32
      %add3A_1698 = arith.addi %mul3A_1631, %add3A_1697 : i32
      %get3A_1699 = arith.index_cast %add3A_1698 : i32 to index
      %get3A_1700 = tpu.vector_load %arg5[%get3A_1699] {strides = array<i32>} : memref<8192xf32, #tpu.memory_space<vmem>>, vector<16xf32>,
      %get3A_1701 = vector.shape_cast %get3A_1700 : vector<16xf32> to vector<16xf32>
      %add3A_1702 = arith.constant 96 : i32
      %add3A_1703 = arith.addi %mul3A_1631, %add3A_1702 : i32
      %get3A_1704 = arith.index_cast %add3A_1703 : i32 to index
      %get3A_1705 = tpu.vector_load %arg5[%get3A_1704] {strides = array<i32>} : memref<8192xf32, #tpu.memory_space<vmem>>, vector<16xf32>,
      %get3A_1706 = vector.shape_cast %get3A_1705 : vector<16xf32> to vector<16xf32>
      %add3A_1707 = arith.constant 112 : i32
      %add3A_1708 = arith.addi %mul3A_1631, %add3A_1707 : i32
      %get3A_1709 = arith.index_cast %add3A_1708 : i32 to index
      %get3A_1710 = tpu.vector_load %arg5[%get3A_1709] {strides = array<i32>} : memref<8192xf32, #tpu.memory_space<vmem>>, vector<16xf32>,
      %get3A_1711 = vector.shape_cast %get3A_1710 : vector<16xf32> to vector<16xf32>
      %max3A_1712 = arith.maximumf %get3A_1636, %get3A_1656 : vector<16xf32>
      %max3A_1713 = arith.maximumf %get3A_1676, %get3A_1696 : vector<16xf32>
      %max3A_1714 = arith.maximumf %get3A_1641, %get3A_1661 : vector<16xf32>
      %max3A_1715 = arith.maximumf %get3A_1681, %get3A_1701 : vector<16xf32>
      %max3A_1716 = arith.maximumf %get3A_1646, %get3A_1666 : vector<16xf32>
      %max3A_1717 = arith.maximumf %get3A_1686, %get3A_1706 : vector<16xf32>
      %max3A_1718 = arith.maximumf %get3A_1651, %get3A_1671 : vector<16xf32>
      %max3A_1719 = arith.maximumf %get3A_1691, %get3A_1711 : vector<16xf32>
      %max3A_1720 = arith.maximumf %max3A_1712, %max3A_1716 : vector<16xf32>
      %max3A_1721 = arith.maximumf %max3A_1713, %max3A_1717 : vector<16xf32>
      %max3A_1722 = arith.maximumf %max3A_1714, %max3A_1718 : vector<16xf32>
      %max3A_1723 = arith.maximumf %max3A_1715, %max3A_1719 : vector<16xf32>
      %max3A_1724 = arith.maximumf %max3A_1720, %max3A_1722 : vector<16xf32>
      %max3A_1725 = arith.maximumf %max3A_1721, %max3A_1723 : vector<16xf32>
      %broadcast_in_dim3A_1726 = vector.shape_cast %xor3A_50 : vector<16xi32> to vector<16x1xi32>
      %gather3A_1727 = vector.shape_cast %broadcast_in_dim3A_1726 : vector<16x1xi32> to vector<16xi32>
      %gather3A_1728 = tpu.dynamic_gather %max3A_1724[%gather3A_1727] in [0] : vector<16xf32>, vector<16xi32> -> vector<16xf32>
      %max3A_1729 = arith.maximumf %max3A_1724, %gather3A_1728 : vector<16xf32>
      %broadcast_in_dim3A_1730 = vector.shape_cast %xor3A_53 : vector<16xi32> to vector<16x1xi32>
      %gather3A_1731 = vector.shape_cast %broadcast_in_dim3A_1730 : vector<16x1xi32> to vector<16xi32>
      %gather3A_1732 = tpu.dynamic_gather %max3A_1729[%gather3A_1731] in [0] : vector<16xf32>, vector<16xi32> -> vector<16xf32>
      %max3A_1733 = arith.maximumf %max3A_1729, %gather3A_1732 : vector<16xf32>
      %broadcast_in_dim3A_1734 = vector.shape_cast %xor3A_56 : vector<16xi32> to vector<16x1xi32>
      %gather3A_1735 = vector.shape_cast %broadcast_in_dim3A_1734 : vector<16x1xi32> to vector<16xi32>
      %gather3A_1736 = tpu.dynamic_gather %max3A_1733[%gather3A_1735] in [0] : vector<16xf32>, vector<16xi32> -> vector<16xf32>
      %max3A_1737 = arith.maximumf %max3A_1733, %gather3A_1736 : vector<16xf32>
      %broadcast_in_dim3A_1738 = vector.shape_cast %xor3A_59 : vector<16xi32> to vector<16x1xi32>
      %gather3A_1739 = vector.shape_cast %broadcast_in_dim3A_1738 : vector<16x1xi32> to vector<16xi32>
      %gather3A_1740 = tpu.dynamic_gather %max3A_1737[%gather3A_1739] in [0] : vector<16xf32>, vector<16xi32> -> vector<16xf32>
      %max3A_1741 = arith.maximumf %max3A_1737, %gather3A_1740 : vector<16xf32>
      %select_n3A_1742 = arith.select %eq3A_1224, %max3A_1741, %scan3A_1218 : vector<16xi1>, vector<16xf32>
      %broadcast_in_dim3A_1743 = vector.shape_cast %xor3A_50 : vector<16xi32> to vector<16x1xi32>
      %gather3A_1744 = vector.shape_cast %broadcast_in_dim3A_1743 : vector<16x1xi32> to vector<16xi32>
      %gather3A_1745 = tpu.dynamic_gather %max3A_1725[%gather3A_1744] in [0] : vector<16xf32>, vector<16xi32> -> vector<16xf32>
      %max3A_1746 = arith.maximumf %max3A_1725, %gather3A_1745 : vector<16xf32>
      %broadcast_in_dim3A_1747 = vector.shape_cast %xor3A_53 : vector<16xi32> to vector<16x1xi32>
      %gather3A_1748 = vector.shape_cast %broadcast_in_dim3A_1747 : vector<16x1xi32> to vector<16xi32>
      %gather3A_1749 = tpu.dynamic_gather %max3A_1746[%gather3A_1748] in [0] : vector<16xf32>, vector<16xi32> -> vector<16xf32>
      %max3A_1750 = arith.maximumf %max3A_1746, %gather3A_1749 : vector<16xf32>
      %broadcast_in_dim3A_1751 = vector.shape_cast %xor3A_56 : vector<16xi32> to vector<16x1xi32>
      %gather3A_1752 = vector.shape_cast %broadcast_in_dim3A_1751 : vector<16x1xi32> to vector<16xi32>
      %gather3A_1753 = tpu.dynamic_gather %max3A_1750[%gather3A_1752] in [0] : vector<16xf32>, vector<16xi32> -> vector<16xf32>
      %max3A_1754 = arith.maximumf %max3A_1750, %gather3A_1753 : vector<16xf32>
      %broadcast_in_dim3A_1755 = vector.shape_cast %xor3A_59 : vector<16xi32> to vector<16x1xi32>
      %gather3A_1756 = vector.shape_cast %broadcast_in_dim3A_1755 : vector<16x1xi32> to vector<16xi32>
      %gather3A_1757 = tpu.dynamic_gather %max3A_1754[%gather3A_1756] in [0] : vector<16xf32>, vector<16xi32> -> vector<16xf32>
      %max3A_1758 = arith.maximumf %max3A_1754, %gather3A_1757 : vector<16xf32>
      %select_n3A_1759 = arith.select %eq3A_1224, %max3A_1758, %scan3A_1222 : vector<16xi1>, vector<16xf32>
      scf.yield %select_n3A_1340, %select_n3A_1474, %select_n3A_1608, %select_n3A_1742, %select_n3A_1357, %select_n3A_1491, %select_n3A_1625, %select_n3A_1759 : vector<16xf32>, vector<16xf32>, vector<16xf32>, vector<16xf32>, vector<16xf32>, vector<16xf32>, vector<16xf32>, vector<16xf32>
    }
    %scan3A_109 = arith.constant 8 : i32
    %max3A = arith.maximumf %scan3A_108#0, %scan3A_108#1 : vector<16xf32>
    %min3A = arith.minimumf %scan3A_108#0, %scan3A_108#1 : vector<16xf32>
    %max3A_110 = arith.maximumf %scan3A_108#2, %scan3A_108#3 : vector<16xf32>
    %min3A_111 = arith.minimumf %scan3A_108#2, %scan3A_108#3 : vector<16xf32>
    %max3A_112 = arith.maximumf %max3A, %max3A_110 : vector<16xf32>
    %min3A_113 = arith.minimumf %max3A, %max3A_110 : vector<16xf32>
    %max3A_114 = arith.maximumf %min3A, %min3A_111 : vector<16xf32>
    %min3A_115 = arith.minimumf %min3A, %min3A_111 : vector<16xf32>
    %max3A_116 = arith.maximumf %max3A_114, %min3A_113 : vector<16xf32>
    %min3A_117 = arith.minimumf %max3A_114, %min3A_113 : vector<16xf32>
    %broadcast_in_dim3A_118 = vector.shape_cast %xor3A_50 : vector<16xi32> to vector<16x1xi32>
    %gather3A = vector.shape_cast %broadcast_in_dim3A_118 : vector<16x1xi32> to vector<16xi32>
    %gather3A_119 = tpu.dynamic_gather %max3A_112[%gather3A] in [0] : vector<16xf32>, vector<16xi32> -> vector<16xf32>
    %broadcast_in_dim3A_120 = vector.shape_cast %xor3A_50 : vector<16xi32> to vector<16x1xi32>
    %gather3A_121 = vector.shape_cast %broadcast_in_dim3A_120 : vector<16x1xi32> to vector<16xi32>
    %gather3A_122 = tpu.dynamic_gather %max3A_116[%gather3A_121] in [0] : vector<16xf32>, vector<16xi32> -> vector<16xf32>
    %broadcast_in_dim3A_123 = vector.shape_cast %xor3A_50 : vector<16xi32> to vector<16x1xi32>
    %gather3A_124 = vector.shape_cast %broadcast_in_dim3A_123 : vector<16x1xi32> to vector<16xi32>
    %gather3A_125 = tpu.dynamic_gather %min3A_117[%gather3A_124] in [0] : vector<16xf32>, vector<16xi32> -> vector<16xf32>
    %broadcast_in_dim3A_126 = vector.shape_cast %xor3A_50 : vector<16xi32> to vector<16x1xi32>
    %gather3A_127 = vector.shape_cast %broadcast_in_dim3A_126 : vector<16x1xi32> to vector<16xi32>
    %gather3A_128 = tpu.dynamic_gather %min3A_115[%gather3A_127] in [0] : vector<16xf32>, vector<16xi32> -> vector<16xf32>
    %broadcast_in_dim3A_129 = vector.shape_cast %xor3A_50 : vector<16xi32> to vector<16x1xi32>
    %gather3A_130 = vector.shape_cast %broadcast_in_dim3A_129 : vector<16x1xi32> to vector<16xi32>
    %gather3A_131 = tpu.dynamic_gather %broadcast_in_dim3A_46[%gather3A_130] in [0] : vector<16xf32>, vector<16xi32> -> vector<16xf32>
    %broadcast_in_dim3A_132 = vector.shape_cast %xor3A_50 : vector<16xi32> to vector<16x1xi32>
    %gather3A_133 = vector.shape_cast %broadcast_in_dim3A_132 : vector<16x1xi32> to vector<16xi32>
    %gather3A_134 = tpu.dynamic_gather %broadcast_in_dim3A_46[%gather3A_133] in [0] : vector<16xf32>, vector<16xi32> -> vector<16xf32>
    %broadcast_in_dim3A_135 = vector.shape_cast %xor3A_50 : vector<16xi32> to vector<16x1xi32>
    %gather3A_136 = vector.shape_cast %broadcast_in_dim3A_135 : vector<16x1xi32> to vector<16xi32>
    %gather3A_137 = tpu.dynamic_gather %broadcast_in_dim3A_46[%gather3A_136] in [0] : vector<16xf32>, vector<16xi32> -> vector<16xf32>
    %broadcast_in_dim3A_138 = vector.shape_cast %xor3A_50 : vector<16xi32> to vector<16x1xi32>
    %gather3A_139 = vector.shape_cast %broadcast_in_dim3A_138 : vector<16x1xi32> to vector<16xi32>
    %gather3A_140 = tpu.dynamic_gather %broadcast_in_dim3A_46[%gather3A_139] in [0] : vector<16xf32>, vector<16xi32> -> vector<16xf32>
    %max3A_141 = arith.maximumf %max3A_112, %gather3A_140 : vector<16xf32>
    %max3A_142 = arith.maximumf %max3A_116, %gather3A_137 : vector<16xf32>
    %max3A_143 = arith.maximumf %min3A_117, %gather3A_134 : vector<16xf32>
    %max3A_144 = arith.maximumf %min3A_115, %gather3A_131 : vector<16xf32>
    %max3A_145 = arith.maximumf %broadcast_in_dim3A_46, %gather3A_128 : vector<16xf32>
    %max3A_146 = arith.maximumf %broadcast_in_dim3A_46, %gather3A_125 : vector<16xf32>
    %max3A_147 = arith.maximumf %broadcast_in_dim3A_46, %gather3A_122 : vector<16xf32>
    %max3A_148 = arith.maximumf %broadcast_in_dim3A_46, %gather3A_119 : vector<16xf32>
    %max3A_149 = arith.maximumf %max3A_141, %max3A_145 : vector<16xf32>
    %min3A_150 = arith.minimumf %max3A_141, %max3A_145 : vector<16xf32>
    %max3A_151 = arith.maximumf %max3A_142, %max3A_146 : vector<16xf32>
    %min3A_152 = arith.minimumf %max3A_142, %max3A_146 : vector<16xf32>
    %max3A_153 = arith.maximumf %max3A_143, %max3A_147 : vector<16xf32>
    %min3A_154 = arith.minimumf %max3A_143, %max3A_147 : vector<16xf32>
    %max3A_155 = arith.maximumf %max3A_144, %max3A_148 : vector<16xf32>
    %min3A_156 = arith.minimumf %max3A_144, %max3A_148 : vector<16xf32>
    %max3A_157 = arith.maximumf %max3A_149, %max3A_153 : vector<16xf32>
    %min3A_158 = arith.minimumf %max3A_149, %max3A_153 : vector<16xf32>
    %max3A_159 = arith.maximumf %max3A_151, %max3A_155 : vector<16xf32>
    %min3A_160 = arith.minimumf %max3A_151, %max3A_155 : vector<16xf32>
    %max3A_161 = arith.maximumf %min3A_150, %min3A_154 : vector<16xf32>
    %min3A_162 = arith.minimumf %min3A_150, %min3A_154 : vector<16xf32>
    %max3A_163 = arith.maximumf %min3A_152, %min3A_156 : vector<16xf32>
    %min3A_164 = arith.minimumf %min3A_152, %min3A_156 : vector<16xf32>
    %max3A_165 = arith.maximumf %max3A_157, %max3A_159 : vector<16xf32>
    %min3A_166 = arith.minimumf %max3A_157, %max3A_159 : vector<16xf32>
    %max3A_167 = arith.maximumf %min3A_158, %min3A_160 : vector<16xf32>
    %min3A_168 = arith.minimumf %min3A_158, %min3A_160 : vector<16xf32>
    %max3A_169 = arith.maximumf %max3A_161, %max3A_163 : vector<16xf32>
    %min3A_170 = arith.minimumf %max3A_161, %max3A_163 : vector<16xf32>
    %max3A_171 = arith.maximumf %min3A_162, %min3A_164 : vector<16xf32>
    %min3A_172 = arith.minimumf %min3A_162, %min3A_164 : vector<16xf32>
    %broadcast_in_dim3A_173 = vector.shape_cast %xor3A_53 : vector<16xi32> to vector<16x1xi32>
    %gather3A_174 = vector.shape_cast %broadcast_in_dim3A_173 : vector<16x1xi32> to vector<16xi32>
    %gather3A_175 = tpu.dynamic_gather %max3A_165[%gather3A_174] in [0] : vector<16xf32>, vector<16xi32> -> vector<16xf32>
    %broadcast_in_dim3A_176 = vector.shape_cast %xor3A_53 : vector<16xi32> to vector<16x1xi32>
    %gather3A_177 = vector.shape_cast %broadcast_in_dim3A_176 : vector<16x1xi32> to vector<16xi32>
    %gather3A_178 = tpu.dynamic_gather %min3A_166[%gather3A_177] in [0] : vector<16xf32>, vector<16xi32> -> vector<16xf32>
    %broadcast_in_dim3A_179 = vector.shape_cast %xor3A_53 : vector<16xi32> to vector<16x1xi32>
    %gather3A_180 = vector.shape_cast %broadcast_in_dim3A_179 : vector<16x1xi32> to vector<16xi32>
    %gather3A_181 = tpu.dynamic_gather %max3A_167[%gather3A_180] in [0] : vector<16xf32>, vector<16xi32> -> vector<16xf32>
    %broadcast_in_dim3A_182 = vector.shape_cast %xor3A_53 : vector<16xi32> to vector<16x1xi32>
    %gather3A_183 = vector.shape_cast %broadcast_in_dim3A_182 : vector<16x1xi32> to vector<16xi32>
    %gather3A_184 = tpu.dynamic_gather %min3A_168[%gather3A_183] in [0] : vector<16xf32>, vector<16xi32> -> vector<16xf32>
    %broadcast_in_dim3A_185 = vector.shape_cast %xor3A_53 : vector<16xi32> to vector<16x1xi32>
    %gather3A_186 = vector.shape_cast %broadcast_in_dim3A_185 : vector<16x1xi32> to vector<16xi32>
    %gather3A_187 = tpu.dynamic_gather %max3A_169[%gather3A_186] in [0] : vector<16xf32>, vector<16xi32> -> vector<16xf32>
    %broadcast_in_dim3A_188 = vector.shape_cast %xor3A_53 : vector<16xi32> to vector<16x1xi32>
    %gather3A_189 = vector.shape_cast %broadcast_in_dim3A_188 : vector<16x1xi32> to vector<16xi32>
    %gather3A_190 = tpu.dynamic_gather %min3A_170[%gather3A_189] in [0] : vector<16xf32>, vector<16xi32> -> vector<16xf32>
    %broadcast_in_dim3A_191 = vector.shape_cast %xor3A_53 : vector<16xi32> to vector<16x1xi32>
    %gather3A_192 = vector.shape_cast %broadcast_in_dim3A_191 : vector<16x1xi32> to vector<16xi32>
    %gather3A_193 = tpu.dynamic_gather %max3A_171[%gather3A_192] in [0] : vector<16xf32>, vector<16xi32> -> vector<16xf32>
    %broadcast_in_dim3A_194 = vector.shape_cast %xor3A_53 : vector<16xi32> to vector<16x1xi32>
    %gather3A_195 = vector.shape_cast %broadcast_in_dim3A_194 : vector<16x1xi32> to vector<16xi32>
    %gather3A_196 = tpu.dynamic_gather %min3A_172[%gather3A_195] in [0] : vector<16xf32>, vector<16xi32> -> vector<16xf32>
    %max3A_197 = arith.maximumf %max3A_165, %gather3A_196 : vector<16xf32>
    %max3A_198 = arith.maximumf %min3A_166, %gather3A_193 : vector<16xf32>
    %max3A_199 = arith.maximumf %max3A_167, %gather3A_190 : vector<16xf32>
    %max3A_200 = arith.maximumf %min3A_168, %gather3A_187 : vector<16xf32>
    %max3A_201 = arith.maximumf %max3A_169, %gather3A_184 : vector<16xf32>
    %max3A_202 = arith.maximumf %min3A_170, %gather3A_181 : vector<16xf32>
    %max3A_203 = arith.maximumf %max3A_171, %gather3A_178 : vector<16xf32>
    %max3A_204 = arith.maximumf %min3A_172, %gather3A_175 : vector<16xf32>
    %max3A_205 = arith.maximumf %max3A_197, %max3A_201 : vector<16xf32>
    %min3A_206 = arith.minimumf %max3A_197, %max3A_201 : vector<16xf32>
    %max3A_207 = arith.maximumf %max3A_198, %max3A_202 : vector<16xf32>
    %min3A_208 = arith.minimumf %max3A_198, %max3A_202 : vector<16xf32>
    %max3A_209 = arith.maximumf %max3A_199, %max3A_203 : vector<16xf32>
    %min3A_210 = arith.minimumf %max3A_199, %max3A_203 : vector<16xf32>
    %max3A_211 = arith.maximumf %max3A_200, %max3A_204 : vector<16xf32>
    %min3A_212 = arith.minimumf %max3A_200, %max3A_204 : vector<16xf32>
    %max3A_213 = arith.maximumf %max3A_205, %max3A_209 : vector<16xf32>
    %min3A_214 = arith.minimumf %max3A_205, %max3A_209 : vector<16xf32>
    %max3A_215 = arith.maximumf %max3A_207, %max3A_211 : vector<16xf32>
    %min3A_216 = arith.minimumf %max3A_207, %max3A_211 : vector<16xf32>
    %max3A_217 = arith.maximumf %min3A_206, %min3A_210 : vector<16xf32>
    %min3A_218 = arith.minimumf %min3A_206, %min3A_210 : vector<16xf32>
    %max3A_219 = arith.maximumf %min3A_208, %min3A_212 : vector<16xf32>
    %min3A_220 = arith.minimumf %min3A_208, %min3A_212 : vector<16xf32>
    %max3A_221 = arith.maximumf %max3A_213, %max3A_215 : vector<16xf32>
    %min3A_222 = arith.minimumf %max3A_213, %max3A_215 : vector<16xf32>
    %max3A_223 = arith.maximumf %min3A_214, %min3A_216 : vector<16xf32>
    %min3A_224 = arith.minimumf %min3A_214, %min3A_216 : vector<16xf32>
    %max3A_225 = arith.maximumf %max3A_217, %max3A_219 : vector<16xf32>
    %min3A_226 = arith.minimumf %max3A_217, %max3A_219 : vector<16xf32>
    %max3A_227 = arith.maximumf %min3A_218, %min3A_220 : vector<16xf32>
    %min3A_228 = arith.minimumf %min3A_218, %min3A_220 : vector<16xf32>
    %broadcast_in_dim3A_229 = vector.shape_cast %xor3A_56 : vector<16xi32> to vector<16x1xi32>
    %gather3A_230 = vector.shape_cast %broadcast_in_dim3A_229 : vector<16x1xi32> to vector<16xi32>
    %gather3A_231 = tpu.dynamic_gather %max3A_221[%gather3A_230] in [0] : vector<16xf32>, vector<16xi32> -> vector<16xf32>
    %broadcast_in_dim3A_232 = vector.shape_cast %xor3A_56 : vector<16xi32> to vector<16x1xi32>
    %gather3A_233 = vector.shape_cast %broadcast_in_dim3A_232 : vector<16x1xi32> to vector<16xi32>
    %gather3A_234 = tpu.dynamic_gather %min3A_222[%gather3A_233] in [0] : vector<16xf32>, vector<16xi32> -> vector<16xf32>
    %broadcast_in_dim3A_235 = vector.shape_cast %xor3A_56 : vector<16xi32> to vector<16x1xi32>
    %gather3A_236 = vector.shape_cast %broadcast_in_dim3A_235 : vector<16x1xi32> to vector<16xi32>
    %gather3A_237 = tpu.dynamic_gather %max3A_223[%gather3A_236] in [0] : vector<16xf32>, vector<16xi32> -> vector<16xf32>
    %broadcast_in_dim3A_238 = vector.shape_cast %xor3A_56 : vector<16xi32> to vector<16x1xi32>
    %gather3A_239 = vector.shape_cast %broadcast_in_dim3A_238 : vector<16x1xi32> to vector<16xi32>
    %gather3A_240 = tpu.dynamic_gather %min3A_224[%gather3A_239] in [0] : vector<16xf32>, vector<16xi32> -> vector<16xf32>
    %broadcast_in_dim3A_241 = vector.shape_cast %xor3A_56 : vector<16xi32> to vector<16x1xi32>
    %gather3A_242 = vector.shape_cast %broadcast_in_dim3A_241 : vector<16x1xi32> to vector<16xi32>
    %gather3A_243 = tpu.dynamic_gather %max3A_225[%gather3A_242] in [0] : vector<16xf32>, vector<16xi32> -> vector<16xf32>
    %broadcast_in_dim3A_244 = vector.shape_cast %xor3A_56 : vector<16xi32> to vector<16x1xi32>
    %gather3A_245 = vector.shape_cast %broadcast_in_dim3A_244 : vector<16x1xi32> to vector<16xi32>
    %gather3A_246 = tpu.dynamic_gather %min3A_226[%gather3A_245] in [0] : vector<16xf32>, vector<16xi32> -> vector<16xf32>
    %broadcast_in_dim3A_247 = vector.shape_cast %xor3A_56 : vector<16xi32> to vector<16x1xi32>
    %gather3A_248 = vector.shape_cast %broadcast_in_dim3A_247 : vector<16x1xi32> to vector<16xi32>
    %gather3A_249 = tpu.dynamic_gather %max3A_227[%gather3A_248] in [0] : vector<16xf32>, vector<16xi32> -> vector<16xf32>
    %broadcast_in_dim3A_250 = vector.shape_cast %xor3A_56 : vector<16xi32> to vector<16x1xi32>
    %gather3A_251 = vector.shape_cast %broadcast_in_dim3A_250 : vector<16x1xi32> to vector<16xi32>
    %gather3A_252 = tpu.dynamic_gather %min3A_228[%gather3A_251] in [0] : vector<16xf32>, vector<16xi32> -> vector<16xf32>
    %max3A_253 = arith.maximumf %max3A_221, %gather3A_252 : vector<16xf32>
    %max3A_254 = arith.maximumf %min3A_222, %gather3A_249 : vector<16xf32>
    %max3A_255 = arith.maximumf %max3A_223, %gather3A_246 : vector<16xf32>
    %max3A_256 = arith.maximumf %min3A_224, %gather3A_243 : vector<16xf32>
    %max3A_257 = arith.maximumf %max3A_225, %gather3A_240 : vector<16xf32>
    %max3A_258 = arith.maximumf %min3A_226, %gather3A_237 : vector<16xf32>
    %max3A_259 = arith.maximumf %max3A_227, %gather3A_234 : vector<16xf32>
    %max3A_260 = arith.maximumf %min3A_228, %gather3A_231 : vector<16xf32>
    %max3A_261 = arith.maximumf %max3A_253, %max3A_257 : vector<16xf32>
    %min3A_262 = arith.minimumf %max3A_253, %max3A_257 : vector<16xf32>
    %max3A_263 = arith.maximumf %max3A_254, %max3A_258 : vector<16xf32>
    %min3A_264 = arith.minimumf %max3A_254, %max3A_258 : vector<16xf32>
    %max3A_265 = arith.maximumf %max3A_255, %max3A_259 : vector<16xf32>
    %min3A_266 = arith.minimumf %max3A_255, %max3A_259 : vector<16xf32>
    %max3A_267 = arith.maximumf %max3A_256, %max3A_260 : vector<16xf32>
    %min3A_268 = arith.minimumf %max3A_256, %max3A_260 : vector<16xf32>
    %max3A_269 = arith.maximumf %max3A_261, %max3A_265 : vector<16xf32>
    %min3A_270 = arith.minimumf %max3A_261, %max3A_265 : vector<16xf32>
    %max3A_271 = arith.maximumf %max3A_263, %max3A_267 : vector<16xf32>
    %min3A_272 = arith.minimumf %max3A_263, %max3A_267 : vector<16xf32>
    %max3A_273 = arith.maximumf %min3A_262, %min3A_266 : vector<16xf32>
    %min3A_274 = arith.minimumf %min3A_262, %min3A_266 : vector<16xf32>
    %max3A_275 = arith.maximumf %min3A_264, %min3A_268 : vector<16xf32>
    %min3A_276 = arith.minimumf %min3A_264, %min3A_268 : vector<16xf32>
    %max3A_277 = arith.maximumf %max3A_269, %max3A_271 : vector<16xf32>
    %min3A_278 = arith.minimumf %max3A_269, %max3A_271 : vector<16xf32>
    %max3A_279 = arith.maximumf %min3A_270, %min3A_272 : vector<16xf32>
    %min3A_280 = arith.minimumf %min3A_270, %min3A_272 : vector<16xf32>
    %max3A_281 = arith.maximumf %max3A_273, %max3A_275 : vector<16xf32>
    %min3A_282 = arith.minimumf %max3A_273, %max3A_275 : vector<16xf32>
    %max3A_283 = arith.maximumf %min3A_274, %min3A_276 : vector<16xf32>
    %min3A_284 = arith.minimumf %min3A_274, %min3A_276 : vector<16xf32>
    %broadcast_in_dim3A_285 = vector.shape_cast %xor3A_59 : vector<16xi32> to vector<16x1xi32>
    %gather3A_286 = vector.shape_cast %broadcast_in_dim3A_285 : vector<16x1xi32> to vector<16xi32>
    %gather3A_287 = tpu.dynamic_gather %max3A_277[%gather3A_286] in [0] : vector<16xf32>, vector<16xi32> -> vector<16xf32>
    %broadcast_in_dim3A_288 = vector.shape_cast %xor3A_59 : vector<16xi32> to vector<16x1xi32>
    %gather3A_289 = vector.shape_cast %broadcast_in_dim3A_288 : vector<16x1xi32> to vector<16xi32>
    %gather3A_290 = tpu.dynamic_gather %min3A_278[%gather3A_289] in [0] : vector<16xf32>, vector<16xi32> -> vector<16xf32>
    %broadcast_in_dim3A_291 = vector.shape_cast %xor3A_59 : vector<16xi32> to vector<16x1xi32>
    %gather3A_292 = vector.shape_cast %broadcast_in_dim3A_291 : vector<16x1xi32> to vector<16xi32>
    %gather3A_293 = tpu.dynamic_gather %max3A_279[%gather3A_292] in [0] : vector<16xf32>, vector<16xi32> -> vector<16xf32>
    %broadcast_in_dim3A_294 = vector.shape_cast %xor3A_59 : vector<16xi32> to vector<16x1xi32>
    %gather3A_295 = vector.shape_cast %broadcast_in_dim3A_294 : vector<16x1xi32> to vector<16xi32>
    %gather3A_296 = tpu.dynamic_gather %min3A_280[%gather3A_295] in [0] : vector<16xf32>, vector<16xi32> -> vector<16xf32>
    %broadcast_in_dim3A_297 = vector.shape_cast %xor3A_59 : vector<16xi32> to vector<16x1xi32>
    %gather3A_298 = vector.shape_cast %broadcast_in_dim3A_297 : vector<16x1xi32> to vector<16xi32>
    %gather3A_299 = tpu.dynamic_gather %max3A_281[%gather3A_298] in [0] : vector<16xf32>, vector<16xi32> -> vector<16xf32>
    %broadcast_in_dim3A_300 = vector.shape_cast %xor3A_59 : vector<16xi32> to vector<16x1xi32>
    %gather3A_301 = vector.shape_cast %broadcast_in_dim3A_300 : vector<16x1xi32> to vector<16xi32>
    %gather3A_302 = tpu.dynamic_gather %min3A_282[%gather3A_301] in [0] : vector<16xf32>, vector<16xi32> -> vector<16xf32>
    %broadcast_in_dim3A_303 = vector.shape_cast %xor3A_59 : vector<16xi32> to vector<16x1xi32>
    %gather3A_304 = vector.shape_cast %broadcast_in_dim3A_303 : vector<16x1xi32> to vector<16xi32>
    %gather3A_305 = tpu.dynamic_gather %max3A_283[%gather3A_304] in [0] : vector<16xf32>, vector<16xi32> -> vector<16xf32>
    %broadcast_in_dim3A_306 = vector.shape_cast %xor3A_59 : vector<16xi32> to vector<16x1xi32>
    %gather3A_307 = vector.shape_cast %broadcast_in_dim3A_306 : vector<16x1xi32> to vector<16xi32>
    %gather3A_308 = tpu.dynamic_gather %min3A_284[%gather3A_307] in [0] : vector<16xf32>, vector<16xi32> -> vector<16xf32>
    %max3A_309 = arith.maximumf %max3A_277, %gather3A_308 : vector<16xf32>
    %max3A_310 = arith.maximumf %min3A_278, %gather3A_305 : vector<16xf32>
    %max3A_311 = arith.maximumf %max3A_279, %gather3A_302 : vector<16xf32>
    %max3A_312 = arith.maximumf %min3A_280, %gather3A_299 : vector<16xf32>
    %max3A_313 = arith.maximumf %max3A_281, %gather3A_296 : vector<16xf32>
    %max3A_314 = arith.maximumf %min3A_282, %gather3A_293 : vector<16xf32>
    %max3A_315 = arith.maximumf %max3A_283, %gather3A_290 : vector<16xf32>
    %max3A_316 = arith.maximumf %min3A_284, %gather3A_287 : vector<16xf32>
    %max3A_317 = arith.maximumf %max3A_309, %max3A_313 : vector<16xf32>
    %min3A_318 = arith.minimumf %max3A_309, %max3A_313 : vector<16xf32>
    %max3A_319 = arith.maximumf %max3A_310, %max3A_314 : vector<16xf32>
    %min3A_320 = arith.minimumf %max3A_310, %max3A_314 : vector<16xf32>
    %max3A_321 = arith.maximumf %max3A_311, %max3A_315 : vector<16xf32>
    %min3A_322 = arith.minimumf %max3A_311, %max3A_315 : vector<16xf32>
    %max3A_323 = arith.maximumf %max3A_312, %max3A_316 : vector<16xf32>
    %min3A_324 = arith.minimumf %max3A_312, %max3A_316 : vector<16xf32>
    %max3A_325 = arith.maximumf %max3A_317, %max3A_321 : vector<16xf32>
    %min3A_326 = arith.minimumf %max3A_317, %max3A_321 : vector<16xf32>
    %max3A_327 = arith.maximumf %max3A_319, %max3A_323 : vector<16xf32>
    %min3A_328 = arith.minimumf %max3A_319, %max3A_323 : vector<16xf32>
    %max3A_329 = arith.maximumf %min3A_318, %min3A_322 : vector<16xf32>
    %min3A_330 = arith.minimumf %min3A_318, %min3A_322 : vector<16xf32>
    %max3A_331 = arith.maximumf %min3A_320, %min3A_324 : vector<16xf32>
    %min3A_332 = arith.minimumf %min3A_320, %min3A_324 : vector<16xf32>
    %max3A_333 = arith.maximumf %max3A_325, %max3A_327 : vector<16xf32>
    %min3A_334 = arith.minimumf %max3A_325, %max3A_327 : vector<16xf32>
    %max3A_335 = arith.maximumf %min3A_326, %min3A_328 : vector<16xf32>
    %min3A_336 = arith.minimumf %min3A_326, %min3A_328 : vector<16xf32>
    %max3A_337 = arith.maximumf %max3A_329, %max3A_331 : vector<16xf32>
    %min3A_338 = arith.minimumf %max3A_329, %max3A_331 : vector<16xf32>
    %max3A_339 = arith.maximumf %min3A_330, %min3A_332 : vector<16xf32>
    %min3A_340 = arith.minimumf %min3A_330, %min3A_332 : vector<16xf32>
    %max3A_341 = arith.maximumf %scan3A_108#4, %scan3A_108#5 : vector<16xf32>
    %min3A_342 = arith.minimumf %scan3A_108#4, %scan3A_108#5 : vector<16xf32>
    %max3A_343 = arith.maximumf %scan3A_108#6, %scan3A_108#7 : vector<16xf32>
    %min3A_344 = arith.minimumf %scan3A_108#6, %scan3A_108#7 : vector<16xf32>
    %max3A_345 = arith.maximumf %max3A_341, %max3A_343 : vector<16xf32>
    %min3A_346 = arith.minimumf %max3A_341, %max3A_343 : vector<16xf32>
    %max3A_347 = arith.maximumf %min3A_342, %min3A_344 : vector<16xf32>
    %min3A_348 = arith.minimumf %min3A_342, %min3A_344 : vector<16xf32>
    %max3A_349 = arith.maximumf %max3A_347, %min3A_346 : vector<16xf32>
    %min3A_350 = arith.minimumf %max3A_347, %min3A_346 : vector<16xf32>
    %broadcast_in_dim3A_351 = vector.shape_cast %xor3A_50 : vector<16xi32> to vector<16x1xi32>
    %gather3A_352 = vector.shape_cast %broadcast_in_dim3A_351 : vector<16x1xi32> to vector<16xi32>
    %gather3A_353 = tpu.dynamic_gather %max3A_345[%gather3A_352] in [0] : vector<16xf32>, vector<16xi32> -> vector<16xf32>
    %broadcast_in_dim3A_354 = vector.shape_cast %xor3A_50 : vector<16xi32> to vector<16x1xi32>
    %gather3A_355 = vector.shape_cast %broadcast_in_dim3A_354 : vector<16x1xi32> to vector<16xi32>
    %gather3A_356 = tpu.dynamic_gather %max3A_349[%gather3A_355] in [0] : vector<16xf32>, vector<16xi32> -> vector<16xf32>
    %broadcast_in_dim3A_357 = vector.shape_cast %xor3A_50 : vector<16xi32> to vector<16x1xi32>
    %gather3A_358 = vector.shape_cast %broadcast_in_dim3A_357 : vector<16x1xi32> to vector<16xi32>
    %gather3A_359 = tpu.dynamic_gather %min3A_350[%gather3A_358] in [0] : vector<16xf32>, vector<16xi32> -> vector<16xf32>
    %broadcast_in_dim3A_360 = vector.shape_cast %xor3A_50 : vector<16xi32> to vector<16x1xi32>
    %gather3A_361 = vector.shape_cast %broadcast_in_dim3A_360 : vector<16x1xi32> to vector<16xi32>
    %gather3A_362 = tpu.dynamic_gather %min3A_348[%gather3A_361] in [0] : vector<16xf32>, vector<16xi32> -> vector<16xf32>
    %broadcast_in_dim3A_363 = vector.shape_cast %xor3A_50 : vector<16xi32> to vector<16x1xi32>
    %gather3A_364 = vector.shape_cast %broadcast_in_dim3A_363 : vector<16x1xi32> to vector<16xi32>
    %gather3A_365 = tpu.dynamic_gather %broadcast_in_dim3A_46[%gather3A_364] in [0] : vector<16xf32>, vector<16xi32> -> vector<16xf32>
    %broadcast_in_dim3A_366 = vector.shape_cast %xor3A_50 : vector<16xi32> to vector<16x1xi32>
    %gather3A_367 = vector.shape_cast %broadcast_in_dim3A_366 : vector<16x1xi32> to vector<16xi32>
    %gather3A_368 = tpu.dynamic_gather %broadcast_in_dim3A_46[%gather3A_367] in [0] : vector<16xf32>, vector<16xi32> -> vector<16xf32>
    %broadcast_in_dim3A_369 = vector.shape_cast %xor3A_50 : vector<16xi32> to vector<16x1xi32>
    %gather3A_370 = vector.shape_cast %broadcast_in_dim3A_369 : vector<16x1xi32> to vector<16xi32>
    %gather3A_371 = tpu.dynamic_gather %broadcast_in_dim3A_46[%gather3A_370] in [0] : vector<16xf32>, vector<16xi32> -> vector<16xf32>
    %broadcast_in_dim3A_372 = vector.shape_cast %xor3A_50 : vector<16xi32> to vector<16x1xi32>
    %gather3A_373 = vector.shape_cast %broadcast_in_dim3A_372 : vector<16x1xi32> to vector<16xi32>
    %gather3A_374 = tpu.dynamic_gather %broadcast_in_dim3A_46[%gather3A_373] in [0] : vector<16xf32>, vector<16xi32> -> vector<16xf32>
    %max3A_375 = arith.maximumf %max3A_345, %gather3A_374 : vector<16xf32>
    %max3A_376 = arith.maximumf %max3A_349, %gather3A_371 : vector<16xf32>
    %max3A_377 = arith.maximumf %min3A_350, %gather3A_368 : vector<16xf32>
    %max3A_378 = arith.maximumf %min3A_348, %gather3A_365 : vector<16xf32>
    %max3A_379 = arith.maximumf %broadcast_in_dim3A_46, %gather3A_362 : vector<16xf32>
    %max3A_380 = arith.maximumf %broadcast_in_dim3A_46, %gather3A_359 : vector<16xf32>
    %max3A_381 = arith.maximumf %broadcast_in_dim3A_46, %gather3A_356 : vector<16xf32>
    %max3A_382 = arith.maximumf %broadcast_in_dim3A_46, %gather3A_353 : vector<16xf32>
    %max3A_383 = arith.maximumf %max3A_375, %max3A_379 : vector<16xf32>
    %min3A_384 = arith.minimumf %max3A_375, %max3A_379 : vector<16xf32>
    %max3A_385 = arith.maximumf %max3A_376, %max3A_380 : vector<16xf32>
    %min3A_386 = arith.minimumf %max3A_376, %max3A_380 : vector<16xf32>
    %max3A_387 = arith.maximumf %max3A_377, %max3A_381 : vector<16xf32>
    %min3A_388 = arith.minimumf %max3A_377, %max3A_381 : vector<16xf32>
    %max3A_389 = arith.maximumf %max3A_378, %max3A_382 : vector<16xf32>
    %min3A_390 = arith.minimumf %max3A_378, %max3A_382 : vector<16xf32>
    %max3A_391 = arith.maximumf %max3A_383, %max3A_387 : vector<16xf32>
    %min3A_392 = arith.minimumf %max3A_383, %max3A_387 : vector<16xf32>
    %max3A_393 = arith.maximumf %max3A_385, %max3A_389 : vector<16xf32>
    %min3A_394 = arith.minimumf %max3A_385, %max3A_389 : vector<16xf32>
    %max3A_395 = arith.maximumf %min3A_384, %min3A_388 : vector<16xf32>
    %min3A_396 = arith.minimumf %min3A_384, %min3A_388 : vector<16xf32>
    %max3A_397 = arith.maximumf %min3A_386, %min3A_390 : vector<16xf32>
    %min3A_398 = arith.minimumf %min3A_386, %min3A_390 : vector<16xf32>
    %max3A_399 = arith.maximumf %max3A_391, %max3A_393 : vector<16xf32>
    %min3A_400 = arith.minimumf %max3A_391, %max3A_393 : vector<16xf32>
    %max3A_401 = arith.maximumf %min3A_392, %min3A_394 : vector<16xf32>
    %min3A_402 = arith.minimumf %min3A_392, %min3A_394 : vector<16xf32>
    %max3A_403 = arith.maximumf %max3A_395, %max3A_397 : vector<16xf32>
    %min3A_404 = arith.minimumf %max3A_395, %max3A_397 : vector<16xf32>
    %max3A_405 = arith.maximumf %min3A_396, %min3A_398 : vector<16xf32>
    %min3A_406 = arith.minimumf %min3A_396, %min3A_398 : vector<16xf32>
    %broadcast_in_dim3A_407 = vector.shape_cast %xor3A_53 : vector<16xi32> to vector<16x1xi32>
    %gather3A_408 = vector.shape_cast %broadcast_in_dim3A_407 : vector<16x1xi32> to vector<16xi32>
    %gather3A_409 = tpu.dynamic_gather %max3A_399[%gather3A_408] in [0] : vector<16xf32>, vector<16xi32> -> vector<16xf32>
    %broadcast_in_dim3A_410 = vector.shape_cast %xor3A_53 : vector<16xi32> to vector<16x1xi32>
    %gather3A_411 = vector.shape_cast %broadcast_in_dim3A_410 : vector<16x1xi32> to vector<16xi32>
    %gather3A_412 = tpu.dynamic_gather %min3A_400[%gather3A_411] in [0] : vector<16xf32>, vector<16xi32> -> vector<16xf32>
    %broadcast_in_dim3A_413 = vector.shape_cast %xor3A_53 : vector<16xi32> to vector<16x1xi32>
    %gather3A_414 = vector.shape_cast %broadcast_in_dim3A_413 : vector<16x1xi32> to vector<16xi32>
    %gather3A_415 = tpu.dynamic_gather %max3A_401[%gather3A_414] in [0] : vector<16xf32>, vector<16xi32> -> vector<16xf32>
    %broadcast_in_dim3A_416 = vector.shape_cast %xor3A_53 : vector<16xi32> to vector<16x1xi32>
    %gather3A_417 = vector.shape_cast %broadcast_in_dim3A_416 : vector<16x1xi32> to vector<16xi32>
    %gather3A_418 = tpu.dynamic_gather %min3A_402[%gather3A_417] in [0] : vector<16xf32>, vector<16xi32> -> vector<16xf32>
    %broadcast_in_dim3A_419 = vector.shape_cast %xor3A_53 : vector<16xi32> to vector<16x1xi32>
    %gather3A_420 = vector.shape_cast %broadcast_in_dim3A_419 : vector<16x1xi32> to vector<16xi32>
    %gather3A_421 = tpu.dynamic_gather %max3A_403[%gather3A_420] in [0] : vector<16xf32>, vector<16xi32> -> vector<16xf32>
    %broadcast_in_dim3A_422 = vector.shape_cast %xor3A_53 : vector<16xi32> to vector<16x1xi32>
    %gather3A_423 = vector.shape_cast %broadcast_in_dim3A_422 : vector<16x1xi32> to vector<16xi32>
    %gather3A_424 = tpu.dynamic_gather %min3A_404[%gather3A_423] in [0] : vector<16xf32>, vector<16xi32> -> vector<16xf32>
    %broadcast_in_dim3A_425 = vector.shape_cast %xor3A_53 : vector<16xi32> to vector<16x1xi32>
    %gather3A_426 = vector.shape_cast %broadcast_in_dim3A_425 : vector<16x1xi32> to vector<16xi32>
    %gather3A_427 = tpu.dynamic_gather %max3A_405[%gather3A_426] in [0] : vector<16xf32>, vector<16xi32> -> vector<16xf32>
    %broadcast_in_dim3A_428 = vector.shape_cast %xor3A_53 : vector<16xi32> to vector<16x1xi32>
    %gather3A_429 = vector.shape_cast %broadcast_in_dim3A_428 : vector<16x1xi32> to vector<16xi32>
    %gather3A_430 = tpu.dynamic_gather %min3A_406[%gather3A_429] in [0] : vector<16xf32>, vector<16xi32> -> vector<16xf32>
    %max3A_431 = arith.maximumf %max3A_399, %gather3A_430 : vector<16xf32>
    %max3A_432 = arith.maximumf %min3A_400, %gather3A_427 : vector<16xf32>
    %max3A_433 = arith.maximumf %max3A_401, %gather3A_424 : vector<16xf32>
    %max3A_434 = arith.maximumf %min3A_402, %gather3A_421 : vector<16xf32>
    %max3A_435 = arith.maximumf %max3A_403, %gather3A_418 : vector<16xf32>
    %max3A_436 = arith.maximumf %min3A_404, %gather3A_415 : vector<16xf32>
    %max3A_437 = arith.maximumf %max3A_405, %gather3A_412 : vector<16xf32>
    %max3A_438 = arith.maximumf %min3A_406, %gather3A_409 : vector<16xf32>
    %max3A_439 = arith.maximumf %max3A_431, %max3A_435 : vector<16xf32>
    %min3A_440 = arith.minimumf %max3A_431, %max3A_435 : vector<16xf32>
    %max3A_441 = arith.maximumf %max3A_432, %max3A_436 : vector<16xf32>
    %min3A_442 = arith.minimumf %max3A_432, %max3A_436 : vector<16xf32>
    %max3A_443 = arith.maximumf %max3A_433, %max3A_437 : vector<16xf32>
    %min3A_444 = arith.minimumf %max3A_433, %max3A_437 : vector<16xf32>
    %max3A_445 = arith.maximumf %max3A_434, %max3A_438 : vector<16xf32>
    %min3A_446 = arith.minimumf %max3A_434, %max3A_438 : vector<16xf32>
    %max3A_447 = arith.maximumf %max3A_439, %max3A_443 : vector<16xf32>
    %min3A_448 = arith.minimumf %max3A_439, %max3A_443 : vector<16xf32>
    %max3A_449 = arith.maximumf %max3A_441, %max3A_445 : vector<16xf32>
    %min3A_450 = arith.minimumf %max3A_441, %max3A_445 : vector<16xf32>
    %max3A_451 = arith.maximumf %min3A_440, %min3A_444 : vector<16xf32>
    %min3A_452 = arith.minimumf %min3A_440, %min3A_444 : vector<16xf32>
    %max3A_453 = arith.maximumf %min3A_442, %min3A_446 : vector<16xf32>
    %min3A_454 = arith.minimumf %min3A_442, %min3A_446 : vector<16xf32>
    %max3A_455 = arith.maximumf %max3A_447, %max3A_449 : vector<16xf32>
    %min3A_456 = arith.minimumf %max3A_447, %max3A_449 : vector<16xf32>
    %max3A_457 = arith.maximumf %min3A_448, %min3A_450 : vector<16xf32>
    %min3A_458 = arith.minimumf %min3A_448, %min3A_450 : vector<16xf32>
    %max3A_459 = arith.maximumf %max3A_451, %max3A_453 : vector<16xf32>
    %min3A_460 = arith.minimumf %max3A_451, %max3A_453 : vector<16xf32>
    %max3A_461 = arith.maximumf %min3A_452, %min3A_454 : vector<16xf32>
    %min3A_462 = arith.minimumf %min3A_452, %min3A_454 : vector<16xf32>
    %broadcast_in_dim3A_463 = vector.shape_cast %xor3A_56 : vector<16xi32> to vector<16x1xi32>
    %gather3A_464 = vector.shape_cast %broadcast_in_dim3A_463 : vector<16x1xi32> to vector<16xi32>
    %gather3A_465 = tpu.dynamic_gather %max3A_455[%gather3A_464] in [0] : vector<16xf32>, vector<16xi32> -> vector<16xf32>
    %broadcast_in_dim3A_466 = vector.shape_cast %xor3A_56 : vector<16xi32> to vector<16x1xi32>
    %gather3A_467 = vector.shape_cast %broadcast_in_dim3A_466 : vector<16x1xi32> to vector<16xi32>
    %gather3A_468 = tpu.dynamic_gather %min3A_456[%gather3A_467] in [0] : vector<16xf32>, vector<16xi32> -> vector<16xf32>
    %broadcast_in_dim3A_469 = vector.shape_cast %xor3A_56 : vector<16xi32> to vector<16x1xi32>
    %gather3A_470 = vector.shape_cast %broadcast_in_dim3A_469 : vector<16x1xi32> to vector<16xi32>
    %gather3A_471 = tpu.dynamic_gather %max3A_457[%gather3A_470] in [0] : vector<16xf32>, vector<16xi32> -> vector<16xf32>
    %broadcast_in_dim3A_472 = vector.shape_cast %xor3A_56 : vector<16xi32> to vector<16x1xi32>
    %gather3A_473 = vector.shape_cast %broadcast_in_dim3A_472 : vector<16x1xi32> to vector<16xi32>
    %gather3A_474 = tpu.dynamic_gather %min3A_458[%gather3A_473] in [0] : vector<16xf32>, vector<16xi32> -> vector<16xf32>
    %broadcast_in_dim3A_475 = vector.shape_cast %xor3A_56 : vector<16xi32> to vector<16x1xi32>
    %gather3A_476 = vector.shape_cast %broadcast_in_dim3A_475 : vector<16x1xi32> to vector<16xi32>
    %gather3A_477 = tpu.dynamic_gather %max3A_459[%gather3A_476] in [0] : vector<16xf32>, vector<16xi32> -> vector<16xf32>
    %broadcast_in_dim3A_478 = vector.shape_cast %xor3A_56 : vector<16xi32> to vector<16x1xi32>
    %gather3A_479 = vector.shape_cast %broadcast_in_dim3A_478 : vector<16x1xi32> to vector<16xi32>
    %gather3A_480 = tpu.dynamic_gather %min3A_460[%gather3A_479] in [0] : vector<16xf32>, vector<16xi32> -> vector<16xf32>
    %broadcast_in_dim3A_481 = vector.shape_cast %xor3A_56 : vector<16xi32> to vector<16x1xi32>
    %gather3A_482 = vector.shape_cast %broadcast_in_dim3A_481 : vector<16x1xi32> to vector<16xi32>
    %gather3A_483 = tpu.dynamic_gather %max3A_461[%gather3A_482] in [0] : vector<16xf32>, vector<16xi32> -> vector<16xf32>
    %broadcast_in_dim3A_484 = vector.shape_cast %xor3A_56 : vector<16xi32> to vector<16x1xi32>
    %gather3A_485 = vector.shape_cast %broadcast_in_dim3A_484 : vector<16x1xi32> to vector<16xi32>
    %gather3A_486 = tpu.dynamic_gather %min3A_462[%gather3A_485] in [0] : vector<16xf32>, vector<16xi32> -> vector<16xf32>
    %max3A_487 = arith.maximumf %max3A_455, %gather3A_486 : vector<16xf32>
    %max3A_488 = arith.maximumf %min3A_456, %gather3A_483 : vector<16xf32>
    %max3A_489 = arith.maximumf %max3A_457, %gather3A_480 : vector<16xf32>
    %max3A_490 = arith.maximumf %min3A_458, %gather3A_477 : vector<16xf32>
    %max3A_491 = arith.maximumf %max3A_459, %gather3A_474 : vector<16xf32>
    %max3A_492 = arith.maximumf %min3A_460, %gather3A_471 : vector<16xf32>
    %max3A_493 = arith.maximumf %max3A_461, %gather3A_468 : vector<16xf32>
    %max3A_494 = arith.maximumf %min3A_462, %gather3A_465 : vector<16xf32>
    %max3A_495 = arith.maximumf %max3A_487, %max3A_491 : vector<16xf32>
    %min3A_496 = arith.minimumf %max3A_487, %max3A_491 : vector<16xf32>
    %max3A_497 = arith.maximumf %max3A_488, %max3A_492 : vector<16xf32>
    %min3A_498 = arith.minimumf %max3A_488, %max3A_492 : vector<16xf32>
    %max3A_499 = arith.maximumf %max3A_489, %max3A_493 : vector<16xf32>
    %min3A_500 = arith.minimumf %max3A_489, %max3A_493 : vector<16xf32>
    %max3A_501 = arith.maximumf %max3A_490, %max3A_494 : vector<16xf32>
    %min3A_502 = arith.minimumf %max3A_490, %max3A_494 : vector<16xf32>
    %max3A_503 = arith.maximumf %max3A_495, %max3A_499 : vector<16xf32>
    %min3A_504 = arith.minimumf %max3A_495, %max3A_499 : vector<16xf32>
    %max3A_505 = arith.maximumf %max3A_497, %max3A_501 : vector<16xf32>
    %min3A_506 = arith.minimumf %max3A_497, %max3A_501 : vector<16xf32>
    %max3A_507 = arith.maximumf %min3A_496, %min3A_500 : vector<16xf32>
    %min3A_508 = arith.minimumf %min3A_496, %min3A_500 : vector<16xf32>
    %max3A_509 = arith.maximumf %min3A_498, %min3A_502 : vector<16xf32>
    %min3A_510 = arith.minimumf %min3A_498, %min3A_502 : vector<16xf32>
    %max3A_511 = arith.maximumf %max3A_503, %max3A_505 : vector<16xf32>
    %min3A_512 = arith.minimumf %max3A_503, %max3A_505 : vector<16xf32>
    %max3A_513 = arith.maximumf %min3A_504, %min3A_506 : vector<16xf32>
    %min3A_514 = arith.minimumf %min3A_504, %min3A_506 : vector<16xf32>
    %max3A_515 = arith.maximumf %max3A_507, %max3A_509 : vector<16xf32>
    %min3A_516 = arith.minimumf %max3A_507, %max3A_509 : vector<16xf32>
    %max3A_517 = arith.maximumf %min3A_508, %min3A_510 : vector<16xf32>
    %min3A_518 = arith.minimumf %min3A_508, %min3A_510 : vector<16xf32>
    %broadcast_in_dim3A_519 = vector.shape_cast %xor3A_59 : vector<16xi32> to vector<16x1xi32>
    %gather3A_520 = vector.shape_cast %broadcast_in_dim3A_519 : vector<16x1xi32> to vector<16xi32>
    %gather3A_521 = tpu.dynamic_gather %max3A_511[%gather3A_520] in [0] : vector<16xf32>, vector<16xi32> -> vector<16xf32>
    %broadcast_in_dim3A_522 = vector.shape_cast %xor3A_59 : vector<16xi32> to vector<16x1xi32>
    %gather3A_523 = vector.shape_cast %broadcast_in_dim3A_522 : vector<16x1xi32> to vector<16xi32>
    %gather3A_524 = tpu.dynamic_gather %min3A_512[%gather3A_523] in [0] : vector<16xf32>, vector<16xi32> -> vector<16xf32>
    %broadcast_in_dim3A_525 = vector.shape_cast %xor3A_59 : vector<16xi32> to vector<16x1xi32>
    %gather3A_526 = vector.shape_cast %broadcast_in_dim3A_525 : vector<16x1xi32> to vector<16xi32>
    %gather3A_527 = tpu.dynamic_gather %max3A_513[%gather3A_526] in [0] : vector<16xf32>, vector<16xi32> -> vector<16xf32>
    %broadcast_in_dim3A_528 = vector.shape_cast %xor3A_59 : vector<16xi32> to vector<16x1xi32>
    %gather3A_529 = vector.shape_cast %broadcast_in_dim3A_528 : vector<16x1xi32> to vector<16xi32>
    %gather3A_530 = tpu.dynamic_gather %min3A_514[%gather3A_529] in [0] : vector<16xf32>, vector<16xi32> -> vector<16xf32>
    %broadcast_in_dim3A_531 = vector.shape_cast %xor3A_59 : vector<16xi32> to vector<16x1xi32>
    %gather3A_532 = vector.shape_cast %broadcast_in_dim3A_531 : vector<16x1xi32> to vector<16xi32>
    %gather3A_533 = tpu.dynamic_gather %max3A_515[%gather3A_532] in [0] : vector<16xf32>, vector<16xi32> -> vector<16xf32>
    %broadcast_in_dim3A_534 = vector.shape_cast %xor3A_59 : vector<16xi32> to vector<16x1xi32>
    %gather3A_535 = vector.shape_cast %broadcast_in_dim3A_534 : vector<16x1xi32> to vector<16xi32>
    %gather3A_536 = tpu.dynamic_gather %min3A_516[%gather3A_535] in [0] : vector<16xf32>, vector<16xi32> -> vector<16xf32>
    %broadcast_in_dim3A_537 = vector.shape_cast %xor3A_59 : vector<16xi32> to vector<16x1xi32>
    %gather3A_538 = vector.shape_cast %broadcast_in_dim3A_537 : vector<16x1xi32> to vector<16xi32>
    %gather3A_539 = tpu.dynamic_gather %max3A_517[%gather3A_538] in [0] : vector<16xf32>, vector<16xi32> -> vector<16xf32>
    %broadcast_in_dim3A_540 = vector.shape_cast %xor3A_59 : vector<16xi32> to vector<16x1xi32>
    %gather3A_541 = vector.shape_cast %broadcast_in_dim3A_540 : vector<16x1xi32> to vector<16xi32>
    %gather3A_542 = tpu.dynamic_gather %min3A_518[%gather3A_541] in [0] : vector<16xf32>, vector<16xi32> -> vector<16xf32>
    %max3A_543 = arith.maximumf %max3A_511, %gather3A_542 : vector<16xf32>
    %max3A_544 = arith.maximumf %min3A_512, %gather3A_539 : vector<16xf32>
    %max3A_545 = arith.maximumf %max3A_513, %gather3A_536 : vector<16xf32>
    %max3A_546 = arith.maximumf %min3A_514, %gather3A_533 : vector<16xf32>
    %max3A_547 = arith.maximumf %max3A_515, %gather3A_530 : vector<16xf32>
    %max3A_548 = arith.maximumf %min3A_516, %gather3A_527 : vector<16xf32>
    %max3A_549 = arith.maximumf %max3A_517, %gather3A_524 : vector<16xf32>
    %max3A_550 = arith.maximumf %min3A_518, %gather3A_521 : vector<16xf32>
    %max3A_551 = arith.maximumf %max3A_543, %max3A_547 : vector<16xf32>
    %min3A_552 = arith.minimumf %max3A_543, %max3A_547 : vector<16xf32>
    %max3A_553 = arith.maximumf %max3A_544, %max3A_548 : vector<16xf32>
    %min3A_554 = arith.minimumf %max3A_544, %max3A_548 : vector<16xf32>
    %max3A_555 = arith.maximumf %max3A_545, %max3A_549 : vector<16xf32>
    %min3A_556 = arith.minimumf %max3A_545, %max3A_549 : vector<16xf32>
    %max3A_557 = arith.maximumf %max3A_546, %max3A_550 : vector<16xf32>
    %min3A_558 = arith.minimumf %max3A_546, %max3A_550 : vector<16xf32>
    %max3A_559 = arith.maximumf %max3A_551, %max3A_555 : vector<16xf32>
    %min3A_560 = arith.minimumf %max3A_551, %max3A_555 : vector<16xf32>
    %max3A_561 = arith.maximumf %max3A_553, %max3A_557 : vector<16xf32>
    %min3A_562 = arith.minimumf %max3A_553, %max3A_557 : vector<16xf32>
    %max3A_563 = arith.maximumf %min3A_552, %min3A_556 : vector<16xf32>
    %min3A_564 = arith.minimumf %min3A_552, %min3A_556 : vector<16xf32>
    %max3A_565 = arith.maximumf %min3A_554, %min3A_558 : vector<16xf32>
    %min3A_566 = arith.minimumf %min3A_554, %min3A_558 : vector<16xf32>
    %max3A_567 = arith.maximumf %max3A_559, %max3A_561 : vector<16xf32>
    %min3A_568 = arith.minimumf %max3A_559, %max3A_561 : vector<16xf32>
    %max3A_569 = arith.maximumf %min3A_560, %min3A_562 : vector<16xf32>
    %min3A_570 = arith.minimumf %min3A_560, %min3A_562 : vector<16xf32>
    %max3A_571 = arith.maximumf %max3A_563, %max3A_565 : vector<16xf32>
    %min3A_572 = arith.minimumf %max3A_563, %max3A_565 : vector<16xf32>
    %max3A_573 = arith.maximumf %min3A_564, %min3A_566 : vector<16xf32>
    %min3A_574 = arith.minimumf %min3A_564, %min3A_566 : vector<16xf32>
    %broadcast_in_dim3A_575 = arith.constant 0 : i32
    %broadcast_in_dim3A_576 = vector.broadcast %broadcast_in_dim3A_575 : i32 to vector<16xi32>
    %ge3A = arith.cmpf oge, %scan3A_108#0, %min3A_340 : vector<16xf32>
    %mul3A_577 = arith.constant 4 : i32
    %mul3A_578 = vector.broadcast %mul3A_577 : i32 to vector<16xi32>
    %mul3A_579 = arith.muli %iota3A, %mul3A_578 : vector<16xi32>
    %add3A_580 = arith.constant 0 : i32
    %add3A_581 = vector.broadcast %add3A_580 : i32 to vector<16xi32>
    %add3A_582 = arith.addi %mul3A_579, %add3A_581 : vector<16xi32>
    %select_n3A = arith.select %ge3A, %add3A_582, %broadcast_in_dim3A_48 : vector<16xi1>, vector<16xi32>
    %jit3A = arith.constant 1 : i32
    %jit3A_583 = arith.constant 0 : i32
    %broadcast_in_dim3A_584 = vector.broadcast %jit3A : i32 to vector<16xi32>
    %broadcast_in_dim3A_585 = vector.broadcast %jit3A_583 : i32 to vector<16xi32>
    %select_n3A_586 = arith.select %ge3A, %broadcast_in_dim3A_584, %broadcast_in_dim3A_585 : vector<16xi1>, vector<16xi32>
    %add3A_587 = arith.addi %broadcast_in_dim3A_576, %select_n3A_586 : vector<16xi32>
    %ge3A_588 = arith.cmpf oge, %scan3A_108#1, %min3A_340 : vector<16xf32>
    %mul3A_589 = arith.constant 4 : i32
    %mul3A_590 = vector.broadcast %mul3A_589 : i32 to vector<16xi32>
    %mul3A_591 = arith.muli %iota3A, %mul3A_590 : vector<16xi32>
    %add3A_592 = arith.constant 1 : i32
    %add3A_593 = vector.broadcast %add3A_592 : i32 to vector<16xi32>
    %add3A_594 = arith.addi %mul3A_591, %add3A_593 : vector<16xi32>
    %select_n3A_595 = arith.select %ge3A_588, %add3A_594, %broadcast_in_dim3A_48 : vector<16xi1>, vector<16xi32>
    %jit3A_596 = arith.constant 1 : i32
    %jit3A_597 = arith.constant 0 : i32
    %broadcast_in_dim3A_598 = vector.broadcast %jit3A_596 : i32 to vector<16xi32>
    %broadcast_in_dim3A_599 = vector.broadcast %jit3A_597 : i32 to vector<16xi32>
    %select_n3A_600 = arith.select %ge3A_588, %broadcast_in_dim3A_598, %broadcast_in_dim3A_599 : vector<16xi1>, vector<16xi32>
    %add3A_601 = arith.addi %add3A_587, %select_n3A_600 : vector<16xi32>
    %ge3A_602 = arith.cmpf oge, %scan3A_108#2, %min3A_340 : vector<16xf32>
    %mul3A_603 = arith.constant 4 : i32
    %mul3A_604 = vector.broadcast %mul3A_603 : i32 to vector<16xi32>
    %mul3A_605 = arith.muli %iota3A, %mul3A_604 : vector<16xi32>
    %add3A_606 = arith.constant 2 : i32
    %add3A_607 = vector.broadcast %add3A_606 : i32 to vector<16xi32>
    %add3A_608 = arith.addi %mul3A_605, %add3A_607 : vector<16xi32>
    %select_n3A_609 = arith.select %ge3A_602, %add3A_608, %broadcast_in_dim3A_48 : vector<16xi1>, vector<16xi32>
    %jit3A_610 = arith.constant 1 : i32
    %jit3A_611 = arith.constant 0 : i32
    %broadcast_in_dim3A_612 = vector.broadcast %jit3A_610 : i32 to vector<16xi32>
    %broadcast_in_dim3A_613 = vector.broadcast %jit3A_611 : i32 to vector<16xi32>
    %select_n3A_614 = arith.select %ge3A_602, %broadcast_in_dim3A_612, %broadcast_in_dim3A_613 : vector<16xi1>, vector<16xi32>
    %add3A_615 = arith.addi %add3A_601, %select_n3A_614 : vector<16xi32>
    %ge3A_616 = arith.cmpf oge, %scan3A_108#3, %min3A_340 : vector<16xf32>
    %mul3A_617 = arith.constant 4 : i32
    %mul3A_618 = vector.broadcast %mul3A_617 : i32 to vector<16xi32>
    %mul3A_619 = arith.muli %iota3A, %mul3A_618 : vector<16xi32>
    %add3A_620 = arith.constant 3 : i32
    %add3A_621 = vector.broadcast %add3A_620 : i32 to vector<16xi32>
    %add3A_622 = arith.addi %mul3A_619, %add3A_621 : vector<16xi32>
    %select_n3A_623 = arith.select %ge3A_616, %add3A_622, %broadcast_in_dim3A_48 : vector<16xi1>, vector<16xi32>
    %jit3A_624 = arith.constant 1 : i32
    %jit3A_625 = arith.constant 0 : i32
    %broadcast_in_dim3A_626 = vector.broadcast %jit3A_624 : i32 to vector<16xi32>
    %broadcast_in_dim3A_627 = vector.broadcast %jit3A_625 : i32 to vector<16xi32>
    %select_n3A_628 = arith.select %ge3A_616, %broadcast_in_dim3A_626, %broadcast_in_dim3A_627 : vector<16xi1>, vector<16xi32>
    %add3A_629 = arith.addi %add3A_615, %select_n3A_628 : vector<16xi32>
    %broadcast_in_dim3A_630 = vector.shape_cast %xor3A_50 : vector<16xi32> to vector<16x1xi32>
    %gather3A_631 = vector.shape_cast %broadcast_in_dim3A_630 : vector<16x1xi32> to vector<16xi32>
    %gather3A_632 = tpu.dynamic_gather %add3A_629[%gather3A_631] in [0] : vector<16xi32>, vector<16xi32> -> vector<16xi32>
    %add3A_633 = arith.addi %add3A_629, %gather3A_632 : vector<16xi32>
    %broadcast_in_dim3A_634 = vector.shape_cast %xor3A_53 : vector<16xi32> to vector<16x1xi32>
    %gather3A_635 = vector.shape_cast %broadcast_in_dim3A_634 : vector<16x1xi32> to vector<16xi32>
    %gather3A_636 = tpu.dynamic_gather %add3A_633[%gather3A_635] in [0] : vector<16xi32>, vector<16xi32> -> vector<16xi32>
    %add3A_637 = arith.addi %add3A_633, %gather3A_636 : vector<16xi32>
    %broadcast_in_dim3A_638 = vector.shape_cast %xor3A_56 : vector<16xi32> to vector<16x1xi32>
    %gather3A_639 = vector.shape_cast %broadcast_in_dim3A_638 : vector<16x1xi32> to vector<16xi32>
    %gather3A_640 = tpu.dynamic_gather %add3A_637[%gather3A_639] in [0] : vector<16xi32>, vector<16xi32> -> vector<16xi32>
    %add3A_641 = arith.addi %add3A_637, %gather3A_640 : vector<16xi32>
    %broadcast_in_dim3A_642 = vector.shape_cast %xor3A_59 : vector<16xi32> to vector<16x1xi32>
    %gather3A_643 = vector.shape_cast %broadcast_in_dim3A_642 : vector<16x1xi32> to vector<16xi32>
    %gather3A_644 = tpu.dynamic_gather %add3A_641[%gather3A_643] in [0] : vector<16xi32>, vector<16xi32> -> vector<16xi32>
    %add3A_645 = arith.addi %add3A_641, %gather3A_644 : vector<16xi32>
    %slice3A = vector.extract_strided_slice %add3A_645 {offsets = [0], sizes = [1], strides = [1]} : vector<16xi32> to vector<1xi32>
    %squeeze3A = vector.extract %slice3A[0] : i32 from vector<1xi32>
    %broadcast_in_dim3A_646 = arith.constant 0 : i32
    %broadcast_in_dim3A_647 = vector.broadcast %broadcast_in_dim3A_646 : i32 to vector<16xi32>
    %ge3A_648 = arith.cmpf oge, %scan3A_108#4, %min3A_574 : vector<16xf32>
    %mul3A_649 = arith.constant 4 : i32
    %mul3A_650 = vector.broadcast %mul3A_649 : i32 to vector<16xi32>
    %mul3A_651 = arith.muli %iota3A, %mul3A_650 : vector<16xi32>
    %add3A_652 = arith.constant 0 : i32
    %add3A_653 = vector.broadcast %add3A_652 : i32 to vector<16xi32>
    %add3A_654 = arith.addi %mul3A_651, %add3A_653 : vector<16xi32>
    %select_n3A_655 = arith.select %ge3A_648, %add3A_654, %broadcast_in_dim3A_48 : vector<16xi1>, vector<16xi32>
    %jit3A_656 = arith.constant 1 : i32
    %jit3A_657 = arith.constant 0 : i32
    %broadcast_in_dim3A_658 = vector.broadcast %jit3A_656 : i32 to vector<16xi32>
    %broadcast_in_dim3A_659 = vector.broadcast %jit3A_657 : i32 to vector<16xi32>
    %select_n3A_660 = arith.select %ge3A_648, %broadcast_in_dim3A_658, %broadcast_in_dim3A_659 : vector<16xi1>, vector<16xi32>
    %add3A_661 = arith.addi %broadcast_in_dim3A_647, %select_n3A_660 : vector<16xi32>
    %ge3A_662 = arith.cmpf oge, %scan3A_108#5, %min3A_574 : vector<16xf32>
    %mul3A_663 = arith.constant 4 : i32
    %mul3A_664 = vector.broadcast %mul3A_663 : i32 to vector<16xi32>
    %mul3A_665 = arith.muli %iota3A, %mul3A_664 : vector<16xi32>
    %add3A_666 = arith.constant 1 : i32
    %add3A_667 = vector.broadcast %add3A_666 : i32 to vector<16xi32>
    %add3A_668 = arith.addi %mul3A_665, %add3A_667 : vector<16xi32>
    %select_n3A_669 = arith.select %ge3A_662, %add3A_668, %broadcast_in_dim3A_48 : vector<16xi1>, vector<16xi32>
    %jit3A_670 = arith.constant 1 : i32
    %jit3A_671 = arith.constant 0 : i32
    %broadcast_in_dim3A_672 = vector.broadcast %jit3A_670 : i32 to vector<16xi32>
    %broadcast_in_dim3A_673 = vector.broadcast %jit3A_671 : i32 to vector<16xi32>
    %select_n3A_674 = arith.select %ge3A_662, %broadcast_in_dim3A_672, %broadcast_in_dim3A_673 : vector<16xi1>, vector<16xi32>
    %add3A_675 = arith.addi %add3A_661, %select_n3A_674 : vector<16xi32>
    %ge3A_676 = arith.cmpf oge, %scan3A_108#6, %min3A_574 : vector<16xf32>
    %mul3A_677 = arith.constant 4 : i32
    %mul3A_678 = vector.broadcast %mul3A_677 : i32 to vector<16xi32>
    %mul3A_679 = arith.muli %iota3A, %mul3A_678 : vector<16xi32>
    %add3A_680 = arith.constant 2 : i32
    %add3A_681 = vector.broadcast %add3A_680 : i32 to vector<16xi32>
    %add3A_682 = arith.addi %mul3A_679, %add3A_681 : vector<16xi32>
    %select_n3A_683 = arith.select %ge3A_676, %add3A_682, %broadcast_in_dim3A_48 : vector<16xi1>, vector<16xi32>
    %jit3A_684 = arith.constant 1 : i32
    %jit3A_685 = arith.constant 0 : i32
    %broadcast_in_dim3A_686 = vector.broadcast %jit3A_684 : i32 to vector<16xi32>
    %broadcast_in_dim3A_687 = vector.broadcast %jit3A_685 : i32 to vector<16xi32>
    %select_n3A_688 = arith.select %ge3A_676, %broadcast_in_dim3A_686, %broadcast_in_dim3A_687 : vector<16xi1>, vector<16xi32>
    %add3A_689 = arith.addi %add3A_675, %select_n3A_688 : vector<16xi32>
    %ge3A_690 = arith.cmpf oge, %scan3A_108#7, %min3A_574 : vector<16xf32>
    %mul3A_691 = arith.constant 4 : i32
    %mul3A_692 = vector.broadcast %mul3A_691 : i32 to vector<16xi32>
    %mul3A_693 = arith.muli %iota3A, %mul3A_692 : vector<16xi32>
    %add3A_694 = arith.constant 3 : i32
    %add3A_695 = vector.broadcast %add3A_694 : i32 to vector<16xi32>
    %add3A_696 = arith.addi %mul3A_693, %add3A_695 : vector<16xi32>
    %select_n3A_697 = arith.select %ge3A_690, %add3A_696, %broadcast_in_dim3A_48 : vector<16xi1>, vector<16xi32>
    %jit3A_698 = arith.constant 1 : i32
    %jit3A_699 = arith.constant 0 : i32
    %broadcast_in_dim3A_700 = vector.broadcast %jit3A_698 : i32 to vector<16xi32>
    %broadcast_in_dim3A_701 = vector.broadcast %jit3A_699 : i32 to vector<16xi32>
    %select_n3A_702 = arith.select %ge3A_690, %broadcast_in_dim3A_700, %broadcast_in_dim3A_701 : vector<16xi1>, vector<16xi32>
    %add3A_703 = arith.addi %add3A_689, %select_n3A_702 : vector<16xi32>
    %broadcast_in_dim3A_704 = vector.shape_cast %xor3A_50 : vector<16xi32> to vector<16x1xi32>
    %gather3A_705 = vector.shape_cast %broadcast_in_dim3A_704 : vector<16x1xi32> to vector<16xi32>
    %gather3A_706 = tpu.dynamic_gather %add3A_703[%gather3A_705] in [0] : vector<16xi32>, vector<16xi32> -> vector<16xi32>
    %add3A_707 = arith.addi %add3A_703, %gather3A_706 : vector<16xi32>
    %broadcast_in_dim3A_708 = vector.shape_cast %xor3A_53 : vector<16xi32> to vector<16x1xi32>
    %gather3A_709 = vector.shape_cast %broadcast_in_dim3A_708 : vector<16x1xi32> to vector<16xi32>
    %gather3A_710 = tpu.dynamic_gather %add3A_707[%gather3A_709] in [0] : vector<16xi32>, vector<16xi32> -> vector<16xi32>
    %add3A_711 = arith.addi %add3A_707, %gather3A_710 : vector<16xi32>
    %broadcast_in_dim3A_712 = vector.shape_cast %xor3A_56 : vector<16xi32> to vector<16x1xi32>
    %gather3A_713 = vector.shape_cast %broadcast_in_dim3A_712 : vector<16x1xi32> to vector<16xi32>
    %gather3A_714 = tpu.dynamic_gather %add3A_711[%gather3A_713] in [0] : vector<16xi32>, vector<16xi32> -> vector<16xi32>
    %add3A_715 = arith.addi %add3A_711, %gather3A_714 : vector<16xi32>
    %broadcast_in_dim3A_716 = vector.shape_cast %xor3A_59 : vector<16xi32> to vector<16x1xi32>
    %gather3A_717 = vector.shape_cast %broadcast_in_dim3A_716 : vector<16x1xi32> to vector<16xi32>
    %gather3A_718 = tpu.dynamic_gather %add3A_715[%gather3A_717] in [0] : vector<16xi32>, vector<16xi32> -> vector<16xi32>
    %add3A_719 = arith.addi %add3A_715, %gather3A_718 : vector<16xi32>
    %slice3A_720 = vector.extract_strided_slice %add3A_719 {offsets = [0], sizes = [1], strides = [1]} : vector<16xi32> to vector<1xi32>
    %squeeze3A_721 = vector.extract %slice3A_720[0] : i32 from vector<1xi32>
    %broadcast_in_dim3A_722 = arith.constant 0 : i32
    %broadcast_in_dim3A_723 = vector.broadcast %broadcast_in_dim3A_722 : i32 to vector<16xi32>
    %max3A_724 = arith.maxsi %squeeze3A, %squeeze3A_721 : i32
    %while3A = arith.constant 0 : i32
    %while3A_725 = arith.subi %max3A_724, %while3A : i32
    %while3A_726 = arith.addi %while3A, %while3A_725 : i32
    %while3A_727 = arith.constant 1 : i32
    %while3A_728 = arith.divsi %while3A_725, %while3A_727 : i32
    %while3A_729 = arith.muli %while3A_728, %while3A_727 : i32
    %while3A_730 = arith.addi %while3A, %while3A_729 : i32
    %while3A_731 = arith.constant 1 : i32
    %while3A_732:24 = scf.for %while3A_1214 = %while3A to %while3A_730 step %while3A_731 iter_args(%while3A_1215 = %broadcast_in_dim3A_46, %while3A_1216 = %broadcast_in_dim3A_46, %while3A_1217 = %broadcast_in_dim3A_46, %while3A_1218 = %broadcast_in_dim3A_46, %while3A_1219 = %broadcast_in_dim3A_46, %while3A_1220 = %broadcast_in_dim3A_46, %while3A_1221 = %broadcast_in_dim3A_46, %while3A_1222 = %broadcast_in_dim3A_46, %while3A_1223 = %select_n3A, %while3A_1224 = %select_n3A_595, %while3A_1225 = %select_n3A_609, %while3A_1226 = %select_n3A_623, %while3A_1227 = %broadcast_in_dim3A_46, %while3A_1228 = %broadcast_in_dim3A_46, %while3A_1229 = %broadcast_in_dim3A_46, %while3A_1230 = %broadcast_in_dim3A_46, %while3A_1231 = %broadcast_in_dim3A_46, %while3A_1232 = %broadcast_in_dim3A_46, %while3A_1233 = %broadcast_in_dim3A_46, %while3A_1234 = %broadcast_in_dim3A_46, %while3A_1235 = %select_n3A_655, %while3A_1236 = %select_n3A_669, %while3A_1237 = %select_n3A_683, %while3A_1238 = %select_n3A_697) -> (vector<16xf32>, vector<16xf32>, vector<16xf32>, vector<16xf32>, vector<16xf32>, vector<16xf32>, vector<16xf32>, vector<16xf32>, vector<16xi32>, vector<16xi32>, vector<16xi32>, vector<16xi32>, vector<16xf32>, vector<16xf32>, vector<16xf32>, vector<16xf32>, vector<16xf32>, vector<16xf32>, vector<16xf32>, vector<16xf32>, vector<16xi32>, vector<16xi32>, vector<16xi32>, vector<16xi32>)  : i32 {
      %min3A_1239 = arith.minsi %while3A_1223, %while3A_1224 : vector<16xi32>
      %min3A_1240 = arith.minsi %while3A_1225, %while3A_1226 : vector<16xi32>
      %min3A_1241 = arith.minsi %min3A_1239, %min3A_1240 : vector<16xi32>
      %broadcast_in_dim3A_1242 = vector.shape_cast %xor3A_50 : vector<16xi32> to vector<16x1xi32>
      %gather3A_1243 = vector.shape_cast %broadcast_in_dim3A_1242 : vector<16x1xi32> to vector<16xi32>
      %gather3A_1244 = tpu.dynamic_gather %min3A_1241[%gather3A_1243] in [0] : vector<16xi32>, vector<16xi32> -> vector<16xi32>
      %min3A_1245 = arith.minsi %min3A_1241, %gather3A_1244 : vector<16xi32>
      %broadcast_in_dim3A_1246 = vector.shape_cast %xor3A_53 : vector<16xi32> to vector<16x1xi32>
      %gather3A_1247 = vector.shape_cast %broadcast_in_dim3A_1246 : vector<16x1xi32> to vector<16xi32>
      %gather3A_1248 = tpu.dynamic_gather %min3A_1245[%gather3A_1247] in [0] : vector<16xi32>, vector<16xi32> -> vector<16xi32>
      %min3A_1249 = arith.minsi %min3A_1245, %gather3A_1248 : vector<16xi32>
      %broadcast_in_dim3A_1250 = vector.shape_cast %xor3A_56 : vector<16xi32> to vector<16x1xi32>
      %gather3A_1251 = vector.shape_cast %broadcast_in_dim3A_1250 : vector<16x1xi32> to vector<16xi32>
      %gather3A_1252 = tpu.dynamic_gather %min3A_1249[%gather3A_1251] in [0] : vector<16xi32>, vector<16xi32> -> vector<16xi32>
      %min3A_1253 = arith.minsi %min3A_1249, %gather3A_1252 : vector<16xi32>
      %broadcast_in_dim3A_1254 = vector.shape_cast %xor3A_59 : vector<16xi32> to vector<16x1xi32>
      %gather3A_1255 = vector.shape_cast %broadcast_in_dim3A_1254 : vector<16x1xi32> to vector<16xi32>
      %gather3A_1256 = tpu.dynamic_gather %min3A_1253[%gather3A_1255] in [0] : vector<16xi32>, vector<16xi32> -> vector<16xi32>
      %min3A_1257 = arith.minsi %min3A_1253, %gather3A_1256 : vector<16xi32>
      %eq3A_1258 = arith.cmpi eq, %while3A_1223, %min3A_1257 : vector<16xi32>
      %select_n3A_1259 = arith.select %eq3A_1258, %broadcast_in_dim3A_48, %while3A_1223 : vector<16xi1>, vector<16xi32>
      %eq3A_1260 = arith.cmpi eq, %while3A_1224, %min3A_1257 : vector<16xi32>
      %select_n3A_1261 = arith.select %eq3A_1260, %broadcast_in_dim3A_48, %while3A_1224 : vector<16xi1>, vector<16xi32>
      %eq3A_1262 = arith.cmpi eq, %while3A_1225, %min3A_1257 : vector<16xi32>
      %select_n3A_1263 = arith.select %eq3A_1262, %broadcast_in_dim3A_48, %while3A_1225 : vector<16xi1>, vector<16xi32>
      %eq3A_1264 = arith.cmpi eq, %while3A_1226, %min3A_1257 : vector<16xi32>
      %select_n3A_1265 = arith.select %eq3A_1264, %broadcast_in_dim3A_48, %while3A_1226 : vector<16xi1>, vector<16xi32>
      %slice3A_1266 = vector.extract_strided_slice %min3A_1257 {offsets = [0], sizes = [1], strides = [1]} : vector<16xi32> to vector<1xi32>
      %squeeze3A_1267 = vector.extract %slice3A_1266[0] : i32 from vector<1xi32>
      %min3A_1268 = arith.constant 63 : i32
      %min3A_1269 = arith.minsi %squeeze3A_1267, %min3A_1268 : i32
      %mul3A_1270 = arith.constant 128 : i32
      %mul3A_1271 = arith.muli %min3A_1269, %mul3A_1270 : i32
      %lt3A = arith.cmpi slt, %min3A_1257, %broadcast_in_dim3A_48 : vector<16xi32>
      %add3A_1272 = arith.constant 0 : i32
      %add3A_1273 = arith.addi %mul3A_1271, %add3A_1272 : i32
      %get3A = arith.index_cast %add3A_1273 : i32 to index
      %get3A_1274 = tpu.vector_load %arg4[%get3A] {strides = array<i32>} : memref<8192xf32, #tpu.memory_space<vmem>>, vector<16xf32>,
      %get3A_1275 = vector.shape_cast %get3A_1274 : vector<16xf32> to vector<16xf32>
      %select_n3A_1276 = arith.select %lt3A, %get3A_1275, %broadcast_in_dim3A_46 : vector<16xi1>, vector<16xf32>
      %add3A_1277 = arith.constant 16 : i32
      %add3A_1278 = arith.addi %mul3A_1271, %add3A_1277 : i32
      %get3A_1279 = arith.index_cast %add3A_1278 : i32 to index
      %get3A_1280 = tpu.vector_load %arg4[%get3A_1279] {strides = array<i32>} : memref<8192xf32, #tpu.memory_space<vmem>>, vector<16xf32>,
      %get3A_1281 = vector.shape_cast %get3A_1280 : vector<16xf32> to vector<16xf32>
      %select_n3A_1282 = arith.select %lt3A, %get3A_1281, %broadcast_in_dim3A_46 : vector<16xi1>, vector<16xf32>
      %add3A_1283 = arith.constant 32 : i32
      %add3A_1284 = arith.addi %mul3A_1271, %add3A_1283 : i32
      %get3A_1285 = arith.index_cast %add3A_1284 : i32 to index
      %get3A_1286 = tpu.vector_load %arg4[%get3A_1285] {strides = array<i32>} : memref<8192xf32, #tpu.memory_space<vmem>>, vector<16xf32>,
      %get3A_1287 = vector.shape_cast %get3A_1286 : vector<16xf32> to vector<16xf32>
      %select_n3A_1288 = arith.select %lt3A, %get3A_1287, %broadcast_in_dim3A_46 : vector<16xi1>, vector<16xf32>
      %add3A_1289 = arith.constant 48 : i32
      %add3A_1290 = arith.addi %mul3A_1271, %add3A_1289 : i32
      %get3A_1291 = arith.index_cast %add3A_1290 : i32 to index
      %get3A_1292 = tpu.vector_load %arg4[%get3A_1291] {strides = array<i32>} : memref<8192xf32, #tpu.memory_space<vmem>>, vector<16xf32>,
      %get3A_1293 = vector.shape_cast %get3A_1292 : vector<16xf32> to vector<16xf32>
      %select_n3A_1294 = arith.select %lt3A, %get3A_1293, %broadcast_in_dim3A_46 : vector<16xi1>, vector<16xf32>
      %add3A_1295 = arith.constant 64 : i32
      %add3A_1296 = arith.addi %mul3A_1271, %add3A_1295 : i32
      %get3A_1297 = arith.index_cast %add3A_1296 : i32 to index
      %get3A_1298 = tpu.vector_load %arg4[%get3A_1297] {strides = array<i32>} : memref<8192xf32, #tpu.memory_space<vmem>>, vector<16xf32>,
      %get3A_1299 = vector.shape_cast %get3A_1298 : vector<16xf32> to vector<16xf32>
      %select_n3A_1300 = arith.select %lt3A, %get3A_1299, %broadcast_in_dim3A_46 : vector<16xi1>, vector<16xf32>
      %add3A_1301 = arith.constant 80 : i32
      %add3A_1302 = arith.addi %mul3A_1271, %add3A_1301 : i32
      %get3A_1303 = arith.index_cast %add3A_1302 : i32 to index
      %get3A_1304 = tpu.vector_load %arg4[%get3A_1303] {strides = array<i32>} : memref<8192xf32, #tpu.memory_space<vmem>>, vector<16xf32>,
      %get3A_1305 = vector.shape_cast %get3A_1304 : vector<16xf32> to vector<16xf32>
      %select_n3A_1306 = arith.select %lt3A, %get3A_1305, %broadcast_in_dim3A_46 : vector<16xi1>, vector<16xf32>
      %add3A_1307 = arith.constant 96 : i32
      %add3A_1308 = arith.addi %mul3A_1271, %add3A_1307 : i32
      %get3A_1309 = arith.index_cast %add3A_1308 : i32 to index
      %get3A_1310 = tpu.vector_load %arg4[%get3A_1309] {strides = array<i32>} : memref<8192xf32, #tpu.memory_space<vmem>>, vector<16xf32>,
      %get3A_1311 = vector.shape_cast %get3A_1310 : vector<16xf32> to vector<16xf32>
      %select_n3A_1312 = arith.select %lt3A, %get3A_1311, %broadcast_in_dim3A_46 : vector<16xi1>, vector<16xf32>
      %add3A_1313 = arith.constant 112 : i32
      %add3A_1314 = arith.addi %mul3A_1271, %add3A_1313 : i32
      %get3A_1315 = arith.index_cast %add3A_1314 : i32 to index
      %get3A_1316 = tpu.vector_load %arg4[%get3A_1315] {strides = array<i32>} : memref<8192xf32, #tpu.memory_space<vmem>>, vector<16xf32>,
      %get3A_1317 = vector.shape_cast %get3A_1316 : vector<16xf32> to vector<16xf32>
      %select_n3A_1318 = arith.select %lt3A, %get3A_1317, %broadcast_in_dim3A_46 : vector<16xi1>, vector<16xf32>
      %max3A_1319 = arith.maximumf %select_n3A_1276, %select_n3A_1282 : vector<16xf32>
      %min3A_1320 = arith.minimumf %select_n3A_1276, %select_n3A_1282 : vector<16xf32>
      %max3A_1321 = arith.maximumf %select_n3A_1288, %select_n3A_1294 : vector<16xf32>
      %min3A_1322 = arith.minimumf %select_n3A_1288, %select_n3A_1294 : vector<16xf32>
      %max3A_1323 = arith.maximumf %select_n3A_1300, %select_n3A_1306 : vector<16xf32>
      %min3A_1324 = arith.minimumf %select_n3A_1300, %select_n3A_1306 : vector<16xf32>
      %max3A_1325 = arith.maximumf %select_n3A_1312, %select_n3A_1318 : vector<16xf32>
      %min3A_1326 = arith.minimumf %select_n3A_1312, %select_n3A_1318 : vector<16xf32>
      %max3A_1327 = arith.maximumf %max3A_1319, %max3A_1321 : vector<16xf32>
      %min3A_1328 = arith.minimumf %max3A_1319, %max3A_1321 : vector<16xf32>
      %max3A_1329 = arith.maximumf %min3A_1320, %min3A_1322 : vector<16xf32>
      %min3A_1330 = arith.minimumf %min3A_1320, %min3A_1322 : vector<16xf32>
      %max3A_1331 = arith.maximumf %max3A_1323, %max3A_1325 : vector<16xf32>
      %min3A_1332 = arith.minimumf %max3A_1323, %max3A_1325 : vector<16xf32>
      %max3A_1333 = arith.maximumf %min3A_1324, %min3A_1326 : vector<16xf32>
      %min3A_1334 = arith.minimumf %min3A_1324, %min3A_1326 : vector<16xf32>
      %max3A_1335 = arith.maximumf %max3A_1329, %min3A_1328 : vector<16xf32>
      %min3A_1336 = arith.minimumf %max3A_1329, %min3A_1328 : vector<16xf32>
      %max3A_1337 = arith.maximumf %max3A_1333, %min3A_1332 : vector<16xf32>
      %min3A_1338 = arith.minimumf %max3A_1333, %min3A_1332 : vector<16xf32>
      %max3A_1339 = arith.maximumf %max3A_1327, %max3A_1331 : vector<16xf32>
      %min3A_1340 = arith.minimumf %max3A_1327, %max3A_1331 : vector<16xf32>
      %max3A_1341 = arith.maximumf %max3A_1335, %max3A_1337 : vector<16xf32>
      %min3A_1342 = arith.minimumf %max3A_1335, %max3A_1337 : vector<16xf32>
      %max3A_1343 = arith.maximumf %min3A_1336, %min3A_1338 : vector<16xf32>
      %min3A_1344 = arith.minimumf %min3A_1336, %min3A_1338 : vector<16xf32>
      %max3A_1345 = arith.maximumf %min3A_1330, %min3A_1334 : vector<16xf32>
      %min3A_1346 = arith.minimumf %min3A_1330, %min3A_1334 : vector<16xf32>
      %max3A_1347 = arith.maximumf %max3A_1343, %min3A_1340 : vector<16xf32>
      %min3A_1348 = arith.minimumf %max3A_1343, %min3A_1340 : vector<16xf32>
      %max3A_1349 = arith.maximumf %max3A_1345, %min3A_1342 : vector<16xf32>
      %min3A_1350 = arith.minimumf %max3A_1345, %min3A_1342 : vector<16xf32>
      %max3A_1351 = arith.maximumf %max3A_1341, %max3A_1347 : vector<16xf32>
      %min3A_1352 = arith.minimumf %max3A_1341, %max3A_1347 : vector<16xf32>
      %max3A_1353 = arith.maximumf %max3A_1349, %min3A_1348 : vector<16xf32>
      %min3A_1354 = arith.minimumf %max3A_1349, %min3A_1348 : vector<16xf32>
      %max3A_1355 = arith.maximumf %min3A_1350, %min3A_1344 : vector<16xf32>
      %min3A_1356 = arith.minimumf %min3A_1350, %min3A_1344 : vector<16xf32>
      %max3A_1357 = arith.maximumf %while3A_1215, %min3A_1346 : vector<16xf32>
      %max3A_1358 = arith.maximumf %while3A_1216, %min3A_1356 : vector<16xf32>
      %max3A_1359 = arith.maximumf %while3A_1217, %max3A_1355 : vector<16xf32>
      %max3A_1360 = arith.maximumf %while3A_1218, %min3A_1354 : vector<16xf32>
      %max3A_1361 = arith.maximumf %while3A_1219, %max3A_1353 : vector<16xf32>
      %max3A_1362 = arith.maximumf %while3A_1220, %min3A_1352 : vector<16xf32>
      %max3A_1363 = arith.maximumf %while3A_1221, %max3A_1351 : vector<16xf32>
      %max3A_1364 = arith.maximumf %while3A_1222, %max3A_1339 : vector<16xf32>
      %max3A_1365 = arith.maximumf %max3A_1357, %max3A_1361 : vector<16xf32>
      %min3A_1366 = arith.minimumf %max3A_1357, %max3A_1361 : vector<16xf32>
      %max3A_1367 = arith.maximumf %max3A_1358, %max3A_1362 : vector<16xf32>
      %min3A_1368 = arith.minimumf %max3A_1358, %max3A_1362 : vector<16xf32>
      %max3A_1369 = arith.maximumf %max3A_1359, %max3A_1363 : vector<16xf32>
      %min3A_1370 = arith.minimumf %max3A_1359, %max3A_1363 : vector<16xf32>
      %max3A_1371 = arith.maximumf %max3A_1360, %max3A_1364 : vector<16xf32>
      %min3A_1372 = arith.minimumf %max3A_1360, %max3A_1364 : vector<16xf32>
      %max3A_1373 = arith.maximumf %max3A_1365, %max3A_1369 : vector<16xf32>
      %min3A_1374 = arith.minimumf %max3A_1365, %max3A_1369 : vector<16xf32>
      %max3A_1375 = arith.maximumf %max3A_1367, %max3A_1371 : vector<16xf32>
      %min3A_1376 = arith.minimumf %max3A_1367, %max3A_1371 : vector<16xf32>
      %max3A_1377 = arith.maximumf %min3A_1366, %min3A_1370 : vector<16xf32>
      %min3A_1378 = arith.minimumf %min3A_1366, %min3A_1370 : vector<16xf32>
      %max3A_1379 = arith.maximumf %min3A_1368, %min3A_1372 : vector<16xf32>
      %min3A_1380 = arith.minimumf %min3A_1368, %min3A_1372 : vector<16xf32>
      %max3A_1381 = arith.maximumf %max3A_1373, %max3A_1375 : vector<16xf32>
      %min3A_1382 = arith.minimumf %max3A_1373, %max3A_1375 : vector<16xf32>
      %max3A_1383 = arith.maximumf %min3A_1374, %min3A_1376 : vector<16xf32>
      %min3A_1384 = arith.minimumf %min3A_1374, %min3A_1376 : vector<16xf32>
      %max3A_1385 = arith.maximumf %max3A_1377, %max3A_1379 : vector<16xf32>
      %min3A_1386 = arith.minimumf %max3A_1377, %max3A_1379 : vector<16xf32>
      %max3A_1387 = arith.maximumf %min3A_1378, %min3A_1380 : vector<16xf32>
      %min3A_1388 = arith.minimumf %min3A_1378, %min3A_1380 : vector<16xf32>
      %min3A_1389 = arith.minsi %while3A_1235, %while3A_1236 : vector<16xi32>
      %min3A_1390 = arith.minsi %while3A_1237, %while3A_1238 : vector<16xi32>
      %min3A_1391 = arith.minsi %min3A_1389, %min3A_1390 : vector<16xi32>
      %broadcast_in_dim3A_1392 = vector.shape_cast %xor3A_50 : vector<16xi32> to vector<16x1xi32>
      %gather3A_1393 = vector.shape_cast %broadcast_in_dim3A_1392 : vector<16x1xi32> to vector<16xi32>
      %gather3A_1394 = tpu.dynamic_gather %min3A_1391[%gather3A_1393] in [0] : vector<16xi32>, vector<16xi32> -> vector<16xi32>
      %min3A_1395 = arith.minsi %min3A_1391, %gather3A_1394 : vector<16xi32>
      %broadcast_in_dim3A_1396 = vector.shape_cast %xor3A_53 : vector<16xi32> to vector<16x1xi32>
      %gather3A_1397 = vector.shape_cast %broadcast_in_dim3A_1396 : vector<16x1xi32> to vector<16xi32>
      %gather3A_1398 = tpu.dynamic_gather %min3A_1395[%gather3A_1397] in [0] : vector<16xi32>, vector<16xi32> -> vector<16xi32>
      %min3A_1399 = arith.minsi %min3A_1395, %gather3A_1398 : vector<16xi32>
      %broadcast_in_dim3A_1400 = vector.shape_cast %xor3A_56 : vector<16xi32> to vector<16x1xi32>
      %gather3A_1401 = vector.shape_cast %broadcast_in_dim3A_1400 : vector<16x1xi32> to vector<16xi32>
      %gather3A_1402 = tpu.dynamic_gather %min3A_1399[%gather3A_1401] in [0] : vector<16xi32>, vector<16xi32> -> vector<16xi32>
      %min3A_1403 = arith.minsi %min3A_1399, %gather3A_1402 : vector<16xi32>
      %broadcast_in_dim3A_1404 = vector.shape_cast %xor3A_59 : vector<16xi32> to vector<16x1xi32>
      %gather3A_1405 = vector.shape_cast %broadcast_in_dim3A_1404 : vector<16x1xi32> to vector<16xi32>
      %gather3A_1406 = tpu.dynamic_gather %min3A_1403[%gather3A_1405] in [0] : vector<16xi32>, vector<16xi32> -> vector<16xi32>
      %min3A_1407 = arith.minsi %min3A_1403, %gather3A_1406 : vector<16xi32>
      %eq3A_1408 = arith.cmpi eq, %while3A_1235, %min3A_1407 : vector<16xi32>
      %select_n3A_1409 = arith.select %eq3A_1408, %broadcast_in_dim3A_48, %while3A_1235 : vector<16xi1>, vector<16xi32>
      %eq3A_1410 = arith.cmpi eq, %while3A_1236, %min3A_1407 : vector<16xi32>
      %select_n3A_1411 = arith.select %eq3A_1410, %broadcast_in_dim3A_48, %while3A_1236 : vector<16xi1>, vector<16xi32>
      %eq3A_1412 = arith.cmpi eq, %while3A_1237, %min3A_1407 : vector<16xi32>
      %select_n3A_1413 = arith.select %eq3A_1412, %broadcast_in_dim3A_48, %while3A_1237 : vector<16xi1>, vector<16xi32>
      %eq3A_1414 = arith.cmpi eq, %while3A_1238, %min3A_1407 : vector<16xi32>
      %select_n3A_1415 = arith.select %eq3A_1414, %broadcast_in_dim3A_48, %while3A_1238 : vector<16xi1>, vector<16xi32>
      %slice3A_1416 = vector.extract_strided_slice %min3A_1407 {offsets = [0], sizes = [1], strides = [1]} : vector<16xi32> to vector<1xi32>
      %squeeze3A_1417 = vector.extract %slice3A_1416[0] : i32 from vector<1xi32>
      %min3A_1418 = arith.constant 63 : i32
      %min3A_1419 = arith.minsi %squeeze3A_1417, %min3A_1418 : i32
      %mul3A_1420 = arith.constant 128 : i32
      %mul3A_1421 = arith.muli %min3A_1419, %mul3A_1420 : i32
      %lt3A_1422 = arith.cmpi slt, %min3A_1407, %broadcast_in_dim3A_48 : vector<16xi32>
      %add3A_1423 = arith.constant 0 : i32
      %add3A_1424 = arith.addi %mul3A_1421, %add3A_1423 : i32
      %get3A_1425 = arith.index_cast %add3A_1424 : i32 to index
      %get3A_1426 = tpu.vector_load %arg5[%get3A_1425] {strides = array<i32>} : memref<8192xf32, #tpu.memory_space<vmem>>, vector<16xf32>,
      %get3A_1427 = vector.shape_cast %get3A_1426 : vector<16xf32> to vector<16xf32>
      %select_n3A_1428 = arith.select %lt3A_1422, %get3A_1427, %broadcast_in_dim3A_46 : vector<16xi1>, vector<16xf32>
      %add3A_1429 = arith.constant 16 : i32
      %add3A_1430 = arith.addi %mul3A_1421, %add3A_1429 : i32
      %get3A_1431 = arith.index_cast %add3A_1430 : i32 to index
      %get3A_1432 = tpu.vector_load %arg5[%get3A_1431] {strides = array<i32>} : memref<8192xf32, #tpu.memory_space<vmem>>, vector<16xf32>,
      %get3A_1433 = vector.shape_cast %get3A_1432 : vector<16xf32> to vector<16xf32>
      %select_n3A_1434 = arith.select %lt3A_1422, %get3A_1433, %broadcast_in_dim3A_46 : vector<16xi1>, vector<16xf32>
      %add3A_1435 = arith.constant 32 : i32
      %add3A_1436 = arith.addi %mul3A_1421, %add3A_1435 : i32
      %get3A_1437 = arith.index_cast %add3A_1436 : i32 to index
      %get3A_1438 = tpu.vector_load %arg5[%get3A_1437] {strides = array<i32>} : memref<8192xf32, #tpu.memory_space<vmem>>, vector<16xf32>,
      %get3A_1439 = vector.shape_cast %get3A_1438 : vector<16xf32> to vector<16xf32>
      %select_n3A_1440 = arith.select %lt3A_1422, %get3A_1439, %broadcast_in_dim3A_46 : vector<16xi1>, vector<16xf32>
      %add3A_1441 = arith.constant 48 : i32
      %add3A_1442 = arith.addi %mul3A_1421, %add3A_1441 : i32
      %get3A_1443 = arith.index_cast %add3A_1442 : i32 to index
      %get3A_1444 = tpu.vector_load %arg5[%get3A_1443] {strides = array<i32>} : memref<8192xf32, #tpu.memory_space<vmem>>, vector<16xf32>,
      %get3A_1445 = vector.shape_cast %get3A_1444 : vector<16xf32> to vector<16xf32>
      %select_n3A_1446 = arith.select %lt3A_1422, %get3A_1445, %broadcast_in_dim3A_46 : vector<16xi1>, vector<16xf32>
      %add3A_1447 = arith.constant 64 : i32
      %add3A_1448 = arith.addi %mul3A_1421, %add3A_1447 : i32
      %get3A_1449 = arith.index_cast %add3A_1448 : i32 to index
      %get3A_1450 = tpu.vector_load %arg5[%get3A_1449] {strides = array<i32>} : memref<8192xf32, #tpu.memory_space<vmem>>, vector<16xf32>,
      %get3A_1451 = vector.shape_cast %get3A_1450 : vector<16xf32> to vector<16xf32>
      %select_n3A_1452 = arith.select %lt3A_1422, %get3A_1451, %broadcast_in_dim3A_46 : vector<16xi1>, vector<16xf32>
      %add3A_1453 = arith.constant 80 : i32
      %add3A_1454 = arith.addi %mul3A_1421, %add3A_1453 : i32
      %get3A_1455 = arith.index_cast %add3A_1454 : i32 to index
      %get3A_1456 = tpu.vector_load %arg5[%get3A_1455] {strides = array<i32>} : memref<8192xf32, #tpu.memory_space<vmem>>, vector<16xf32>,
      %get3A_1457 = vector.shape_cast %get3A_1456 : vector<16xf32> to vector<16xf32>
      %select_n3A_1458 = arith.select %lt3A_1422, %get3A_1457, %broadcast_in_dim3A_46 : vector<16xi1>, vector<16xf32>
      %add3A_1459 = arith.constant 96 : i32
      %add3A_1460 = arith.addi %mul3A_1421, %add3A_1459 : i32
      %get3A_1461 = arith.index_cast %add3A_1460 : i32 to index
      %get3A_1462 = tpu.vector_load %arg5[%get3A_1461] {strides = array<i32>} : memref<8192xf32, #tpu.memory_space<vmem>>, vector<16xf32>,
      %get3A_1463 = vector.shape_cast %get3A_1462 : vector<16xf32> to vector<16xf32>
      %select_n3A_1464 = arith.select %lt3A_1422, %get3A_1463, %broadcast_in_dim3A_46 : vector<16xi1>, vector<16xf32>
      %add3A_1465 = arith.constant 112 : i32
      %add3A_1466 = arith.addi %mul3A_1421, %add3A_1465 : i32
      %get3A_1467 = arith.index_cast %add3A_1466 : i32 to index
      %get3A_1468 = tpu.vector_load %arg5[%get3A_1467] {strides = array<i32>} : memref<8192xf32, #tpu.memory_space<vmem>>, vector<16xf32>,
      %get3A_1469 = vector.shape_cast %get3A_1468 : vector<16xf32> to vector<16xf32>
      %select_n3A_1470 = arith.select %lt3A_1422, %get3A_1469, %broadcast_in_dim3A_46 : vector<16xi1>, vector<16xf32>
      %max3A_1471 = arith.maximumf %select_n3A_1428, %select_n3A_1434 : vector<16xf32>
      %min3A_1472 = arith.minimumf %select_n3A_1428, %select_n3A_1434 : vector<16xf32>
      %max3A_1473 = arith.maximumf %select_n3A_1440, %select_n3A_1446 : vector<16xf32>
      %min3A_1474 = arith.minimumf %select_n3A_1440, %select_n3A_1446 : vector<16xf32>
      %max3A_1475 = arith.maximumf %select_n3A_1452, %select_n3A_1458 : vector<16xf32>
      %min3A_1476 = arith.minimumf %select_n3A_1452, %select_n3A_1458 : vector<16xf32>
      %max3A_1477 = arith.maximumf %select_n3A_1464, %select_n3A_1470 : vector<16xf32>
      %min3A_1478 = arith.minimumf %select_n3A_1464, %select_n3A_1470 : vector<16xf32>
      %max3A_1479 = arith.maximumf %max3A_1471, %max3A_1473 : vector<16xf32>
      %min3A_1480 = arith.minimumf %max3A_1471, %max3A_1473 : vector<16xf32>
      %max3A_1481 = arith.maximumf %min3A_1472, %min3A_1474 : vector<16xf32>
      %min3A_1482 = arith.minimumf %min3A_1472, %min3A_1474 : vector<16xf32>
      %max3A_1483 = arith.maximumf %max3A_1475, %max3A_1477 : vector<16xf32>
      %min3A_1484 = arith.minimumf %max3A_1475, %max3A_1477 : vector<16xf32>
      %max3A_1485 = arith.maximumf %min3A_1476, %min3A_1478 : vector<16xf32>
      %min3A_1486 = arith.minimumf %min3A_1476, %min3A_1478 : vector<16xf32>
      %max3A_1487 = arith.maximumf %max3A_1481, %min3A_1480 : vector<16xf32>
      %min3A_1488 = arith.minimumf %max3A_1481, %min3A_1480 : vector<16xf32>
      %max3A_1489 = arith.maximumf %max3A_1485, %min3A_1484 : vector<16xf32>
      %min3A_1490 = arith.minimumf %max3A_1485, %min3A_1484 : vector<16xf32>
      %max3A_1491 = arith.maximumf %max3A_1479, %max3A_1483 : vector<16xf32>
      %min3A_1492 = arith.minimumf %max3A_1479, %max3A_1483 : vector<16xf32>
      %max3A_1493 = arith.maximumf %max3A_1487, %max3A_1489 : vector<16xf32>
      %min3A_1494 = arith.minimumf %max3A_1487, %max3A_1489 : vector<16xf32>
      %max3A_1495 = arith.maximumf %min3A_1488, %min3A_1490 : vector<16xf32>
      %min3A_1496 = arith.minimumf %min3A_1488, %min3A_1490 : vector<16xf32>
      %max3A_1497 = arith.maximumf %min3A_1482, %min3A_1486 : vector<16xf32>
      %min3A_1498 = arith.minimumf %min3A_1482, %min3A_1486 : vector<16xf32>
      %max3A_1499 = arith.maximumf %max3A_1495, %min3A_1492 : vector<16xf32>
      %min3A_1500 = arith.minimumf %max3A_1495, %min3A_1492 : vector<16xf32>
      %max3A_1501 = arith.maximumf %max3A_1497, %min3A_1494 : vector<16xf32>
      %min3A_1502 = arith.minimumf %max3A_1497, %min3A_1494 : vector<16xf32>
      %max3A_1503 = arith.maximumf %max3A_1493, %max3A_1499 : vector<16xf32>
      %min3A_1504 = arith.minimumf %max3A_1493, %max3A_1499 : vector<16xf32>
      %max3A_1505 = arith.maximumf %max3A_1501, %min3A_1500 : vector<16xf32>
      %min3A_1506 = arith.minimumf %max3A_1501, %min3A_1500 : vector<16xf32>
      %max3A_1507 = arith.maximumf %min3A_1502, %min3A_1496 : vector<16xf32>
      %min3A_1508 = arith.minimumf %min3A_1502, %min3A_1496 : vector<16xf32>
      %max3A_1509 = arith.maximumf %while3A_1227, %min3A_1498 : vector<16xf32>
      %max3A_1510 = arith.maximumf %while3A_1228, %min3A_1508 : vector<16xf32>
      %max3A_1511 = arith.maximumf %while3A_1229, %max3A_1507 : vector<16xf32>
      %max3A_1512 = arith.maximumf %while3A_1230, %min3A_1506 : vector<16xf32>
      %max3A_1513 = arith.maximumf %while3A_1231, %max3A_1505 : vector<16xf32>
      %max3A_1514 = arith.maximumf %while3A_1232, %min3A_1504 : vector<16xf32>
      %max3A_1515 = arith.maximumf %while3A_1233, %max3A_1503 : vector<16xf32>
      %max3A_1516 = arith.maximumf %while3A_1234, %max3A_1491 : vector<16xf32>
      %max3A_1517 = arith.maximumf %max3A_1509, %max3A_1513 : vector<16xf32>
      %min3A_1518 = arith.minimumf %max3A_1509, %max3A_1513 : vector<16xf32>
      %max3A_1519 = arith.maximumf %max3A_1510, %max3A_1514 : vector<16xf32>
      %min3A_1520 = arith.minimumf %max3A_1510, %max3A_1514 : vector<16xf32>
      %max3A_1521 = arith.maximumf %max3A_1511, %max3A_1515 : vector<16xf32>
      %min3A_1522 = arith.minimumf %max3A_1511, %max3A_1515 : vector<16xf32>
      %max3A_1523 = arith.maximumf %max3A_1512, %max3A_1516 : vector<16xf32>
      %min3A_1524 = arith.minimumf %max3A_1512, %max3A_1516 : vector<16xf32>
      %max3A_1525 = arith.maximumf %max3A_1517, %max3A_1521 : vector<16xf32>
      %min3A_1526 = arith.minimumf %max3A_1517, %max3A_1521 : vector<16xf32>
      %max3A_1527 = arith.maximumf %max3A_1519, %max3A_1523 : vector<16xf32>
      %min3A_1528 = arith.minimumf %max3A_1519, %max3A_1523 : vector<16xf32>
      %max3A_1529 = arith.maximumf %min3A_1518, %min3A_1522 : vector<16xf32>
      %min3A_1530 = arith.minimumf %min3A_1518, %min3A_1522 : vector<16xf32>
      %max3A_1531 = arith.maximumf %min3A_1520, %min3A_1524 : vector<16xf32>
      %min3A_1532 = arith.minimumf %min3A_1520, %min3A_1524 : vector<16xf32>
      %max3A_1533 = arith.maximumf %max3A_1525, %max3A_1527 : vector<16xf32>
      %min3A_1534 = arith.minimumf %max3A_1525, %max3A_1527 : vector<16xf32>
      %max3A_1535 = arith.maximumf %min3A_1526, %min3A_1528 : vector<16xf32>
      %min3A_1536 = arith.minimumf %min3A_1526, %min3A_1528 : vector<16xf32>
      %max3A_1537 = arith.maximumf %max3A_1529, %max3A_1531 : vector<16xf32>
      %min3A_1538 = arith.minimumf %max3A_1529, %max3A_1531 : vector<16xf32>
      %max3A_1539 = arith.maximumf %min3A_1530, %min3A_1532 : vector<16xf32>
      %min3A_1540 = arith.minimumf %min3A_1530, %min3A_1532 : vector<16xf32>
      scf.yield %max3A_1381, %min3A_1382, %max3A_1383, %min3A_1384, %max3A_1385, %min3A_1386, %max3A_1387, %min3A_1388, %select_n3A_1259, %select_n3A_1261, %select_n3A_1263, %select_n3A_1265, %max3A_1533, %min3A_1534, %max3A_1535, %min3A_1536, %max3A_1537, %min3A_1538, %max3A_1539, %min3A_1540, %select_n3A_1409, %select_n3A_1411, %select_n3A_1413, %select_n3A_1415 : vector<16xf32>, vector<16xf32>, vector<16xf32>, vector<16xf32>, vector<16xf32>, vector<16xf32>, vector<16xf32>, vector<16xf32>, vector<16xi32>, vector<16xi32>, vector<16xi32>, vector<16xi32>, vector<16xf32>, vector<16xf32>, vector<16xf32>, vector<16xf32>, vector<16xf32>, vector<16xf32>, vector<16xf32>, vector<16xf32>, vector<16xi32>, vector<16xi32>, vector<16xi32>, vector<16xi32>
    }
    %while3A_733 = arith.constant 1 : i32
    %while3A_734:24 = scf.for %while3A_1214 = %while3A_730 to %while3A_726 step %while3A_733 iter_args(%while3A_1215 = %while3A_732#0, %while3A_1216 = %while3A_732#1, %while3A_1217 = %while3A_732#2, %while3A_1218 = %while3A_732#3, %while3A_1219 = %while3A_732#4, %while3A_1220 = %while3A_732#5, %while3A_1221 = %while3A_732#6, %while3A_1222 = %while3A_732#7, %while3A_1223 = %while3A_732#8, %while3A_1224 = %while3A_732#9, %while3A_1225 = %while3A_732#10, %while3A_1226 = %while3A_732#11, %while3A_1227 = %while3A_732#12, %while3A_1228 = %while3A_732#13, %while3A_1229 = %while3A_732#14, %while3A_1230 = %while3A_732#15, %while3A_1231 = %while3A_732#16, %while3A_1232 = %while3A_732#17, %while3A_1233 = %while3A_732#18, %while3A_1234 = %while3A_732#19, %while3A_1235 = %while3A_732#20, %while3A_1236 = %while3A_732#21, %while3A_1237 = %while3A_732#22, %while3A_1238 = %while3A_732#23) -> (vector<16xf32>, vector<16xf32>, vector<16xf32>, vector<16xf32>, vector<16xf32>, vector<16xf32>, vector<16xf32>, vector<16xf32>, vector<16xi32>, vector<16xi32>, vector<16xi32>, vector<16xi32>, vector<16xf32>, vector<16xf32>, vector<16xf32>, vector<16xf32>, vector<16xf32>, vector<16xf32>, vector<16xf32>, vector<16xf32>, vector<16xi32>, vector<16xi32>, vector<16xi32>, vector<16xi32>)  : i32 {
      %min3A_1239 = arith.minsi %while3A_1223, %while3A_1224 : vector<16xi32>
      %min3A_1240 = arith.minsi %while3A_1225, %while3A_1226 : vector<16xi32>
      %min3A_1241 = arith.minsi %min3A_1239, %min3A_1240 : vector<16xi32>
      %broadcast_in_dim3A_1242 = vector.shape_cast %xor3A_50 : vector<16xi32> to vector<16x1xi32>
      %gather3A_1243 = vector.shape_cast %broadcast_in_dim3A_1242 : vector<16x1xi32> to vector<16xi32>
      %gather3A_1244 = tpu.dynamic_gather %min3A_1241[%gather3A_1243] in [0] : vector<16xi32>, vector<16xi32> -> vector<16xi32>
      %min3A_1245 = arith.minsi %min3A_1241, %gather3A_1244 : vector<16xi32>
      %broadcast_in_dim3A_1246 = vector.shape_cast %xor3A_53 : vector<16xi32> to vector<16x1xi32>
      %gather3A_1247 = vector.shape_cast %broadcast_in_dim3A_1246 : vector<16x1xi32> to vector<16xi32>
      %gather3A_1248 = tpu.dynamic_gather %min3A_1245[%gather3A_1247] in [0] : vector<16xi32>, vector<16xi32> -> vector<16xi32>
      %min3A_1249 = arith.minsi %min3A_1245, %gather3A_1248 : vector<16xi32>
      %broadcast_in_dim3A_1250 = vector.shape_cast %xor3A_56 : vector<16xi32> to vector<16x1xi32>
      %gather3A_1251 = vector.shape_cast %broadcast_in_dim3A_1250 : vector<16x1xi32> to vector<16xi32>
      %gather3A_1252 = tpu.dynamic_gather %min3A_1249[%gather3A_1251] in [0] : vector<16xi32>, vector<16xi32> -> vector<16xi32>
      %min3A_1253 = arith.minsi %min3A_1249, %gather3A_1252 : vector<16xi32>
      %broadcast_in_dim3A_1254 = vector.shape_cast %xor3A_59 : vector<16xi32> to vector<16x1xi32>
      %gather3A_1255 = vector.shape_cast %broadcast_in_dim3A_1254 : vector<16x1xi32> to vector<16xi32>
      %gather3A_1256 = tpu.dynamic_gather %min3A_1253[%gather3A_1255] in [0] : vector<16xi32>, vector<16xi32> -> vector<16xi32>
      %min3A_1257 = arith.minsi %min3A_1253, %gather3A_1256 : vector<16xi32>
      %eq3A_1258 = arith.cmpi eq, %while3A_1223, %min3A_1257 : vector<16xi32>
      %select_n3A_1259 = arith.select %eq3A_1258, %broadcast_in_dim3A_48, %while3A_1223 : vector<16xi1>, vector<16xi32>
      %eq3A_1260 = arith.cmpi eq, %while3A_1224, %min3A_1257 : vector<16xi32>
      %select_n3A_1261 = arith.select %eq3A_1260, %broadcast_in_dim3A_48, %while3A_1224 : vector<16xi1>, vector<16xi32>
      %eq3A_1262 = arith.cmpi eq, %while3A_1225, %min3A_1257 : vector<16xi32>
      %select_n3A_1263 = arith.select %eq3A_1262, %broadcast_in_dim3A_48, %while3A_1225 : vector<16xi1>, vector<16xi32>
      %eq3A_1264 = arith.cmpi eq, %while3A_1226, %min3A_1257 : vector<16xi32>
      %select_n3A_1265 = arith.select %eq3A_1264, %broadcast_in_dim3A_48, %while3A_1226 : vector<16xi1>, vector<16xi32>
      %slice3A_1266 = vector.extract_strided_slice %min3A_1257 {offsets = [0], sizes = [1], strides = [1]} : vector<16xi32> to vector<1xi32>
      %squeeze3A_1267 = vector.extract %slice3A_1266[0] : i32 from vector<1xi32>
      %min3A_1268 = arith.constant 63 : i32
      %min3A_1269 = arith.minsi %squeeze3A_1267, %min3A_1268 : i32
      %mul3A_1270 = arith.constant 128 : i32
      %mul3A_1271 = arith.muli %min3A_1269, %mul3A_1270 : i32
      %lt3A = arith.cmpi slt, %min3A_1257, %broadcast_in_dim3A_48 : vector<16xi32>
      %add3A_1272 = arith.constant 0 : i32
      %add3A_1273 = arith.addi %mul3A_1271, %add3A_1272 : i32
      %get3A = arith.index_cast %add3A_1273 : i32 to index
      %get3A_1274 = tpu.vector_load %arg4[%get3A] {strides = array<i32>} : memref<8192xf32, #tpu.memory_space<vmem>>, vector<16xf32>,
      %get3A_1275 = vector.shape_cast %get3A_1274 : vector<16xf32> to vector<16xf32>
      %select_n3A_1276 = arith.select %lt3A, %get3A_1275, %broadcast_in_dim3A_46 : vector<16xi1>, vector<16xf32>
      %add3A_1277 = arith.constant 16 : i32
      %add3A_1278 = arith.addi %mul3A_1271, %add3A_1277 : i32
      %get3A_1279 = arith.index_cast %add3A_1278 : i32 to index
      %get3A_1280 = tpu.vector_load %arg4[%get3A_1279] {strides = array<i32>} : memref<8192xf32, #tpu.memory_space<vmem>>, vector<16xf32>,
      %get3A_1281 = vector.shape_cast %get3A_1280 : vector<16xf32> to vector<16xf32>
      %select_n3A_1282 = arith.select %lt3A, %get3A_1281, %broadcast_in_dim3A_46 : vector<16xi1>, vector<16xf32>
      %add3A_1283 = arith.constant 32 : i32
      %add3A_1284 = arith.addi %mul3A_1271, %add3A_1283 : i32
      %get3A_1285 = arith.index_cast %add3A_1284 : i32 to index
      %get3A_1286 = tpu.vector_load %arg4[%get3A_1285] {strides = array<i32>} : memref<8192xf32, #tpu.memory_space<vmem>>, vector<16xf32>,
      %get3A_1287 = vector.shape_cast %get3A_1286 : vector<16xf32> to vector<16xf32>
      %select_n3A_1288 = arith.select %lt3A, %get3A_1287, %broadcast_in_dim3A_46 : vector<16xi1>, vector<16xf32>
      %add3A_1289 = arith.constant 48 : i32
      %add3A_1290 = arith.addi %mul3A_1271, %add3A_1289 : i32
      %get3A_1291 = arith.index_cast %add3A_1290 : i32 to index
      %get3A_1292 = tpu.vector_load %arg4[%get3A_1291] {strides = array<i32>} : memref<8192xf32, #tpu.memory_space<vmem>>, vector<16xf32>,
      %get3A_1293 = vector.shape_cast %get3A_1292 : vector<16xf32> to vector<16xf32>
      %select_n3A_1294 = arith.select %lt3A, %get3A_1293, %broadcast_in_dim3A_46 : vector<16xi1>, vector<16xf32>
      %add3A_1295 = arith.constant 64 : i32
      %add3A_1296 = arith.addi %mul3A_1271, %add3A_1295 : i32
      %get3A_1297 = arith.index_cast %add3A_1296 : i32 to index
      %get3A_1298 = tpu.vector_load %arg4[%get3A_1297] {strides = array<i32>} : memref<8192xf32, #tpu.memory_space<vmem>>, vector<16xf32>,
      %get3A_1299 = vector.shape_cast %get3A_1298 : vector<16xf32> to vector<16xf32>
      %select_n3A_1300 = arith.select %lt3A, %get3A_1299, %broadcast_in_dim3A_46 : vector<16xi1>, vector<16xf32>
      %add3A_1301 = arith.constant 80 : i32
      %add3A_1302 = arith.addi %mul3A_1271, %add3A_1301 : i32
      %get3A_1303 = arith.index_cast %add3A_1302 : i32 to index
      %get3A_1304 = tpu.vector_load %arg4[%get3A_1303] {strides = array<i32>} : memref<8192xf32, #tpu.memory_space<vmem>>, vector<16xf32>,
      %get3A_1305 = vector.shape_cast %get3A_1304 : vector<16xf32> to vector<16xf32>
      %select_n3A_1306 = arith.select %lt3A, %get3A_1305, %broadcast_in_dim3A_46 : vector<16xi1>, vector<16xf32>
      %add3A_1307 = arith.constant 96 : i32
      %add3A_1308 = arith.addi %mul3A_1271, %add3A_1307 : i32
      %get3A_1309 = arith.index_cast %add3A_1308 : i32 to index
      %get3A_1310 = tpu.vector_load %arg4[%get3A_1309] {strides = array<i32>} : memref<8192xf32, #tpu.memory_space<vmem>>, vector<16xf32>,
      %get3A_1311 = vector.shape_cast %get3A_1310 : vector<16xf32> to vector<16xf32>
      %select_n3A_1312 = arith.select %lt3A, %get3A_1311, %broadcast_in_dim3A_46 : vector<16xi1>, vector<16xf32>
      %add3A_1313 = arith.constant 112 : i32
      %add3A_1314 = arith.addi %mul3A_1271, %add3A_1313 : i32
      %get3A_1315 = arith.index_cast %add3A_1314 : i32 to index
      %get3A_1316 = tpu.vector_load %arg4[%get3A_1315] {strides = array<i32>} : memref<8192xf32, #tpu.memory_space<vmem>>, vector<16xf32>,
      %get3A_1317 = vector.shape_cast %get3A_1316 : vector<16xf32> to vector<16xf32>
      %select_n3A_1318 = arith.select %lt3A, %get3A_1317, %broadcast_in_dim3A_46 : vector<16xi1>, vector<16xf32>
      %max3A_1319 = arith.maximumf %select_n3A_1276, %select_n3A_1282 : vector<16xf32>
      %min3A_1320 = arith.minimumf %select_n3A_1276, %select_n3A_1282 : vector<16xf32>
      %max3A_1321 = arith.maximumf %select_n3A_1288, %select_n3A_1294 : vector<16xf32>
      %min3A_1322 = arith.minimumf %select_n3A_1288, %select_n3A_1294 : vector<16xf32>
      %max3A_1323 = arith.maximumf %select_n3A_1300, %select_n3A_1306 : vector<16xf32>
      %min3A_1324 = arith.minimumf %select_n3A_1300, %select_n3A_1306 : vector<16xf32>
      %max3A_1325 = arith.maximumf %select_n3A_1312, %select_n3A_1318 : vector<16xf32>
      %min3A_1326 = arith.minimumf %select_n3A_1312, %select_n3A_1318 : vector<16xf32>
      %max3A_1327 = arith.maximumf %max3A_1319, %max3A_1321 : vector<16xf32>
      %min3A_1328 = arith.minimumf %max3A_1319, %max3A_1321 : vector<16xf32>
      %max3A_1329 = arith.maximumf %min3A_1320, %min3A_1322 : vector<16xf32>
      %min3A_1330 = arith.minimumf %min3A_1320, %min3A_1322 : vector<16xf32>
      %max3A_1331 = arith.maximumf %max3A_1323, %max3A_1325 : vector<16xf32>
      %min3A_1332 = arith.minimumf %max3A_1323, %max3A_1325 : vector<16xf32>
      %max3A_1333 = arith.maximumf %min3A_1324, %min3A_1326 : vector<16xf32>
      %min3A_1334 = arith.minimumf %min3A_1324, %min3A_1326 : vector<16xf32>
      %max3A_1335 = arith.maximumf %max3A_1329, %min3A_1328 : vector<16xf32>
      %min3A_1336 = arith.minimumf %max3A_1329, %min3A_1328 : vector<16xf32>
      %max3A_1337 = arith.maximumf %max3A_1333, %min3A_1332 : vector<16xf32>
      %min3A_1338 = arith.minimumf %max3A_1333, %min3A_1332 : vector<16xf32>
      %max3A_1339 = arith.maximumf %max3A_1327, %max3A_1331 : vector<16xf32>
      %min3A_1340 = arith.minimumf %max3A_1327, %max3A_1331 : vector<16xf32>
      %max3A_1341 = arith.maximumf %max3A_1335, %max3A_1337 : vector<16xf32>
      %min3A_1342 = arith.minimumf %max3A_1335, %max3A_1337 : vector<16xf32>
      %max3A_1343 = arith.maximumf %min3A_1336, %min3A_1338 : vector<16xf32>
      %min3A_1344 = arith.minimumf %min3A_1336, %min3A_1338 : vector<16xf32>
      %max3A_1345 = arith.maximumf %min3A_1330, %min3A_1334 : vector<16xf32>
      %min3A_1346 = arith.minimumf %min3A_1330, %min3A_1334 : vector<16xf32>
      %max3A_1347 = arith.maximumf %max3A_1343, %min3A_1340 : vector<16xf32>
      %min3A_1348 = arith.minimumf %max3A_1343, %min3A_1340 : vector<16xf32>
      %max3A_1349 = arith.maximumf %max3A_1345, %min3A_1342 : vector<16xf32>
      %min3A_1350 = arith.minimumf %max3A_1345, %min3A_1342 : vector<16xf32>
      %max3A_1351 = arith.maximumf %max3A_1341, %max3A_1347 : vector<16xf32>
      %min3A_1352 = arith.minimumf %max3A_1341, %max3A_1347 : vector<16xf32>
      %max3A_1353 = arith.maximumf %max3A_1349, %min3A_1348 : vector<16xf32>
      %min3A_1354 = arith.minimumf %max3A_1349, %min3A_1348 : vector<16xf32>
      %max3A_1355 = arith.maximumf %min3A_1350, %min3A_1344 : vector<16xf32>
      %min3A_1356 = arith.minimumf %min3A_1350, %min3A_1344 : vector<16xf32>
      %max3A_1357 = arith.maximumf %while3A_1215, %min3A_1346 : vector<16xf32>
      %max3A_1358 = arith.maximumf %while3A_1216, %min3A_1356 : vector<16xf32>
      %max3A_1359 = arith.maximumf %while3A_1217, %max3A_1355 : vector<16xf32>
      %max3A_1360 = arith.maximumf %while3A_1218, %min3A_1354 : vector<16xf32>
      %max3A_1361 = arith.maximumf %while3A_1219, %max3A_1353 : vector<16xf32>
      %max3A_1362 = arith.maximumf %while3A_1220, %min3A_1352 : vector<16xf32>
      %max3A_1363 = arith.maximumf %while3A_1221, %max3A_1351 : vector<16xf32>
      %max3A_1364 = arith.maximumf %while3A_1222, %max3A_1339 : vector<16xf32>
      %max3A_1365 = arith.maximumf %max3A_1357, %max3A_1361 : vector<16xf32>
      %min3A_1366 = arith.minimumf %max3A_1357, %max3A_1361 : vector<16xf32>
      %max3A_1367 = arith.maximumf %max3A_1358, %max3A_1362 : vector<16xf32>
      %min3A_1368 = arith.minimumf %max3A_1358, %max3A_1362 : vector<16xf32>
      %max3A_1369 = arith.maximumf %max3A_1359, %max3A_1363 : vector<16xf32>
      %min3A_1370 = arith.minimumf %max3A_1359, %max3A_1363 : vector<16xf32>
      %max3A_1371 = arith.maximumf %max3A_1360, %max3A_1364 : vector<16xf32>
      %min3A_1372 = arith.minimumf %max3A_1360, %max3A_1364 : vector<16xf32>
      %max3A_1373 = arith.maximumf %max3A_1365, %max3A_1369 : vector<16xf32>
      %min3A_1374 = arith.minimumf %max3A_1365, %max3A_1369 : vector<16xf32>
      %max3A_1375 = arith.maximumf %max3A_1367, %max3A_1371 : vector<16xf32>
      %min3A_1376 = arith.minimumf %max3A_1367, %max3A_1371 : vector<16xf32>
      %max3A_1377 = arith.maximumf %min3A_1366, %min3A_1370 : vector<16xf32>
      %min3A_1378 = arith.minimumf %min3A_1366, %min3A_1370 : vector<16xf32>
      %max3A_1379 = arith.maximumf %min3A_1368, %min3A_1372 : vector<16xf32>
      %min3A_1380 = arith.minimumf %min3A_1368, %min3A_1372 : vector<16xf32>
      %max3A_1381 = arith.maximumf %max3A_1373, %max3A_1375 : vector<16xf32>
      %min3A_1382 = arith.minimumf %max3A_1373, %max3A_1375 : vector<16xf32>
      %max3A_1383 = arith.maximumf %min3A_1374, %min3A_1376 : vector<16xf32>
      %min3A_1384 = arith.minimumf %min3A_1374, %min3A_1376 : vector<16xf32>
      %max3A_1385 = arith.maximumf %max3A_1377, %max3A_1379 : vector<16xf32>
      %min3A_1386 = arith.minimumf %max3A_1377, %max3A_1379 : vector<16xf32>
      %max3A_1387 = arith.maximumf %min3A_1378, %min3A_1380 : vector<16xf32>
      %min3A_1388 = arith.minimumf %min3A_1378, %min3A_1380 : vector<16xf32>
      %min3A_1389 = arith.minsi %while3A_1235, %while3A_1236 : vector<16xi32>
      %min3A_1390 = arith.minsi %while3A_1237, %while3A_1238 : vector<16xi32>
      %min3A_1391 = arith.minsi %min3A_1389, %min3A_1390 : vector<16xi32>
      %broadcast_in_dim3A_1392 = vector.shape_cast %xor3A_50 : vector<16xi32> to vector<16x1xi32>
      %gather3A_1393 = vector.shape_cast %broadcast_in_dim3A_1392 : vector<16x1xi32> to vector<16xi32>
      %gather3A_1394 = tpu.dynamic_gather %min3A_1391[%gather3A_1393] in [0] : vector<16xi32>, vector<16xi32> -> vector<16xi32>
      %min3A_1395 = arith.minsi %min3A_1391, %gather3A_1394 : vector<16xi32>
      %broadcast_in_dim3A_1396 = vector.shape_cast %xor3A_53 : vector<16xi32> to vector<16x1xi32>
      %gather3A_1397 = vector.shape_cast %broadcast_in_dim3A_1396 : vector<16x1xi32> to vector<16xi32>
      %gather3A_1398 = tpu.dynamic_gather %min3A_1395[%gather3A_1397] in [0] : vector<16xi32>, vector<16xi32> -> vector<16xi32>
      %min3A_1399 = arith.minsi %min3A_1395, %gather3A_1398 : vector<16xi32>
      %broadcast_in_dim3A_1400 = vector.shape_cast %xor3A_56 : vector<16xi32> to vector<16x1xi32>
      %gather3A_1401 = vector.shape_cast %broadcast_in_dim3A_1400 : vector<16x1xi32> to vector<16xi32>
      %gather3A_1402 = tpu.dynamic_gather %min3A_1399[%gather3A_1401] in [0] : vector<16xi32>, vector<16xi32> -> vector<16xi32>
      %min3A_1403 = arith.minsi %min3A_1399, %gather3A_1402 : vector<16xi32>
      %broadcast_in_dim3A_1404 = vector.shape_cast %xor3A_59 : vector<16xi32> to vector<16x1xi32>
      %gather3A_1405 = vector.shape_cast %broadcast_in_dim3A_1404 : vector<16x1xi32> to vector<16xi32>
      %gather3A_1406 = tpu.dynamic_gather %min3A_1403[%gather3A_1405] in [0] : vector<16xi32>, vector<16xi32> -> vector<16xi32>
      %min3A_1407 = arith.minsi %min3A_1403, %gather3A_1406 : vector<16xi32>
      %eq3A_1408 = arith.cmpi eq, %while3A_1235, %min3A_1407 : vector<16xi32>
      %select_n3A_1409 = arith.select %eq3A_1408, %broadcast_in_dim3A_48, %while3A_1235 : vector<16xi1>, vector<16xi32>
      %eq3A_1410 = arith.cmpi eq, %while3A_1236, %min3A_1407 : vector<16xi32>
      %select_n3A_1411 = arith.select %eq3A_1410, %broadcast_in_dim3A_48, %while3A_1236 : vector<16xi1>, vector<16xi32>
      %eq3A_1412 = arith.cmpi eq, %while3A_1237, %min3A_1407 : vector<16xi32>
      %select_n3A_1413 = arith.select %eq3A_1412, %broadcast_in_dim3A_48, %while3A_1237 : vector<16xi1>, vector<16xi32>
      %eq3A_1414 = arith.cmpi eq, %while3A_1238, %min3A_1407 : vector<16xi32>
      %select_n3A_1415 = arith.select %eq3A_1414, %broadcast_in_dim3A_48, %while3A_1238 : vector<16xi1>, vector<16xi32>
      %slice3A_1416 = vector.extract_strided_slice %min3A_1407 {offsets = [0], sizes = [1], strides = [1]} : vector<16xi32> to vector<1xi32>
      %squeeze3A_1417 = vector.extract %slice3A_1416[0] : i32 from vector<1xi32>
      %min3A_1418 = arith.constant 63 : i32
      %min3A_1419 = arith.minsi %squeeze3A_1417, %min3A_1418 : i32
      %mul3A_1420 = arith.constant 128 : i32
      %mul3A_1421 = arith.muli %min3A_1419, %mul3A_1420 : i32
      %lt3A_1422 = arith.cmpi slt, %min3A_1407, %broadcast_in_dim3A_48 : vector<16xi32>
      %add3A_1423 = arith.constant 0 : i32
      %add3A_1424 = arith.addi %mul3A_1421, %add3A_1423 : i32
      %get3A_1425 = arith.index_cast %add3A_1424 : i32 to index
      %get3A_1426 = tpu.vector_load %arg5[%get3A_1425] {strides = array<i32>} : memref<8192xf32, #tpu.memory_space<vmem>>, vector<16xf32>,
      %get3A_1427 = vector.shape_cast %get3A_1426 : vector<16xf32> to vector<16xf32>
      %select_n3A_1428 = arith.select %lt3A_1422, %get3A_1427, %broadcast_in_dim3A_46 : vector<16xi1>, vector<16xf32>
      %add3A_1429 = arith.constant 16 : i32
      %add3A_1430 = arith.addi %mul3A_1421, %add3A_1429 : i32
      %get3A_1431 = arith.index_cast %add3A_1430 : i32 to index
      %get3A_1432 = tpu.vector_load %arg5[%get3A_1431] {strides = array<i32>} : memref<8192xf32, #tpu.memory_space<vmem>>, vector<16xf32>,
      %get3A_1433 = vector.shape_cast %get3A_1432 : vector<16xf32> to vector<16xf32>
      %select_n3A_1434 = arith.select %lt3A_1422, %get3A_1433, %broadcast_in_dim3A_46 : vector<16xi1>, vector<16xf32>
      %add3A_1435 = arith.constant 32 : i32
      %add3A_1436 = arith.addi %mul3A_1421, %add3A_1435 : i32
      %get3A_1437 = arith.index_cast %add3A_1436 : i32 to index
      %get3A_1438 = tpu.vector_load %arg5[%get3A_1437] {strides = array<i32>} : memref<8192xf32, #tpu.memory_space<vmem>>, vector<16xf32>,
      %get3A_1439 = vector.shape_cast %get3A_1438 : vector<16xf32> to vector<16xf32>
      %select_n3A_1440 = arith.select %lt3A_1422, %get3A_1439, %broadcast_in_dim3A_46 : vector<16xi1>, vector<16xf32>
      %add3A_1441 = arith.constant 48 : i32
      %add3A_1442 = arith.addi %mul3A_1421, %add3A_1441 : i32
      %get3A_1443 = arith.index_cast %add3A_1442 : i32 to index
      %get3A_1444 = tpu.vector_load %arg5[%get3A_1443] {strides = array<i32>} : memref<8192xf32, #tpu.memory_space<vmem>>, vector<16xf32>,
      %get3A_1445 = vector.shape_cast %get3A_1444 : vector<16xf32> to vector<16xf32>
      %select_n3A_1446 = arith.select %lt3A_1422, %get3A_1445, %broadcast_in_dim3A_46 : vector<16xi1>, vector<16xf32>
      %add3A_1447 = arith.constant 64 : i32
      %add3A_1448 = arith.addi %mul3A_1421, %add3A_1447 : i32
      %get3A_1449 = arith.index_cast %add3A_1448 : i32 to index
      %get3A_1450 = tpu.vector_load %arg5[%get3A_1449] {strides = array<i32>} : memref<8192xf32, #tpu.memory_space<vmem>>, vector<16xf32>,
      %get3A_1451 = vector.shape_cast %get3A_1450 : vector<16xf32> to vector<16xf32>
      %select_n3A_1452 = arith.select %lt3A_1422, %get3A_1451, %broadcast_in_dim3A_46 : vector<16xi1>, vector<16xf32>
      %add3A_1453 = arith.constant 80 : i32
      %add3A_1454 = arith.addi %mul3A_1421, %add3A_1453 : i32
      %get3A_1455 = arith.index_cast %add3A_1454 : i32 to index
      %get3A_1456 = tpu.vector_load %arg5[%get3A_1455] {strides = array<i32>} : memref<8192xf32, #tpu.memory_space<vmem>>, vector<16xf32>,
      %get3A_1457 = vector.shape_cast %get3A_1456 : vector<16xf32> to vector<16xf32>
      %select_n3A_1458 = arith.select %lt3A_1422, %get3A_1457, %broadcast_in_dim3A_46 : vector<16xi1>, vector<16xf32>
      %add3A_1459 = arith.constant 96 : i32
      %add3A_1460 = arith.addi %mul3A_1421, %add3A_1459 : i32
      %get3A_1461 = arith.index_cast %add3A_1460 : i32 to index
      %get3A_1462 = tpu.vector_load %arg5[%get3A_1461] {strides = array<i32>} : memref<8192xf32, #tpu.memory_space<vmem>>, vector<16xf32>,
      %get3A_1463 = vector.shape_cast %get3A_1462 : vector<16xf32> to vector<16xf32>
      %select_n3A_1464 = arith.select %lt3A_1422, %get3A_1463, %broadcast_in_dim3A_46 : vector<16xi1>, vector<16xf32>
      %add3A_1465 = arith.constant 112 : i32
      %add3A_1466 = arith.addi %mul3A_1421, %add3A_1465 : i32
      %get3A_1467 = arith.index_cast %add3A_1466 : i32 to index
      %get3A_1468 = tpu.vector_load %arg5[%get3A_1467] {strides = array<i32>} : memref<8192xf32, #tpu.memory_space<vmem>>, vector<16xf32>,
      %get3A_1469 = vector.shape_cast %get3A_1468 : vector<16xf32> to vector<16xf32>
      %select_n3A_1470 = arith.select %lt3A_1422, %get3A_1469, %broadcast_in_dim3A_46 : vector<16xi1>, vector<16xf32>
      %max3A_1471 = arith.maximumf %select_n3A_1428, %select_n3A_1434 : vector<16xf32>
      %min3A_1472 = arith.minimumf %select_n3A_1428, %select_n3A_1434 : vector<16xf32>
      %max3A_1473 = arith.maximumf %select_n3A_1440, %select_n3A_1446 : vector<16xf32>
      %min3A_1474 = arith.minimumf %select_n3A_1440, %select_n3A_1446 : vector<16xf32>
      %max3A_1475 = arith.maximumf %select_n3A_1452, %select_n3A_1458 : vector<16xf32>
      %min3A_1476 = arith.minimumf %select_n3A_1452, %select_n3A_1458 : vector<16xf32>
      %max3A_1477 = arith.maximumf %select_n3A_1464, %select_n3A_1470 : vector<16xf32>
      %min3A_1478 = arith.minimumf %select_n3A_1464, %select_n3A_1470 : vector<16xf32>
      %max3A_1479 = arith.maximumf %max3A_1471, %max3A_1473 : vector<16xf32>
      %min3A_1480 = arith.minimumf %max3A_1471, %max3A_1473 : vector<16xf32>
      %max3A_1481 = arith.maximumf %min3A_1472, %min3A_1474 : vector<16xf32>
      %min3A_1482 = arith.minimumf %min3A_1472, %min3A_1474 : vector<16xf32>
      %max3A_1483 = arith.maximumf %max3A_1475, %max3A_1477 : vector<16xf32>
      %min3A_1484 = arith.minimumf %max3A_1475, %max3A_1477 : vector<16xf32>
      %max3A_1485 = arith.maximumf %min3A_1476, %min3A_1478 : vector<16xf32>
      %min3A_1486 = arith.minimumf %min3A_1476, %min3A_1478 : vector<16xf32>
      %max3A_1487 = arith.maximumf %max3A_1481, %min3A_1480 : vector<16xf32>
      %min3A_1488 = arith.minimumf %max3A_1481, %min3A_1480 : vector<16xf32>
      %max3A_1489 = arith.maximumf %max3A_1485, %min3A_1484 : vector<16xf32>
      %min3A_1490 = arith.minimumf %max3A_1485, %min3A_1484 : vector<16xf32>
      %max3A_1491 = arith.maximumf %max3A_1479, %max3A_1483 : vector<16xf32>
      %min3A_1492 = arith.minimumf %max3A_1479, %max3A_1483 : vector<16xf32>
      %max3A_1493 = arith.maximumf %max3A_1487, %max3A_1489 : vector<16xf32>
      %min3A_1494 = arith.minimumf %max3A_1487, %max3A_1489 : vector<16xf32>
      %max3A_1495 = arith.maximumf %min3A_1488, %min3A_1490 : vector<16xf32>
      %min3A_1496 = arith.minimumf %min3A_1488, %min3A_1490 : vector<16xf32>
      %max3A_1497 = arith.maximumf %min3A_1482, %min3A_1486 : vector<16xf32>
      %min3A_1498 = arith.minimumf %min3A_1482, %min3A_1486 : vector<16xf32>
      %max3A_1499 = arith.maximumf %max3A_1495, %min3A_1492 : vector<16xf32>
      %min3A_1500 = arith.minimumf %max3A_1495, %min3A_1492 : vector<16xf32>
      %max3A_1501 = arith.maximumf %max3A_1497, %min3A_1494 : vector<16xf32>
      %min3A_1502 = arith.minimumf %max3A_1497, %min3A_1494 : vector<16xf32>
      %max3A_1503 = arith.maximumf %max3A_1493, %max3A_1499 : vector<16xf32>
      %min3A_1504 = arith.minimumf %max3A_1493, %max3A_1499 : vector<16xf32>
      %max3A_1505 = arith.maximumf %max3A_1501, %min3A_1500 : vector<16xf32>
      %min3A_1506 = arith.minimumf %max3A_1501, %min3A_1500 : vector<16xf32>
      %max3A_1507 = arith.maximumf %min3A_1502, %min3A_1496 : vector<16xf32>
      %min3A_1508 = arith.minimumf %min3A_1502, %min3A_1496 : vector<16xf32>
      %max3A_1509 = arith.maximumf %while3A_1227, %min3A_1498 : vector<16xf32>
      %max3A_1510 = arith.maximumf %while3A_1228, %min3A_1508 : vector<16xf32>
      %max3A_1511 = arith.maximumf %while3A_1229, %max3A_1507 : vector<16xf32>
      %max3A_1512 = arith.maximumf %while3A_1230, %min3A_1506 : vector<16xf32>
      %max3A_1513 = arith.maximumf %while3A_1231, %max3A_1505 : vector<16xf32>
      %max3A_1514 = arith.maximumf %while3A_1232, %min3A_1504 : vector<16xf32>
      %max3A_1515 = arith.maximumf %while3A_1233, %max3A_1503 : vector<16xf32>
      %max3A_1516 = arith.maximumf %while3A_1234, %max3A_1491 : vector<16xf32>
      %max3A_1517 = arith.maximumf %max3A_1509, %max3A_1513 : vector<16xf32>
      %min3A_1518 = arith.minimumf %max3A_1509, %max3A_1513 : vector<16xf32>
      %max3A_1519 = arith.maximumf %max3A_1510, %max3A_1514 : vector<16xf32>
      %min3A_1520 = arith.minimumf %max3A_1510, %max3A_1514 : vector<16xf32>
      %max3A_1521 = arith.maximumf %max3A_1511, %max3A_1515 : vector<16xf32>
      %min3A_1522 = arith.minimumf %max3A_1511, %max3A_1515 : vector<16xf32>
      %max3A_1523 = arith.maximumf %max3A_1512, %max3A_1516 : vector<16xf32>
      %min3A_1524 = arith.minimumf %max3A_1512, %max3A_1516 : vector<16xf32>
      %max3A_1525 = arith.maximumf %max3A_1517, %max3A_1521 : vector<16xf32>
      %min3A_1526 = arith.minimumf %max3A_1517, %max3A_1521 : vector<16xf32>
      %max3A_1527 = arith.maximumf %max3A_1519, %max3A_1523 : vector<16xf32>
      %min3A_1528 = arith.minimumf %max3A_1519, %max3A_1523 : vector<16xf32>
      %max3A_1529 = arith.maximumf %min3A_1518, %min3A_1522 : vector<16xf32>
      %min3A_1530 = arith.minimumf %min3A_1518, %min3A_1522 : vector<16xf32>
      %max3A_1531 = arith.maximumf %min3A_1520, %min3A_1524 : vector<16xf32>
      %min3A_1532 = arith.minimumf %min3A_1520, %min3A_1524 : vector<16xf32>
      %max3A_1533 = arith.maximumf %max3A_1525, %max3A_1527 : vector<16xf32>
      %min3A_1534 = arith.minimumf %max3A_1525, %max3A_1527 : vector<16xf32>
      %max3A_1535 = arith.maximumf %min3A_1526, %min3A_1528 : vector<16xf32>
      %min3A_1536 = arith.minimumf %min3A_1526, %min3A_1528 : vector<16xf32>
      %max3A_1537 = arith.maximumf %max3A_1529, %max3A_1531 : vector<16xf32>
      %min3A_1538 = arith.minimumf %max3A_1529, %max3A_1531 : vector<16xf32>
      %max3A_1539 = arith.maximumf %min3A_1530, %min3A_1532 : vector<16xf32>
      %min3A_1540 = arith.minimumf %min3A_1530, %min3A_1532 : vector<16xf32>
      scf.yield %max3A_1381, %min3A_1382, %max3A_1383, %min3A_1384, %max3A_1385, %min3A_1386, %max3A_1387, %min3A_1388, %select_n3A_1259, %select_n3A_1261, %select_n3A_1263, %select_n3A_1265, %max3A_1533, %min3A_1534, %max3A_1535, %min3A_1536, %max3A_1537, %min3A_1538, %max3A_1539, %min3A_1540, %select_n3A_1409, %select_n3A_1411, %select_n3A_1413, %select_n3A_1415 : vector<16xf32>, vector<16xf32>, vector<16xf32>, vector<16xf32>, vector<16xf32>, vector<16xf32>, vector<16xf32>, vector<16xf32>, vector<16xi32>, vector<16xi32>, vector<16xi32>, vector<16xi32>, vector<16xf32>, vector<16xf32>, vector<16xf32>, vector<16xf32>, vector<16xf32>, vector<16xf32>, vector<16xf32>, vector<16xf32>, vector<16xi32>, vector<16xi32>, vector<16xi32>, vector<16xi32>
    }
    %broadcast_in_dim3A_735 = vector.shape_cast %xor3A_50 : vector<16xi32> to vector<16x1xi32>
    %gather3A_736 = vector.shape_cast %broadcast_in_dim3A_735 : vector<16x1xi32> to vector<16xi32>
    %gather3A_737 = tpu.dynamic_gather %while3A_734#0[%gather3A_736] in [0] : vector<16xf32>, vector<16xi32> -> vector<16xf32>
    %broadcast_in_dim3A_738 = vector.shape_cast %xor3A_50 : vector<16xi32> to vector<16x1xi32>
    %gather3A_739 = vector.shape_cast %broadcast_in_dim3A_738 : vector<16x1xi32> to vector<16xi32>
    %gather3A_740 = tpu.dynamic_gather %while3A_734#1[%gather3A_739] in [0] : vector<16xf32>, vector<16xi32> -> vector<16xf32>
    %broadcast_in_dim3A_741 = vector.shape_cast %xor3A_50 : vector<16xi32> to vector<16x1xi32>
    %gather3A_742 = vector.shape_cast %broadcast_in_dim3A_741 : vector<16x1xi32> to vector<16xi32>
    %gather3A_743 = tpu.dynamic_gather %while3A_734#2[%gather3A_742] in [0] : vector<16xf32>, vector<16xi32> -> vector<16xf32>
    %broadcast_in_dim3A_744 = vector.shape_cast %xor3A_50 : vector<16xi32> to vector<16x1xi32>
    %gather3A_745 = vector.shape_cast %broadcast_in_dim3A_744 : vector<16x1xi32> to vector<16xi32>
    %gather3A_746 = tpu.dynamic_gather %while3A_734#3[%gather3A_745] in [0] : vector<16xf32>, vector<16xi32> -> vector<16xf32>
    %broadcast_in_dim3A_747 = vector.shape_cast %xor3A_50 : vector<16xi32> to vector<16x1xi32>
    %gather3A_748 = vector.shape_cast %broadcast_in_dim3A_747 : vector<16x1xi32> to vector<16xi32>
    %gather3A_749 = tpu.dynamic_gather %while3A_734#4[%gather3A_748] in [0] : vector<16xf32>, vector<16xi32> -> vector<16xf32>
    %broadcast_in_dim3A_750 = vector.shape_cast %xor3A_50 : vector<16xi32> to vector<16x1xi32>
    %gather3A_751 = vector.shape_cast %broadcast_in_dim3A_750 : vector<16x1xi32> to vector<16xi32>
    %gather3A_752 = tpu.dynamic_gather %while3A_734#5[%gather3A_751] in [0] : vector<16xf32>, vector<16xi32> -> vector<16xf32>
    %broadcast_in_dim3A_753 = vector.shape_cast %xor3A_50 : vector<16xi32> to vector<16x1xi32>
    %gather3A_754 = vector.shape_cast %broadcast_in_dim3A_753 : vector<16x1xi32> to vector<16xi32>
    %gather3A_755 = tpu.dynamic_gather %while3A_734#6[%gather3A_754] in [0] : vector<16xf32>, vector<16xi32> -> vector<16xf32>
    %broadcast_in_dim3A_756 = vector.shape_cast %xor3A_50 : vector<16xi32> to vector<16x1xi32>
    %gather3A_757 = vector.shape_cast %broadcast_in_dim3A_756 : vector<16x1xi32> to vector<16xi32>
    %gather3A_758 = tpu.dynamic_gather %while3A_734#7[%gather3A_757] in [0] : vector<16xf32>, vector<16xi32> -> vector<16xf32>
    %max3A_759 = arith.maximumf %while3A_734#0, %gather3A_758 : vector<16xf32>
    %max3A_760 = arith.maximumf %while3A_734#1, %gather3A_755 : vector<16xf32>
    %max3A_761 = arith.maximumf %while3A_734#2, %gather3A_752 : vector<16xf32>
    %max3A_762 = arith.maximumf %while3A_734#3, %gather3A_749 : vector<16xf32>
    %max3A_763 = arith.maximumf %while3A_734#4, %gather3A_746 : vector<16xf32>
    %max3A_764 = arith.maximumf %while3A_734#5, %gather3A_743 : vector<16xf32>
    %max3A_765 = arith.maximumf %while3A_734#6, %gather3A_740 : vector<16xf32>
    %max3A_766 = arith.maximumf %while3A_734#7, %gather3A_737 : vector<16xf32>
    %max3A_767 = arith.maximumf %max3A_759, %max3A_763 : vector<16xf32>
    %min3A_768 = arith.minimumf %max3A_759, %max3A_763 : vector<16xf32>
    %max3A_769 = arith.maximumf %max3A_760, %max3A_764 : vector<16xf32>
    %min3A_770 = arith.minimumf %max3A_760, %max3A_764 : vector<16xf32>
    %max3A_771 = arith.maximumf %max3A_761, %max3A_765 : vector<16xf32>
    %min3A_772 = arith.minimumf %max3A_761, %max3A_765 : vector<16xf32>
    %max3A_773 = arith.maximumf %max3A_762, %max3A_766 : vector<16xf32>
    %min3A_774 = arith.minimumf %max3A_762, %max3A_766 : vector<16xf32>
    %max3A_775 = arith.maximumf %max3A_767, %max3A_771 : vector<16xf32>
    %min3A_776 = arith.minimumf %max3A_767, %max3A_771 : vector<16xf32>
    %max3A_777 = arith.maximumf %max3A_769, %max3A_773 : vector<16xf32>
    %min3A_778 = arith.minimumf %max3A_769, %max3A_773 : vector<16xf32>
    %max3A_779 = arith.maximumf %min3A_768, %min3A_772 : vector<16xf32>
    %min3A_780 = arith.minimumf %min3A_768, %min3A_772 : vector<16xf32>
    %max3A_781 = arith.maximumf %min3A_770, %min3A_774 : vector<16xf32>
    %min3A_782 = arith.minimumf %min3A_770, %min3A_774 : vector<16xf32>
    %max3A_783 = arith.maximumf %max3A_775, %max3A_777 : vector<16xf32>
    %min3A_784 = arith.minimumf %max3A_775, %max3A_777 : vector<16xf32>
    %max3A_785 = arith.maximumf %min3A_776, %min3A_778 : vector<16xf32>
    %min3A_786 = arith.minimumf %min3A_776, %min3A_778 : vector<16xf32>
    %max3A_787 = arith.maximumf %max3A_779, %max3A_781 : vector<16xf32>
    %min3A_788 = arith.minimumf %max3A_779, %max3A_781 : vector<16xf32>
    %max3A_789 = arith.maximumf %min3A_780, %min3A_782 : vector<16xf32>
    %min3A_790 = arith.minimumf %min3A_780, %min3A_782 : vector<16xf32>
    %broadcast_in_dim3A_791 = vector.shape_cast %xor3A_53 : vector<16xi32> to vector<16x1xi32>
    %gather3A_792 = vector.shape_cast %broadcast_in_dim3A_791 : vector<16x1xi32> to vector<16xi32>
    %gather3A_793 = tpu.dynamic_gather %max3A_783[%gather3A_792] in [0] : vector<16xf32>, vector<16xi32> -> vector<16xf32>
    %broadcast_in_dim3A_794 = vector.shape_cast %xor3A_53 : vector<16xi32> to vector<16x1xi32>
    %gather3A_795 = vector.shape_cast %broadcast_in_dim3A_794 : vector<16x1xi32> to vector<16xi32>
    %gather3A_796 = tpu.dynamic_gather %min3A_784[%gather3A_795] in [0] : vector<16xf32>, vector<16xi32> -> vector<16xf32>
    %broadcast_in_dim3A_797 = vector.shape_cast %xor3A_53 : vector<16xi32> to vector<16x1xi32>
    %gather3A_798 = vector.shape_cast %broadcast_in_dim3A_797 : vector<16x1xi32> to vector<16xi32>
    %gather3A_799 = tpu.dynamic_gather %max3A_785[%gather3A_798] in [0] : vector<16xf32>, vector<16xi32> -> vector<16xf32>
    %broadcast_in_dim3A_800 = vector.shape_cast %xor3A_53 : vector<16xi32> to vector<16x1xi32>
    %gather3A_801 = vector.shape_cast %broadcast_in_dim3A_800 : vector<16x1xi32> to vector<16xi32>
    %gather3A_802 = tpu.dynamic_gather %min3A_786[%gather3A_801] in [0] : vector<16xf32>, vector<16xi32> -> vector<16xf32>
    %broadcast_in_dim3A_803 = vector.shape_cast %xor3A_53 : vector<16xi32> to vector<16x1xi32>
    %gather3A_804 = vector.shape_cast %broadcast_in_dim3A_803 : vector<16x1xi32> to vector<16xi32>
    %gather3A_805 = tpu.dynamic_gather %max3A_787[%gather3A_804] in [0] : vector<16xf32>, vector<16xi32> -> vector<16xf32>
    %broadcast_in_dim3A_806 = vector.shape_cast %xor3A_53 : vector<16xi32> to vector<16x1xi32>
    %gather3A_807 = vector.shape_cast %broadcast_in_dim3A_806 : vector<16x1xi32> to vector<16xi32>
    %gather3A_808 = tpu.dynamic_gather %min3A_788[%gather3A_807] in [0] : vector<16xf32>, vector<16xi32> -> vector<16xf32>
    %broadcast_in_dim3A_809 = vector.shape_cast %xor3A_53 : vector<16xi32> to vector<16x1xi32>
    %gather3A_810 = vector.shape_cast %broadcast_in_dim3A_809 : vector<16x1xi32> to vector<16xi32>
    %gather3A_811 = tpu.dynamic_gather %max3A_789[%gather3A_810] in [0] : vector<16xf32>, vector<16xi32> -> vector<16xf32>
    %broadcast_in_dim3A_812 = vector.shape_cast %xor3A_53 : vector<16xi32> to vector<16x1xi32>
    %gather3A_813 = vector.shape_cast %broadcast_in_dim3A_812 : vector<16x1xi32> to vector<16xi32>
    %gather3A_814 = tpu.dynamic_gather %min3A_790[%gather3A_813] in [0] : vector<16xf32>, vector<16xi32> -> vector<16xf32>
    %max3A_815 = arith.maximumf %max3A_783, %gather3A_814 : vector<16xf32>
    %max3A_816 = arith.maximumf %min3A_784, %gather3A_811 : vector<16xf32>
    %max3A_817 = arith.maximumf %max3A_785, %gather3A_808 : vector<16xf32>
    %max3A_818 = arith.maximumf %min3A_786, %gather3A_805 : vector<16xf32>
    %max3A_819 = arith.maximumf %max3A_787, %gather3A_802 : vector<16xf32>
    %max3A_820 = arith.maximumf %min3A_788, %gather3A_799 : vector<16xf32>
    %max3A_821 = arith.maximumf %max3A_789, %gather3A_796 : vector<16xf32>
    %max3A_822 = arith.maximumf %min3A_790, %gather3A_793 : vector<16xf32>
    %max3A_823 = arith.maximumf %max3A_815, %max3A_819 : vector<16xf32>
    %min3A_824 = arith.minimumf %max3A_815, %max3A_819 : vector<16xf32>
    %max3A_825 = arith.maximumf %max3A_816, %max3A_820 : vector<16xf32>
    %min3A_826 = arith.minimumf %max3A_816, %max3A_820 : vector<16xf32>
    %max3A_827 = arith.maximumf %max3A_817, %max3A_821 : vector<16xf32>
    %min3A_828 = arith.minimumf %max3A_817, %max3A_821 : vector<16xf32>
    %max3A_829 = arith.maximumf %max3A_818, %max3A_822 : vector<16xf32>
    %min3A_830 = arith.minimumf %max3A_818, %max3A_822 : vector<16xf32>
    %max3A_831 = arith.maximumf %max3A_823, %max3A_827 : vector<16xf32>
    %min3A_832 = arith.minimumf %max3A_823, %max3A_827 : vector<16xf32>
    %max3A_833 = arith.maximumf %max3A_825, %max3A_829 : vector<16xf32>
    %min3A_834 = arith.minimumf %max3A_825, %max3A_829 : vector<16xf32>
    %max3A_835 = arith.maximumf %min3A_824, %min3A_828 : vector<16xf32>
    %min3A_836 = arith.minimumf %min3A_824, %min3A_828 : vector<16xf32>
    %max3A_837 = arith.maximumf %min3A_826, %min3A_830 : vector<16xf32>
    %min3A_838 = arith.minimumf %min3A_826, %min3A_830 : vector<16xf32>
    %max3A_839 = arith.maximumf %max3A_831, %max3A_833 : vector<16xf32>
    %min3A_840 = arith.minimumf %max3A_831, %max3A_833 : vector<16xf32>
    %max3A_841 = arith.maximumf %min3A_832, %min3A_834 : vector<16xf32>
    %min3A_842 = arith.minimumf %min3A_832, %min3A_834 : vector<16xf32>
    %max3A_843 = arith.maximumf %max3A_835, %max3A_837 : vector<16xf32>
    %min3A_844 = arith.minimumf %max3A_835, %max3A_837 : vector<16xf32>
    %max3A_845 = arith.maximumf %min3A_836, %min3A_838 : vector<16xf32>
    %min3A_846 = arith.minimumf %min3A_836, %min3A_838 : vector<16xf32>
    %broadcast_in_dim3A_847 = vector.shape_cast %xor3A_56 : vector<16xi32> to vector<16x1xi32>
    %gather3A_848 = vector.shape_cast %broadcast_in_dim3A_847 : vector<16x1xi32> to vector<16xi32>
    %gather3A_849 = tpu.dynamic_gather %max3A_839[%gather3A_848] in [0] : vector<16xf32>, vector<16xi32> -> vector<16xf32>
    %broadcast_in_dim3A_850 = vector.shape_cast %xor3A_56 : vector<16xi32> to vector<16x1xi32>
    %gather3A_851 = vector.shape_cast %broadcast_in_dim3A_850 : vector<16x1xi32> to vector<16xi32>
    %gather3A_852 = tpu.dynamic_gather %min3A_840[%gather3A_851] in [0] : vector<16xf32>, vector<16xi32> -> vector<16xf32>
    %broadcast_in_dim3A_853 = vector.shape_cast %xor3A_56 : vector<16xi32> to vector<16x1xi32>
    %gather3A_854 = vector.shape_cast %broadcast_in_dim3A_853 : vector<16x1xi32> to vector<16xi32>
    %gather3A_855 = tpu.dynamic_gather %max3A_841[%gather3A_854] in [0] : vector<16xf32>, vector<16xi32> -> vector<16xf32>
    %broadcast_in_dim3A_856 = vector.shape_cast %xor3A_56 : vector<16xi32> to vector<16x1xi32>
    %gather3A_857 = vector.shape_cast %broadcast_in_dim3A_856 : vector<16x1xi32> to vector<16xi32>
    %gather3A_858 = tpu.dynamic_gather %min3A_842[%gather3A_857] in [0] : vector<16xf32>, vector<16xi32> -> vector<16xf32>
    %broadcast_in_dim3A_859 = vector.shape_cast %xor3A_56 : vector<16xi32> to vector<16x1xi32>
    %gather3A_860 = vector.shape_cast %broadcast_in_dim3A_859 : vector<16x1xi32> to vector<16xi32>
    %gather3A_861 = tpu.dynamic_gather %max3A_843[%gather3A_860] in [0] : vector<16xf32>, vector<16xi32> -> vector<16xf32>
    %broadcast_in_dim3A_862 = vector.shape_cast %xor3A_56 : vector<16xi32> to vector<16x1xi32>
    %gather3A_863 = vector.shape_cast %broadcast_in_dim3A_862 : vector<16x1xi32> to vector<16xi32>
    %gather3A_864 = tpu.dynamic_gather %min3A_844[%gather3A_863] in [0] : vector<16xf32>, vector<16xi32> -> vector<16xf32>
    %broadcast_in_dim3A_865 = vector.shape_cast %xor3A_56 : vector<16xi32> to vector<16x1xi32>
    %gather3A_866 = vector.shape_cast %broadcast_in_dim3A_865 : vector<16x1xi32> to vector<16xi32>
    %gather3A_867 = tpu.dynamic_gather %max3A_845[%gather3A_866] in [0] : vector<16xf32>, vector<16xi32> -> vector<16xf32>
    %broadcast_in_dim3A_868 = vector.shape_cast %xor3A_56 : vector<16xi32> to vector<16x1xi32>
    %gather3A_869 = vector.shape_cast %broadcast_in_dim3A_868 : vector<16x1xi32> to vector<16xi32>
    %gather3A_870 = tpu.dynamic_gather %min3A_846[%gather3A_869] in [0] : vector<16xf32>, vector<16xi32> -> vector<16xf32>
    %max3A_871 = arith.maximumf %max3A_839, %gather3A_870 : vector<16xf32>
    %max3A_872 = arith.maximumf %min3A_840, %gather3A_867 : vector<16xf32>
    %max3A_873 = arith.maximumf %max3A_841, %gather3A_864 : vector<16xf32>
    %max3A_874 = arith.maximumf %min3A_842, %gather3A_861 : vector<16xf32>
    %max3A_875 = arith.maximumf %max3A_843, %gather3A_858 : vector<16xf32>
    %max3A_876 = arith.maximumf %min3A_844, %gather3A_855 : vector<16xf32>
    %max3A_877 = arith.maximumf %max3A_845, %gather3A_852 : vector<16xf32>
    %max3A_878 = arith.maximumf %min3A_846, %gather3A_849 : vector<16xf32>
    %max3A_879 = arith.maximumf %max3A_871, %max3A_875 : vector<16xf32>
    %min3A_880 = arith.minimumf %max3A_871, %max3A_875 : vector<16xf32>
    %max3A_881 = arith.maximumf %max3A_872, %max3A_876 : vector<16xf32>
    %min3A_882 = arith.minimumf %max3A_872, %max3A_876 : vector<16xf32>
    %max3A_883 = arith.maximumf %max3A_873, %max3A_877 : vector<16xf32>
    %min3A_884 = arith.minimumf %max3A_873, %max3A_877 : vector<16xf32>
    %max3A_885 = arith.maximumf %max3A_874, %max3A_878 : vector<16xf32>
    %min3A_886 = arith.minimumf %max3A_874, %max3A_878 : vector<16xf32>
    %max3A_887 = arith.maximumf %max3A_879, %max3A_883 : vector<16xf32>
    %min3A_888 = arith.minimumf %max3A_879, %max3A_883 : vector<16xf32>
    %max3A_889 = arith.maximumf %max3A_881, %max3A_885 : vector<16xf32>
    %min3A_890 = arith.minimumf %max3A_881, %max3A_885 : vector<16xf32>
    %max3A_891 = arith.maximumf %min3A_880, %min3A_884 : vector<16xf32>
    %min3A_892 = arith.minimumf %min3A_880, %min3A_884 : vector<16xf32>
    %max3A_893 = arith.maximumf %min3A_882, %min3A_886 : vector<16xf32>
    %min3A_894 = arith.minimumf %min3A_882, %min3A_886 : vector<16xf32>
    %max3A_895 = arith.maximumf %max3A_887, %max3A_889 : vector<16xf32>
    %min3A_896 = arith.minimumf %max3A_887, %max3A_889 : vector<16xf32>
    %max3A_897 = arith.maximumf %min3A_888, %min3A_890 : vector<16xf32>
    %min3A_898 = arith.minimumf %min3A_888, %min3A_890 : vector<16xf32>
    %max3A_899 = arith.maximumf %max3A_891, %max3A_893 : vector<16xf32>
    %min3A_900 = arith.minimumf %max3A_891, %max3A_893 : vector<16xf32>
    %max3A_901 = arith.maximumf %min3A_892, %min3A_894 : vector<16xf32>
    %min3A_902 = arith.minimumf %min3A_892, %min3A_894 : vector<16xf32>
    %broadcast_in_dim3A_903 = vector.shape_cast %xor3A_59 : vector<16xi32> to vector<16x1xi32>
    %gather3A_904 = vector.shape_cast %broadcast_in_dim3A_903 : vector<16x1xi32> to vector<16xi32>
    %gather3A_905 = tpu.dynamic_gather %max3A_895[%gather3A_904] in [0] : vector<16xf32>, vector<16xi32> -> vector<16xf32>
    %broadcast_in_dim3A_906 = vector.shape_cast %xor3A_59 : vector<16xi32> to vector<16x1xi32>
    %gather3A_907 = vector.shape_cast %broadcast_in_dim3A_906 : vector<16x1xi32> to vector<16xi32>
    %gather3A_908 = tpu.dynamic_gather %min3A_896[%gather3A_907] in [0] : vector<16xf32>, vector<16xi32> -> vector<16xf32>
    %broadcast_in_dim3A_909 = vector.shape_cast %xor3A_59 : vector<16xi32> to vector<16x1xi32>
    %gather3A_910 = vector.shape_cast %broadcast_in_dim3A_909 : vector<16x1xi32> to vector<16xi32>
    %gather3A_911 = tpu.dynamic_gather %max3A_897[%gather3A_910] in [0] : vector<16xf32>, vector<16xi32> -> vector<16xf32>
    %broadcast_in_dim3A_912 = vector.shape_cast %xor3A_59 : vector<16xi32> to vector<16x1xi32>
    %gather3A_913 = vector.shape_cast %broadcast_in_dim3A_912 : vector<16x1xi32> to vector<16xi32>
    %gather3A_914 = tpu.dynamic_gather %min3A_898[%gather3A_913] in [0] : vector<16xf32>, vector<16xi32> -> vector<16xf32>
    %broadcast_in_dim3A_915 = vector.shape_cast %xor3A_59 : vector<16xi32> to vector<16x1xi32>
    %gather3A_916 = vector.shape_cast %broadcast_in_dim3A_915 : vector<16x1xi32> to vector<16xi32>
    %gather3A_917 = tpu.dynamic_gather %max3A_899[%gather3A_916] in [0] : vector<16xf32>, vector<16xi32> -> vector<16xf32>
    %broadcast_in_dim3A_918 = vector.shape_cast %xor3A_59 : vector<16xi32> to vector<16x1xi32>
    %gather3A_919 = vector.shape_cast %broadcast_in_dim3A_918 : vector<16x1xi32> to vector<16xi32>
    %gather3A_920 = tpu.dynamic_gather %min3A_900[%gather3A_919] in [0] : vector<16xf32>, vector<16xi32> -> vector<16xf32>
    %broadcast_in_dim3A_921 = vector.shape_cast %xor3A_59 : vector<16xi32> to vector<16x1xi32>
    %gather3A_922 = vector.shape_cast %broadcast_in_dim3A_921 : vector<16x1xi32> to vector<16xi32>
    %gather3A_923 = tpu.dynamic_gather %max3A_901[%gather3A_922] in [0] : vector<16xf32>, vector<16xi32> -> vector<16xf32>
    %broadcast_in_dim3A_924 = vector.shape_cast %xor3A_59 : vector<16xi32> to vector<16x1xi32>
    %gather3A_925 = vector.shape_cast %broadcast_in_dim3A_924 : vector<16x1xi32> to vector<16xi32>
    %gather3A_926 = tpu.dynamic_gather %min3A_902[%gather3A_925] in [0] : vector<16xf32>, vector<16xi32> -> vector<16xf32>
    %max3A_927 = arith.maximumf %max3A_895, %gather3A_926 : vector<16xf32>
    %max3A_928 = arith.maximumf %min3A_896, %gather3A_923 : vector<16xf32>
    %max3A_929 = arith.maximumf %max3A_897, %gather3A_920 : vector<16xf32>
    %max3A_930 = arith.maximumf %min3A_898, %gather3A_917 : vector<16xf32>
    %max3A_931 = arith.maximumf %max3A_899, %gather3A_914 : vector<16xf32>
    %max3A_932 = arith.maximumf %min3A_900, %gather3A_911 : vector<16xf32>
    %max3A_933 = arith.maximumf %max3A_901, %gather3A_908 : vector<16xf32>
    %max3A_934 = arith.maximumf %min3A_902, %gather3A_905 : vector<16xf32>
    %max3A_935 = arith.maximumf %max3A_927, %max3A_931 : vector<16xf32>
    %min3A_936 = arith.minimumf %max3A_927, %max3A_931 : vector<16xf32>
    %max3A_937 = arith.maximumf %max3A_928, %max3A_932 : vector<16xf32>
    %min3A_938 = arith.minimumf %max3A_928, %max3A_932 : vector<16xf32>
    %max3A_939 = arith.maximumf %max3A_929, %max3A_933 : vector<16xf32>
    %min3A_940 = arith.minimumf %max3A_929, %max3A_933 : vector<16xf32>
    %max3A_941 = arith.maximumf %max3A_930, %max3A_934 : vector<16xf32>
    %min3A_942 = arith.minimumf %max3A_930, %max3A_934 : vector<16xf32>
    %max3A_943 = arith.maximumf %max3A_935, %max3A_939 : vector<16xf32>
    %min3A_944 = arith.minimumf %max3A_935, %max3A_939 : vector<16xf32>
    %max3A_945 = arith.maximumf %max3A_937, %max3A_941 : vector<16xf32>
    %min3A_946 = arith.minimumf %max3A_937, %max3A_941 : vector<16xf32>
    %max3A_947 = arith.maximumf %min3A_936, %min3A_940 : vector<16xf32>
    %min3A_948 = arith.minimumf %min3A_936, %min3A_940 : vector<16xf32>
    %max3A_949 = arith.maximumf %min3A_938, %min3A_942 : vector<16xf32>
    %min3A_950 = arith.minimumf %min3A_938, %min3A_942 : vector<16xf32>
    %max3A_951 = arith.maximumf %max3A_943, %max3A_945 : vector<16xf32>
    %min3A_952 = arith.minimumf %max3A_943, %max3A_945 : vector<16xf32>
    %max3A_953 = arith.maximumf %min3A_944, %min3A_946 : vector<16xf32>
    %min3A_954 = arith.minimumf %min3A_944, %min3A_946 : vector<16xf32>
    %max3A_955 = arith.maximumf %max3A_947, %max3A_949 : vector<16xf32>
    %min3A_956 = arith.minimumf %max3A_947, %max3A_949 : vector<16xf32>
    %max3A_957 = arith.maximumf %min3A_948, %min3A_950 : vector<16xf32>
    %min3A_958 = arith.minimumf %min3A_948, %min3A_950 : vector<16xf32>
    %add3A_959 = arith.addf %max3A_951, %min3A_952 : vector<16xf32>
    %add3A_960 = arith.addf %add3A_959, %max3A_953 : vector<16xf32>
    %add3A_961 = arith.addf %add3A_960, %min3A_954 : vector<16xf32>
    %add3A_962 = arith.addf %add3A_961, %max3A_955 : vector<16xf32>
    %add3A_963 = arith.addf %add3A_962, %min3A_956 : vector<16xf32>
    %add3A_964 = arith.addf %add3A_963, %max3A_957 : vector<16xf32>
    %add3A_965 = arith.addf %add3A_964, %min3A_958 : vector<16xf32>
    %mul3A_966 = arith.constant 1.250000e-01 : f32
    %mul3A_967 = vector.broadcast %mul3A_966 : f32 to vector<16xf32>
    %mul3A_968 = arith.mulf %add3A_965, %mul3A_967 : vector<16xf32>
    %broadcast_in_dim3A_969 = vector.shape_cast %xor3A_50 : vector<16xi32> to vector<16x1xi32>
    %gather3A_970 = vector.shape_cast %broadcast_in_dim3A_969 : vector<16x1xi32> to vector<16xi32>
    %gather3A_971 = tpu.dynamic_gather %while3A_734#12[%gather3A_970] in [0] : vector<16xf32>, vector<16xi32> -> vector<16xf32>
    %broadcast_in_dim3A_972 = vector.shape_cast %xor3A_50 : vector<16xi32> to vector<16x1xi32>
    %gather3A_973 = vector.shape_cast %broadcast_in_dim3A_972 : vector<16x1xi32> to vector<16xi32>
    %gather3A_974 = tpu.dynamic_gather %while3A_734#13[%gather3A_973] in [0] : vector<16xf32>, vector<16xi32> -> vector<16xf32>
    %broadcast_in_dim3A_975 = vector.shape_cast %xor3A_50 : vector<16xi32> to vector<16x1xi32>
    %gather3A_976 = vector.shape_cast %broadcast_in_dim3A_975 : vector<16x1xi32> to vector<16xi32>
    %gather3A_977 = tpu.dynamic_gather %while3A_734#14[%gather3A_976] in [0] : vector<16xf32>, vector<16xi32> -> vector<16xf32>
    %broadcast_in_dim3A_978 = vector.shape_cast %xor3A_50 : vector<16xi32> to vector<16x1xi32>
    %gather3A_979 = vector.shape_cast %broadcast_in_dim3A_978 : vector<16x1xi32> to vector<16xi32>
    %gather3A_980 = tpu.dynamic_gather %while3A_734#15[%gather3A_979] in [0] : vector<16xf32>, vector<16xi32> -> vector<16xf32>
    %broadcast_in_dim3A_981 = vector.shape_cast %xor3A_50 : vector<16xi32> to vector<16x1xi32>
    %gather3A_982 = vector.shape_cast %broadcast_in_dim3A_981 : vector<16x1xi32> to vector<16xi32>
    %gather3A_983 = tpu.dynamic_gather %while3A_734#16[%gather3A_982] in [0] : vector<16xf32>, vector<16xi32> -> vector<16xf32>
    %broadcast_in_dim3A_984 = vector.shape_cast %xor3A_50 : vector<16xi32> to vector<16x1xi32>
    %gather3A_985 = vector.shape_cast %broadcast_in_dim3A_984 : vector<16x1xi32> to vector<16xi32>
    %gather3A_986 = tpu.dynamic_gather %while3A_734#17[%gather3A_985] in [0] : vector<16xf32>, vector<16xi32> -> vector<16xf32>
    %broadcast_in_dim3A_987 = vector.shape_cast %xor3A_50 : vector<16xi32> to vector<16x1xi32>
    %gather3A_988 = vector.shape_cast %broadcast_in_dim3A_987 : vector<16x1xi32> to vector<16xi32>
    %gather3A_989 = tpu.dynamic_gather %while3A_734#18[%gather3A_988] in [0] : vector<16xf32>, vector<16xi32> -> vector<16xf32>
    %broadcast_in_dim3A_990 = vector.shape_cast %xor3A_50 : vector<16xi32> to vector<16x1xi32>
    %gather3A_991 = vector.shape_cast %broadcast_in_dim3A_990 : vector<16x1xi32> to vector<16xi32>
    %gather3A_992 = tpu.dynamic_gather %while3A_734#19[%gather3A_991] in [0] : vector<16xf32>, vector<16xi32> -> vector<16xf32>
    %max3A_993 = arith.maximumf %while3A_734#12, %gather3A_992 : vector<16xf32>
    %max3A_994 = arith.maximumf %while3A_734#13, %gather3A_989 : vector<16xf32>
    %max3A_995 = arith.maximumf %while3A_734#14, %gather3A_986 : vector<16xf32>
    %max3A_996 = arith.maximumf %while3A_734#15, %gather3A_983 : vector<16xf32>
    %max3A_997 = arith.maximumf %while3A_734#16, %gather3A_980 : vector<16xf32>
    %max3A_998 = arith.maximumf %while3A_734#17, %gather3A_977 : vector<16xf32>
    %max3A_999 = arith.maximumf %while3A_734#18, %gather3A_974 : vector<16xf32>
    %max3A_1000 = arith.maximumf %while3A_734#19, %gather3A_971 : vector<16xf32>
    %max3A_1001 = arith.maximumf %max3A_993, %max3A_997 : vector<16xf32>
    %min3A_1002 = arith.minimumf %max3A_993, %max3A_997 : vector<16xf32>
    %max3A_1003 = arith.maximumf %max3A_994, %max3A_998 : vector<16xf32>
    %min3A_1004 = arith.minimumf %max3A_994, %max3A_998 : vector<16xf32>
    %max3A_1005 = arith.maximumf %max3A_995, %max3A_999 : vector<16xf32>
    %min3A_1006 = arith.minimumf %max3A_995, %max3A_999 : vector<16xf32>
    %max3A_1007 = arith.maximumf %max3A_996, %max3A_1000 : vector<16xf32>
    %min3A_1008 = arith.minimumf %max3A_996, %max3A_1000 : vector<16xf32>
    %max3A_1009 = arith.maximumf %max3A_1001, %max3A_1005 : vector<16xf32>
    %min3A_1010 = arith.minimumf %max3A_1001, %max3A_1005 : vector<16xf32>
    %max3A_1011 = arith.maximumf %max3A_1003, %max3A_1007 : vector<16xf32>
    %min3A_1012 = arith.minimumf %max3A_1003, %max3A_1007 : vector<16xf32>
    %max3A_1013 = arith.maximumf %min3A_1002, %min3A_1006 : vector<16xf32>
    %min3A_1014 = arith.minimumf %min3A_1002, %min3A_1006 : vector<16xf32>
    %max3A_1015 = arith.maximumf %min3A_1004, %min3A_1008 : vector<16xf32>
    %min3A_1016 = arith.minimumf %min3A_1004, %min3A_1008 : vector<16xf32>
    %max3A_1017 = arith.maximumf %max3A_1009, %max3A_1011 : vector<16xf32>
    %min3A_1018 = arith.minimumf %max3A_1009, %max3A_1011 : vector<16xf32>
    %max3A_1019 = arith.maximumf %min3A_1010, %min3A_1012 : vector<16xf32>
    %min3A_1020 = arith.minimumf %min3A_1010, %min3A_1012 : vector<16xf32>
    %max3A_1021 = arith.maximumf %max3A_1013, %max3A_1015 : vector<16xf32>
    %min3A_1022 = arith.minimumf %max3A_1013, %max3A_1015 : vector<16xf32>
    %max3A_1023 = arith.maximumf %min3A_1014, %min3A_1016 : vector<16xf32>
    %min3A_1024 = arith.minimumf %min3A_1014, %min3A_1016 : vector<16xf32>
    %broadcast_in_dim3A_1025 = vector.shape_cast %xor3A_53 : vector<16xi32> to vector<16x1xi32>
    %gather3A_1026 = vector.shape_cast %broadcast_in_dim3A_1025 : vector<16x1xi32> to vector<16xi32>
    %gather3A_1027 = tpu.dynamic_gather %max3A_1017[%gather3A_1026] in [0] : vector<16xf32>, vector<16xi32> -> vector<16xf32>
    %broadcast_in_dim3A_1028 = vector.shape_cast %xor3A_53 : vector<16xi32> to vector<16x1xi32>
    %gather3A_1029 = vector.shape_cast %broadcast_in_dim3A_1028 : vector<16x1xi32> to vector<16xi32>
    %gather3A_1030 = tpu.dynamic_gather %min3A_1018[%gather3A_1029] in [0] : vector<16xf32>, vector<16xi32> -> vector<16xf32>
    %broadcast_in_dim3A_1031 = vector.shape_cast %xor3A_53 : vector<16xi32> to vector<16x1xi32>
    %gather3A_1032 = vector.shape_cast %broadcast_in_dim3A_1031 : vector<16x1xi32> to vector<16xi32>
    %gather3A_1033 = tpu.dynamic_gather %max3A_1019[%gather3A_1032] in [0] : vector<16xf32>, vector<16xi32> -> vector<16xf32>
    %broadcast_in_dim3A_1034 = vector.shape_cast %xor3A_53 : vector<16xi32> to vector<16x1xi32>
    %gather3A_1035 = vector.shape_cast %broadcast_in_dim3A_1034 : vector<16x1xi32> to vector<16xi32>
    %gather3A_1036 = tpu.dynamic_gather %min3A_1020[%gather3A_1035] in [0] : vector<16xf32>, vector<16xi32> -> vector<16xf32>
    %broadcast_in_dim3A_1037 = vector.shape_cast %xor3A_53 : vector<16xi32> to vector<16x1xi32>
    %gather3A_1038 = vector.shape_cast %broadcast_in_dim3A_1037 : vector<16x1xi32> to vector<16xi32>
    %gather3A_1039 = tpu.dynamic_gather %max3A_1021[%gather3A_1038] in [0] : vector<16xf32>, vector<16xi32> -> vector<16xf32>
    %broadcast_in_dim3A_1040 = vector.shape_cast %xor3A_53 : vector<16xi32> to vector<16x1xi32>
    %gather3A_1041 = vector.shape_cast %broadcast_in_dim3A_1040 : vector<16x1xi32> to vector<16xi32>
    %gather3A_1042 = tpu.dynamic_gather %min3A_1022[%gather3A_1041] in [0] : vector<16xf32>, vector<16xi32> -> vector<16xf32>
    %broadcast_in_dim3A_1043 = vector.shape_cast %xor3A_53 : vector<16xi32> to vector<16x1xi32>
    %gather3A_1044 = vector.shape_cast %broadcast_in_dim3A_1043 : vector<16x1xi32> to vector<16xi32>
    %gather3A_1045 = tpu.dynamic_gather %max3A_1023[%gather3A_1044] in [0] : vector<16xf32>, vector<16xi32> -> vector<16xf32>
    %broadcast_in_dim3A_1046 = vector.shape_cast %xor3A_53 : vector<16xi32> to vector<16x1xi32>
    %gather3A_1047 = vector.shape_cast %broadcast_in_dim3A_1046 : vector<16x1xi32> to vector<16xi32>
    %gather3A_1048 = tpu.dynamic_gather %min3A_1024[%gather3A_1047] in [0] : vector<16xf32>, vector<16xi32> -> vector<16xf32>
    %max3A_1049 = arith.maximumf %max3A_1017, %gather3A_1048 : vector<16xf32>
    %max3A_1050 = arith.maximumf %min3A_1018, %gather3A_1045 : vector<16xf32>
    %max3A_1051 = arith.maximumf %max3A_1019, %gather3A_1042 : vector<16xf32>
    %max3A_1052 = arith.maximumf %min3A_1020, %gather3A_1039 : vector<16xf32>
    %max3A_1053 = arith.maximumf %max3A_1021, %gather3A_1036 : vector<16xf32>
    %max3A_1054 = arith.maximumf %min3A_1022, %gather3A_1033 : vector<16xf32>
    %max3A_1055 = arith.maximumf %max3A_1023, %gather3A_1030 : vector<16xf32>
    %max3A_1056 = arith.maximumf %min3A_1024, %gather3A_1027 : vector<16xf32>
    %max3A_1057 = arith.maximumf %max3A_1049, %max3A_1053 : vector<16xf32>
    %min3A_1058 = arith.minimumf %max3A_1049, %max3A_1053 : vector<16xf32>
    %max3A_1059 = arith.maximumf %max3A_1050, %max3A_1054 : vector<16xf32>
    %min3A_1060 = arith.minimumf %max3A_1050, %max3A_1054 : vector<16xf32>
    %max3A_1061 = arith.maximumf %max3A_1051, %max3A_1055 : vector<16xf32>
    %min3A_1062 = arith.minimumf %max3A_1051, %max3A_1055 : vector<16xf32>
    %max3A_1063 = arith.maximumf %max3A_1052, %max3A_1056 : vector<16xf32>
    %min3A_1064 = arith.minimumf %max3A_1052, %max3A_1056 : vector<16xf32>
    %max3A_1065 = arith.maximumf %max3A_1057, %max3A_1061 : vector<16xf32>
    %min3A_1066 = arith.minimumf %max3A_1057, %max3A_1061 : vector<16xf32>
    %max3A_1067 = arith.maximumf %max3A_1059, %max3A_1063 : vector<16xf32>
    %min3A_1068 = arith.minimumf %max3A_1059, %max3A_1063 : vector<16xf32>
    %max3A_1069 = arith.maximumf %min3A_1058, %min3A_1062 : vector<16xf32>
    %min3A_1070 = arith.minimumf %min3A_1058, %min3A_1062 : vector<16xf32>
    %max3A_1071 = arith.maximumf %min3A_1060, %min3A_1064 : vector<16xf32>
    %min3A_1072 = arith.minimumf %min3A_1060, %min3A_1064 : vector<16xf32>
    %max3A_1073 = arith.maximumf %max3A_1065, %max3A_1067 : vector<16xf32>
    %min3A_1074 = arith.minimumf %max3A_1065, %max3A_1067 : vector<16xf32>
    %max3A_1075 = arith.maximumf %min3A_1066, %min3A_1068 : vector<16xf32>
    %min3A_1076 = arith.minimumf %min3A_1066, %min3A_1068 : vector<16xf32>
    %max3A_1077 = arith.maximumf %max3A_1069, %max3A_1071 : vector<16xf32>
    %min3A_1078 = arith.minimumf %max3A_1069, %max3A_1071 : vector<16xf32>
    %max3A_1079 = arith.maximumf %min3A_1070, %min3A_1072 : vector<16xf32>
    %min3A_1080 = arith.minimumf %min3A_1070, %min3A_1072 : vector<16xf32>
    %broadcast_in_dim3A_1081 = vector.shape_cast %xor3A_56 : vector<16xi32> to vector<16x1xi32>
    %gather3A_1082 = vector.shape_cast %broadcast_in_dim3A_1081 : vector<16x1xi32> to vector<16xi32>
    %gather3A_1083 = tpu.dynamic_gather %max3A_1073[%gather3A_1082] in [0] : vector<16xf32>, vector<16xi32> -> vector<16xf32>
    %broadcast_in_dim3A_1084 = vector.shape_cast %xor3A_56 : vector<16xi32> to vector<16x1xi32>
    %gather3A_1085 = vector.shape_cast %broadcast_in_dim3A_1084 : vector<16x1xi32> to vector<16xi32>
    %gather3A_1086 = tpu.dynamic_gather %min3A_1074[%gather3A_1085] in [0] : vector<16xf32>, vector<16xi32> -> vector<16xf32>
    %broadcast_in_dim3A_1087 = vector.shape_cast %xor3A_56 : vector<16xi32> to vector<16x1xi32>
    %gather3A_1088 = vector.shape_cast %broadcast_in_dim3A_1087 : vector<16x1xi32> to vector<16xi32>
    %gather3A_1089 = tpu.dynamic_gather %max3A_1075[%gather3A_1088] in [0] : vector<16xf32>, vector<16xi32> -> vector<16xf32>
    %broadcast_in_dim3A_1090 = vector.shape_cast %xor3A_56 : vector<16xi32> to vector<16x1xi32>
    %gather3A_1091 = vector.shape_cast %broadcast_in_dim3A_1090 : vector<16x1xi32> to vector<16xi32>
    %gather3A_1092 = tpu.dynamic_gather %min3A_1076[%gather3A_1091] in [0] : vector<16xf32>, vector<16xi32> -> vector<16xf32>
    %broadcast_in_dim3A_1093 = vector.shape_cast %xor3A_56 : vector<16xi32> to vector<16x1xi32>
    %gather3A_1094 = vector.shape_cast %broadcast_in_dim3A_1093 : vector<16x1xi32> to vector<16xi32>
    %gather3A_1095 = tpu.dynamic_gather %max3A_1077[%gather3A_1094] in [0] : vector<16xf32>, vector<16xi32> -> vector<16xf32>
    %broadcast_in_dim3A_1096 = vector.shape_cast %xor3A_56 : vector<16xi32> to vector<16x1xi32>
    %gather3A_1097 = vector.shape_cast %broadcast_in_dim3A_1096 : vector<16x1xi32> to vector<16xi32>
    %gather3A_1098 = tpu.dynamic_gather %min3A_1078[%gather3A_1097] in [0] : vector<16xf32>, vector<16xi32> -> vector<16xf32>
    %broadcast_in_dim3A_1099 = vector.shape_cast %xor3A_56 : vector<16xi32> to vector<16x1xi32>
    %gather3A_1100 = vector.shape_cast %broadcast_in_dim3A_1099 : vector<16x1xi32> to vector<16xi32>
    %gather3A_1101 = tpu.dynamic_gather %max3A_1079[%gather3A_1100] in [0] : vector<16xf32>, vector<16xi32> -> vector<16xf32>
    %broadcast_in_dim3A_1102 = vector.shape_cast %xor3A_56 : vector<16xi32> to vector<16x1xi32>
    %gather3A_1103 = vector.shape_cast %broadcast_in_dim3A_1102 : vector<16x1xi32> to vector<16xi32>
    %gather3A_1104 = tpu.dynamic_gather %min3A_1080[%gather3A_1103] in [0] : vector<16xf32>, vector<16xi32> -> vector<16xf32>
    %max3A_1105 = arith.maximumf %max3A_1073, %gather3A_1104 : vector<16xf32>
    %max3A_1106 = arith.maximumf %min3A_1074, %gather3A_1101 : vector<16xf32>
    %max3A_1107 = arith.maximumf %max3A_1075, %gather3A_1098 : vector<16xf32>
    %max3A_1108 = arith.maximumf %min3A_1076, %gather3A_1095 : vector<16xf32>
    %max3A_1109 = arith.maximumf %max3A_1077, %gather3A_1092 : vector<16xf32>
    %max3A_1110 = arith.maximumf %min3A_1078, %gather3A_1089 : vector<16xf32>
    %max3A_1111 = arith.maximumf %max3A_1079, %gather3A_1086 : vector<16xf32>
    %max3A_1112 = arith.maximumf %min3A_1080, %gather3A_1083 : vector<16xf32>
    %max3A_1113 = arith.maximumf %max3A_1105, %max3A_1109 : vector<16xf32>
    %min3A_1114 = arith.minimumf %max3A_1105, %max3A_1109 : vector<16xf32>
    %max3A_1115 = arith.maximumf %max3A_1106, %max3A_1110 : vector<16xf32>
    %min3A_1116 = arith.minimumf %max3A_1106, %max3A_1110 : vector<16xf32>
    %max3A_1117 = arith.maximumf %max3A_1107, %max3A_1111 : vector<16xf32>
    %min3A_1118 = arith.minimumf %max3A_1107, %max3A_1111 : vector<16xf32>
    %max3A_1119 = arith.maximumf %max3A_1108, %max3A_1112 : vector<16xf32>
    %min3A_1120 = arith.minimumf %max3A_1108, %max3A_1112 : vector<16xf32>
    %max3A_1121 = arith.maximumf %max3A_1113, %max3A_1117 : vector<16xf32>
    %min3A_1122 = arith.minimumf %max3A_1113, %max3A_1117 : vector<16xf32>
    %max3A_1123 = arith.maximumf %max3A_1115, %max3A_1119 : vector<16xf32>
    %min3A_1124 = arith.minimumf %max3A_1115, %max3A_1119 : vector<16xf32>
    %max3A_1125 = arith.maximumf %min3A_1114, %min3A_1118 : vector<16xf32>
    %min3A_1126 = arith.minimumf %min3A_1114, %min3A_1118 : vector<16xf32>
    %max3A_1127 = arith.maximumf %min3A_1116, %min3A_1120 : vector<16xf32>
    %min3A_1128 = arith.minimumf %min3A_1116, %min3A_1120 : vector<16xf32>
    %max3A_1129 = arith.maximumf %max3A_1121, %max3A_1123 : vector<16xf32>
    %min3A_1130 = arith.minimumf %max3A_1121, %max3A_1123 : vector<16xf32>
    %max3A_1131 = arith.maximumf %min3A_1122, %min3A_1124 : vector<16xf32>
    %min3A_1132 = arith.minimumf %min3A_1122, %min3A_1124 : vector<16xf32>
    %max3A_1133 = arith.maximumf %max3A_1125, %max3A_1127 : vector<16xf32>
    %min3A_1134 = arith.minimumf %max3A_1125, %max3A_1127 : vector<16xf32>
    %max3A_1135 = arith.maximumf %min3A_1126, %min3A_1128 : vector<16xf32>
    %min3A_1136 = arith.minimumf %min3A_1126, %min3A_1128 : vector<16xf32>
    %broadcast_in_dim3A_1137 = vector.shape_cast %xor3A_59 : vector<16xi32> to vector<16x1xi32>
    %gather3A_1138 = vector.shape_cast %broadcast_in_dim3A_1137 : vector<16x1xi32> to vector<16xi32>
    %gather3A_1139 = tpu.dynamic_gather %max3A_1129[%gather3A_1138] in [0] : vector<16xf32>, vector<16xi32> -> vector<16xf32>
    %broadcast_in_dim3A_1140 = vector.shape_cast %xor3A_59 : vector<16xi32> to vector<16x1xi32>
    %gather3A_1141 = vector.shape_cast %broadcast_in_dim3A_1140 : vector<16x1xi32> to vector<16xi32>
    %gather3A_1142 = tpu.dynamic_gather %min3A_1130[%gather3A_1141] in [0] : vector<16xf32>, vector<16xi32> -> vector<16xf32>
    %broadcast_in_dim3A_1143 = vector.shape_cast %xor3A_59 : vector<16xi32> to vector<16x1xi32>
    %gather3A_1144 = vector.shape_cast %broadcast_in_dim3A_1143 : vector<16x1xi32> to vector<16xi32>
    %gather3A_1145 = tpu.dynamic_gather %max3A_1131[%gather3A_1144] in [0] : vector<16xf32>, vector<16xi32> -> vector<16xf32>
    %broadcast_in_dim3A_1146 = vector.shape_cast %xor3A_59 : vector<16xi32> to vector<16x1xi32>
    %gather3A_1147 = vector.shape_cast %broadcast_in_dim3A_1146 : vector<16x1xi32> to vector<16xi32>
    %gather3A_1148 = tpu.dynamic_gather %min3A_1132[%gather3A_1147] in [0] : vector<16xf32>, vector<16xi32> -> vector<16xf32>
    %broadcast_in_dim3A_1149 = vector.shape_cast %xor3A_59 : vector<16xi32> to vector<16x1xi32>
    %gather3A_1150 = vector.shape_cast %broadcast_in_dim3A_1149 : vector<16x1xi32> to vector<16xi32>
    %gather3A_1151 = tpu.dynamic_gather %max3A_1133[%gather3A_1150] in [0] : vector<16xf32>, vector<16xi32> -> vector<16xf32>
    %broadcast_in_dim3A_1152 = vector.shape_cast %xor3A_59 : vector<16xi32> to vector<16x1xi32>
    %gather3A_1153 = vector.shape_cast %broadcast_in_dim3A_1152 : vector<16x1xi32> to vector<16xi32>
    %gather3A_1154 = tpu.dynamic_gather %min3A_1134[%gather3A_1153] in [0] : vector<16xf32>, vector<16xi32> -> vector<16xf32>
    %broadcast_in_dim3A_1155 = vector.shape_cast %xor3A_59 : vector<16xi32> to vector<16x1xi32>
    %gather3A_1156 = vector.shape_cast %broadcast_in_dim3A_1155 : vector<16x1xi32> to vector<16xi32>
    %gather3A_1157 = tpu.dynamic_gather %max3A_1135[%gather3A_1156] in [0] : vector<16xf32>, vector<16xi32> -> vector<16xf32>
    %broadcast_in_dim3A_1158 = vector.shape_cast %xor3A_59 : vector<16xi32> to vector<16x1xi32>
    %gather3A_1159 = vector.shape_cast %broadcast_in_dim3A_1158 : vector<16x1xi32> to vector<16xi32>
    %gather3A_1160 = tpu.dynamic_gather %min3A_1136[%gather3A_1159] in [0] : vector<16xf32>, vector<16xi32> -> vector<16xf32>
    %max3A_1161 = arith.maximumf %max3A_1129, %gather3A_1160 : vector<16xf32>
    %max3A_1162 = arith.maximumf %min3A_1130, %gather3A_1157 : vector<16xf32>
    %max3A_1163 = arith.maximumf %max3A_1131, %gather3A_1154 : vector<16xf32>
    %max3A_1164 = arith.maximumf %min3A_1132, %gather3A_1151 : vector<16xf32>
    %max3A_1165 = arith.maximumf %max3A_1133, %gather3A_1148 : vector<16xf32>
    %max3A_1166 = arith.maximumf %min3A_1134, %gather3A_1145 : vector<16xf32>
    %max3A_1167 = arith.maximumf %max3A_1135, %gather3A_1142 : vector<16xf32>
    %max3A_1168 = arith.maximumf %min3A_1136, %gather3A_1139 : vector<16xf32>
    %max3A_1169 = arith.maximumf %max3A_1161, %max3A_1165 : vector<16xf32>
    %min3A_1170 = arith.minimumf %max3A_1161, %max3A_1165 : vector<16xf32>
    %max3A_1171 = arith.maximumf %max3A_1162, %max3A_1166 : vector<16xf32>
    %min3A_1172 = arith.minimumf %max3A_1162, %max3A_1166 : vector<16xf32>
    %max3A_1173 = arith.maximumf %max3A_1163, %max3A_1167 : vector<16xf32>
    %min3A_1174 = arith.minimumf %max3A_1163, %max3A_1167 : vector<16xf32>
    %max3A_1175 = arith.maximumf %max3A_1164, %max3A_1168 : vector<16xf32>
    %min3A_1176 = arith.minimumf %max3A_1164, %max3A_1168 : vector<16xf32>
    %max3A_1177 = arith.maximumf %max3A_1169, %max3A_1173 : vector<16xf32>
    %min3A_1178 = arith.minimumf %max3A_1169, %max3A_1173 : vector<16xf32>
    %max3A_1179 = arith.maximumf %max3A_1171, %max3A_1175 : vector<16xf32>
    %min3A_1180 = arith.minimumf %max3A_1171, %max3A_1175 : vector<16xf32>
    %max3A_1181 = arith.maximumf %min3A_1170, %min3A_1174 : vector<16xf32>
    %min3A_1182 = arith.minimumf %min3A_1170, %min3A_1174 : vector<16xf32>
    %max3A_1183 = arith.maximumf %min3A_1172, %min3A_1176 : vector<16xf32>
    %min3A_1184 = arith.minimumf %min3A_1172, %min3A_1176 : vector<16xf32>
    %max3A_1185 = arith.maximumf %max3A_1177, %max3A_1179 : vector<16xf32>
    %min3A_1186 = arith.minimumf %max3A_1177, %max3A_1179 : vector<16xf32>
    %max3A_1187 = arith.maximumf %min3A_1178, %min3A_1180 : vector<16xf32>
    %min3A_1188 = arith.minimumf %min3A_1178, %min3A_1180 : vector<16xf32>
    %max3A_1189 = arith.maximumf %max3A_1181, %max3A_1183 : vector<16xf32>
    %min3A_1190 = arith.minimumf %max3A_1181, %max3A_1183 : vector<16xf32>
    %max3A_1191 = arith.maximumf %min3A_1182, %min3A_1184 : vector<16xf32>
    %min3A_1192 = arith.minimumf %min3A_1182, %min3A_1184 : vector<16xf32>
    %add3A_1193 = arith.addf %max3A_1185, %min3A_1186 : vector<16xf32>
    %add3A_1194 = arith.addf %add3A_1193, %max3A_1187 : vector<16xf32>
    %add3A_1195 = arith.addf %add3A_1194, %min3A_1188 : vector<16xf32>
    %add3A_1196 = arith.addf %add3A_1195, %max3A_1189 : vector<16xf32>
    %add3A_1197 = arith.addf %add3A_1196, %min3A_1190 : vector<16xf32>
    %add3A_1198 = arith.addf %add3A_1197, %max3A_1191 : vector<16xf32>
    %add3A_1199 = arith.addf %add3A_1198, %min3A_1192 : vector<16xf32>
    %mul3A_1200 = arith.constant 1.250000e-01 : f32
    %mul3A_1201 = vector.broadcast %mul3A_1200 : f32 to vector<16xf32>
    %mul3A_1202 = arith.mulf %add3A_1199, %mul3A_1201 : vector<16xf32>
    %eq3A = arith.constant 0 : i32
    %eq3A_1203 = vector.broadcast %eq3A : i32 to vector<16xi32>
    %eq3A_1204 = arith.cmpi eq, %iota3A, %eq3A_1203 : vector<16xi32>
    %select_n3A_1205 = arith.select %eq3A_1204, %mul3A_968, %mul3A_1202 : vector<16xi1>, vector<16xf32>
    %swap3A = arith.constant 0 : index
    %swap3A_1206 = tpu.vector_load %arg7[%swap3A] {strides = array<i32>} : memref<16xf32, #tpu.memory_space<vmem>>, vector<16xf32>,
    %swap3A_1207 = vector.shape_cast %swap3A_1206 : vector<16xf32> to vector<16xf32>
    %swap3A_1208 = vector.shape_cast %select_n3A_1205 : vector<16xf32> to vector<16xf32>
    tpu.vector_store %arg7[%swap3A], %swap3A_1208 {strides = array<i32>} : memref<16xf32, #tpu.memory_space<vmem>>, vector<16xf32>,
    %mul3A_1209 = arith.constant 16 : i32
    %mul3A_1210 = arith.muli %arg1, %mul3A_1209 : i32
    "tpu.region"() ({
      %run_scoped3A = tpu.sem_alloc : memref<!tpu.dma_semaphore, #tpu.memory_space<semaphore_mem>>
      %dma_start3A_1214 = tpu.memref_slice %arg9[%mul3A_1210] : memref<256xf32, #tpu.memory_space<vmem_shared>> -> memref<16xf32, #tpu.memory_space<vmem_shared>>
      %dma_start3A_1215 = tpu.memref_slice %arg9[%mul3A_1210] : memref<256xf32, #tpu.memory_space<vmem_shared>> -> memref<16xf32, #tpu.memory_space<vmem_shared>>
      tpu.enqueue_dma source(%arg7 : memref<16xf32, #tpu.memory_space<vmem>>) target(%dma_start3A_1215 : memref<16xf32, #tpu.memory_space<vmem_shared>>) target_semaphore(%run_scoped3A : memref<!tpu.dma_semaphore, #tpu.memory_space<semaphore_mem>>)
      %dma_wait3A_1216 = tpu.memref_slice %arg9[%mul3A_1210] : memref<256xf32, #tpu.memory_space<vmem_shared>> -> memref<16xf32, #tpu.memory_space<vmem_shared>>
      %dma_wait3A_1217 = tpu.memref_slice %arg9[%mul3A_1210] : memref<256xf32, #tpu.memory_space<vmem_shared>> -> memref<16xf32, #tpu.memory_space<vmem_shared>>
      tpu.wait_dma2 semaphore(%run_scoped3A : memref<!tpu.dma_semaphore, #tpu.memory_space<semaphore_mem>>) src(%arg7 : memref<16xf32, #tpu.memory_space<vmem>>) dst(%dma_wait3A_1217 : memref<16xf32, #tpu.memory_space<vmem_shared>>)
      tpu.yield
    }) : () -> ()
    %barrier3A = arith.constant 0 : index
    tpu.barrier barrier_id(%barrier3A)
    %eq3A_1211 = arith.constant 0 : i32
    %eq3A_1212 = arith.cmpi eq, %arg1, %eq3A_1211 : i32
    %convert_element_type3A = arith.extui %eq3A_1212 : i1 to i32
    %cond3A = arith.constant 0 : i32
    %cond3A_1213 = arith.cmpi ne, %convert_element_type3A, %cond3A : i32
    scf.if %cond3A_1213 {
      "tpu.region"() ({
        %run_scoped3A = tpu.sem_alloc : memref<!tpu.dma_semaphore, #tpu.memory_space<semaphore_mem>>
        tpu.enqueue_dma source(%arg9 : memref<256xf32, #tpu.memory_space<vmem_shared>>) target(%arg6 : memref<256xf32, #tpu.memory_space<vmem>>) target_semaphore(%run_scoped3A : memref<!tpu.dma_semaphore, #tpu.memory_space<semaphore_mem>>)
        tpu.wait_dma2 semaphore(%run_scoped3A : memref<!tpu.dma_semaphore, #tpu.memory_space<semaphore_mem>>) src(%arg9 : memref<256xf32, #tpu.memory_space<vmem_shared>>) dst(%arg6 : memref<256xf32, #tpu.memory_space<vmem>>)
        tpu.yield
      }) : () -> ()
      %get3A = arith.constant 0 : index
      %get3A_1214 = tpu.vector_load %arg6[%get3A] {strides = array<i32>} : memref<256xf32, #tpu.memory_space<vmem>>, vector<16xf32>,
      %get3A_1215 = vector.shape_cast %get3A_1214 : vector<16xf32> to vector<16xf32>
      %get3A_1216 = arith.constant 16 : index
      %get3A_1217 = tpu.vector_load %arg6[%get3A_1216] {strides = array<i32>} : memref<256xf32, #tpu.memory_space<vmem>>, vector<16xf32>,
      %get3A_1218 = vector.shape_cast %get3A_1217 : vector<16xf32> to vector<16xf32>
      %get3A_1219 = arith.constant 32 : index
      %get3A_1220 = tpu.vector_load %arg6[%get3A_1219] {strides = array<i32>} : memref<256xf32, #tpu.memory_space<vmem>>, vector<16xf32>,
      %get3A_1221 = vector.shape_cast %get3A_1220 : vector<16xf32> to vector<16xf32>
      %get3A_1222 = arith.constant 48 : index
      %get3A_1223 = tpu.vector_load %arg6[%get3A_1222] {strides = array<i32>} : memref<256xf32, #tpu.memory_space<vmem>>, vector<16xf32>,
      %get3A_1224 = vector.shape_cast %get3A_1223 : vector<16xf32> to vector<16xf32>
      %get3A_1225 = arith.constant 64 : index
      %get3A_1226 = tpu.vector_load %arg6[%get3A_1225] {strides = array<i32>} : memref<256xf32, #tpu.memory_space<vmem>>, vector<16xf32>,
      %get3A_1227 = vector.shape_cast %get3A_1226 : vector<16xf32> to vector<16xf32>
      %get3A_1228 = arith.constant 80 : index
      %get3A_1229 = tpu.vector_load %arg6[%get3A_1228] {strides = array<i32>} : memref<256xf32, #tpu.memory_space<vmem>>, vector<16xf32>,
      %get3A_1230 = vector.shape_cast %get3A_1229 : vector<16xf32> to vector<16xf32>
      %get3A_1231 = arith.constant 96 : index
      %get3A_1232 = tpu.vector_load %arg6[%get3A_1231] {strides = array<i32>} : memref<256xf32, #tpu.memory_space<vmem>>, vector<16xf32>,
      %get3A_1233 = vector.shape_cast %get3A_1232 : vector<16xf32> to vector<16xf32>
      %get3A_1234 = arith.constant 112 : index
      %get3A_1235 = tpu.vector_load %arg6[%get3A_1234] {strides = array<i32>} : memref<256xf32, #tpu.memory_space<vmem>>, vector<16xf32>,
      %get3A_1236 = vector.shape_cast %get3A_1235 : vector<16xf32> to vector<16xf32>
      %get3A_1237 = arith.constant 128 : index
      %get3A_1238 = tpu.vector_load %arg6[%get3A_1237] {strides = array<i32>} : memref<256xf32, #tpu.memory_space<vmem>>, vector<16xf32>,
      %get3A_1239 = vector.shape_cast %get3A_1238 : vector<16xf32> to vector<16xf32>
      %get3A_1240 = arith.constant 144 : index
      %get3A_1241 = tpu.vector_load %arg6[%get3A_1240] {strides = array<i32>} : memref<256xf32, #tpu.memory_space<vmem>>, vector<16xf32>,
      %get3A_1242 = vector.shape_cast %get3A_1241 : vector<16xf32> to vector<16xf32>
      %get3A_1243 = arith.constant 160 : index
      %get3A_1244 = tpu.vector_load %arg6[%get3A_1243] {strides = array<i32>} : memref<256xf32, #tpu.memory_space<vmem>>, vector<16xf32>,
      %get3A_1245 = vector.shape_cast %get3A_1244 : vector<16xf32> to vector<16xf32>
      %get3A_1246 = arith.constant 176 : index
      %get3A_1247 = tpu.vector_load %arg6[%get3A_1246] {strides = array<i32>} : memref<256xf32, #tpu.memory_space<vmem>>, vector<16xf32>,
      %get3A_1248 = vector.shape_cast %get3A_1247 : vector<16xf32> to vector<16xf32>
      %get3A_1249 = arith.constant 192 : index
      %get3A_1250 = tpu.vector_load %arg6[%get3A_1249] {strides = array<i32>} : memref<256xf32, #tpu.memory_space<vmem>>, vector<16xf32>,
      %get3A_1251 = vector.shape_cast %get3A_1250 : vector<16xf32> to vector<16xf32>
      %get3A_1252 = arith.constant 208 : index
      %get3A_1253 = tpu.vector_load %arg6[%get3A_1252] {strides = array<i32>} : memref<256xf32, #tpu.memory_space<vmem>>, vector<16xf32>,
      %get3A_1254 = vector.shape_cast %get3A_1253 : vector<16xf32> to vector<16xf32>
      %get3A_1255 = arith.constant 224 : index
      %get3A_1256 = tpu.vector_load %arg6[%get3A_1255] {strides = array<i32>} : memref<256xf32, #tpu.memory_space<vmem>>, vector<16xf32>,
      %get3A_1257 = vector.shape_cast %get3A_1256 : vector<16xf32> to vector<16xf32>
      %get3A_1258 = arith.constant 240 : index
      %get3A_1259 = tpu.vector_load %arg6[%get3A_1258] {strides = array<i32>} : memref<256xf32, #tpu.memory_space<vmem>>, vector<16xf32>,
      %get3A_1260 = vector.shape_cast %get3A_1259 : vector<16xf32> to vector<16xf32>
      %broadcast_in_dim3A_1261 = arith.constant 0 : i32
      %broadcast_in_dim3A_1262 = vector.broadcast %broadcast_in_dim3A_1261 : i32 to vector<16xi32>
      %add3A_1263 = arith.constant 1 : i32
      %add3A_1264 = vector.broadcast %add3A_1263 : i32 to vector<16xi32>
      %add3A_1265 = arith.addi %broadcast_in_dim3A_1262, %add3A_1264 : vector<16xi32>
      %broadcast_in_dim3A_1266 = vector.shape_cast %broadcast_in_dim3A_1262 : vector<16xi32> to vector<16x1xi32>
      %gather3A_1267 = vector.shape_cast %broadcast_in_dim3A_1266 : vector<16x1xi32> to vector<16xi32>
      %gather3A_1268 = tpu.dynamic_gather %get3A_1215[%gather3A_1267] in [0] : vector<16xf32>, vector<16xi32> -> vector<16xf32>
      %broadcast_in_dim3A_1269 = vector.shape_cast %add3A_1265 : vector<16xi32> to vector<16x1xi32>
      %gather3A_1270 = vector.shape_cast %broadcast_in_dim3A_1269 : vector<16x1xi32> to vector<16xi32>
      %gather3A_1271 = tpu.dynamic_gather %get3A_1215[%gather3A_1270] in [0] : vector<16xf32>, vector<16xi32> -> vector<16xf32>
      %eq3A_1272 = arith.constant 0 : i32
      %eq3A_1273 = vector.broadcast %eq3A_1272 : i32 to vector<16xi32>
      %eq3A_1274 = arith.cmpi eq, %iota3A, %eq3A_1273 : vector<16xi32>
      %select_n3A_1275 = arith.select %eq3A_1274, %gather3A_1268, %broadcast_in_dim3A_46 : vector<16xi1>, vector<16xf32>
      %eq3A_1276 = arith.constant 1 : i32
      %eq3A_1277 = vector.broadcast %eq3A_1276 : i32 to vector<16xi32>
      %eq3A_1278 = arith.cmpi eq, %iota3A, %eq3A_1277 : vector<16xi32>
      %select_n3A_1279 = arith.select %eq3A_1278, %gather3A_1271, %select_n3A_1275 : vector<16xi1>, vector<16xf32>
      %broadcast_in_dim3A_1280 = vector.shape_cast %broadcast_in_dim3A_1262 : vector<16xi32> to vector<16x1xi32>
      %gather3A_1281 = vector.shape_cast %broadcast_in_dim3A_1280 : vector<16x1xi32> to vector<16xi32>
      %gather3A_1282 = tpu.dynamic_gather %get3A_1218[%gather3A_1281] in [0] : vector<16xf32>, vector<16xi32> -> vector<16xf32>
      %broadcast_in_dim3A_1283 = vector.shape_cast %add3A_1265 : vector<16xi32> to vector<16x1xi32>
      %gather3A_1284 = vector.shape_cast %broadcast_in_dim3A_1283 : vector<16x1xi32> to vector<16xi32>
      %gather3A_1285 = tpu.dynamic_gather %get3A_1218[%gather3A_1284] in [0] : vector<16xf32>, vector<16xi32> -> vector<16xf32>
      %eq3A_1286 = arith.constant 2 : i32
      %eq3A_1287 = vector.broadcast %eq3A_1286 : i32 to vector<16xi32>
      %eq3A_1288 = arith.cmpi eq, %iota3A, %eq3A_1287 : vector<16xi32>
      %select_n3A_1289 = arith.select %eq3A_1288, %gather3A_1282, %select_n3A_1279 : vector<16xi1>, vector<16xf32>
      %eq3A_1290 = arith.constant 3 : i32
      %eq3A_1291 = vector.broadcast %eq3A_1290 : i32 to vector<16xi32>
      %eq3A_1292 = arith.cmpi eq, %iota3A, %eq3A_1291 : vector<16xi32>
      %select_n3A_1293 = arith.select %eq3A_1292, %gather3A_1285, %select_n3A_1289 : vector<16xi1>, vector<16xf32>
      %broadcast_in_dim3A_1294 = vector.shape_cast %broadcast_in_dim3A_1262 : vector<16xi32> to vector<16x1xi32>
      %gather3A_1295 = vector.shape_cast %broadcast_in_dim3A_1294 : vector<16x1xi32> to vector<16xi32>
      %gather3A_1296 = tpu.dynamic_gather %get3A_1221[%gather3A_1295] in [0] : vector<16xf32>, vector<16xi32> -> vector<16xf32>
      %broadcast_in_dim3A_1297 = vector.shape_cast %add3A_1265 : vector<16xi32> to vector<16x1xi32>
      %gather3A_1298 = vector.shape_cast %broadcast_in_dim3A_1297 : vector<16x1xi32> to vector<16xi32>
      %gather3A_1299 = tpu.dynamic_gather %get3A_1221[%gather3A_1298] in [0] : vector<16xf32>, vector<16xi32> -> vector<16xf32>
      %eq3A_1300 = arith.constant 4 : i32
      %eq3A_1301 = vector.broadcast %eq3A_1300 : i32 to vector<16xi32>
      %eq3A_1302 = arith.cmpi eq, %iota3A, %eq3A_1301 : vector<16xi32>
      %select_n3A_1303 = arith.select %eq3A_1302, %gather3A_1296, %select_n3A_1293 : vector<16xi1>, vector<16xf32>
      %eq3A_1304 = arith.constant 5 : i32
      %eq3A_1305 = vector.broadcast %eq3A_1304 : i32 to vector<16xi32>
      %eq3A_1306 = arith.cmpi eq, %iota3A, %eq3A_1305 : vector<16xi32>
      %select_n3A_1307 = arith.select %eq3A_1306, %gather3A_1299, %select_n3A_1303 : vector<16xi1>, vector<16xf32>
      %broadcast_in_dim3A_1308 = vector.shape_cast %broadcast_in_dim3A_1262 : vector<16xi32> to vector<16x1xi32>
      %gather3A_1309 = vector.shape_cast %broadcast_in_dim3A_1308 : vector<16x1xi32> to vector<16xi32>
      %gather3A_1310 = tpu.dynamic_gather %get3A_1224[%gather3A_1309] in [0] : vector<16xf32>, vector<16xi32> -> vector<16xf32>
      %broadcast_in_dim3A_1311 = vector.shape_cast %add3A_1265 : vector<16xi32> to vector<16x1xi32>
      %gather3A_1312 = vector.shape_cast %broadcast_in_dim3A_1311 : vector<16x1xi32> to vector<16xi32>
      %gather3A_1313 = tpu.dynamic_gather %get3A_1224[%gather3A_1312] in [0] : vector<16xf32>, vector<16xi32> -> vector<16xf32>
      %eq3A_1314 = arith.constant 6 : i32
      %eq3A_1315 = vector.broadcast %eq3A_1314 : i32 to vector<16xi32>
      %eq3A_1316 = arith.cmpi eq, %iota3A, %eq3A_1315 : vector<16xi32>
      %select_n3A_1317 = arith.select %eq3A_1316, %gather3A_1310, %select_n3A_1307 : vector<16xi1>, vector<16xf32>
      %eq3A_1318 = arith.constant 7 : i32
      %eq3A_1319 = vector.broadcast %eq3A_1318 : i32 to vector<16xi32>
      %eq3A_1320 = arith.cmpi eq, %iota3A, %eq3A_1319 : vector<16xi32>
      %select_n3A_1321 = arith.select %eq3A_1320, %gather3A_1313, %select_n3A_1317 : vector<16xi1>, vector<16xf32>
      %broadcast_in_dim3A_1322 = vector.shape_cast %broadcast_in_dim3A_1262 : vector<16xi32> to vector<16x1xi32>
      %gather3A_1323 = vector.shape_cast %broadcast_in_dim3A_1322 : vector<16x1xi32> to vector<16xi32>
      %gather3A_1324 = tpu.dynamic_gather %get3A_1227[%gather3A_1323] in [0] : vector<16xf32>, vector<16xi32> -> vector<16xf32>
      %broadcast_in_dim3A_1325 = vector.shape_cast %add3A_1265 : vector<16xi32> to vector<16x1xi32>
      %gather3A_1326 = vector.shape_cast %broadcast_in_dim3A_1325 : vector<16x1xi32> to vector<16xi32>
      %gather3A_1327 = tpu.dynamic_gather %get3A_1227[%gather3A_1326] in [0] : vector<16xf32>, vector<16xi32> -> vector<16xf32>
      %eq3A_1328 = arith.constant 8 : i32
      %eq3A_1329 = vector.broadcast %eq3A_1328 : i32 to vector<16xi32>
      %eq3A_1330 = arith.cmpi eq, %iota3A, %eq3A_1329 : vector<16xi32>
      %select_n3A_1331 = arith.select %eq3A_1330, %gather3A_1324, %select_n3A_1321 : vector<16xi1>, vector<16xf32>
      %eq3A_1332 = arith.constant 9 : i32
      %eq3A_1333 = vector.broadcast %eq3A_1332 : i32 to vector<16xi32>
      %eq3A_1334 = arith.cmpi eq, %iota3A, %eq3A_1333 : vector<16xi32>
      %select_n3A_1335 = arith.select %eq3A_1334, %gather3A_1327, %select_n3A_1331 : vector<16xi1>, vector<16xf32>
      %broadcast_in_dim3A_1336 = vector.shape_cast %broadcast_in_dim3A_1262 : vector<16xi32> to vector<16x1xi32>
      %gather3A_1337 = vector.shape_cast %broadcast_in_dim3A_1336 : vector<16x1xi32> to vector<16xi32>
      %gather3A_1338 = tpu.dynamic_gather %get3A_1230[%gather3A_1337] in [0] : vector<16xf32>, vector<16xi32> -> vector<16xf32>
      %broadcast_in_dim3A_1339 = vector.shape_cast %add3A_1265 : vector<16xi32> to vector<16x1xi32>
      %gather3A_1340 = vector.shape_cast %broadcast_in_dim3A_1339 : vector<16x1xi32> to vector<16xi32>
      %gather3A_1341 = tpu.dynamic_gather %get3A_1230[%gather3A_1340] in [0] : vector<16xf32>, vector<16xi32> -> vector<16xf32>
      %eq3A_1342 = arith.constant 10 : i32
      %eq3A_1343 = vector.broadcast %eq3A_1342 : i32 to vector<16xi32>
      %eq3A_1344 = arith.cmpi eq, %iota3A, %eq3A_1343 : vector<16xi32>
      %select_n3A_1345 = arith.select %eq3A_1344, %gather3A_1338, %select_n3A_1335 : vector<16xi1>, vector<16xf32>
      %eq3A_1346 = arith.constant 11 : i32
      %eq3A_1347 = vector.broadcast %eq3A_1346 : i32 to vector<16xi32>
      %eq3A_1348 = arith.cmpi eq, %iota3A, %eq3A_1347 : vector<16xi32>
      %select_n3A_1349 = arith.select %eq3A_1348, %gather3A_1341, %select_n3A_1345 : vector<16xi1>, vector<16xf32>
      %broadcast_in_dim3A_1350 = vector.shape_cast %broadcast_in_dim3A_1262 : vector<16xi32> to vector<16x1xi32>
      %gather3A_1351 = vector.shape_cast %broadcast_in_dim3A_1350 : vector<16x1xi32> to vector<16xi32>
      %gather3A_1352 = tpu.dynamic_gather %get3A_1233[%gather3A_1351] in [0] : vector<16xf32>, vector<16xi32> -> vector<16xf32>
      %broadcast_in_dim3A_1353 = vector.shape_cast %add3A_1265 : vector<16xi32> to vector<16x1xi32>
      %gather3A_1354 = vector.shape_cast %broadcast_in_dim3A_1353 : vector<16x1xi32> to vector<16xi32>
      %gather3A_1355 = tpu.dynamic_gather %get3A_1233[%gather3A_1354] in [0] : vector<16xf32>, vector<16xi32> -> vector<16xf32>
      %eq3A_1356 = arith.constant 12 : i32
      %eq3A_1357 = vector.broadcast %eq3A_1356 : i32 to vector<16xi32>
      %eq3A_1358 = arith.cmpi eq, %iota3A, %eq3A_1357 : vector<16xi32>
      %select_n3A_1359 = arith.select %eq3A_1358, %gather3A_1352, %select_n3A_1349 : vector<16xi1>, vector<16xf32>
      %eq3A_1360 = arith.constant 13 : i32
      %eq3A_1361 = vector.broadcast %eq3A_1360 : i32 to vector<16xi32>
      %eq3A_1362 = arith.cmpi eq, %iota3A, %eq3A_1361 : vector<16xi32>
      %select_n3A_1363 = arith.select %eq3A_1362, %gather3A_1355, %select_n3A_1359 : vector<16xi1>, vector<16xf32>
      %broadcast_in_dim3A_1364 = vector.shape_cast %broadcast_in_dim3A_1262 : vector<16xi32> to vector<16x1xi32>
      %gather3A_1365 = vector.shape_cast %broadcast_in_dim3A_1364 : vector<16x1xi32> to vector<16xi32>
      %gather3A_1366 = tpu.dynamic_gather %get3A_1236[%gather3A_1365] in [0] : vector<16xf32>, vector<16xi32> -> vector<16xf32>
      %broadcast_in_dim3A_1367 = vector.shape_cast %add3A_1265 : vector<16xi32> to vector<16x1xi32>
      %gather3A_1368 = vector.shape_cast %broadcast_in_dim3A_1367 : vector<16x1xi32> to vector<16xi32>
      %gather3A_1369 = tpu.dynamic_gather %get3A_1236[%gather3A_1368] in [0] : vector<16xf32>, vector<16xi32> -> vector<16xf32>
      %eq3A_1370 = arith.constant 14 : i32
      %eq3A_1371 = vector.broadcast %eq3A_1370 : i32 to vector<16xi32>
      %eq3A_1372 = arith.cmpi eq, %iota3A, %eq3A_1371 : vector<16xi32>
      %select_n3A_1373 = arith.select %eq3A_1372, %gather3A_1366, %select_n3A_1363 : vector<16xi1>, vector<16xf32>
      %eq3A_1374 = arith.constant 15 : i32
      %eq3A_1375 = vector.broadcast %eq3A_1374 : i32 to vector<16xi32>
      %eq3A_1376 = arith.cmpi eq, %iota3A, %eq3A_1375 : vector<16xi32>
      %select_n3A_1377 = arith.select %eq3A_1376, %gather3A_1369, %select_n3A_1373 : vector<16xi1>, vector<16xf32>
      %broadcast_in_dim3A_1378 = vector.shape_cast %broadcast_in_dim3A_1262 : vector<16xi32> to vector<16x1xi32>
      %gather3A_1379 = vector.shape_cast %broadcast_in_dim3A_1378 : vector<16x1xi32> to vector<16xi32>
      %gather3A_1380 = tpu.dynamic_gather %get3A_1239[%gather3A_1379] in [0] : vector<16xf32>, vector<16xi32> -> vector<16xf32>
      %broadcast_in_dim3A_1381 = vector.shape_cast %add3A_1265 : vector<16xi32> to vector<16x1xi32>
      %gather3A_1382 = vector.shape_cast %broadcast_in_dim3A_1381 : vector<16x1xi32> to vector<16xi32>
      %gather3A_1383 = tpu.dynamic_gather %get3A_1239[%gather3A_1382] in [0] : vector<16xf32>, vector<16xi32> -> vector<16xf32>
      %eq3A_1384 = arith.constant 0 : i32
      %eq3A_1385 = vector.broadcast %eq3A_1384 : i32 to vector<16xi32>
      %eq3A_1386 = arith.cmpi eq, %iota3A, %eq3A_1385 : vector<16xi32>
      %select_n3A_1387 = arith.select %eq3A_1386, %gather3A_1380, %broadcast_in_dim3A_46 : vector<16xi1>, vector<16xf32>
      %eq3A_1388 = arith.constant 1 : i32
      %eq3A_1389 = vector.broadcast %eq3A_1388 : i32 to vector<16xi32>
      %eq3A_1390 = arith.cmpi eq, %iota3A, %eq3A_1389 : vector<16xi32>
      %select_n3A_1391 = arith.select %eq3A_1390, %gather3A_1383, %select_n3A_1387 : vector<16xi1>, vector<16xf32>
      %broadcast_in_dim3A_1392 = vector.shape_cast %broadcast_in_dim3A_1262 : vector<16xi32> to vector<16x1xi32>
      %gather3A_1393 = vector.shape_cast %broadcast_in_dim3A_1392 : vector<16x1xi32> to vector<16xi32>
      %gather3A_1394 = tpu.dynamic_gather %get3A_1242[%gather3A_1393] in [0] : vector<16xf32>, vector<16xi32> -> vector<16xf32>
      %broadcast_in_dim3A_1395 = vector.shape_cast %add3A_1265 : vector<16xi32> to vector<16x1xi32>
      %gather3A_1396 = vector.shape_cast %broadcast_in_dim3A_1395 : vector<16x1xi32> to vector<16xi32>
      %gather3A_1397 = tpu.dynamic_gather %get3A_1242[%gather3A_1396] in [0] : vector<16xf32>, vector<16xi32> -> vector<16xf32>
      %eq3A_1398 = arith.constant 2 : i32
      %eq3A_1399 = vector.broadcast %eq3A_1398 : i32 to vector<16xi32>
      %eq3A_1400 = arith.cmpi eq, %iota3A, %eq3A_1399 : vector<16xi32>
      %select_n3A_1401 = arith.select %eq3A_1400, %gather3A_1394, %select_n3A_1391 : vector<16xi1>, vector<16xf32>
      %eq3A_1402 = arith.constant 3 : i32
      %eq3A_1403 = vector.broadcast %eq3A_1402 : i32 to vector<16xi32>
      %eq3A_1404 = arith.cmpi eq, %iota3A, %eq3A_1403 : vector<16xi32>
      %select_n3A_1405 = arith.select %eq3A_1404, %gather3A_1397, %select_n3A_1401 : vector<16xi1>, vector<16xf32>
      %broadcast_in_dim3A_1406 = vector.shape_cast %broadcast_in_dim3A_1262 : vector<16xi32> to vector<16x1xi32>
      %gather3A_1407 = vector.shape_cast %broadcast_in_dim3A_1406 : vector<16x1xi32> to vector<16xi32>
      %gather3A_1408 = tpu.dynamic_gather %get3A_1245[%gather3A_1407] in [0] : vector<16xf32>, vector<16xi32> -> vector<16xf32>
      %broadcast_in_dim3A_1409 = vector.shape_cast %add3A_1265 : vector<16xi32> to vector<16x1xi32>
      %gather3A_1410 = vector.shape_cast %broadcast_in_dim3A_1409 : vector<16x1xi32> to vector<16xi32>
      %gather3A_1411 = tpu.dynamic_gather %get3A_1245[%gather3A_1410] in [0] : vector<16xf32>, vector<16xi32> -> vector<16xf32>
      %eq3A_1412 = arith.constant 4 : i32
      %eq3A_1413 = vector.broadcast %eq3A_1412 : i32 to vector<16xi32>
      %eq3A_1414 = arith.cmpi eq, %iota3A, %eq3A_1413 : vector<16xi32>
      %select_n3A_1415 = arith.select %eq3A_1414, %gather3A_1408, %select_n3A_1405 : vector<16xi1>, vector<16xf32>
      %eq3A_1416 = arith.constant 5 : i32
      %eq3A_1417 = vector.broadcast %eq3A_1416 : i32 to vector<16xi32>
      %eq3A_1418 = arith.cmpi eq, %iota3A, %eq3A_1417 : vector<16xi32>
      %select_n3A_1419 = arith.select %eq3A_1418, %gather3A_1411, %select_n3A_1415 : vector<16xi1>, vector<16xf32>
      %broadcast_in_dim3A_1420 = vector.shape_cast %broadcast_in_dim3A_1262 : vector<16xi32> to vector<16x1xi32>
      %gather3A_1421 = vector.shape_cast %broadcast_in_dim3A_1420 : vector<16x1xi32> to vector<16xi32>
      %gather3A_1422 = tpu.dynamic_gather %get3A_1248[%gather3A_1421] in [0] : vector<16xf32>, vector<16xi32> -> vector<16xf32>
      %broadcast_in_dim3A_1423 = vector.shape_cast %add3A_1265 : vector<16xi32> to vector<16x1xi32>
      %gather3A_1424 = vector.shape_cast %broadcast_in_dim3A_1423 : vector<16x1xi32> to vector<16xi32>
      %gather3A_1425 = tpu.dynamic_gather %get3A_1248[%gather3A_1424] in [0] : vector<16xf32>, vector<16xi32> -> vector<16xf32>
      %eq3A_1426 = arith.constant 6 : i32
      %eq3A_1427 = vector.broadcast %eq3A_1426 : i32 to vector<16xi32>
      %eq3A_1428 = arith.cmpi eq, %iota3A, %eq3A_1427 : vector<16xi32>
      %select_n3A_1429 = arith.select %eq3A_1428, %gather3A_1422, %select_n3A_1419 : vector<16xi1>, vector<16xf32>
      %eq3A_1430 = arith.constant 7 : i32
      %eq3A_1431 = vector.broadcast %eq3A_1430 : i32 to vector<16xi32>
      %eq3A_1432 = arith.cmpi eq, %iota3A, %eq3A_1431 : vector<16xi32>
      %select_n3A_1433 = arith.select %eq3A_1432, %gather3A_1425, %select_n3A_1429 : vector<16xi1>, vector<16xf32>
      %broadcast_in_dim3A_1434 = vector.shape_cast %broadcast_in_dim3A_1262 : vector<16xi32> to vector<16x1xi32>
      %gather3A_1435 = vector.shape_cast %broadcast_in_dim3A_1434 : vector<16x1xi32> to vector<16xi32>
      %gather3A_1436 = tpu.dynamic_gather %get3A_1251[%gather3A_1435] in [0] : vector<16xf32>, vector<16xi32> -> vector<16xf32>
      %broadcast_in_dim3A_1437 = vector.shape_cast %add3A_1265 : vector<16xi32> to vector<16x1xi32>
      %gather3A_1438 = vector.shape_cast %broadcast_in_dim3A_1437 : vector<16x1xi32> to vector<16xi32>
      %gather3A_1439 = tpu.dynamic_gather %get3A_1251[%gather3A_1438] in [0] : vector<16xf32>, vector<16xi32> -> vector<16xf32>
      %eq3A_1440 = arith.constant 8 : i32
      %eq3A_1441 = vector.broadcast %eq3A_1440 : i32 to vector<16xi32>
      %eq3A_1442 = arith.cmpi eq, %iota3A, %eq3A_1441 : vector<16xi32>
      %select_n3A_1443 = arith.select %eq3A_1442, %gather3A_1436, %select_n3A_1433 : vector<16xi1>, vector<16xf32>
      %eq3A_1444 = arith.constant 9 : i32
      %eq3A_1445 = vector.broadcast %eq3A_1444 : i32 to vector<16xi32>
      %eq3A_1446 = arith.cmpi eq, %iota3A, %eq3A_1445 : vector<16xi32>
      %select_n3A_1447 = arith.select %eq3A_1446, %gather3A_1439, %select_n3A_1443 : vector<16xi1>, vector<16xf32>
      %broadcast_in_dim3A_1448 = vector.shape_cast %broadcast_in_dim3A_1262 : vector<16xi32> to vector<16x1xi32>
      %gather3A_1449 = vector.shape_cast %broadcast_in_dim3A_1448 : vector<16x1xi32> to vector<16xi32>
      %gather3A_1450 = tpu.dynamic_gather %get3A_1254[%gather3A_1449] in [0] : vector<16xf32>, vector<16xi32> -> vector<16xf32>
      %broadcast_in_dim3A_1451 = vector.shape_cast %add3A_1265 : vector<16xi32> to vector<16x1xi32>
      %gather3A_1452 = vector.shape_cast %broadcast_in_dim3A_1451 : vector<16x1xi32> to vector<16xi32>
      %gather3A_1453 = tpu.dynamic_gather %get3A_1254[%gather3A_1452] in [0] : vector<16xf32>, vector<16xi32> -> vector<16xf32>
      %eq3A_1454 = arith.constant 10 : i32
      %eq3A_1455 = vector.broadcast %eq3A_1454 : i32 to vector<16xi32>
      %eq3A_1456 = arith.cmpi eq, %iota3A, %eq3A_1455 : vector<16xi32>
      %select_n3A_1457 = arith.select %eq3A_1456, %gather3A_1450, %select_n3A_1447 : vector<16xi1>, vector<16xf32>
      %eq3A_1458 = arith.constant 11 : i32
      %eq3A_1459 = vector.broadcast %eq3A_1458 : i32 to vector<16xi32>
      %eq3A_1460 = arith.cmpi eq, %iota3A, %eq3A_1459 : vector<16xi32>
      %select_n3A_1461 = arith.select %eq3A_1460, %gather3A_1453, %select_n3A_1457 : vector<16xi1>, vector<16xf32>
      %broadcast_in_dim3A_1462 = vector.shape_cast %broadcast_in_dim3A_1262 : vector<16xi32> to vector<16x1xi32>
      %gather3A_1463 = vector.shape_cast %broadcast_in_dim3A_1462 : vector<16x1xi32> to vector<16xi32>
      %gather3A_1464 = tpu.dynamic_gather %get3A_1257[%gather3A_1463] in [0] : vector<16xf32>, vector<16xi32> -> vector<16xf32>
      %broadcast_in_dim3A_1465 = vector.shape_cast %add3A_1265 : vector<16xi32> to vector<16x1xi32>
      %gather3A_1466 = vector.shape_cast %broadcast_in_dim3A_1465 : vector<16x1xi32> to vector<16xi32>
      %gather3A_1467 = tpu.dynamic_gather %get3A_1257[%gather3A_1466] in [0] : vector<16xf32>, vector<16xi32> -> vector<16xf32>
      %eq3A_1468 = arith.constant 12 : i32
      %eq3A_1469 = vector.broadcast %eq3A_1468 : i32 to vector<16xi32>
      %eq3A_1470 = arith.cmpi eq, %iota3A, %eq3A_1469 : vector<16xi32>
      %select_n3A_1471 = arith.select %eq3A_1470, %gather3A_1464, %select_n3A_1461 : vector<16xi1>, vector<16xf32>
      %eq3A_1472 = arith.constant 13 : i32
      %eq3A_1473 = vector.broadcast %eq3A_1472 : i32 to vector<16xi32>
      %eq3A_1474 = arith.cmpi eq, %iota3A, %eq3A_1473 : vector<16xi32>
      %select_n3A_1475 = arith.select %eq3A_1474, %gather3A_1467, %select_n3A_1471 : vector<16xi1>, vector<16xf32>
      %broadcast_in_dim3A_1476 = vector.shape_cast %broadcast_in_dim3A_1262 : vector<16xi32> to vector<16x1xi32>
      %gather3A_1477 = vector.shape_cast %broadcast_in_dim3A_1476 : vector<16x1xi32> to vector<16xi32>
      %gather3A_1478 = tpu.dynamic_gather %get3A_1260[%gather3A_1477] in [0] : vector<16xf32>, vector<16xi32> -> vector<16xf32>
      %broadcast_in_dim3A_1479 = vector.shape_cast %add3A_1265 : vector<16xi32> to vector<16x1xi32>
      %gather3A_1480 = vector.shape_cast %broadcast_in_dim3A_1479 : vector<16x1xi32> to vector<16xi32>
      %gather3A_1481 = tpu.dynamic_gather %get3A_1260[%gather3A_1480] in [0] : vector<16xf32>, vector<16xi32> -> vector<16xf32>
      %eq3A_1482 = arith.constant 14 : i32
      %eq3A_1483 = vector.broadcast %eq3A_1482 : i32 to vector<16xi32>
      %eq3A_1484 = arith.cmpi eq, %iota3A, %eq3A_1483 : vector<16xi32>
      %select_n3A_1485 = arith.select %eq3A_1484, %gather3A_1478, %select_n3A_1475 : vector<16xi1>, vector<16xf32>
      %eq3A_1486 = arith.constant 15 : i32
      %eq3A_1487 = vector.broadcast %eq3A_1486 : i32 to vector<16xi32>
      %eq3A_1488 = arith.cmpi eq, %iota3A, %eq3A_1487 : vector<16xi32>
      %select_n3A_1489 = arith.select %eq3A_1488, %gather3A_1481, %select_n3A_1485 : vector<16xi1>, vector<16xf32>
      %swap3A_1490 = arith.constant 0 : index
      %swap3A_1491 = tpu.vector_load %arg8[%swap3A_1490] {strides = array<i32>} : memref<32xf32, #tpu.memory_space<vmem>>, vector<16xf32>,
      %swap3A_1492 = vector.shape_cast %swap3A_1491 : vector<16xf32> to vector<16xf32>
      %swap3A_1493 = vector.shape_cast %select_n3A_1377 : vector<16xf32> to vector<16xf32>
      tpu.vector_store %arg8[%swap3A_1490], %swap3A_1493 {strides = array<i32>} : memref<32xf32, #tpu.memory_space<vmem>>, vector<16xf32>,
      %swap3A_1494 = arith.constant 16 : index
      %swap3A_1495 = tpu.vector_load %arg8[%swap3A_1494] {strides = array<i32>} : memref<32xf32, #tpu.memory_space<vmem>>, vector<16xf32>,
      %swap3A_1496 = vector.shape_cast %swap3A_1495 : vector<16xf32> to vector<16xf32>
      %swap3A_1497 = vector.shape_cast %select_n3A_1489 : vector<16xf32> to vector<16xf32>
      tpu.vector_store %arg8[%swap3A_1494], %swap3A_1497 {strides = array<i32>} : memref<32xf32, #tpu.memory_space<vmem>>, vector<16xf32>,
      %mul3A_1498 = arith.constant 32 : i32
      %mul3A_1499 = arith.muli %arg0, %mul3A_1498 : i32
      "tpu.region"() ({
        %run_scoped3A = tpu.sem_alloc : memref<!tpu.dma_semaphore, #tpu.memory_space<semaphore_mem>>
        %dma_start3A_1500 = tpu.memref_slice %arg3[%mul3A_1499] : memref<64xf32, #tpu.memory_space<hbm>> -> memref<32xf32, #tpu.memory_space<hbm>>
        %dma_start3A_1501 = tpu.memref_slice %arg3[%mul3A_1499] : memref<64xf32, #tpu.memory_space<hbm>> -> memref<32xf32, #tpu.memory_space<hbm>>
        tpu.enqueue_dma source(%arg8 : memref<32xf32, #tpu.memory_space<vmem>>) target(%dma_start3A_1501 : memref<32xf32, #tpu.memory_space<hbm>>) target_semaphore(%run_scoped3A : memref<!tpu.dma_semaphore, #tpu.memory_space<semaphore_mem>>)
        %dma_wait3A_1502 = tpu.memref_slice %arg3[%mul3A_1499] : memref<64xf32, #tpu.memory_space<hbm>> -> memref<32xf32, #tpu.memory_space<hbm>>
        %dma_wait3A_1503 = tpu.memref_slice %arg3[%mul3A_1499] : memref<64xf32, #tpu.memory_space<hbm>> -> memref<32xf32, #tpu.memory_space<hbm>>
        tpu.wait_dma2 semaphore(%run_scoped3A : memref<!tpu.dma_semaphore, #tpu.memory_space<semaphore_mem>>) src(%arg8 : memref<32xf32, #tpu.memory_space<vmem>>) dst(%dma_wait3A_1503 : memref<32xf32, #tpu.memory_space<hbm>>)
        tpu.yield
      }) : () -> ()
    } else {
    }
    return
  }
}

</mosaic_0001>

<sc_bundles>
// kernel: kernel.3.cloned.1.call-start
scs
__scs_entry_jumppad:
0x0: {  	(pc) =	sbr.rel $0x88, $3  }
0x1: {  	(tag) =	ssettag $0x0;
	lr =	simm.s32 $0x1  }
0x2: {  	[smem:$0x3FA0] =	sst lr;
	_ =	strace $0xD0000000  }
0x3: {  	_ = 	snop  }
0x4: {  	_ = 	snop  }
0x5: {  	_ = 	snop  }
0x6: {  	_ = 	snop  }
0x7: {  	_ = 	snop  }
__scs_overlays_trampoline_lowered:
0x8: {  	[smem:$0x3FAF] =	sst s0  }
0x9: {  	[smem:$0x3FB0] =	sst s1  }
0xa: {  	[smem:$0x3FB1] =	sst s2  }
0xb: {  	[smem:$0x3FB2] =	sst s3  }
0xc: {  	[smem:$0x3FB3] =	sst s4  }
0xd: {  	[smem:$0x3FB4] =	sst s5  }
0xe: {  	[smem:$0x3FB5] =	sst s6  }
0xf: {  	[smem:$0x3FB6] =	sst s7  }
0x10: {  	[smem:$0x3FB7] =	sst s8  }
0x11: {  	[smem:$0x3FB8] =	sst s9;
	s0 =	simm.s32 @!p0 $0x0  }
0x12: {  	s1 =	sld [smem:$0x3F9E];
	s0 =	simm.s32 @p0 $0x1  }
0x13: {  	[smem:$0x3FB9] =	sst s0;
	s0 =	simm.s32 @!p1 $0x0  }
0x14: {  	s2 =	sld [smem:$0x3F9D];
	s0 =	simm.s32 @p1 $0x1  }
0x15: {  	[smem:$0x3FBA] =	sst s0;
	s0 =	simm.s32 @!p2 $0x0  }
0x16: {  	s3 =	sld [smem:$0x3FDB];
	s0 =	simm.s32 @p2 $0x1  }
0x17: {  	s4 =	simm.s32 $0x1BF5;
	[smem:$0x3FBC] =	sst s0  }
0x18: {  	s0 =	sld [smem:$0x3F9F];
	_ =	swait.ge [sflag:s4], $0x0  }
0x19: {  	s7 =	sld [smem:$0x3FA0]  }
0x1a: {  	s8 =	sadd.s32 $0xFFFFE003, lr  }
0x1b: {  	s9 =	sadd.s32 $0xFFFFFEF7, lr;
	s5 =	simm.s32 $0xFFFFFFFF;
	p2 =	slt.u32 s8, $0xFFFFF086  }
0x1c: {  	p1 =	slt.u32 s9, $0xF7A;
	s5 =	simm.s32 @!p2 $0x0  }
0x1d: {  	s5 =	simm.s32 @p1 $0x1;
	p0 =	seq.s32 s7, s2  }
0x1e: {  	s7 =	smul.u32 @!p0 $0xF7A, s2;
	p2 =	seq.s32 @!p0 s5, $0x0  }
0x1f: {  	s9 =	smul.u32 $0xF7A, s1;
	s8 =	simm.s32 @!p0 $0x1BF5;
	p2 =	por !p2, p0  }
0x20: {  	[sflag:s8] =	ssyncset.s32 @!p0 $0xFFFFF086;
	s6 =	sadd.s32 @!p0 s3, s7;
	s7 =	simm.s32 @!p0 $0x108  }
0x21: {  	s3 =	sadd.s32 s3, s9;
	s6 =	sadd.s32 @!p0 $0x88, s6;
	s7 =	simm.s32 @p2 $0x1082  }
0x22: {  	[simem:s7], [sflag:s8] =	dma.local @!p0 [hbm:s6], $0xF7A  }
0x23: {  	s9 =	sor.u32 $0xD0000000, s2;
	s6 =	simm.s32 $0x108;
	_ =	swait.ge @!p0 [sflag:s8], $0x0  }
0x24: {  	s3 =	sadd.s32 $0x88, s3;
	s6 =	simm.s32 @!p1 $0x1082;
	[sflag:s4] =	ssyncset.s32 $0xFFFFF086  }
0x25: {  	[simem:s6], [sflag:s4] =	dma.local [hbm:s3], $0xF7A  }
0x26: {  	[smem:$0x3FA0] =	sst s1;
	(tag) =	ssettag s2;
	_ =	strace s9  }
0x27: {  	s1 =	sld [smem:$0x3FB0]  }
0x28: {  	s2 =	sld [smem:$0x3FB1]  }
0x29: {  	s4 =	sld [smem:$0x3FB3]  }
0x2a: {  	p0 =	seq.s32 s5, $0x0;
	s5 =	sld [smem:$0x3FB4]  }
0x2b: {  	s6 =	sld [smem:$0x3FB5]  }
0x2c: {  	s7 =	sld [smem:$0x3FB6]  }
0x2d: {  	s3 =	simm.s32 $0x108;
	s8 =	sld [smem:$0x3FB7]  }
0x2e: {  	s3 =	simm.s32 @!p0 $0x1082;
	s9 =	sld [smem:$0x3FB8]  }
0x2f: {  	lr =	sadd.s32 s0, s3;
	s0 =	sld [smem:$0x3FAF]  }
0x30: {  	s3 =	sld [smem:$0x3FB2]  }
0x31: {  	[smem:$0x3FBB] =	sst s10  }
0x32: {  	s10 =	sld [smem:$0x3FB9];
	_ =	sdelay $0x3  }
0x33: {  	p0 =	seq.s32 s10, $0x1;
	s10 =	sld [smem:$0x3FBB];
	_ =	sdelay $0x3  }
0x34: {  	[smem:$0x3FBB] =	sst s10  }
0x35: {  	s10 =	sld [smem:$0x3FBA];
	_ =	sdelay $0x3  }
0x36: {  	p1 =	seq.s32 s10, $0x1;
	s10 =	sld [smem:$0x3FBB];
	_ =	sdelay $0x3  }
0x37: {  	[smem:$0x3FBB] =	sst s10  }
0x38: {  	s10 =	sld [smem:$0x3FBC]  }
0x39: {  	_ = 	snop;
	(pc) =	sbr.ind lr, $3  }
0x3a: {  	_ = 	snop  }
0x3b: {  	_ = 	snop  }
0x3c: {  	p2 =	seq.s32 s10, $0x1;
	s10 =	sld [smem:$0x3FBB]  }
0x3d: {  	_ =	shalt  }
0x3e: {  	_ =	shalt  }
0x3f: {  	_ =	shalt  }
0x40: {  	_ =	shalt  }
0x41: {  	_ =	shalt  }
0x42: {  	_ =	shalt  }
0x43: {  	_ =	shalt  }
0x44: {  	_ =	shalt  }
0x45: {  	_ =	shalt  }
0x46: {  	_ =	shalt  }
0x47: {  	_ =	shalt  }
0x48: {  	_ =	shalt  }
0x49: {  	_ =	shalt  }
0x4a: {  	_ =	shalt  }
0x4b: {  	_ =	shalt  }
0x4c: {  	_ =	shalt  }
0x4d: {  	_ =	shalt  }
0x4e: {  	_ =	shalt  }
0x4f: {  	_ =	shalt  }
0x50: {  	_ =	shalt  }
0x51: {  	_ =	shalt  }
0x52: {  	_ =	shalt  }
0x53: {  	_ =	shalt  }
0x54: {  	_ =	shalt  }
0x55: {  	_ =	shalt  }
0x56: {  	_ =	shalt  }
0x57: {  	_ =	shalt  }
0x58: {  	_ =	shalt  }
0x59: {  	_ =	shalt  }
0x5a: {  	_ =	shalt  }
0x5b: {  	_ =	shalt  }
0x5c: {  	_ =	shalt  }
0x5d: {  	_ =	shalt  }
0x5e: {  	_ =	shalt  }
0x5f: {  	_ =	shalt  }
0x60: {  	_ =	shalt  }
0x61: {  	_ =	shalt  }
0x62: {  	_ =	shalt  }
0x63: {  	_ =	shalt  }
0x64: {  	_ =	shalt  }
0x65: {  	_ =	shalt  }
0x66: {  	_ =	shalt  }
0x67: {  	_ =	shalt  }
0x68: {  	_ =	shalt  }
0x69: {  	_ =	shalt  }
0x6a: {  	_ =	shalt  }
0x6b: {  	_ =	shalt  }
0x6c: {  	_ =	shalt  }
0x6d: {  	_ =	shalt  }
0x6e: {  	_ =	shalt  }
0x6f: {  	_ =	shalt  }
0x70: {  	_ =	shalt  }
0x71: {  	_ =	shalt  }
0x72: {  	_ =	shalt  }
0x73: {  	_ =	shalt  }
0x74: {  	_ =	shalt  }
0x75: {  	_ =	shalt  }
0x76: {  	_ =	shalt  }
0x77: {  	_ =	shalt  }
0x78: {  	_ =	shalt  }
0x79: {  	_ =	shalt  }
0x7a: {  	_ =	shalt  }
0x7b: {  	_ =	shalt  }
0x7c: {  	_ =	shalt  }
0x7d: {  	_ =	shalt  }
0x7e: {  	_ =	shalt  }
0x7f: {  	_ =	shalt  }
0x80: {  	_ =	shalt  }
0x81: {  	_ =	shalt  }
0x82: {  	_ =	shalt  }
0x83: {  	_ =	shalt  }
0x84: {  	_ =	shalt  }
0x85: {  	_ =	shalt  }
0x86: {  	_ =	shalt  }
0x87: {  	_ =	shalt  }
.Lfunc_end0:
.L_simem_size_0:
called_computation_lowered:
.L_overlay_start_0:
0x88: {  	s2 =	sld [smem:$0x3FD9]  }
0x89: {  	s3 =	sld [smem:$0x3FFE];
	_ =	sdelay $0x1  }
0x8a: {  	s1 =	srdreg.scid  }
0x8b: {  	s0 =	sand.u32 $0x1, s1  }
0x8c: {  	s18 =	sshll.u32 s0, $0xA;
	s2 =	sadd.s32 s3, s2  }
0x8d: {  	s2 =	sadd.s32 s2, s18  }
0x8e: {  	[smem:$0x3FC7] =	sst s2  }
0x8f: {  	_ = 	snop  }
0x90: {  	s2 =	sld [smem:$0x3FC9]  }
0x91: {  	s19 =	sld [smem:$0x3FD0];
	(tm) =	ssettm $0x1  }
0x92: {  	s4 =	sld [smem:$0x3FFB];
	_ =	sdelay $0x3  }
0x93: {  	_ =	strace s4  }
0x94: {  	s4 =	sld [smem:$0x3FFC];
	_ =	sdelay $0x3  }
0x95: {  	_ =	strace s4  }
0x96: {  	s4 =	sld [smem:$0x3FFD];
	_ =	sdelay $0x3  }
0x97: {  	_ =	strace s4  }
0x98: {  	_ =	strace $0x8FFFFFFF  }
0x99: {  	s20 =	sld [smem:$0x3FDB];
	_ =	sdelay $0x1  }
0x9a: {  	s5 =	simm.s32 $_scs_section_size  }
0x9b: {  	s6 =	simm.s32 $_size__tile_overlayer_lowered;
	s7 =	simm.s32 $_tile_overlayer_lowered  }
0x9c: {  	s23 =	simm.s32 $0x1BFF;
	s22 =	sshll.u32 s7, $0x1;
	s4 =	sadd.s32 s5, s20  }
0x9d: {  	s8 =	simm.s32 $0x0;
	s21 =	sshll.u32 s6, $0x1;
	s6 =	sadd.s32 s22, s4  }
0x9e: {  	[timem:s8], [sflag:s23] =	dma.local [hbm:s6], s21  }
0x9f: {  	_ =	swait.ge [sflag:s23], s21  }
0xa0: {  	s5 =	ssub.s32 $0x0, s21;
	[sflag:s23] =	ssyncset.done $0x0  }
0xa1: {  	[sflag:s23] =	ssyncadd.s32 s5;
	_ =	sdelay $0x1  }
0xa2: {  	s24 =	simm.s32 $0x1B8B  }
0xa3: {  	_ =	swait.ge [sflag:s24], $0x1  }
0xa4: {  	[sflag:s24] =	ssyncset.done $0x0  }
0xa5: {  	s25 =	simm.s32 $0x1B8E;
	[sflag:s24] =	ssyncadd.s32 $0xFFFFFFFF  }
0xa6: {  	s26 =	simm.s32 $execute0_lowered;
	[smem:$0x3FD2] =	sst s25  }
0xa7: {  	s5 =	sshll.u32 s26, $0x1;
	_ =	strace $0x80000046;
	[dreg:$0x1] =	wrdreg $0xFFFFFFFF  }
0xa8: {  	s28 =	simm.s32 $_size_execute0_lowered;
	s4 =	sadd.s32 s4, s5;
	[dreg:$0x0] =	wrdreg $0x0  }
0xa9: {  	s5 =	sshll.u32 s28, $0x1;
	[dreg:$0x2] =	wrdreg s4  }
0xaa: {  	[dreg:$0x3] =	wrdreg s5  }
0xab: {  	[dreg:$0x4] =	wrdreg $0xC0  }
0xac: {  	_ =	task [dreg:s8], $0x5FFFF  }
0xad: {  	[dreg:$0x1] =	wrdreg $0xFFFFFFFF  }
0xae: {  	[dreg:$0x0] =	wrdreg $0x60  }
0xaf: {  	[dreg:$0x2] =	wrdreg s2  }
0xb0: {  	[dreg:$0x3] =	wrdreg s19  }
0xb1: {  	[dreg:$0x4] =	wrdreg $0x42000  }
0xb2: {  	[dreg:$0x5] =	wrdreg $0x9  }
0xb3: {  	_ =	task.clear_ibuf [dreg:s8], $0x6FFFF;
	_ =	strace $0x90000046  }
0xb4: {  	s29 =	simm.s32 $0x9;
	_ =	strace $0x80000048  }
0xb5: {  	_ =	swait.ge [sflag:s29], $0x1  }
0xb6: {  	[sflag:s29] =	ssyncadd.s32 $0xFFFFFFFF  }
0xb7: {  	_ =	strace $0x90000048  }
0xb8: {  	_ =	sfence  }
0xb9: {  	s30 =	sld [smem:$0x0];
	_ =	sdelay $0x2  }
0xba: {  	s31 =	sshll.u32 s1, $0xD;
	s1 =	sshrl.u32 s1, $0x2  }
0xbb: {  	s3 =	sand.u32 $0x4000, s31;
	s1 =	sadd.s32 s1, s30  }
0xbc: {  	s0 =	sor.u32 s3, s0;
	s1 =	sshll.u32 s1, $0x11  }
0xbd: {  	s0 =	sor.u32 s1, s0  }
0xbe: {  	s0 =	sadd.s32 $0x8F2B, s0  }
0xbf: {  	[sflag:s0] =	ssyncadd.remote.s32 $0x1  }
0xc0: {  	_ =	sfence.sel $0xFFFF  }
0xc1: {  	[dreg:$0x0] =	wrdreg $0xFFFFFFFF;
	(pc) =	sbr.abs _section_cstart, $3  }
0xc2: {  	[dreg:$0x1] =	wrdreg $0xFFFFFFFF  }
0xc3: {  	_ =	task.clear_ibuf [dreg:s8], $0x2FFFF;
	_ =	strace $0x9FFFFFFF  }
0xc4: {  	(tm) =	ssettm $0x7FFFFFFF  }
0xc5: {  	_ =	shalt  }
tec
execute0_lowered:
.L_overlay_start_1:
0x0: {  	(tag) =	ssettag $0x1  }
0x1: {  	s4 =	rddreg [dreg:$0x0]  }
0x2: {  	s8 =	rddreg [dreg:$0x1]  }
0x3: {  	s1 =	rddreg [dreg:$0x2]  }
0x4: {  	s0 =	rddreg [dreg:$0x3];
	s2 =	simm.s32 $0x0  }
0x5: {  	s3 =	srdreg.scid;
	s19 =	stileid.u32;
	v0 =	vimm.s32 $0xEFCDAB89;
	s12 =	simm.s32 $0x2000  }
0x6: {  	v1 =	vimm.s32 $0x67452301;
	v2 =	vimm.s32 $0xDCFE98BA;
	s13 =	simm.s32 $0x1000;
	s14 =	simm.s32 $0x3000;
	s15 =	simm.s32 $0x1  }
0x7: {  	v3 =	vimm.s32 $0x54761032;
	v4 =	vimm.s32 $0xBA98FEDC;
	v5 =	vimm.s32 $0x32107654;
	s16 =	simm.s32 $0x2;
	s17 =	simm.s32 $0x3;
	s18 =	simm.s32 $0x4  }
0x8: {  	v6 =	vimm.s32 $0xFEDCBA98;
	v7 =	vimm.s32 $0x76543210;
	s20 =	simm.s32 $0x5;
	s21 =	simm.s32 $0x4000;
	s22 =	simm.s32 $0x4180  }
0x9: {  	s23 =	simm.s32 $0x0;
	vm8 =	vmmov $0x3;
	vm9 =	vmmov $0x3ff;
	[smem:$0x7FF] =	sst s2;
	s7 =	sand.u32 $0x1, s3;
	v0 =	vunpack.c.l.s4.s8 v0  }
0xa: {  	s26 =	sshll.u32 s19, $0xB;
	s6 =	sshll.u32 s19, $0x5;
	v1 =	vunpack.c.l.s4.s8 v1;
	v2 =	vunpack.c.l.s4.s8 v2;
	s10 =	sadd.s32 $0x1000, s4;
	v3 =	vunpack.c.l.s4.s8 v3  }
0xb: {  	v4 =	vunpack.c.l.s4.s8 v4;
	v5 =	vunpack.c.l.s4.s8 v5;
	s31 =	sshll.u32 s19, $0x4;
	v6 =	vunpack.c.l.s4.s8 v6;
	p0 =	sne.s32 s19, $0x0;
	s19 =	simm.s32 $0x4100  }
0xc: {  	s5 =	sshll.u32 s7, $0xF;
	s3 =	sand.u32 $0x6000, s26;
	s9 =	ssub.s32 $0x2, s7;
	v0 =	vunpack.c.0.s8.s32 v0;
	v1 =	vunpack.c.0.s8.s32 v1;
	v2 =	vunpack.c.0.s8.s32 v2  }
0xd: {  	s28 =	sand.u32 $0x60, s6;
	_ =	strace $0x80000047;
	s11 =	sshll.u32 s7, $0x2;
	v3 =	vunpack.c.0.s8.s32 v3;
	v4 =	vunpack.c.0.s8.s32 v4;
	v5 =	vunpack.c.0.s8.s32 v5  }
.Ltmp0:
0xe: {  	vm10 =	vmmov $0x7ff;
	v7 =	vunpack.c.l.s4.s8 v7;
	s7 =	sadd.s32 s31, s1;
	s3 =	sor.u32 s5, s3;
	v1 =	vcombine.low v1, v0;
	(pc) =	sbr.rel .LBB2_1-.Ltmp0, $4  }
0xf: {  	s29 =	sshrl.u32 s9, $0x1;
	s8 =	sadd.s32 s8, s11;
	s5 =	sor.u32 s28, s3;
	v2 =	vcombine.low v3, v2;
	v3 =	vcombine.low v5, v4;
	v4 =	vunpack.c.0.s8.s32 v6  }
0x10: {  	s11 =	simm.s32 $0x400;
	s9 =	ssub.s32 s9, s29;
	s30 =	sor.u32 $0x10, s5;
	v0 =	vlaneseq.u32;
	v5 =	vunpack.c.0.s8.s32 v7;
	v6 =	vimm.s32 $0x1  }
0x11: {  	s3 =	sadd.s32 s4, s5;
	s5 =	sadd.s32 s5, s10;
	s9 =	smax.u32 s9, $0x1;
	v1 =	vand.u32 $0xF, v1;
	v2 =	vand.u32 $0xF, v2;
	v4 =	vand.u32 $0xF, v4  }
0x12: {  	s4 =	sadd.s32 s4, s30;
	s6 =	sadd.s32 s30, s10;
	s10 =	simm.s32 $0x80;
	v3 =	vand.u32 $0xF, v3;
	v4 =	vcombine.low v4, v5;
	v5 =	vimm.s32 $0x0  }
.LBB2_11:
0x13: {  	s23 =	sadd.s32 $0x1, s23  }
0x14: {  	p1 =	sne.s32 s23, s9  }
.Ltmp1:
0x15: {  	_ = 	snop;
	(pc) =	sbr.rel @!p1 .LBB2_12-.Ltmp1, $1  }
0x16: {  	_ =	sdelay $0x3  }
.LBB2_1:
0x17: {  	[tilespmem:s2], [sflag:$0x1] =	stream.strided.gather [hbm4b:s3+s10], $0x1000, s11, s10, $0x38;
	[tilespmem:$0x4210] =	vst v63  }
0x18: {  	_ = 	snop  }
0x19: {  	[tilespmem:s12], [sflag:$0x2] =	stream.strided.gather [hbm4b:s4+s10], $0x1000, s11, s10, $0x38;
	[tilespmem:$0x4210] =	vst v63  }
0x1a: {  	_ = 	snop  }
0x1b: {  	[tilespmem:s13], [sflag:$0x3] =	stream.strided.gather [hbm4b:s5+s10], $0x1000, s11, s10, $0x38;
	[tilespmem:$0x4210] =	vst v63  }
0x1c: {  	_ = 	snop  }
0x1d: {  	[tilespmem:s14], [sflag:$0x4] =	stream.strided.gather [hbm4b:s6+s10], $0x1000, s11, s10, $0x38;
	[tilespmem:$0x4210] =	vst v63  }
0x1e: {  	_ =	swait.ge [sflag:s15], $0x1000  }
0x1f: {  	[sflag:s15] =	ssyncset.done $0x0  }
0x20: {  	[sflag:s15] =	ssyncadd.s32 $0xFFFFF000  }
0x21: {  	_ =	swait.ge [sflag:s16], $0x1000  }
0x22: {  	[sflag:s16] =	ssyncset.done $0x0  }
0x23: {  	s24 =	simm.s32 $0x100;
	[sflag:s16] =	ssyncadd.s32 $0xFFFFF000  }
0x24: {  	v7 =	vld [tilespmem:s24+$0xFFFFFF00]  }
0x25: {  	v9 =	vld [tilespmem:s24+$0xFFFFFF10]  }
0x26: {  	v10 =	vld [tilespmem:s24+$0xFFFFFF20]  }
0x27: {  	v11 =	vld [tilespmem:s24+$0xFFFFFF30]  }
0x28: {  	v12 =	vld [tilespmem:s24+$0xFFFFFF40]  }
0x29: {  	v13 =	vld [tilespmem:s24+$0xFFFFFF50]  }
0x2a: {  	v14 =	vld [tilespmem:s24+$0xFFFFFF60]  }
0x2b: {  	v15 =	vld [tilespmem:s24+$0xFFFFFF70]  }
0x2c: {  	v16 =	vld [tilespmem:s24+$0xFFFFFF80]  }
0x2d: {  	v17 =	vld [tilespmem:s24+$0xFFFFFF90]  }
0x2e: {  	v18 =	vld [tilespmem:s24+$0xFFFFFFA0]  }
0x2f: {  	v19 =	vld [tilespmem:s24+$0xFFFFFFB0]  }
0x30: {  	v20 =	vld [tilespmem:s24+$0xFFFFFFC0]  }
0x31: {  	v21 =	vld [tilespmem:s24+$0xFFFFFFD0]  }
0x32: {  	v22 =	vld [tilespmem:s24+$0xFFFFFFE0]  }
0x33: {  	v23 =	vld [tilespmem:s24+$0xFFFFFFF0]  }
0x34: {  	v24 =	vld [tilespmem:s24+$0x0]  }
0x35: {  	v25 =	vld [tilespmem:s24+$0x10]  }
0x36: {  	v26 =	vld [tilespmem:s24+$0x20]  }
0x37: {  	v27 =	vld [tilespmem:s24+$0x30]  }
0x38: {  	v28 =	vld [tilespmem:s24+$0x40]  }
0x39: {  	v29 =	vld [tilespmem:s24+$0x50]  }
0x3a: {  	v30 =	vld [tilespmem:s24+$0x60]  }
0x3b: {  	v31 =	vld [tilespmem:s24+$0x70]  }
0x3c: {  	v32 =	vld [tilespmem:s24+$0x80]  }
0x3d: {  	v33 =	vld [tilespmem:s24+$0x90]  }
0x3e: {  	v34 =	vld [tilespmem:s24+$0xA0]  }
0x3f: {  	v36 =	vld [tilespmem:s24+$0xC0]  }
0x40: {  	v37 =	vld [tilespmem:s24+$0xD0]  }
0x41: {  	v8 =	vimm.f32 $-Inf;
	v38 =	vld [tilespmem:s24+$0xE0]  }
0x42: {  	v7 =	vmax.f32 v7, v12;
	v13 =	vmax.f32 v9, v13;
	v10 =	vmax.f32 v10, v14  }
0x43: {  	v11 =	vmax.f32 v11, v15;
	v14 =	vmax.f32 v16, v20;
	v15 =	vmax.f32 v17, v21  }
0x44: {  	v16 =	vmax.f32 v18, v22;
	v17 =	vmax.f32 v19, v23;
	v18 =	vmax.f32 v24, v28  }
0x45: {  	v35 =	vld [tilespmem:s24+$0xB0];
	v19 =	vmax.f32 v25, v29;
	v20 =	vmax.f32 v26, v30;
	v21 =	vmax.f32 v27, v31  }
0x46: {  	s26 =	simm.s32 $0x2100;
	v12 =	vld [tilespmem:s24+$0xF0];
	v22 =	vmax.f32 v32, v36;
	v24 =	vmax.f32 v33, v37;
	v25 =	vmax.f32 v34, v38  }
0x47: {  	v9 =	vld [tilespmem:s26+$0x80];
	v7 =	vmax.f32 v7, v10;
	v10 =	vmax.f32 v13, v11;
	v11 =	vmax.f32 v14, v16  }
0x48: {  	v13 =	vld [tilespmem:s26+$0x90];
	v14 =	vmax.f32 v15, v17;
	v15 =	vmax.f32 v18, v20;
	v16 =	vmax.f32 v19, v21  }
0x49: {  	v17 =	vld [tilespmem:s26+$0xA0];
	v23 =	vmax.f32 v7, v10;
	v7 =	vmax.f32 v22, v25;
	v26 =	vmax.f32 v11, v14  }
0x4a: {  	v18 =	vld [tilespmem:s26+$0xB0];
	v27 =	vmax.f32 v15, v16;
	v11 =	vimm.f32 $-Inf;
	v16 =	vimm.f32 $-Inf  }
0x4b: {  	v19 =	vld [tilespmem:s26+$0xC0];
	v14 =	vimm.f32 $-Inf;
	v15 =	vimm.f32 $-Inf;
	v12 =	vmax.f32 v35, v12  }
0x4c: {  	v20 =	vld [tilespmem:s26+$0xD0];
	v25 =	vperm.xlane v23, v1;
	v29 =	vperm.xlane v26, v1;
	v10 =	vmax.f32 v24, v12  }
0x4d: {  	v21 =	vld [tilespmem:s26+$0xE0];
	v30 =	vperm.xlane v27, v1;
	v12 =	vimm.f32 $-Inf;
	v24 =	vmax.f32 v7, v10  }
0x4e: {  	s28 =	simm.s32 $0x1;
	s25 =	simm.s32 $0x0;
	v22 =	vld [tilespmem:s26+$0xF0];
	v10 =	vimm.f32 $-Inf;
	v7 =	vimm.f32 $-Inf;
	v28 =	vperm.xlane v24, v1  }
.LBB2_2:
0x4f: {  	p1 =	sne.s32 s28, $0x7;
	v31 =	vld [tilespmem:s26+$0xFFFFFF00];
	v23 =	vmax.f32 v23, v25;
	v25 =	vmax.f32 v26, v29;
	v26 =	vmax.f32 v27, v30  }
0x50: {  	v27 =	vld [tilespmem:s26+$0xFFFFFF10];
	v29 =	vperm.xlane v23, v2;
	v30 =	vperm.xlane v25, v2;
	v24 =	vmax.f32 v24, v28  }
0x51: {  	v32 =	vperm.xlane v26, v2;
	v28 =	vld [tilespmem:s26+$0xFFFFFF20];
	v33 =	vperm.xlane v24, v2  }
0x52: {  	v9 =	vmax.f32 v9, v19;
	v34 =	vld [tilespmem:s26+$0xFFFFFF30];
	v23 =	vmax.f32 v23, v29;
	v25 =	vmax.f32 v25, v30  }
0x53: {  	v13 =	vmax.f32 v13, v20;
	v17 =	vmax.f32 v17, v21;
	v19 =	vld [tilespmem:s26+$0xFFFFFF40];
	v18 =	vmax.f32 v18, v22  }
0x54: {  	v21 =	vmax.f32 v26, v32;
	v9 =	vmax.f32 v9, v17;
	v20 =	vld [tilespmem:s26+$0xFFFFFF50];
	v13 =	vmax.f32 v13, v18  }
0x55: {  	v22 =	vperm.xlane v25, v3;
	v18 =	vperm.xlane v23, v3;
	v17 =	vld [tilespmem:s26+$0xFFFFFF60];
	v9 =	vmax.f32 v9, v13  }
0x56: {  	v26 =	vperm.xlane v21, v3;
	v24 =	vmax.f32 v24, v33;
	v13 =	vld [tilespmem:s26+$0xFFFFFF70];
	v29 =	vperm.xlane v9, v1  }
0x57: {  	v22 =	vmax.f32 v25, v22;
	v25 =	vperm.xlane v24, v3;
	v18 =	vmax.f32 v23, v18;
	v23 =	vld [tilespmem:s26+$0xFFFFFF80]  }
0x58: {  	v21 =	vmax.f32 v21, v26;
	v19 =	vmax.f32 v31, v19;
	v30 =	vld [tilespmem:s26+$0xFFFFFF90];
	v9 =	vmax.f32 v9, v29  }
0x59: {  	v24 =	vmax.f32 v24, v25;
	v20 =	vmax.f32 v27, v20;
	v26 =	vld [tilespmem:s26+$0xFFFFFFA0];
	v25 =	vperm.xlane v9, v2  }
0x5a: {  	v29 =	vperm.xlane v22, v4;
	v27 =	vperm.xlane v18, v4;
	v17 =	vmax.f32 v28, v17;
	v28 =	vld [tilespmem:s26+$0xFFFFFFB0]  }
0x5b: {  	v13 =	vmax.f32 v34, v13;
	v17 =	vmax.f32 v19, v17;
	v19 =	vld [tilespmem:s26+$0xFFFFFFC0];
	v9 =	vmax.f32 v9, v25  }
0x5c: {  	v25 =	vperm.xlane v21, v4;
	v13 =	vmax.f32 v20, v13;
	v20 =	vld [tilespmem:s26+$0xFFFFFFD0];
	v31 =	vperm.xlane v9, v3  }
0x5d: {  	v13 =	vmax.f32 v17, v13;
	v17 =	vmax.f32 v18, v27;
	v18 =	vld [tilespmem:s26+$0xFFFFFFE0];
	v27 =	vperm.xlane v24, v4  }
0x5e: {  	v22 =	vmax.f32 v22, v29;
	v32 =	vperm.xlane v13, v1;
	v33 =	vld [tilespmem:s26+$0xFFFFFFF0];
	v9 =	vmax.f32 v9, v31  }
0x5f: {  	v21 =	vmax.f32 v21, v25;
	v29 =	vld [tilespmem:s26+$0x0];
	v24 =	vmax.f32 v24, v27;
	v25 =	vperm.xlane v9, v4  }
0x60: {  	v27 =	vmov s25;
	s25 =	smov.u32 s28;
	v13 =	vmax.f32 v13, v32;
	v19 =	vmax.f32 v23, v19;
	v23 =	vld [tilespmem:s26+$0x10]  }
0x61: {  	vm0 =	veq.s32 v27, v0;
	v20 =	vmax.f32 v30, v20;
	v27 =	vld [tilespmem:s26+$0x20];
	v9 =	vmax.f32 v9, v25  }
0x62: {  	v25 =	vperm.xlane v13, v2;
	v18 =	vmax.f32 v26, v18;
	v26 =	vld [tilespmem:s26+$0x30];
	v8 =	vsel vm0, v9, v8  }
0x63: {  	v10 =	vsel vm0, v17, v10;
	v9 =	vmax.f32 v28, v33;
	v17 =	vmax.f32 v19, v18;
	v18 =	vld [tilespmem:s26+$0x40]  }
0x64: {  	v11 =	vsel vm0, v22, v11;
	v13 =	vmax.f32 v13, v25;
	v9 =	vmax.f32 v20, v9;
	v19 =	vld [tilespmem:s26+$0x50]  }
0x65: {  	v16 =	vsel vm0, v21, v16;
	v20 =	vperm.xlane v13, v3;
	v9 =	vmax.f32 v17, v9;
	v17 =	vld [tilespmem:s26+$0x60]  }
0x66: {  	s24 =	sadd.s32 $0x200, s24;
	v12 =	vsel vm0, v24, v12;
	v21 =	vperm.xlane v9, v1;
	v22 =	vld [tilespmem:s26+$0x70]  }
0x67: {  	v13 =	vmax.f32 v13, v20;
	v24 =	vld [tilespmem:s24+$0xFFFFFF00]  }
0x68: {  	v25 =	vperm.xlane v13, v4;
	v20 =	vld [tilespmem:s24+$0xFFFFFF10];
	v9 =	vmax.f32 v9, v21;
	v18 =	vmax.f32 v29, v18  }
0x69: {  	v21 =	vld [tilespmem:s24+$0xFFFFFF20];
	v28 =	vperm.xlane v9, v2;
	v19 =	vmax.f32 v23, v19  }
0x6a: {  	v13 =	vmax.f32 v13, v25;
	v23 =	vld [tilespmem:s24+$0xFFFFFF30];
	v17 =	vmax.f32 v27, v17  }
0x6b: {  	v25 =	vld [tilespmem:s24+$0xFFFFFF40];
	v9 =	vmax.f32 v9, v28;
	v22 =	vmax.f32 v26, v22;
	v17 =	vmax.f32 v18, v17  }
0x6c: {  	v14 =	vsel vm0, v13, v14;
	v18 =	vld [tilespmem:s24+$0xFFFFFF50];
	v13 =	vperm.xlane v9, v3;
	v19 =	vmax.f32 v19, v22  }
0x6d: {  	v22 =	vld [tilespmem:s24+$0xFFFFFF60];
	v17 =	vmax.f32 v17, v19  }
0x6e: {  	v19 =	vld [tilespmem:s24+$0xFFFFFF70];
	v9 =	vmax.f32 v9, v13;
	v13 =	vperm.xlane v17, v1  }
0x6f: {  	v26 =	vld [tilespmem:s24+$0xFFFFFF80];
	v27 =	vperm.xlane v9, v4  }
0x70: {  	v28 =	vld [tilespmem:s24+$0xFFFFFF90];
	v13 =	vmax.f32 v17, v13  }
0x71: {  	v17 =	vld [tilespmem:s24+$0xFFFFFFA0];
	v9 =	vmax.f32 v9, v27;
	v27 =	vperm.xlane v13, v2  }
0x72: {  	v29 =	vld [tilespmem:s24+$0xFFFFFFB0];
	v15 =	vsel vm0, v9, v15  }
0x73: {  	v9 =	vld [tilespmem:s24+$0xFFFFFFC0];
	v13 =	vmax.f32 v13, v27  }
0x74: {  	v27 =	vld [tilespmem:s24+$0xFFFFFFD0];
	v30 =	vperm.xlane v13, v3  }
0x75: {  	v31 =	vld [tilespmem:s24+$0xFFFFFFE0]  }
0x76: {  	v32 =	vld [tilespmem:s24+$0xFFFFFFF0];
	v13 =	vmax.f32 v13, v30  }
0x77: {  	v30 =	vld [tilespmem:s24+$0x0];
	v33 =	vperm.xlane v13, v4  }
0x78: {  	v34 =	vld [tilespmem:s24+$0x10]  }
0x79: {  	v35 =	vld [tilespmem:s24+$0x20];
	v13 =	vmax.f32 v13, v33  }
0x7a: {  	v33 =	vld [tilespmem:s24+$0x30];
	v7 =	vsel vm0, v13, v7  }
0x7b: {  	v13 =	vld [tilespmem:s24+$0x40]  }
0x7c: {  	v36 =	vld [tilespmem:s24+$0x50]  }
0x7d: {  	v37 =	vld [tilespmem:s24+$0x60]  }
0x7e: {  	v38 =	vld [tilespmem:s24+$0x70]  }
0x7f: {  	v39 =	vld [tilespmem:s24+$0x80]  }
0x80: {  	v40 =	vld [tilespmem:s24+$0x90]  }
0x81: {  	v41 =	vld [tilespmem:s24+$0xA0]  }
0x82: {  	v42 =	vld [tilespmem:s24+$0xB0]  }
0x83: {  	v43 =	vld [tilespmem:s24+$0xC0]  }
0x84: {  	v44 =	vld [tilespmem:s24+$0xD0]  }
0x85: {  	v45 =	vld [tilespmem:s24+$0xE0]  }
0x86: {  	v24 =	vmax.f32 v24, v25;
	v25 =	vld [tilespmem:s24+$0xF0]  }
0x87: {  	v18 =	vmax.f32 v20, v18;
	v20 =	vmax.f32 v21, v22;
	v19 =	vmax.f32 v23, v19  }
0x88: {  	v21 =	vmax.f32 v26, v9;
	v22 =	vmax.f32 v28, v27;
	v17 =	vmax.f32 v17, v31  }
0x89: {  	s26 =	sadd.s32 $0x200, s26;
	v23 =	vmax.f32 v29, v32;
	v26 =	vmax.f32 v30, v13;
	v27 =	vmax.f32 v34, v36  }
0x8a: {  	v28 =	vmax.f32 v35, v37;
	v29 =	vmax.f32 v33, v38;
	v30 =	vmax.f32 v39, v43;
	v9 =	vld [tilespmem:s26+$0x80]  }
0x8b: {  	v31 =	vmax.f32 v40, v44;
	v32 =	vmax.f32 v41, v45;
	v13 =	vld [tilespmem:s26+$0x90];
	v25 =	vmax.f32 v42, v25  }
0x8c: {  	v20 =	vmax.f32 v24, v20;
	v19 =	vmax.f32 v18, v19;
	v21 =	vmax.f32 v21, v17;
	v17 =	vld [tilespmem:s26+$0xA0]  }
.Ltmp2:
0x8d: {  	v22 =	vmax.f32 v22, v23;
	v24 =	vmax.f32 v26, v28;
	v27 =	vmax.f32 v27, v29;
	v18 =	vld [tilespmem:s26+$0xB0];
	(pc) =	sbr.rel @p1 .LBB2_2-.Ltmp2, $4  }
0x8e: {  	v23 =	vmax.f32 v20, v19;
	v28 =	vmax.f32 v30, v32;
	v31 =	vmax.f32 v31, v25;
	v19 =	vld [tilespmem:s26+$0xC0]  }
0x8f: {  	v26 =	vmax.f32 v21, v22;
	v27 =	vmax.f32 v24, v27;
	v25 =	vperm.xlane v23, v1;
	v20 =	vld [tilespmem:s26+$0xD0]  }
0x90: {  	v29 =	vperm.xlane v26, v1;
	v30 =	vperm.xlane v27, v1;
	v24 =	vmax.f32 v28, v31;
	v21 =	vld [tilespmem:s26+$0xE0]  }
0x91: {  	s28 =	sadd.s32 $0x1, s28;
	v28 =	vperm.xlane v24, v1;
	v22 =	vld [tilespmem:s26+$0xF0]  }
0x92: {  	v31 =	vld [tilespmem:s26+$0xFFFFFF00]  }
0x93: {  	v32 =	vld [tilespmem:s26+$0xFFFFFF10]  }
0x94: {  	v33 =	vld [tilespmem:s26+$0xFFFFFF20]  }
0x95: {  	v34 =	vld [tilespmem:s26+$0xFFFFFF30]  }
0x96: {  	v35 =	vld [tilespmem:s26+$0xFFFFFF40]  }
0x97: {  	v36 =	vld [tilespmem:s26+$0xFFFFFF50]  }
0x98: {  	v37 =	vld [tilespmem:s26+$0xFFFFFF60]  }
0x99: {  	v38 =	vld [tilespmem:s26+$0xFFFFFF70]  }
0x9a: {  	v39 =	vld [tilespmem:s26+$0xFFFFFF80]  }
0x9b: {  	v40 =	vld [tilespmem:s26+$0xFFFFFF90]  }
0x9c: {  	v41 =	vld [tilespmem:s26+$0xFFFFFFA0]  }
0x9d: {  	v42 =	vld [tilespmem:s26+$0xFFFFFFB0]  }
0x9e: {  	v43 =	vld [tilespmem:s26+$0xFFFFFFC0]  }
0x9f: {  	v44 =	vld [tilespmem:s26+$0xFFFFFFD0]  }
0xa0: {  	v45 =	vld [tilespmem:s26+$0xFFFFFFE0]  }
0xa1: {  	v46 =	vld [tilespmem:s26+$0xFFFFFFF0]  }
0xa2: {  	v47 =	vld [tilespmem:s26+$0x0]  }
0xa3: {  	v48 =	vld [tilespmem:s26+$0x10]  }
0xa4: {  	v49 =	vld [tilespmem:s26+$0x20]  }
0xa5: {  	v50 =	vld [tilespmem:s26+$0x30]  }
0xa6: {  	v51 =	vld [tilespmem:s26+$0x40]  }
0xa7: {  	v52 =	vld [tilespmem:s26+$0x50]  }
0xa8: {  	v53 =	vld [tilespmem:s26+$0x60]  }
0xa9: {  	v54 =	vld [tilespmem:s26+$0x70];
	_ =	swait.ge [sflag:s17], $0x1000  }
0xaa: {  	[sflag:s17] =	ssyncset.done $0x0  }
0xab: {  	v23 =	vmax.f32 v23, v25;
	v25 =	vmax.f32 v26, v29;
	[sflag:s17] =	ssyncadd.s32 $0xFFFFF000  }
0xac: {  	v26 =	vmax.f32 v27, v30;
	v27 =	vperm.xlane v23, v2;
	v29 =	vperm.xlane v25, v2;
	_ =	swait.ge [sflag:s18], $0x1000  }
0xad: {  	v24 =	vmax.f32 v24, v28;
	v28 =	vperm.xlane v26, v2;
	v9 =	vmax.f32 v9, v19;
	[sflag:s18] =	ssyncset.done $0x0  }
0xae: {  	s24 =	simm.s32 $0x11F0;
	v13 =	vmax.f32 v13, v20;
	v23 =	vmax.f32 v23, v27;
	v27 =	vperm.xlane v24, v2;
	[sflag:s18] =	ssyncadd.s32 $0xFFFFF000  }
0xaf: {  	v25 =	vmax.f32 v25, v29;
	v17 =	vmax.f32 v17, v21;
	v20 =	vmax.f32 v26, v28;
	v30 =	vld [tilespmem:s24+$0xFFFFFE10]  }
0xb0: {  	v18 =	vmax.f32 v18, v22;
	v9 =	vmax.f32 v9, v17;
	v21 =	vperm.xlane v25, v3;
	v29 =	vld [tilespmem:s24+$0xFFFFFE20]  }
0xb1: {  	v13 =	vmax.f32 v13, v18;
	v18 =	vperm.xlane v23, v3;
	v24 =	vmax.f32 v24, v27;
	v19 =	vld [tilespmem:s24+$0xFFFFFE30]  }
0xb2: {  	v55 =	vmax.f32 v34, v38;
	v56 =	vmax.f32 v39, v43;
	v57 =	vmax.f32 v40, v44;
	v17 =	vld [tilespmem:s24+$0xFFFFFE40]  }
0xb3: {  	v59 =	vmax.f32 v41, v45;
	v60 =	vmax.f32 v42, v46;
	v62 =	vmax.f32 v47, v51;
	v22 =	vld [tilespmem:s24+$0xFFFFFE50]  }
0xb4: {  	v63 =	vmax.f32 v48, v52;
	v52 =	vmax.f32 v49, v53;
	v53 =	vmax.f32 v50, v54;
	v26 =	vld [tilespmem:s24+$0xFFFFFE60]  }
0xb5: {  	v9 =	vmax.f32 v9, v13;
	v13 =	vperm.xlane v20, v3;
	v28 =	vld [tilespmem:s24+$0xFFFFFE70];
	v21 =	vmax.f32 v25, v21  }
0xb6: {  	v25 =	vmax.f32 v31, v35;
	v31 =	vmax.f32 v33, v37;
	v34 =	vld [tilespmem:s24+$0xFFFFFEA0];
	v35 =	vmax.f32 v56, v59  }
0xb7: {  	v33 =	vld [tilespmem:s24+$0xFFFFFEB0];
	v54 =	vmax.f32 v62, v52;
	v59 =	vmov s25;
	v27 =	vperm.xlane v9, v1  }
0xb8: {  	v39 =	vld [tilespmem:s24+$0xFFFFFEF0];
	v18 =	vmax.f32 v23, v18;
	v23 =	vperm.xlane v24, v3;
	v25 =	vmax.f32 v25, v31  }
0xb9: {  	v45 =	vld [tilespmem:s24+$0xFFFFFF20];
	vm0 =	veq.s32 v59, v0;
	v13 =	vmax.f32 v20, v13;
	v31 =	vperm.xlane v18, v4  }
0xba: {  	v46 =	vld [tilespmem:s24+$0xFFFFFF60];
	v9 =	vmax.f32 v9, v27;
	v27 =	vmax.f32 v32, v36;
	v23 =	vmax.f32 v24, v23  }
0xbb: {  	v40 =	vld [tilespmem:s24+$0xFFFFFEE0];
	v32 =	vperm.xlane v21, v4;
	v37 =	vperm.xlane v9, v2;
	v27 =	vmax.f32 v27, v55  }
0xbc: {  	v44 =	vld [tilespmem:s24+$0xFFFFFF00];
	v18 =	vmax.f32 v18, v31;
	v31 =	vperm.xlane v13, v4;
	v42 =	vperm.xlane v23, v4  }
0xbd: {  	v48 =	vld [tilespmem:s24+$0xFFFFFF10];
	v55 =	vmax.f32 v63, v53;
	v25 =	vmax.f32 v25, v27;
	v21 =	vmax.f32 v21, v32  }
0xbe: {  	v20 =	vld [tilespmem:s24+$0xFFFFFE80];
	v10 =	vsel vm0, v18, v10;
	v22 =	vmax.f32 v30, v22;
	v19 =	vmax.f32 v19, v28  }
0xbf: {  	v24 =	vld [tilespmem:s24+$0xFFFFFE90];
	v28 =	vmax.f32 v33, v39;
	v30 =	vmax.f32 v45, v46;
	v9 =	vmax.f32 v9, v37  }
0xc0: {  	v36 =	vld [tilespmem:s24+$0xFFFFFED0];
	v37 =	vmax.f32 v57, v60;
	v61 =	vperm.xlane v25, v1;
	v31 =	vmax.f32 v13, v31  }
0xc1: {  	v43 =	vld [tilespmem:s24+$0xFFFFFF30];
	v23 =	vmax.f32 v23, v42;
	v19 =	vmax.f32 v22, v19;
	v35 =	vmax.f32 v35, v37  }
0xc2: {  	v47 =	vld [tilespmem:s24+$0xFFFFFF40];
	v58 =	vperm.xlane v9, v3;
	v37 =	vmax.f32 v54, v55;
	v56 =	vperm.xlane v35, v1  }
0xc3: {  	v38 =	vld [tilespmem:s24+$0xFFFFFF50];
	v12 =	vsel vm0, v23, v12;
	v17 =	vmax.f32 v17, v20;
	v25 =	vmax.f32 v25, v61  }
0xc4: {  	v63 =	vld [tilespmem:s24+$0xFFFFFF80];
	v9 =	vmax.f32 v9, v58;
	v58 =	vperm.xlane v37, v1;
	v35 =	vmax.f32 v35, v56  }
0xc5: {  	v27 =	vld [tilespmem:s24+$0xFFFFFEC0];
	v20 =	vmax.f32 v24, v36;
	v41 =	vperm.xlane v25, v2;
	v60 =	vperm.xlane v35, v2  }
0xc6: {  	v23 =	vld [tilespmem:s24+$0xFFFFFFE0];
	v24 =	vmax.f32 v34, v40;
	v57 =	vperm.xlane v9, v4;
	v37 =	vmax.f32 v37, v58  }
0xc7: {  	v61 =	vld [tilespmem:s24+$0xFFFFFF70];
	v25 =	vmax.f32 v25, v41;
	v13 =	vperm.xlane v37, v2;
	v62 =	vmax.f32 v35, v60  }
0xc8: {  	v56 =	vld [tilespmem:s24+$0xFFFFFF90];
	v9 =	vmax.f32 v9, v57;
	v41 =	vperm.xlane v25, v3;
	v50 =	vperm.xlane v62, v3  }
0xc9: {  	v20 =	vmax.f32 v20, v28;
	v58 =	vld [tilespmem:s24+$0xFFFFFFB0];
	v9 =	vsel vm0, v9, v8;
	v13 =	vmax.f32 v37, v13  }
0xca: {  	v57 =	vld [tilespmem:s24+$0xFFFFFFA0];
	v18 =	vmax.f32 v25, v41;
	v8 =	vperm.xlane v13, v3;
	v25 =	vmax.f32 v62, v50  }
0xcb: {  	v27 =	vmax.f32 v27, v44;
	v60 =	vld [tilespmem:s24+$0xFFFFFFC0];
	v41 =	vperm.xlane v18, v4;
	v50 =	vperm.xlane v25, v4  }
0xcc: {  	v59 =	vmax.f32 v13, v8;
	v13 =	vsel vm0, v21, v11;
	v11 =	vsel vm0, v31, v16;
	v21 =	vld [tilespmem:s24+$0xFFFFFFD0]  }
0xcd: {  	v8 =	vmax.f32 v18, v41;
	v18 =	vmax.f32 v25, v50;
	v25 =	vmax.f32 v29, v26;
	v26 =	vld [tilespmem:s24+$0x0]  }
0xce: {  	s25 =	simm.s32 $0x31F0;
	v16 =	vperm.xlane v59, v4;
	v14 =	vsel vm0, v8, v14;
	v8 =	vsel vm0, v18, v15;
	v18 =	vld [tilespmem:s24+$0xFFFFFFF0]  }
0xcf: {  	v61 =	vmax.f32 v43, v61;
	v62 =	vmax.f32 v47, v63;
	v63 =	vmax.f32 v57, v23;
	v15 =	vld [tilespmem:s25+$0xFFFFFF90]  }
0xd0: {  	v28 =	vmax.f32 v30, v62;
	v29 =	vmax.f32 v48, v38;
	v31 =	vmax.f32 v59, v16;
	v16 =	vld [tilespmem:s25+$0xFFFFFFA0]  }
0xd1: {  	v22 =	vmax.f32 v25, v17;
	v17 =	vld [tilespmem:s25+$0xFFFFFFB0];
	v25 =	vmax.f32 v24, v27;
	v27 =	vmax.f32 v29, v61  }
0xd2: {  	v23 =	vmax.f32 v19, v22;
	v19 =	vld [tilespmem:s25+$0xFFFFFFD0];
	v25 =	vmax.f32 v20, v25;
	v21 =	vmax.f32 v56, v21  }
0xd3: {  	v20 =	vld [tilespmem:s25+$0xFFFFFFE0];
	v24 =	vperm.xlane v23, v1;
	v26 =	vmax.f32 v60, v26;
	v32 =	vmax.f32 v58, v18  }
0xd4: {  	v18 =	vld [tilespmem:s25+$0xFFFFFFC0];
	v29 =	vmax.f32 v63, v26;
	v26 =	vmax.f32 v27, v28;
	v22 =	vmax.f32 v21, v32  }
0xd5: {  	v28 =	vperm.xlane v25, v1;
	v21 =	vld [tilespmem:s25+$0xFFFFFFF0];
	v30 =	vperm.xlane v26, v1;
	v27 =	vmax.f32 v22, v29  }
0xd6: {  	s26 =	simm.s32 $0x8;
	s28 =	simm.s32 $0x9;
	v7 =	vsel vm0, v31, v7;
	v22 =	vld [tilespmem:s25+$0x0];
	v29 =	vperm.xlane v27, v1  }
.LBB2_4:
0xd7: {  	p1 =	sne.s32 s28, $0xF;
	v31 =	vld [tilespmem:s25+$0xFFFFFE10];
	v23 =	vmax.f32 v23, v24;
	v24 =	vmax.f32 v25, v28;
	v25 =	vmax.f32 v26, v30  }
0xd8: {  	v26 =	vld [tilespmem:s25+$0xFFFFFE20];
	v28 =	vperm.xlane v23, v2;
	v30 =	vperm.xlane v24, v2;
	v27 =	vmax.f32 v27, v29  }
0xd9: {  	v32 =	vperm.xlane v25, v2;
	v29 =	vld [tilespmem:s25+$0xFFFFFE30];
	v33 =	vperm.xlane v27, v2  }
0xda: {  	v15 =	vmax.f32 v15, v19;
	v34 =	vld [tilespmem:s25+$0xFFFFFE40];
	v23 =	vmax.f32 v23, v28;
	v24 =	vmax.f32 v24, v30  }
0xdb: {  	v16 =	vmax.f32 v16, v20;
	v17 =	vmax.f32 v17, v21;
	v19 =	vld [tilespmem:s25+$0xFFFFFE50];
	v18 =	vmax.f32 v18, v22  }
0xdc: {  	v21 =	vmax.f32 v25, v32;
	v15 =	vmax.f32 v15, v17;
	v20 =	vld [tilespmem:s25+$0xFFFFFE60];
	v16 =	vmax.f32 v16, v18  }
0xdd: {  	v22 =	vperm.xlane v24, v3;
	v18 =	vperm.xlane v23, v3;
	v17 =	vld [tilespmem:s25+$0xFFFFFE70];
	v15 =	vmax.f32 v15, v16  }
0xde: {  	v25 =	vperm.xlane v21, v3;
	v27 =	vmax.f32 v27, v33;
	v16 =	vld [tilespmem:s25+$0xFFFFFE80];
	v28 =	vperm.xlane v15, v1  }
0xdf: {  	v22 =	vmax.f32 v24, v22;
	v24 =	vperm.xlane v27, v3;
	v18 =	vmax.f32 v23, v18;
	v23 =	vld [tilespmem:s25+$0xFFFFFE90]  }
0xe0: {  	v21 =	vmax.f32 v21, v25;
	v19 =	vmax.f32 v31, v19;
	v30 =	vld [tilespmem:s25+$0xFFFFFEA0];
	v15 =	vmax.f32 v15, v28  }
0xe1: {  	v24 =	vmax.f32 v27, v24;
	v20 =	vmax.f32 v26, v20;
	v25 =	vld [tilespmem:s25+$0xFFFFFEB0];
	v26 =	vperm.xlane v15, v2  }
0xe2: {  	v27 =	vperm.xlane v18, v4;
	v17 =	vmax.f32 v29, v17;
	v28 =	vld [tilespmem:s25+$0xFFFFFEC0];
	v29 =	vperm.xlane v22, v4  }
0xe3: {  	v16 =	vmax.f32 v34, v16;
	v17 =	vmax.f32 v19, v17;
	v19 =	vld [tilespmem:s25+$0xFFFFFED0];
	v15 =	vmax.f32 v15, v26  }
0xe4: {  	v26 =	vperm.xlane v21, v4;
	v16 =	vmax.f32 v20, v16;
	v20 =	vld [tilespmem:s25+$0xFFFFFEE0];
	v31 =	vperm.xlane v15, v3  }
0xe5: {  	v16 =	vmax.f32 v17, v16;
	v17 =	vmax.f32 v18, v27;
	v18 =	vld [tilespmem:s25+$0xFFFFFEF0];
	v27 =	vperm.xlane v24, v4  }
0xe6: {  	v22 =	vmax.f32 v22, v29;
	v32 =	vperm.xlane v16, v1;
	v33 =	vld [tilespmem:s25+$0xFFFFFF00];
	v15 =	vmax.f32 v15, v31  }
0xe7: {  	v21 =	vmax.f32 v21, v26;
	v29 =	vld [tilespmem:s25+$0xFFFFFF10];
	v24 =	vmax.f32 v24, v27;
	v26 =	vperm.xlane v15, v4  }
0xe8: {  	v27 =	vmov s26;
	s26 =	smov.u32 s28;
	v16 =	vmax.f32 v16, v32;
	v19 =	vmax.f32 v23, v19;
	v23 =	vld [tilespmem:s25+$0xFFFFFF20]  }
0xe9: {  	vm0 =	veq.s32 v27, v0;
	v20 =	vmax.f32 v30, v20;
	v27 =	vld [tilespmem:s25+$0xFFFFFF30];
	v15 =	vmax.f32 v15, v26  }
0xea: {  	v26 =	vperm.xlane v16, v2;
	v18 =	vmax.f32 v25, v18;
	v25 =	vld [tilespmem:s25+$0xFFFFFF40];
	v9 =	vsel vm0, v15, v9  }
0xeb: {  	v10 =	vsel vm0, v17, v10;
	v15 =	vmax.f32 v28, v33;
	v17 =	vmax.f32 v19, v18;
	v18 =	vld [tilespmem:s25+$0xFFFFFF50]  }
0xec: {  	v13 =	vsel vm0, v22, v13;
	v16 =	vmax.f32 v16, v26;
	v15 =	vmax.f32 v20, v15;
	v19 =	vld [tilespmem:s25+$0xFFFFFF60]  }
0xed: {  	v11 =	vsel vm0, v21, v11;
	v20 =	vperm.xlane v16, v3;
	v15 =	vmax.f32 v17, v15;
	v17 =	vld [tilespmem:s25+$0xFFFFFF70]  }
0xee: {  	s24 =	sadd.s32 $0x200, s24;
	v12 =	vsel vm0, v24, v12;
	v21 =	vperm.xlane v15, v1;
	v22 =	vld [tilespmem:s25+$0xFFFFFF80]  }
0xef: {  	v16 =	vmax.f32 v16, v20;
	v24 =	vld [tilespmem:s24+$0xFFFFFE10]  }
0xf0: {  	v26 =	vperm.xlane v16, v4;
	v20 =	vld [tilespmem:s24+$0xFFFFFE20];
	v15 =	vmax.f32 v15, v21;
	v18 =	vmax.f32 v29, v18  }
0xf1: {  	v21 =	vld [tilespmem:s24+$0xFFFFFE30];
	v28 =	vperm.xlane v15, v2;
	v19 =	vmax.f32 v23, v19  }
0xf2: {  	v16 =	vmax.f32 v16, v26;
	v23 =	vld [tilespmem:s24+$0xFFFFFE40];
	v17 =	vmax.f32 v27, v17  }
0xf3: {  	v26 =	vld [tilespmem:s24+$0xFFFFFE50];
	v15 =	vmax.f32 v15, v28;
	v22 =	vmax.f32 v25, v22;
	v17 =	vmax.f32 v18, v17  }
0xf4: {  	v14 =	vsel vm0, v16, v14;
	v18 =	vld [tilespmem:s24+$0xFFFFFE60];
	v16 =	vperm.xlane v15, v3;
	v19 =	vmax.f32 v19, v22  }
0xf5: {  	v22 =	vld [tilespmem:s24+$0xFFFFFE70];
	v17 =	vmax.f32 v17, v19  }
0xf6: {  	v19 =	vld [tilespmem:s24+$0xFFFFFE80];
	v15 =	vmax.f32 v15, v16;
	v16 =	vperm.xlane v17, v1  }
0xf7: {  	v25 =	vld [tilespmem:s24+$0xFFFFFE90];
	v27 =	vperm.xlane v15, v4  }
0xf8: {  	v28 =	vld [tilespmem:s24+$0xFFFFFEA0];
	v16 =	vmax.f32 v17, v16  }
0xf9: {  	v17 =	vld [tilespmem:s24+$0xFFFFFEB0];
	v15 =	vmax.f32 v15, v27;
	v27 =	vperm.xlane v16, v2  }
0xfa: {  	v29 =	vld [tilespmem:s24+$0xFFFFFEC0];
	v8 =	vsel vm0, v15, v8  }
0xfb: {  	v15 =	vld [tilespmem:s24+$0xFFFFFED0];
	v16 =	vmax.f32 v16, v27  }
0xfc: {  	v27 =	vld [tilespmem:s24+$0xFFFFFEE0];
	v30 =	vperm.xlane v16, v3  }
0xfd: {  	v31 =	vld [tilespmem:s24+$0xFFFFFEF0]  }
0xfe: {  	v32 =	vld [tilespmem:s24+$0xFFFFFF00];
	v16 =	vmax.f32 v16, v30  }
0xff: {  	v30 =	vld [tilespmem:s24+$0xFFFFFF10];
	v33 =	vperm.xlane v16, v4  }
0x100: {  	v34 =	vld [tilespmem:s24+$0xFFFFFF20]  }
0x101: {  	v35 =	vld [tilespmem:s24+$0xFFFFFF30];
	v16 =	vmax.f32 v16, v33  }
0x102: {  	v33 =	vld [tilespmem:s24+$0xFFFFFF40];
	v7 =	vsel vm0, v16, v7  }
0x103: {  	v16 =	vld [tilespmem:s24+$0xFFFFFF50]  }
0x104: {  	v36 =	vld [tilespmem:s24+$0xFFFFFF60]  }
0x105: {  	v37 =	vld [tilespmem:s24+$0xFFFFFF70]  }
0x106: {  	v38 =	vld [tilespmem:s24+$0xFFFFFF80]  }
0x107: {  	v39 =	vld [tilespmem:s24+$0xFFFFFF90]  }
0x108: {  	v40 =	vld [tilespmem:s24+$0xFFFFFFA0]  }
0x109: {  	v41 =	vld [tilespmem:s24+$0xFFFFFFB0]  }
0x10a: {  	v42 =	vld [tilespmem:s24+$0xFFFFFFC0]  }
0x10b: {  	v43 =	vld [tilespmem:s24+$0xFFFFFFD0]  }
0x10c: {  	v44 =	vld [tilespmem:s24+$0xFFFFFFE0]  }
0x10d: {  	v45 =	vld [tilespmem:s24+$0xFFFFFFF0]  }
0x10e: {  	v24 =	vmax.f32 v24, v26;
	v26 =	vld [tilespmem:s24+$0x0]  }
0x10f: {  	v18 =	vmax.f32 v20, v18;
	v20 =	vmax.f32 v21, v22;
	v19 =	vmax.f32 v23, v19  }
0x110: {  	v21 =	vmax.f32 v25, v15;
	v22 =	vmax.f32 v28, v27;
	v17 =	vmax.f32 v17, v31  }
0x111: {  	s25 =	sadd.s32 $0x200, s25;
	v23 =	vmax.f32 v29, v32;
	v25 =	vmax.f32 v30, v16;
	v27 =	vmax.f32 v34, v36  }
0x112: {  	v28 =	vmax.f32 v35, v37;
	v29 =	vmax.f32 v33, v38;
	v30 =	vmax.f32 v39, v43;
	v15 =	vld [tilespmem:s25+$0xFFFFFF90]  }
0x113: {  	v31 =	vmax.f32 v40, v44;
	v32 =	vmax.f32 v41, v45;
	v16 =	vld [tilespmem:s25+$0xFFFFFFA0];
	v26 =	vmax.f32 v42, v26  }
0x114: {  	v20 =	vmax.f32 v24, v20;
	v19 =	vmax.f32 v18, v19;
	v21 =	vmax.f32 v21, v17;
	v17 =	vld [tilespmem:s25+$0xFFFFFFB0]  }
.Ltmp3:
0x115: {  	v22 =	vmax.f32 v22, v23;
	v28 =	vmax.f32 v25, v28;
	v27 =	vmax.f32 v27, v29;
	v18 =	vld [tilespmem:s25+$0xFFFFFFC0];
	(pc) =	sbr.rel @p1 .LBB2_4-.Ltmp3, $4  }
0x116: {  	v23 =	vmax.f32 v20, v19;
	v29 =	vmax.f32 v30, v32;
	v31 =	vmax.f32 v31, v26;
	v19 =	vld [tilespmem:s25+$0xFFFFFFD0]  }
0x117: {  	v24 =	vperm.xlane v23, v1;
	v25 =	vmax.f32 v21, v22;
	v26 =	vmax.f32 v28, v27;
	v20 =	vld [tilespmem:s25+$0xFFFFFFE0]  }
0x118: {  	v28 =	vperm.xlane v25, v1;
	v30 =	vperm.xlane v26, v1;
	v27 =	vmax.f32 v29, v31;
	v21 =	vld [tilespmem:s25+$0xFFFFFFF0]  }
0x119: {  	s28 =	sadd.s32 $0x1, s28;
	v29 =	vperm.xlane v27, v1;
	v22 =	vld [tilespmem:s25+$0x0]  }
0x11a: {  	v31 =	vld [tilespmem:s25+$0xFFFFFE10]  }
0x11b: {  	v32 =	vld [tilespmem:s25+$0xFFFFFE20]  }
0x11c: {  	v33 =	vld [tilespmem:s25+$0xFFFFFE30]  }
0x11d: {  	v34 =	vld [tilespmem:s25+$0xFFFFFE40]  }
0x11e: {  	v35 =	vld [tilespmem:s25+$0xFFFFFE50]  }
0x11f: {  	v36 =	vld [tilespmem:s25+$0xFFFFFE60]  }
0x120: {  	v37 =	vld [tilespmem:s25+$0xFFFFFE70]  }
0x121: {  	v38 =	vld [tilespmem:s25+$0xFFFFFE80]  }
0x122: {  	v60 =	vmax.f32 v26, v30;
	v26 =	vld [tilespmem:s25+$0xFFFFFE90]  }
0x123: {  	v23 =	vmax.f32 v23, v24;
	v59 =	vmax.f32 v25, v28;
	v43 =	vld [tilespmem:s25+$0xFFFFFED0]  }
0x124: {  	v45 =	vld [tilespmem:s25+$0xFFFFFEE0];
	v61 =	vperm.xlane v23, v2;
	v62 =	vperm.xlane v59, v2  }
0x125: {  	v49 =	vld [tilespmem:s25+$0xFFFFFEF0];
	v27 =	vmax.f32 v27, v29;
	v39 =	vperm.xlane v60, v2;
	v15 =	vmax.f32 v15, v19  }
0x126: {  	v50 =	vld [tilespmem:s25+$0xFFFFFF00];
	v16 =	vmax.f32 v16, v20;
	v63 =	vperm.xlane v27, v2;
	v17 =	vmax.f32 v17, v21  }
0x127: {  	v51 =	vld [tilespmem:s25+$0xFFFFFF10];
	v42 =	vmax.f32 v23, v61;
	v44 =	vmax.f32 v59, v62;
	v46 =	vmax.f32 v60, v39  }
0x128: {  	v29 =	vld [tilespmem:s25+$0xFFFFFEA0];
	v18 =	vmax.f32 v18, v22;
	v15 =	vmax.f32 v15, v17;
	v23 =	vperm.xlane v42, v3  }
0x129: {  	v19 =	vld [tilespmem:s25+$0xFFFFFEB0];
	v47 =	vperm.xlane v44, v3;
	v39 =	vperm.xlane v46, v3;
	v20 =	vmax.f32 v27, v63  }
0x12a: {  	v55 =	vld [tilespmem:s25+$0xFFFFFF20];
	v16 =	vmax.f32 v16, v18;
	v52 =	vperm.xlane v20, v3;
	v53 =	vmax.f32 v31, v35  }
0x12b: {  	v57 =	vld [tilespmem:s25+$0xFFFFFF30];
	v32 =	vmax.f32 v32, v36;
	v33 =	vmax.f32 v33, v37;
	v34 =	vmax.f32 v34, v38  }
0x12c: {  	v21 =	vld [tilespmem:s25+$0xFFFFFEC0];
	v17 =	vmax.f32 v26, v43;
	v15 =	vmax.f32 v15, v16;
	v22 =	vmax.f32 v42, v23  }
0x12d: {  	v59 =	vld [tilespmem:s25+$0xFFFFFF40];
	v18 =	vmax.f32 v44, v47;
	v28 =	vmax.f32 v53, v33;
	v32 =	vmax.f32 v32, v34  }
0x12e: {  	v61 =	vld [tilespmem:s25+$0xFFFFFF50];
	v24 =	vmax.f32 v46, v39;
	v16 =	vmax.f32 v29, v45;
	v19 =	vmax.f32 v19, v49  }
0x12f: {  	v63 =	vld [tilespmem:s25+$0xFFFFFF60];
	v49 =	vmov s26;
	v48 =	vperm.xlane v15, v1;
	v56 =	vperm.xlane v22, v4  }
0x130: {  	v36 =	vld [tilespmem:s25+$0xFFFFFF70];
	v58 =	vperm.xlane v18, v4;
	v20 =	vmax.f32 v20, v52;
	v62 =	vmax.f32 v28, v32  }
0x131: {  	v38 =	vld [tilespmem:s25+$0xFFFFFF80];
	v39 =	vperm.xlane v24, v4;
	v17 =	vmax.f32 v17, v19;
	vm0 =	veq.s32 v49, v0  }
0x132: {  	v21 =	vmax.f32 v21, v50;
	v40 =	vperm.xlane v20, v4;
	v41 =	vperm.xlane v62, v1  }
0x133: {  	v23 =	vmax.f32 v51, v61;
	v15 =	vmax.f32 v15, v48;
	v22 =	vmax.f32 v22, v56  }
0x134: {  	v18 =	vmax.f32 v18, v58;
	v16 =	vmax.f32 v16, v21;
	v42 =	vmax.f32 v24, v39  }
0x135: {  	v46 =	vmax.f32 v55, v63;
	v54 =	vperm.xlane v15, v2;
	v16 =	vmax.f32 v17, v16  }
0x136: {  	v44 =	vmax.f32 v62, v41;
	v47 =	vmax.f32 v57, v36;
	v26 =	vmax.f32 v59, v38  }
0x137: {  	v45 =	vperm.xlane v16, v1;
	v23 =	vmax.f32 v23, v47;
	v25 =	vmax.f32 v46, v26  }
0x138: {  	v48 =	vperm.xlane v44, v2;
	v15 =	vmax.f32 v15, v54;
	v50 =	vmax.f32 v23, v25  }
0x139: {  	v60 =	vperm.xlane v15, v3;
	v16 =	vmax.f32 v16, v45;
	v25 =	vperm.xlane v50, v1  }
0x13a: {  	v20 =	vmax.f32 v20, v40;
	v17 =	vmax.f32 v44, v48;
	v51 =	vperm.xlane v16, v2  }
0x13b: {  	v52 =	vperm.xlane v17, v3;
	v15 =	vmax.f32 v15, v60;
	v19 =	vmax.f32 v50, v25  }
0x13c: {  	v43 =	vperm.xlane v15, v4;
	v16 =	vmax.f32 v16, v51;
	v53 =	vperm.xlane v19, v2  }
0x13d: {  	v13 =	vsel vm0, v18, v13;
	v17 =	vmax.f32 v17, v52;
	v23 =	vperm.xlane v16, v3  }
0x13e: {  	v54 =	vperm.xlane v17, v4;
	v15 =	vmax.f32 v15, v43;
	v19 =	vmax.f32 v19, v53  }
0x13f: {  	v9 =	vsel vm0, v15, v9;
	v15 =	vsel vm0, v22, v10;
	v55 =	vmax.f32 v16, v23  }
0x140: {  	v10 =	vmax.f32 v17, v54;
	v57 =	vperm.xlane v19, v3;
	v16 =	vsel vm0, v42, v11  }
0x141: {  	v11 =	vsel vm0, v20, v12;
	v56 =	vperm.xlane v55, v4;
	v10 =	vsel vm0, v10, v14  }
0x142: {  	v60 =	vmax.f32 v15, v13;
	v61 =	vmin.f32 v15, v13;
	v62 =	vmax.f32 v16, v11  }
0x143: {  	v20 =	vmin.f32 v16, v11;
	v59 =	vmax.f32 v19, v57;
	v33 =	vmin.f32 v60, v62  }
0x144: {  	v34 =	vmax.f32 v61, v20;
	v17 =	vmax.f32 v60, v62;
	v18 =	vmin.f32 v61, v20  }
0x145: {  	v58 =	vmax.f32 v55, v56;
	v63 =	vperm.xlane v59, v4;
	v35 =	vmin.f32 v34, v33  }
0x146: {  	v36 =	vmax.f32 v34, v33;
	v38 =	vperm.xlane v18, v1;
	v39 =	vperm.xlane v17, v1  }
0x147: {  	v37 =	vperm.xlane v35, v1;
	v8 =	vsel vm0, v58, v8;
	v40 =	vperm.xlane v36, v1  }
0x148: {  	v41 =	vmax.f32 v17, v38;
	v17 =	vmin.f32 v17, v38;
	v44 =	vmax.f32 v18, v39  }
0x149: {  	v12 =	vmin.f32 v18, v39;
	v14 =	vmax.f32 v59, v63;
	v42 =	vmax.f32 v36, v37  }
0x14a: {  	v20 =	vmin.f32 v36, v37;
	v43 =	vmax.f32 v35, v40;
	v19 =	vmin.f32 v35, v40  }
0x14b: {  	v45 =	vmax.f32 v41, v43;
	v22 =	vmin.f32 v41, v43;
	v46 =	vmax.f32 v42, v44  }
0x14c: {  	v23 =	vmin.f32 v42, v44;
	v47 =	vmax.f32 v17, v19;
	v17 =	vmin.f32 v17, v19  }
0x14d: {  	v48 =	vmax.f32 v20, v12;
	v12 =	vmin.f32 v20, v12;
	v49 =	vmax.f32 v45, v46  }
0x14e: {  	v18 =	vmin.f32 v45, v46;
	v50 =	vmax.f32 v22, v23;
	v22 =	vmin.f32 v22, v23  }
0x14f: {  	v51 =	vmin.f32 v47, v48;
	v52 =	vmax.f32 v17, v12;
	v53 =	vperm.xlane v49, v2  }
0x150: {  	v12 =	vmin.f32 v17, v12;
	v54 =	vperm.xlane v18, v2;
	v56 =	vperm.xlane v51, v2  }
0x151: {  	v19 =	vmax.f32 v47, v48;
	v57 =	vperm.xlane v52, v2;
	v58 =	vperm.xlane v12, v2  }
0x152: {  	v7 =	vsel vm0, v14, v7;
	v59 =	vperm.xlane v22, v2;
	v60 =	vperm.xlane v19, v2  }
0x153: {  	v55 =	vperm.xlane v50, v2;
	v20 =	vmax.f32 v49, v58;
	v18 =	vmax.f32 v18, v57  }
0x154: {  	v61 =	vmax.f32 v50, v56;
	v22 =	vmax.f32 v22, v60;
	v19 =	vmax.f32 v19, v59  }
0x155: {  	v17 =	vmax.f32 v51, v55;
	v62 =	vmax.f32 v52, v54;
	v12 =	vmax.f32 v12, v53  }
0x156: {  	v63 =	vmax.f32 v20, v19;
	v19 =	vmin.f32 v20, v19;
	v28 =	vmax.f32 v18, v17  }
0x157: {  	v17 =	vmin.f32 v18, v17;
	v29 =	vmax.f32 v61, v62;
	v21 =	vmin.f32 v61, v62  }
0x158: {  	v30 =	vmax.f32 v22, v12;
	v12 =	vmin.f32 v22, v12;
	v31 =	vmax.f32 v63, v29  }
0x159: {  	v18 =	vmin.f32 v63, v29;
	v32 =	vmax.f32 v28, v30;
	v20 =	vmin.f32 v28, v30  }
0x15a: {  	v33 =	vmax.f32 v19, v21;
	v19 =	vmin.f32 v19, v21;
	v34 =	vmax.f32 v17, v12  }
0x15b: {  	v12 =	vmin.f32 v17, v12;
	v35 =	vmax.f32 v31, v32;
	v22 =	vmin.f32 v31, v32  }
0x15c: {  	v36 =	vmin.f32 v18, v20;
	v37 =	vmax.f32 v33, v34;
	v38 =	vmax.f32 v19, v12  }
0x15d: {  	v12 =	vmin.f32 v19, v12;
	v39 =	vperm.xlane v35, v3;
	v40 =	vperm.xlane v22, v3  }
0x15e: {  	v21 =	vmin.f32 v33, v34;
	v42 =	vperm.xlane v38, v3;
	v43 =	vperm.xlane v12, v3  }
0x15f: {  	v18 =	vmax.f32 v18, v20;
	v44 =	vperm.xlane v37, v3;
	v45 =	vperm.xlane v21, v3  }
0x160: {  	v41 =	vperm.xlane v36, v3;
	v46 =	vperm.xlane v18, v3;
	v17 =	vmax.f32 v35, v43  }
0x161: {  	v22 =	vmax.f32 v22, v42;
	v18 =	vmax.f32 v18, v45;
	v20 =	vmax.f32 v36, v44  }
0x162: {  	v47 =	vmax.f32 v37, v41;
	v21 =	vmax.f32 v21, v46;
	v19 =	vmax.f32 v38, v40  }
0x163: {  	v12 =	vmax.f32 v12, v39;
	v39 =	vmax.f32 v10, v8;
	v40 =	vmin.f32 v10, v8  }
0x164: {  	v41 =	vmax.f32 v7, v9;
	v42 =	vmin.f32 v7, v9;
	v48 =	vmax.f32 v17, v47  }
0x165: {  	v17 =	vmin.f32 v17, v47;
	v49 =	vmax.f32 v22, v21;
	v21 =	vmin.f32 v22, v21  }
0x166: {  	v50 =	vmax.f32 v18, v19;
	v18 =	vmin.f32 v18, v19;
	v51 =	vmax.f32 v20, v12  }
0x167: {  	v12 =	vmin.f32 v20, v12;
	v43 =	vmin.f32 v39, v41;
	v44 =	vmax.f32 v40, v42  }
0x168: {  	v52 =	vmax.f32 v48, v50;
	v22 =	vmin.f32 v48, v50;
	v53 =	vmax.f32 v49, v51  }
0x169: {  	v19 =	vmin.f32 v49, v51;
	v54 =	vmax.f32 v17, v18;
	v17 =	vmin.f32 v17, v18  }
0x16a: {  	v55 =	vmax.f32 v21, v12;
	v12 =	vmin.f32 v21, v12;
	v45 =	vmin.f32 v44, v43  }
0x16b: {  	v56 =	vmax.f32 v52, v53;
	v20 =	vmin.f32 v52, v53;
	v57 =	vmax.f32 v22, v19  }
0x16c: {  	v58 =	vmin.f32 v54, v55;
	v59 =	vmax.f32 v17, v12;
	v46 =	vperm.xlane v45, v1  }
0x16d: {  	v12 =	vmin.f32 v17, v12;
	v60 =	vperm.xlane v56, v4;
	v61 =	vperm.xlane v20, v4  }
0x16e: {  	v18 =	vmax.f32 v54, v55;
	v63 =	vperm.xlane v58, v4;
	v34 =	vperm.xlane v12, v4  }
0x16f: {  	v19 =	vmin.f32 v22, v19;
	v33 =	vperm.xlane v59, v4;
	v36 =	vperm.xlane v18, v4  }
0x170: {  	v62 =	vperm.xlane v57, v4;
	v35 =	vperm.xlane v19, v4;
	v21 =	vmax.f32 v56, v34  }
0x171: {  	v20 =	vmax.f32 v20, v33;
	v37 =	vmax.f32 v57, v63;
	v19 =	vmax.f32 v19, v36  }
0x172: {  	v14 =	vmax.f32 v18, v35;
	v17 =	vmax.f32 v58, v62;
	v38 =	vmax.f32 v59, v61  }
0x173: {  	v12 =	vmax.f32 v12, v60;
	v14 =	vmin.f32 v21, v14;
	v17 =	vmin.f32 v20, v17  }
0x174: {  	v18 =	vmin.f32 v37, v38;
	v12 =	vmin.f32 v19, v12;
	v21 =	vmin.f32 v40, v42  }
0x175: {  	v20 =	vmax.f32 v39, v41;
	v19 =	vmax.f32 v44, v43;
	v47 =	vperm.xlane v21, v1  }
0x176: {  	v14 =	vmin.f32 v14, v18;
	v48 =	vperm.xlane v20, v1;
	v49 =	vperm.xlane v19, v1  }
0x177: {  	v51 =	vmax.f32 v19, v46;
	v19 =	vmin.f32 v19, v46;
	v12 =	vmin.f32 v17, v12  }
0x178: {  	v12 =	vmin.f32 v14, v12;
	v50 =	vmax.f32 v20, v47;
	v20 =	vmin.f32 v20, v47  }
0x179: {  	v52 =	vmax.f32 v45, v49;
	v22 =	vmin.f32 v45, v49;
	v53 =	vmax.f32 v21, v48  }
0x17a: {  	v18 =	vmin.f32 v21, v48;
	vm0 =	vge.f32 v15, v12;
	vm1 =	vge.f32 v13, v12  }
0x17b: {  	vm2 =	vge.f32 v16, v12;
	vm3 =	vge.f32 v11, v12;
	v54 =	vmax.f32 v50, v52  }
0x17c: {  	v23 =	vmin.f32 v50, v52;
	v55 =	vmax.f32 v51, v53;
	v24 =	vmin.f32 v51, v53  }
0x17d: {  	v56 =	vmax.f32 v20, v22;
	v20 =	vmin.f32 v20, v22;
	v57 =	vmax.f32 v19, v18  }
0x17e: {  	v18 =	vmin.f32 v19, v18;
	v58 =	vmax.f32 v54, v55;
	v21 =	vmin.f32 v54, v55  }
0x17f: {  	v59 =	vmax.f32 v23, v24;
	v23 =	vmin.f32 v23, v24;
	v60 =	vmin.f32 v56, v57  }
0x180: {  	v61 =	vmax.f32 v20, v18;
	v62 =	vperm.xlane v58, v2;
	v63 =	vperm.xlane v21, v2  }
0x181: {  	v18 =	vmin.f32 v20, v18;
	v36 =	vperm.xlane v59, v2;
	v37 =	vperm.xlane v60, v2  }
0x182: {  	v22 =	vmax.f32 v56, v57;
	v38 =	vperm.xlane v61, v2;
	v39 =	vperm.xlane v18, v2  }
0x183: {  	v11 =	vsel vm3, $0x1, v5;
	v40 =	vperm.xlane v23, v2;
	v41 =	vperm.xlane v22, v2  }
0x184: {  	v19 =	vmax.f32 v58, v39;
	v21 =	vmax.f32 v21, v38;
	v42 =	vmax.f32 v59, v37  }
0x185: {  	v23 =	vmax.f32 v23, v41;
	v17 =	vmax.f32 v22, v40;
	v20 =	vmax.f32 v60, v36  }
0x186: {  	v43 =	vmax.f32 v61, v63;
	v18 =	vmax.f32 v18, v62;
	v44 =	vmax.f32 v19, v17  }
0x187: {  	v17 =	vmin.f32 v19, v17;
	v45 =	vmax.f32 v21, v20;
	v20 =	vmin.f32 v21, v20  }
0x188: {  	v46 =	vmax.f32 v42, v43;
	v22 =	vmin.f32 v42, v43;
	v47 =	vmax.f32 v23, v18  }
0x189: {  	v18 =	vmin.f32 v23, v18;
	v48 =	vmax.f32 v44, v46;
	v21 =	vmin.f32 v44, v46  }
0x18a: {  	v49 =	vmax.f32 v45, v47;
	v19 =	vmin.f32 v45, v47;
	v50 =	vmax.f32 v17, v22  }
0x18b: {  	v17 =	vmin.f32 v17, v22;
	v51 =	vmax.f32 v20, v18;
	v18 =	vmin.f32 v20, v18  }
0x18c: {  	v52 =	vmax.f32 v48, v49;
	v23 =	vmin.f32 v48, v49;
	v53 =	vmin.f32 v21, v19  }
0x18d: {  	v54 =	vmax.f32 v50, v51;
	v55 =	vmax.f32 v17, v18;
	v56 =	vperm.xlane v52, v3  }
0x18e: {  	v17 =	vmin.f32 v17, v18;
	v57 =	vperm.xlane v23, v3;
	v58 =	vperm.xlane v53, v3  }
0x18f: {  	v22 =	vmin.f32 v50, v51;
	v59 =	vperm.xlane v55, v3;
	v60 =	vperm.xlane v17, v3  }
0x190: {  	v19 =	vmax.f32 v21, v19;
	v61 =	vperm.xlane v54, v3;
	v62 =	vperm.xlane v22, v3  }
0x191: {  	v63 =	vperm.xlane v19, v3;
	v20 =	vmax.f32 v52, v60;
	v23 =	vmax.f32 v23, v59  }
0x192: {  	v19 =	vmax.f32 v19, v62;
	v21 =	vmax.f32 v53, v61;
	v34 =	vmax.f32 v54, v58  }
0x193: {  	v22 =	vmax.f32 v22, v63;
	v18 =	vmax.f32 v55, v57;
	v17 =	vmax.f32 v17, v56  }
0x194: {  	v35 =	vmax.f32 v20, v34;
	v20 =	vmin.f32 v20, v34;
	v36 =	vmax.f32 v23, v22  }
0x195: {  	v22 =	vmin.f32 v23, v22;
	v37 =	vmax.f32 v19, v18;
	v18 =	vmin.f32 v19, v18  }
0x196: {  	v38 =	vmax.f32 v21, v17;
	v17 =	vmin.f32 v21, v17;
	v39 =	vmax.f32 v35, v37  }
0x197: {  	v23 =	vmin.f32 v35, v37;
	v40 =	vmax.f32 v36, v38;
	v19 =	vmin.f32 v36, v38  }
0x198: {  	v41 =	vmax.f32 v20, v18;
	v18 =	vmin.f32 v20, v18;
	v42 =	vmax.f32 v22, v17  }
0x199: {  	v17 =	vmin.f32 v22, v17;
	v43 =	vmax.f32 v39, v40;
	v21 =	vmin.f32 v39, v40  }
0x19a: {  	v44 =	vmax.f32 v23, v19;
	v19 =	vmin.f32 v23, v19;
	v45 =	vmin.f32 v41, v42  }
0x19b: {  	v46 =	vmax.f32 v18, v17;
	v47 =	vperm.xlane v43, v4;
	v48 =	vperm.xlane v21, v4  }
0x19c: {  	v17 =	vmin.f32 v18, v17;
	v49 =	vperm.xlane v44, v4;
	v50 =	vperm.xlane v45, v4  }
0x19d: {  	v20 =	vmax.f32 v41, v42;
	v51 =	vperm.xlane v46, v4;
	v52 =	vperm.xlane v17, v4  }
0x19e: {  	v57 =	vsel vm0, $0x1, v5;
	v53 =	vperm.xlane v19, v4;
	v54 =	vperm.xlane v20, v4  }
0x19f: {  	v22 =	vmax.f32 v43, v52;
	v21 =	vmax.f32 v21, v51;
	v55 =	vmax.f32 v44, v50  }
0x1a0: {  	v19 =	vmax.f32 v19, v54;
	v14 =	vmax.f32 v20, v53;
	v18 =	vmax.f32 v45, v49  }
0x1a1: {  	v56 =	vmax.f32 v46, v48;
	v17 =	vmax.f32 v17, v47;
	v14 =	vmin.f32 v22, v14  }
0x1a2: {  	v18 =	vmin.f32 v21, v18;
	v20 =	vmin.f32 v55, v56;
	v17 =	vmin.f32 v19, v17  }
0x1a3: {  	v58 =	vsel vm1, $0x1, v5;
	v14 =	vmin.f32 v14, v20;
	v59 =	vmin.f32 v18, v17  }
0x1a4: {  	v60 =	vsel vm2, $0x1, v5;
	v13 =	vadd.s32 v58, v57;
	v14 =	vmin.f32 v14, v59  }
0x1a5: {  	v13 =	vadd.s32 v60, v13;
	vm4 =	vge.f32 v10, v14;
	vm5 =	vge.f32 v8, v14  }
0x1a6: {  	vm6 =	vge.f32 v7, v14;
	v8 =	vsel vm4, $0x1, v5;
	v61 =	vsel vm5, $0x1, v5  }
0x1a7: {  	vm7 =	vge.f32 v9, v14;
	v7 =	vadd.s32 v61, v8;
	v8 =	vsel vm6, $0x1, v5  }
0x1a8: {  	v62 =	vadd.s32 v11, v13;
	v7 =	vadd.s32 v8, v7;
	v8 =	vsel vm7, $0x1, v5  }
0x1a9: {  	v63 =	vperm.xlane v62, v1;
	v7 =	vadd.s32 v8, v7  }
0x1aa: {  	v8 =	vperm.xlane v7, v1  }
0x1ab: {  	v9 =	vadd.s32 v62, v63  }
0x1ac: {  	v10 =	vperm.xlane v9, v2;
	v7 =	vadd.s32 v8, v7  }
0x1ad: {  	v8 =	vperm.xlane v7, v2  }
0x1ae: {  	v9 =	vadd.s32 v10, v9  }
0x1af: {  	v10 =	vperm.xlane v9, v3;
	v7 =	vadd.s32 v8, v7  }
0x1b0: {  	v8 =	vperm.xlane v7, v3  }
0x1b1: {  	v9 =	vadd.s32 v10, v9  }
0x1b2: {  	v10 =	vperm.xlane v9, v4;
	v7 =	vadd.s32 v8, v7  }
0x1b3: {  	v8 =	vperm.xlane v7, v4  }
0x1b4: {  	v9 =	vadd.s32 v10, v9  }
0x1b5: {  	(v2sf) =	vpush v9, $0x0;
	v7 =	vadd.s32 v8, v7  }
0x1b6: {  	(v2sf) =	vpush v7, $0x0;
	_ =	sdelay $0xd  }
0x1b7: {  	s25 =	spop (v2sf)  }
0x1b8: {  	s24 =	spop (v2sf)  }
0x1b9: {  	p1 =	sgt.s32 s25, s24  }
0x1ba: {  	s24 =	smov.u32 @p1 s25  }
0x1bb: {  	p1 =	slt.s32 s24, $0x1  }
.Ltmp4:
0x1bc: {  	_ = 	snop;
	(pc) =	sbr.rel @p1 .LBB2_6-.Ltmp4, $1  }
0x1bd: {  	_ =	sdelay $0x3  }
0x1be: {  	v7 =	vmul.u32 $0x4, v0  }
0x1bf: {  	v11 =	vimm.f32 $-Inf;
	v12 =	vimm.f32 $-Inf;
	v13 =	vimm.f32 $-Inf  }
0x1c0: {  	v14 =	vimm.f32 $-Inf;
	v30 =	vimm.f32 $-Inf;
	v29 =	vimm.f32 $-Inf  }
0x1c1: {  	v27 =	vimm.f32 $-Inf;
	v25 =	vimm.f32 $-Inf;
	v23 =	vimm.f32 $-Inf  }
0x1c2: {  	v24 =	vimm.f32 $-Inf;
	v26 =	vimm.f32 $-Inf;
	v28 =	vimm.f32 $-Inf  }
0x1c3: {  	v8 =	vor.u32 $0x3, v7;
	v9 =	vor.u32 $0x2, v7;
	v10 =	vor.u32 $0x1, v7  }
0x1c4: {  	v18 =	vnsel vm4, $0x80, v7;
	v22 =	vnsel vm0, $0x80, v7;
	v7 =	vimm.f32 $-Inf  }
0x1c5: {  	v15 =	vnsel vm7, $0x80, v8;
	v16 =	vnsel vm6, $0x80, v9;
	v17 =	vnsel vm5, $0x80, v10  }
0x1c6: {  	v19 =	vnsel vm3, $0x80, v8;
	v20 =	vnsel vm2, $0x80, v9;
	v21 =	vnsel vm1, $0x80, v10  }
0x1c7: {  	v8 =	vimm.f32 $-Inf;
	v10 =	vimm.f32 $-Inf;
	v9 =	vimm.f32 $-Inf  }
.LBB2_8:
0x1c8: {  	vm0 =	vlt.s32 v22, v21;
	vm1 =	vlt.s32 v20, v19  }
0x1c9: {  	v31 =	vsel vm0, v22, v21;
	v32 =	vsel vm1, v20, v19  }
0x1ca: {  	vm0 =	vlt.s32 v31, v32  }
0x1cb: {  	v31 =	vsel vm0, v31, v32  }
0x1cc: {  	v32 =	vperm.xlane v31, v1;
	_ =	sdelay $0x1  }
0x1cd: {  	vm0 =	vlt.s32 v31, v32  }
0x1ce: {  	v31 =	vsel vm0, v31, v32  }
0x1cf: {  	v32 =	vperm.xlane v31, v2;
	_ =	sdelay $0x1  }
0x1d0: {  	vm0 =	vlt.s32 v31, v32  }
0x1d1: {  	v31 =	vsel vm0, v31, v32  }
0x1d2: {  	v32 =	vperm.xlane v31, v3;
	_ =	sdelay $0x1  }
0x1d3: {  	vm0 =	vlt.s32 v31, v32  }
0x1d4: {  	v31 =	vsel vm0, v31, v32  }
0x1d5: {  	v32 =	vperm.xlane v31, v4;
	_ =	sdelay $0x1  }
0x1d6: {  	vm0 =	vlt.s32 v31, v32  }
0x1d7: {  	v31 =	vsel vm0, v31, v32  }
0x1d8: {  	(v2sf) =	vpush v31, $0x0;
	_ =	sdelay $0x7  }
0x1d9: {  	vm15 =	vlt.s32 v18, v17;
	vm4 =	vlt.s32 v16, v15  }
0x1da: {  	v62 =	vsel vm15, v18, v17;
	v33 =	vsel vm4, v16, v15  }
0x1db: {  	vm0 =	vlt.s32 v62, v33  }
0x1dc: {  	v32 =	vsel vm0, v62, v33  }
0x1dd: {  	v33 =	vperm.xlane v32, v1;
	_ =	sdelay $0x1  }
0x1de: {  	vm0 =	vlt.s32 v32, v33  }
0x1df: {  	v32 =	vsel vm0, v32, v33;
	s25 =	spop (v2sf)  }
0x1e0: {  	v33 =	vperm.xlane v32, v2;
	p1 =	slt.s32 s25, $0x3F  }
0x1e1: {  	s25 =	simm.s32 @!p1 $0x3F  }
0x1e2: {  	vm0 =	vlt.s32 v32, v33;
	s25 =	sshll.u32 s25, $0x9  }
0x1e3: {  	v32 =	vsel vm0, v32, v33;
	s25 =	sshra.s32 s25, $0x2  }
0x1e4: {  	v35 =	vperm.xlane v32, v3;
	v34 =	vld [tilespmem:s25+$0x0]  }
0x1e5: {  	v63 =	vld [tilespmem:s25+$0x10]  }
0x1e6: {  	vm0 =	vlt.s32 v32, v35;
	v36 =	vld [tilespmem:s25+$0x20]  }
0x1e7: {  	v32 =	vsel vm0, v32, v35;
	v37 =	vld [tilespmem:s25+$0x30]  }
0x1e8: {  	v39 =	vperm.xlane v32, v4;
	v38 =	vld [tilespmem:s25+$0x40]  }
0x1e9: {  	vm5 =	veq.s32 v22, v31;
	vm12 =	veq.s32 v21, v31;
	vm13 =	veq.s32 v20, v31;
	v44 =	vld [tilespmem:s25+$0x50]  }
0x1ea: {  	vm15 =	veq.s32 v19, v31;
	vm4 =	vlt.s32 v31, $0x80;
	vm14 =	vlt.s32 v32, v39;
	v40 =	vld [tilespmem:s25+$0x60]  }
0x1eb: {  	v22 =	vsel vm5, $0x80, v22;
	v21 =	vsel vm12, $0x80, v21;
	v32 =	vsel vm14, v32, v39;
	v41 =	vld [tilespmem:s25+$0x70]  }
0x1ec: {  	v20 =	vsel vm13, $0x80, v20;
	v19 =	vsel vm15, $0x80, v19;
	(v2sf) =	vpush v32, $0x0  }
0x1ed: {  	vm5 =	veq.s32 v18, v32;
	vm12 =	veq.s32 v17, v32;
	v31 =	vnsel vm4, $0xFF800000, v34  }
0x1ee: {  	v33 =	vnsel vm4, $0xFF800000, v63;
	v45 =	vnsel vm4, $0xFF800000, v36;
	v46 =	vnsel vm4, $0xFF800000, v37  }
0x1ef: {  	v47 =	vnsel vm4, $0xFF800000, v38;
	v35 =	vnsel vm4, $0xFF800000, v44;
	v48 =	vnsel vm4, $0xFF800000, v40  }
0x1f0: {  	v49 =	vnsel vm4, $0xFF800000, v41;
	v50 =	vmax.f32 v31, v33;
	v31 =	vmin.f32 v31, v33  }
0x1f1: {  	v51 =	vmax.f32 v45, v46;
	v34 =	vmin.f32 v45, v46;
	v52 =	vmax.f32 v47, v35  }
0x1f2: {  	v35 =	vmin.f32 v47, v35;
	v53 =	vmax.f32 v48, v49;
	v38 =	vmin.f32 v48, v49  }
0x1f3: {  	v54 =	vmax.f32 v50, v51;
	v33 =	vmin.f32 v50, v51;
	v55 =	vmax.f32 v31, v34  }
0x1f4: {  	v31 =	vmin.f32 v31, v34;
	v56 =	vmax.f32 v52, v53;
	v36 =	vmin.f32 v52, v53  }
0x1f5: {  	v57 =	vmax.f32 v35, v38;
	v35 =	vmin.f32 v35, v38;
	v58 =	vmax.f32 v55, v33  }
0x1f6: {  	v33 =	vmin.f32 v55, v33;
	v59 =	vmax.f32 v57, v36;
	v36 =	vmin.f32 v57, v36  }
0x1f7: {  	v60 =	vmax.f32 v54, v56;
	v34 =	vmin.f32 v54, v56;
	v63 =	vmax.f32 v31, v35  }
0x1f8: {  	v31 =	vmin.f32 v31, v35;
	v61 =	vmax.f32 v58, v59;
	v38 =	vmin.f32 v58, v59  }
0x1f9: {  	v62 =	vmax.f32 v33, v36;
	v33 =	vmin.f32 v33, v36;
	v28 =	vmax.f32 v28, v31  }
0x1fa: {  	v30 =	vmax.f32 v30, v60;
	v44 =	vmax.f32 v62, v34;
	v34 =	vmin.f32 v62, v34  }
0x1fb: {  	v45 =	vmax.f32 v63, v38;
	v36 =	vmin.f32 v63, v38;
	v46 =	vmax.f32 v61, v44;
	s25 =	spop (v2sf)  }
0x1fc: {  	v35 =	vmin.f32 v61, v44;
	v47 =	vmax.f32 v45, v34;
	v48 =	vmin.f32 v36, v33;
	p1 =	slt.s32 s25, $0x3F  }
0x1fd: {  	v34 =	vmin.f32 v45, v34;
	v33 =	vmax.f32 v36, v33;
	v26 =	vmax.f32 v26, v48;
	s25 =	simm.s32 @!p1 $0x3F  }
0x1fe: {  	v24 =	vmax.f32 v24, v33;
	v23 =	vmax.f32 v23, v34;
	v25 =	vmax.f32 v25, v47;
	s25 =	sshll.u32 s25, $0x9  }
0x1ff: {  	v27 =	vmax.f32 v27, v35;
	v29 =	vmax.f32 v29, v46;
	v31 =	vmax.f32 v28, v25;
	s25 =	sshra.s32 s25, $0x2  }
0x200: {  	v25 =	vmin.f32 v28, v25;
	v28 =	vmax.f32 v26, v27;
	v26 =	vmin.f32 v26, v27;
	v49 =	vld [tilespmem:s25+$0x2000]  }
0x201: {  	v27 =	vmax.f32 v24, v29;
	v24 =	vmin.f32 v24, v29;
	v29 =	vmax.f32 v23, v30;
	v50 =	vld [tilespmem:s25+$0x2010]  }
0x202: {  	v23 =	vmin.f32 v23, v30;
	v30 =	vmax.f32 v31, v27;
	v27 =	vmin.f32 v31, v27;
	v51 =	vld [tilespmem:s25+$0x2020]  }
0x203: {  	v31 =	vmax.f32 v28, v29;
	v29 =	vmin.f32 v28, v29;
	v54 =	vmax.f32 v26, v23;
	v55 =	vld [tilespmem:s25+$0x2030]  }
0x204: {  	v56 =	vmin.f32 v26, v23;
	v28 =	vmax.f32 v30, v31;
	v26 =	vmin.f32 v30, v31;
	v31 =	vld [tilespmem:s25+$0x2040]  }
0x205: {  	vm13 =	veq.s32 v16, v32;
	vm14 =	veq.s32 v15, v32;
	vm15 =	vlt.s32 v32, $0x80;
	v57 =	vld [tilespmem:s25+$0x2050]  }
0x206: {  	v18 =	vsel vm5, $0x80, v18;
	v17 =	vsel vm12, $0x80, v17;
	v16 =	vsel vm13, $0x80, v16;
	v42 =	vld [tilespmem:s25+$0x2060]  }
0x207: {  	v15 =	vsel vm14, $0x80, v15;
	v52 =	vmax.f32 v25, v24;
	v53 =	vmin.f32 v25, v24;
	v58 =	vld [tilespmem:s25+$0x2070]  }
0x208: {  	v24 =	vmax.f32 v27, v29;
	v23 =	vmin.f32 v27, v29;
	v25 =	vmax.f32 v52, v54  }
0x209: {  	v27 =	vmin.f32 v52, v54;
	v29 =	vmax.f32 v53, v56;
	v30 =	vmin.f32 v53, v56  }
0x20a: {  	v32 =	vnsel vm15, $0xFF800000, v49;
	v59 =	vnsel vm15, $0xFF800000, v50;
	v60 =	vnsel vm15, $0xFF800000, v51  }
0x20b: {  	v61 =	vnsel vm15, $0xFF800000, v55;
	v31 =	vnsel vm15, $0xFF800000, v31;
	v62 =	vnsel vm15, $0xFF800000, v57  }
0x20c: {  	v63 =	vnsel vm15, $0xFF800000, v42;
	v36 =	vnsel vm15, $0xFF800000, v58;
	v42 =	vmax.f32 v32, v59  }
0x20d: {  	v32 =	vmin.f32 v32, v59;
	v43 =	vmax.f32 v60, v61;
	v34 =	vmin.f32 v60, v61  }
0x20e: {  	v44 =	vmax.f32 v31, v62;
	v31 =	vmin.f32 v31, v62;
	v45 =	vmax.f32 v63, v36  }
0x20f: {  	v36 =	vmin.f32 v63, v36;
	v46 =	vmax.f32 v42, v43;
	v33 =	vmin.f32 v42, v43  }
0x210: {  	v47 =	vmax.f32 v32, v34;
	v32 =	vmin.f32 v32, v34;
	v48 =	vmax.f32 v44, v45  }
0x211: {  	v35 =	vmin.f32 v44, v45;
	v49 =	vmax.f32 v31, v36;
	v31 =	vmin.f32 v31, v36  }
0x212: {  	v50 =	vmax.f32 v47, v33;
	v33 =	vmin.f32 v47, v33;
	v51 =	vmax.f32 v49, v35  }
0x213: {  	v35 =	vmin.f32 v49, v35;
	v52 =	vmax.f32 v46, v48;
	v34 =	vmin.f32 v46, v48  }
0x214: {  	v55 =	vmax.f32 v32, v31;
	v31 =	vmin.f32 v32, v31;
	v53 =	vmax.f32 v50, v51  }
0x215: {  	v36 =	vmin.f32 v50, v51;
	v54 =	vmax.f32 v33, v35;
	v33 =	vmin.f32 v33, v35  }
0x216: {  	v14 =	vmax.f32 v14, v31;
	v7 =	vmax.f32 v7, v52;
	v56 =	vmax.f32 v54, v34  }
0x217: {  	v34 =	vmin.f32 v54, v34;
	v57 =	vmax.f32 v55, v36;
	v35 =	vmin.f32 v55, v36  }
0x218: {  	v58 =	vmax.f32 v53, v56;
	v32 =	vmin.f32 v53, v56;
	v59 =	vmax.f32 v57, v34  }
0x219: {  	v34 =	vmin.f32 v57, v34;
	v60 =	vmin.f32 v35, v33;
	v33 =	vmax.f32 v35, v33  }
0x21a: {  	v13 =	vmax.f32 v13, v60;
	v12 =	vmax.f32 v12, v33;
	v11 =	vmax.f32 v11, v34  }
0x21b: {  	v9 =	vmax.f32 v9, v59;
	v10 =	vmax.f32 v10, v32;
	v8 =	vmax.f32 v8, v58  }
0x21c: {  	v31 =	vmax.f32 v14, v9;
	v9 =	vmin.f32 v14, v9;
	v14 =	vmax.f32 v13, v10  }
0x21d: {  	v10 =	vmin.f32 v13, v10;
	v13 =	vmax.f32 v12, v8;
	v8 =	vmin.f32 v12, v8  }
0x21e: {  	p1 =	sne.s32 s24, $0x1;
	v12 =	vmax.f32 v11, v7;
	v7 =	vmin.f32 v11, v7;
	v11 =	vmax.f32 v31, v13  }
.Ltmp5:
0x21f: {  	v31 =	vmin.f32 v31, v13;
	v13 =	vmax.f32 v14, v12;
	v61 =	vmin.f32 v14, v12;
	(pc) =	sbr.rel @p1 .LBB2_8-.Ltmp5, $4  }
0x220: {  	v62 =	vmax.f32 v9, v8;
	v63 =	vmin.f32 v9, v8;
	v8 =	vmax.f32 v10, v7  }
0x221: {  	v7 =	vmin.f32 v10, v7;
	v14 =	vmax.f32 v11, v13;
	v13 =	vmin.f32 v11, v13  }
0x222: {  	v12 =	vmax.f32 v31, v61;
	v11 =	vmin.f32 v31, v61;
	v9 =	vmax.f32 v62, v8  }
0x223: {  	s24 =	sadd.s32 $0xFFFFFFFF, s24;
	v10 =	vmin.f32 v62, v8;
	v8 =	vmax.f32 v63, v7;
	v7 =	vmin.f32 v63, v7  }
.Ltmp6:
0x224: {  	_ = 	snop;
	(pc) =	sbr.rel .LBB2_9-.Ltmp6, $1  }
0x225: {  	_ =	sdelay $0x3  }
.LBB2_6:
0x226: {  	v28 =	vimm.f32 $-Inf  }
0x227: {  	v26 =	vimm.f32 $-Inf;
	v24 =	vimm.f32 $-Inf;
	v23 =	vimm.f32 $-Inf  }
0x228: {  	v25 =	vimm.f32 $-Inf;
	v27 =	vimm.f32 $-Inf;
	v29 =	vimm.f32 $-Inf  }
0x229: {  	v30 =	vimm.f32 $-Inf;
	v14 =	vimm.f32 $-Inf;
	v13 =	vimm.f32 $-Inf  }
0x22a: {  	v12 =	vimm.f32 $-Inf;
	v11 =	vimm.f32 $-Inf;
	v9 =	vimm.f32 $-Inf  }
0x22b: {  	v10 =	vimm.f32 $-Inf;
	v8 =	vimm.f32 $-Inf;
	v7 =	vimm.f32 $-Inf  }
.LBB2_9:
0x22c: {  	v15 =	vperm.xlane v28, v1;
	v16 =	vperm.xlane v26, v1  }
0x22d: {  	v18 =	vperm.xlane v29, v1;
	v19 =	vperm.xlane v30, v1  }
0x22e: {  	v20 =	vperm.xlane v25, v1;
	v21 =	vperm.xlane v27, v1  }
0x22f: {  	v17 =	vperm.xlane v23, v1;
	v22 =	vperm.xlane v24, v1;
	v19 =	vmax.f32 v28, v19  }
0x230: {  	v18 =	vmax.f32 v26, v18;
	v21 =	vmax.f32 v24, v21;
	v20 =	vmax.f32 v23, v20  }
0x231: {  	v17 =	vmax.f32 v25, v17;
	v22 =	vmax.f32 v27, v22;
	v16 =	vmax.f32 v29, v16  }
0x232: {  	v15 =	vmax.f32 v30, v15;
	v31 =	vmax.f32 v19, v17;
	v17 =	vmin.f32 v19, v17  }
0x233: {  	v32 =	vmax.f32 v18, v22;
	v18 =	vmin.f32 v18, v22;
	v33 =	vmax.f32 v21, v16  }
0x234: {  	v16 =	vmin.f32 v21, v16;
	v34 =	vmax.f32 v20, v15;
	v15 =	vmin.f32 v20, v15  }
0x235: {  	v35 =	vmax.f32 v31, v33;
	v22 =	vmin.f32 v31, v33;
	v36 =	vmax.f32 v32, v34  }
0x236: {  	v19 =	vmin.f32 v32, v34;
	v37 =	vmax.f32 v17, v16;
	v16 =	vmin.f32 v17, v16  }
0x237: {  	v38 =	vmax.f32 v18, v15;
	v15 =	vmin.f32 v18, v15;
	v39 =	vmax.f32 v35, v36  }
0x238: {  	v20 =	vmin.f32 v35, v36;
	v40 =	vmax.f32 v22, v19;
	v19 =	vmin.f32 v22, v19  }
0x239: {  	v41 =	vmin.f32 v37, v38;
	v42 =	vmax.f32 v16, v15;
	v43 =	vperm.xlane v39, v2  }
0x23a: {  	v15 =	vmin.f32 v16, v15;
	v44 =	vperm.xlane v20, v2;
	v46 =	vperm.xlane v41, v2  }
0x23b: {  	v17 =	vmax.f32 v37, v38;
	v47 =	vperm.xlane v42, v2;
	v48 =	vperm.xlane v15, v2  }
0x23c: {  	v49 =	vperm.xlane v19, v2;
	v50 =	vperm.xlane v17, v2  }
0x23d: {  	v45 =	vperm.xlane v40, v2;
	v18 =	vmax.f32 v39, v48;
	v20 =	vmax.f32 v20, v47  }
0x23e: {  	v51 =	vmax.f32 v40, v46;
	v19 =	vmax.f32 v19, v50;
	v17 =	vmax.f32 v17, v49  }
0x23f: {  	v16 =	vmax.f32 v41, v45;
	v52 =	vmax.f32 v42, v44;
	v15 =	vmax.f32 v15, v43  }
0x240: {  	v53 =	vmax.f32 v18, v17;
	v17 =	vmin.f32 v18, v17;
	v54 =	vmax.f32 v20, v16  }
0x241: {  	v16 =	vmin.f32 v20, v16;
	v55 =	vmax.f32 v51, v52;
	v21 =	vmin.f32 v51, v52  }
0x242: {  	v56 =	vmax.f32 v19, v15;
	v15 =	vmin.f32 v19, v15;
	v57 =	vmax.f32 v53, v55  }
0x243: {  	v20 =	vmin.f32 v53, v55;
	v58 =	vmax.f32 v54, v56;
	v18 =	vmin.f32 v54, v56  }
0x244: {  	v59 =	vmax.f32 v17, v21;
	v17 =	vmin.f32 v17, v21;
	v60 =	vmax.f32 v16, v15  }
0x245: {  	v15 =	vmin.f32 v16, v15;
	v61 =	vmax.f32 v57, v58;
	v19 =	vmin.f32 v57, v58  }
0x246: {  	v62 =	vmin.f32 v20, v18;
	v63 =	vmax.f32 v59, v60;
	v33 =	vmax.f32 v17, v15  }
0x247: {  	v15 =	vmin.f32 v17, v15;
	v34 =	vperm.xlane v61, v3;
	v35 =	vperm.xlane v19, v3  }
0x248: {  	v21 =	vmin.f32 v59, v60;
	v37 =	vperm.xlane v33, v3;
	v38 =	vperm.xlane v15, v3  }
0x249: {  	v18 =	vmax.f32 v20, v18;
	v39 =	vperm.xlane v63, v3;
	v40 =	vperm.xlane v21, v3  }
0x24a: {  	v36 =	vperm.xlane v62, v3;
	v41 =	vperm.xlane v18, v3;
	v16 =	vmax.f32 v61, v38  }
0x24b: {  	v19 =	vmax.f32 v19, v37;
	v18 =	vmax.f32 v18, v40;
	v20 =	vmax.f32 v62, v39  }
0x24c: {  	v42 =	vmax.f32 v63, v36;
	v21 =	vmax.f32 v21, v41;
	v17 =	vmax.f32 v33, v35  }
0x24d: {  	v15 =	vmax.f32 v15, v34;
	v40 =	vperm.xlane v14, v1;
	v41 =	vperm.xlane v12, v1  }
0x24e: {  	v43 =	vmax.f32 v16, v42;
	v16 =	vmin.f32 v16, v42;
	v44 =	vmax.f32 v19, v21  }
0x24f: {  	v19 =	vmin.f32 v19, v21;
	v45 =	vmax.f32 v18, v17;
	v17 =	vmin.f32 v18, v17  }
0x250: {  	v46 =	vmax.f32 v20, v15;
	v15 =	vmin.f32 v20, v15;
	v42 =	vperm.xlane v7, v1  }
0x251: {  	v47 =	vmax.f32 v43, v45;
	v21 =	vmin.f32 v43, v45;
	v48 =	vmax.f32 v44, v46  }
0x252: {  	v18 =	vmin.f32 v44, v46;
	v49 =	vmax.f32 v16, v17;
	v16 =	vmin.f32 v16, v17  }
0x253: {  	v50 =	vmax.f32 v19, v15;
	v43 =	vperm.xlane v10, v1;
	v44 =	vperm.xlane v8, v1  }
0x254: {  	v15 =	vmin.f32 v19, v15;
	v45 =	vperm.xlane v11, v1;
	v46 =	vperm.xlane v9, v1  }
0x255: {  	v7 =	vmax.f32 v7, v40;
	v51 =	vmax.f32 v47, v48;
	v20 =	vmin.f32 v47, v48  }
0x256: {  	v52 =	vmax.f32 v21, v18;
	v18 =	vmin.f32 v21, v18;
	v53 =	vmin.f32 v49, v50  }
0x257: {  	v54 =	vmax.f32 v16, v15;
	v48 =	vperm.xlane v13, v1;
	v55 =	vperm.xlane v51, v4  }
0x258: {  	v15 =	vmin.f32 v16, v15;
	v56 =	vperm.xlane v20, v4;
	v57 =	vperm.xlane v52, v4  }
0x259: {  	v17 =	vmax.f32 v49, v50;
	v58 =	vperm.xlane v53, v4;
	v59 =	vperm.xlane v54, v4  }
0x25a: {  	v47 =	vmax.f32 v14, v42;
	v60 =	vperm.xlane v15, v4;
	v61 =	vperm.xlane v18, v4  }
0x25b: {  	v62 =	vperm.xlane v17, v4;
	v49 =	vmax.f32 v13, v44;
	v50 =	vmax.f32 v12, v43  }
0x25c: {  	v8 =	vmax.f32 v8, v48;
	v19 =	vmax.f32 v51, v60;
	v20 =	vmax.f32 v20, v59  }
0x25d: {  	v63 =	vmax.f32 v52, v58;
	v28 =	vmax.f32 v18, v62;
	v17 =	vmax.f32 v17, v61  }
0x25e: {  	v30 =	vmax.f32 v53, v57;
	v31 =	vmax.f32 v54, v56;
	v32 =	vmax.f32 v15, v55  }
0x25f: {  	v51 =	vmax.f32 v11, v46;
	v52 =	vmax.f32 v9, v45;
	v53 =	vmax.f32 v10, v41  }
0x260: {  	v56 =	vmax.f32 v50, v8;
	v8 =	vmin.f32 v50, v8;
	v33 =	vmax.f32 v19, v17  }
0x261: {  	v16 =	vmin.f32 v19, v17;
	v34 =	vmax.f32 v20, v30;
	v15 =	vmin.f32 v20, v30  }
0x262: {  	v35 =	vmax.f32 v63, v31;
	v18 =	vmin.f32 v63, v31;
	v36 =	vmax.f32 v28, v32  }
0x263: {  	v17 =	vmin.f32 v28, v32;
	v54 =	vmax.f32 v47, v52;
	v9 =	vmin.f32 v47, v52  }
0x264: {  	v55 =	vmax.f32 v49, v53;
	v10 =	vmin.f32 v49, v53;
	v57 =	vmax.f32 v51, v7  }
0x265: {  	v7 =	vmin.f32 v51, v7;
	v37 =	vmax.f32 v33, v35;
	v38 =	vmin.f32 v33, v35  }
0x266: {  	v39 =	vmax.f32 v34, v36;
	v21 =	vmin.f32 v34, v36;
	v58 =	vmax.f32 v54, v56  }
0x267: {  	v13 =	vmin.f32 v54, v56;
	v59 =	vmax.f32 v55, v57;
	v12 =	vmin.f32 v55, v57  }
0x268: {  	v60 =	vmax.f32 v9, v8;
	v8 =	vmin.f32 v9, v8;
	v61 =	vmax.f32 v10, v7  }
0x269: {  	v7 =	vmin.f32 v10, v7;
	v22 =	vmax.f32 v38, v21;
	v21 =	vmin.f32 v38, v21  }
0x26a: {  	v23 =	vadd.f32 v37, v39;
	v62 =	vmax.f32 v58, v59;
	v11 =	vmin.f32 v58, v59  }
0x26b: {  	v63 =	vmin.f32 v13, v12;
	v33 =	vmax.f32 v60, v61;
	v34 =	vmax.f32 v8, v7  }
0x26c: {  	v7 =	vmin.f32 v8, v7;
	v35 =	vperm.xlane v62, v2;
	v8 =	vperm.xlane v11, v2  }
0x26d: {  	v9 =	vmin.f32 v60, v61;
	v37 =	vperm.xlane v34, v2;
	v38 =	vperm.xlane v7, v2  }
0x26e: {  	v12 =	vmax.f32 v13, v12;
	v39 =	vperm.xlane v33, v2;
	v40 =	vperm.xlane v9, v2  }
0x26f: {  	v36 =	vperm.xlane v63, v2;
	v41 =	vperm.xlane v12, v2;
	v10 =	vmax.f32 v62, v38  }
0x270: {  	v11 =	vmax.f32 v11, v37;
	v12 =	vmax.f32 v12, v40;
	v13 =	vmax.f32 v63, v39  }
0x271: {  	v42 =	vmax.f32 v33, v36;
	v9 =	vmax.f32 v9, v41;
	v8 =	vmax.f32 v34, v8  }
0x272: {  	v7 =	vmax.f32 v7, v35;
	v43 =	vmax.f32 v10, v42;
	v10 =	vmin.f32 v10, v42  }
0x273: {  	v44 =	vmax.f32 v11, v9;
	v9 =	vmin.f32 v11, v9;
	v45 =	vmax.f32 v12, v8  }
0x274: {  	v8 =	vmin.f32 v12, v8;
	v46 =	vmax.f32 v13, v7;
	v7 =	vmin.f32 v13, v7  }
0x275: {  	v47 =	vmax.f32 v43, v45;
	v11 =	vmin.f32 v43, v45;
	v48 =	vmax.f32 v44, v46  }
0x276: {  	v12 =	vmin.f32 v44, v46;
	v49 =	vmax.f32 v10, v8;
	v8 =	vmin.f32 v10, v8  }
0x277: {  	v50 =	vmax.f32 v9, v7;
	v7 =	vmin.f32 v9, v7;
	v51 =	vmax.f32 v47, v48  }
0x278: {  	v13 =	vmin.f32 v47, v48;
	v52 =	vmax.f32 v11, v12;
	v53 =	vmax.f32 v49, v50  }
0x279: {  	v10 =	vmin.f32 v49, v50;
	v54 =	vmin.f32 v8, v7;
	v55 =	vperm.xlane v51, v3  }
0x27a: {  	v7 =	vmax.f32 v8, v7;
	v56 =	vperm.xlane v13, v3;
	v8 =	vperm.xlane v53, v3  }
0x27b: {  	v11 =	vmin.f32 v11, v12;
	v57 =	vperm.xlane v54, v3;
	v59 =	vperm.xlane v7, v3  }
0x27c: {  	v19 =	vmax.f32 v16, v18;
	v58 =	vperm.xlane v10, v3;
	v61 =	vperm.xlane v11, v3  }
0x27d: {  	v60 =	vperm.xlane v52, v3;
	v9 =	vmax.f32 v51, v57;
	v13 =	vmax.f32 v13, v59  }
0x27e: {  	v12 =	vmax.f32 v52, v58;
	v8 =	vmax.f32 v11, v8;
	v62 =	vmax.f32 v53, v61  }
0x27f: {  	v10 =	vmax.f32 v10, v60;
	v7 =	vmax.f32 v7, v56;
	v14 =	vmax.f32 v54, v55  }
0x280: {  	v63 =	vmax.f32 v9, v62;
	v9 =	vmin.f32 v9, v62;
	v28 =	vmax.f32 v13, v10  }
0x281: {  	v10 =	vmin.f32 v13, v10;
	v29 =	vmax.f32 v12, v7;
	v7 =	vmin.f32 v12, v7  }
0x282: {  	v30 =	vmax.f32 v8, v14;
	v8 =	vmin.f32 v8, v14;
	v31 =	vmax.f32 v63, v29  }
0x283: {  	v13 =	vmin.f32 v63, v29;
	v32 =	vmax.f32 v28, v30;
	v11 =	vmin.f32 v28, v30  }
0x284: {  	v33 =	vmax.f32 v9, v7;
	v7 =	vmin.f32 v9, v7;
	v34 =	vmax.f32 v10, v8  }
0x285: {  	v8 =	vmin.f32 v10, v8;
	v35 =	vmax.f32 v31, v32;
	v14 =	vmin.f32 v31, v32  }
0x286: {  	v36 =	vmax.f32 v13, v11;
	v37 =	vmin.f32 v33, v34;
	v38 =	vmin.f32 v7, v8  }
0x287: {  	v7 =	vmax.f32 v7, v8;
	v39 =	vperm.xlane v35, v4;
	v8 =	vperm.xlane v36, v4  }
0x288: {  	v11 =	vmin.f32 v13, v11;
	v40 =	vperm.xlane v38, v4;
	v41 =	vperm.xlane v37, v4  }
0x289: {  	v9 =	vmax.f32 v33, v34;
	v42 =	vperm.xlane v7, v4;
	v43 =	vperm.xlane v11, v4  }
0x28a: {  	v20 =	vmax.f32 v15, v17;
	v44 =	vperm.xlane v9, v4;
	v45 =	vperm.xlane v14, v4  }
0x28b: {  	v10 =	vmax.f32 v35, v40;
	v14 =	vmax.f32 v14, v42;
	v12 =	vmax.f32 v36, v41  }
0x28c: {  	v11 =	vmax.f32 v11, v44;
	v9 =	vmax.f32 v9, v43;
	v8 =	vmax.f32 v37, v8  }
0x28d: {  	v7 =	vmax.f32 v7, v45;
	v46 =	vmax.f32 v38, v39;
	v47 =	vmax.f32 v10, v9  }
0x28e: {  	v48 =	vmax.f32 v14, v8;
	v49 =	vmax.f32 v12, v7;
	v50 =	vmax.f32 v11, v46  }
0x28f: {  	v22 =	vadd.f32 v22, v23;
	v51 =	vmax.f32 v47, v49;
	v52 =	vmax.f32 v48, v50  }
0x290: {  	v24 =	vmin.f32 v47, v49;
	v25 =	vmin.f32 v48, v50;
	v23 =	vadd.f32 v51, v52  }
0x291: {  	v21 =	vadd.f32 v22, v21;
	v53 =	vmax.f32 v19, v20;
	v54 =	vmax.f32 v24, v25  }
0x292: {  	v9 =	vmin.f32 v10, v9;
	v8 =	vmin.f32 v14, v8;
	v55 =	vadd.f32 v54, v23  }
0x293: {  	v7 =	vmin.f32 v12, v7;
	v11 =	vmin.f32 v11, v46;
	v56 =	vmin.f32 v24, v25  }
0x294: {  	v57 =	vmax.f32 v9, v7;
	v14 =	vmax.f32 v8, v11;
	v10 =	vadd.f32 v55, v56  }
0x295: {  	v58 =	vadd.f32 v21, v53;
	v59 =	vmax.f32 v57, v14  }
0x296: {  	v16 =	vmin.f32 v16, v18;
	v60 =	vmin.f32 v19, v20;
	v10 =	vadd.f32 v10, v59  }
0x297: {  	v15 =	vmin.f32 v15, v17;
	v12 =	vadd.f32 v58, v60;
	v13 =	vmin.f32 v57, v14  }
0x298: {  	v7 =	vmin.f32 v9, v7;
	v8 =	vmin.f32 v8, v11;
	v61 =	vadd.f32 v10, v13  }
0x299: {  	v62 =	vmax.f32 v16, v15;
	v11 =	vmax.f32 v7, v8  }
0x29a: {  	v10 =	vadd.f32 v12, v62;
	v9 =	vadd.f32 v61, v11  }
0x29b: {  	v63 =	vmin.f32 v16, v15;
	v7 =	vmin.f32 v7, v8  }
0x29c: {  	v8 =	vadd.f32 v10, v63;
	v7 =	vadd.f32 v9, v7  }
0x29d: {  	vm0 =	vmmov $0x1  }
0x29e: {  	v7 =	vsel vm0, v8, v7  }
0x29f: {  	v7 =	vmul.f32 $1.250000000e-01, v7;
	_ =	sdelay $0x1  }
0x2a0: {  	[tilespmem:$0x4100] =	vst v7  }
0x2a1: {  	[spmem:s7] =	stream.linear.scatter [tilespmem:s19], [sflag:$0x5], $0x10, $0x38;
	[tilespmem:$0x4210] =	vst v63  }
.Ltmp7:
0x2a2: {  	_ =	swait.ge [sflag:s20], $0x10;
	(pc) =	sbr.rel @p0 .LBB2_11-.Ltmp7, $3  }
0x2a3: {  	[sflag:s20] =	ssyncset.done $0x0  }
0x2a4: {  	[sflag:s20] =	ssyncadd.s32 $0xFFFFFFF0  }
0x2a5: {  	[bflag:$0x0] =	sbarrier.arrive $0xFFFF;
	_ =	sdelay $0x1  }
0x2a6: {  	[tilespmem:s21], [sflag:$0x5] =	stream.linear.gather [spmem:s1], $0x100, $0x38;
	[tilespmem:$0x4210] =	vst v63  }
0x2a7: {  	_ =	swait.ge [sflag:s20], $0x100  }
0x2a8: {  	[sflag:s20] =	ssyncset.done $0x0  }
0x2a9: {  	[sflag:s20] =	ssyncadd.s32 $0xFFFFFF00  }
0x2aa: {  	v7 =	vld [tilespmem:$0x4000]  }
0x2ab: {  	v8 =	vld [tilespmem:$0x4010];
	_ =	sdelay $0x1  }
0x2ac: {  	v9 =	vld [tilespmem:$0x4020];
	_ =	sdelay $0x1  }
0x2ad: {  	v10 =	vld [tilespmem:$0x4030];
	v11 =	vperm.xlane v7, v5;
	v7 =	vperm.xlane v7, v6  }
0x2ae: {  	v12 =	vperm.xlane v8, v5  }
0x2af: {  	v13 =	vld [tilespmem:$0x4040];
	v8 =	vperm.xlane v8, v6;
	v7 =	vsel vm0, v11, v7  }
0x2b0: {  	vm2 =	vmmov $0x7;
	v38 =	vperm.xlane v9, v5;
	v7 =	vsel vm8, v7, v12  }
0x2b1: {  	vm3 =	vmmov $0xf;
	v7 =	vsel vm2, v7, v8;
	v8 =	vperm.xlane v9, v6  }
0x2b2: {  	vm1 =	vmmov $0x1f;
	v39 =	vld [tilespmem:$0x4050];
	v40 =	vperm.xlane v10, v5;
	v7 =	vsel vm3, v7, v38  }
0x2b3: {  	vm5 =	vmmov $0x3f;
	v41 =	vld [tilespmem:$0x4080];
	v7 =	vsel vm1, v7, v8;
	v8 =	vperm.xlane v10, v6  }
0x2b4: {  	vm4 =	vmmov $0x7f;
	v42 =	vld [tilespmem:$0x4090];
	v43 =	vperm.xlane v13, v5;
	v7 =	vsel vm5, v7, v40  }
0x2b5: {  	vm6 =	vmmov $0xff;
	v7 =	vsel vm4, v7, v8;
	v8 =	vperm.xlane v13, v6  }
0x2b6: {  	vm7 =	vmmov $0x1ff;
	v44 =	vld [tilespmem:$0x40A0];
	v7 =	vsel vm6, v7, v43  }
0x2b7: {  	v45 =	vld [tilespmem:$0x4060];
	v7 =	vsel vm7, v7, v8;
	v8 =	vperm.xlane v39, v5  }
0x2b8: {  	v14 =	vld [tilespmem:$0x40B0];
	v15 =	vperm.xlane v41, v5;
	v12 =	vperm.xlane v41, v6  }
0x2b9: {  	v16 =	vld [tilespmem:$0x40C0];
	v7 =	vsel vm9, v7, v8;
	v8 =	vperm.xlane v42, v5  }
0x2ba: {  	vm12 =	vmmov $0xfff;
	v47 =	vld [tilespmem:$0x40D0];
	v12 =	vsel vm0, v15, v12;
	v10 =	vperm.xlane v42, v6  }
0x2bb: {  	vm13 =	vmmov $0x1fff;
	v50 =	vld [tilespmem:$0x4070];
	v46 =	vperm.xlane v44, v5;
	v8 =	vsel vm8, v12, v8  }
0x2bc: {  	vm14 =	vmmov $0x3fff;
	v49 =	vperm.xlane v44, v6;
	v8 =	vsel vm2, v8, v10  }
0x2bd: {  	vm15 =	vmmov $0x7fff;
	v17 =	vld [tilespmem:$0x40E0];
	v51 =	vperm.xlane v14, v5;
	v8 =	vsel vm3, v8, v46  }
0x2be: {  	v48 =	vperm.xlane v45, v5;
	v52 =	vperm.xlane v14, v6;
	v8 =	vsel vm1, v8, v49  }
0x2bf: {  	v53 =	vperm.xlane v16, v5;
	v55 =	vperm.xlane v16, v6;
	v8 =	vsel vm5, v8, v51  }
0x2c0: {  	v54 =	vld [tilespmem:$0x40F0];
	v56 =	vperm.xlane v47, v5;
	v57 =	vperm.xlane v50, v5;
	v8 =	vsel vm4, v8, v52  }
0x2c1: {  	v58 =	vperm.xlane v47, v6;
	v9 =	vperm.xlane v39, v6;
	v8 =	vsel vm6, v8, v53  }
0x2c2: {  	v59 =	vperm.xlane v50, v6;
	v60 =	vperm.xlane v17, v5;
	v8 =	vsel vm7, v8, v55  }
0x2c3: {  	v11 =	vperm.xlane v45, v6;
	v7 =	vsel vm10, v7, v9;
	v8 =	vsel vm9, v8, v56  }
0x2c4: {  	v61 =	vperm.xlane v17, v6;
	v7 =	vsel vm12, v7, v48;
	v8 =	vsel vm10, v8, v58  }
0x2c5: {  	v62 =	vperm.xlane v54, v5;
	v7 =	vsel vm13, v7, v11;
	v8 =	vsel vm12, v8, v60  }
0x2c6: {  	v63 =	vperm.xlane v54, v6;
	v7 =	vsel vm14, v7, v57;
	v8 =	vsel vm13, v8, v61  }
0x2c7: {  	v7 =	vsel vm15, v7, v59;
	v8 =	vsel vm14, v8, v62  }
0x2c8: {  	[tilespmem:$0x4180] =	vst v7;
	v8 =	vsel vm15, v8, v63  }
.Ltmp8:
0x2c9: {  	[tilespmem:$0x4190] =	vst v8;
	(pc) =	sbr.rel .LBB2_11-.Ltmp8, $4  }
0x2ca: {  	[hbm4b:s8+s2] =	stream.linear.scatter [tilespmem:s22], [sflag:$0x5], $0x20, $0x38;
	[tilespmem:$0x4210] =	vst v63  }
0x2cb: {  	_ =	swait.ge [sflag:s20], $0x20  }
0x2cc: {  	[sflag:s20] =	ssyncset.done $0x0  }
0x2cd: {  	[sflag:s20] =	ssyncadd.s32 $0xFFFFFFE0  }
.LBB2_12:
0x2ce: {  	_ =	sfence.sel $0x180000  }
0x2cf: {  	[bflag:$0x0] =	sbarrier.arrive $0xFFFF  }
0x2d0: {  	_ =	strace $0x90000047  }
0x2d1: {  	s0 =	sadd.s32 @!p0 $0x100000, s0;
	[bflag:$0x2] =	sbarrier.arrive $0xFFFF  }
0x2d2: {  	[sflag:s0] =	ssyncadd.tile.s32 @!p0 $0x1;
	_ =	shalt  }
.Lfunc_end2:
_tile_overlayer_lowered:
.L_overlay_start_2:
0x2d3: {  	(tag) =	ssettag $0x2  }
0x2d4: {  	s0 =	rddreg [dreg:$0x0];
	s2 =	stileid.u32  }
0x2d5: {  	s1 =	rddreg [dreg:$0x1];
	p0 =	sne.s32 s2, $0x0  }
0x2d6: {  	s3 =	rddreg [dreg:$0x2];
	[bflag:$0x3] =	sbarrier.arrive $0xFFFF;
	s2 =	simm.s32 @!p0 $0x1C05  }
0x2d7: {  	[timem:s3], [sflag:s2] =	dma.local @!p0 [hbm:s0], s1  }
0x2d8: {  	s0 =	simm.s32 @!p0 $0x5  }
0x2d9: {  	_ =	swait.ge @!p0 [sflag:s0], s1  }
0x2da: {  	s1 =	ssub.s32 @!p0 $0x0, s1;
	[sflag:s0] =	ssyncset.done @!p0 $0x0  }
0x2db: {  	[sflag:s0] =	ssyncadd.s32 @!p0 s1  }
0x2dc: {  	[bflag:$0x3] =	sbarrier.arrive $0xFFFF  }
0x2dd: {  	_ =	shalt  }

</sc_bundles>
